<compile_context>
chip_gen: v7x
topology: tpu7x:2x2x1
jax: 0.10.2.dev20260603
libtpu: 0.0.44.dev20260713+nightly
codegen_flags: <defaults>
</compile_context>

<pallas_src>
import jax
import jax.numpy as jnp
from jax import lax
from jax.experimental import pallas as pl
from jax.experimental.pallas import tpu as pltpu
from jax.experimental.pallas import tpu_sc as plsc

N = 10000
E = 160000
EPS = 1e-5
HSTEP = 0.1

NC = 2
NS = 16
NW = NC * NS
EPW = E // NW
CH = 120
NFULL = EPW // CH
TAIL = EPW - NFULL * CH
NCH = NFULL + 1
NPAD = 10240
NPS = NPAD // NS
TRASH = NPAD - 1

EB = 2000
NEB = E // EB

_f32 = jnp.float32


def _mesh():
    return plsc.VectorSubcoreMesh(core_axis_name="c", subcore_axis_name="s",
                                  num_cores=NC, num_subcores=NS)


def _sc_gather_body(table_hbm, idx_hbm, out_hbm, idx_v,
                    buf0, buf1, buf2, buf3,
                    gs0, gs1, gs2, gs3, ws0, ws1, ws2, ws3):
    cid = lax.axis_index("c")
    sid = lax.axis_index("s")
    wid = sid * NC + cid
    base = wid * EPW
    pltpu.sync_copy(idx_hbm.at[wid], idx_v)
    bufs = (buf0, buf1, buf2, buf3)
    gss = (gs0, gs1, gs2, gs3)
    wss = (ws0, ws1, ws2, ws3)

    def step(t, carry):
        hs = [pltpu.async_copy(table_hbm.at[idx_v.at[4 * t + k]],
                               bufs[k], gss[k]) for k in range(4)]
        ws = []
        for k in range(4):
            hs[k].wait()
            ws.append(pltpu.async_copy(
                bufs[k], out_hbm.at[pl.ds(base + (4 * t + k) * CH, CH)],
                wss[k]))
        for w in ws:
            w.wait()
        return carry

    lax.fori_loop(0, NFULL // 4, step, 0)
    rem = NFULL - (NFULL // 4) * 4
    hs = [pltpu.async_copy(table_hbm.at[idx_v.at[NFULL - rem + k]],
                           bufs[k], gss[k]) for k in range(rem)]
    ht = pltpu.async_copy(table_hbm.at[idx_v.at[NFULL]], bufs[rem], gss[rem])
    ws = []
    for k in range(rem):
        hs[k].wait()
        ws.append(pltpu.async_copy(
            bufs[k], out_hbm.at[pl.ds(base + (NFULL - rem + k) * CH, CH)],
            wss[k]))
    ht.wait()
    ws.append(pltpu.async_copy(bufs[rem].at[pl.ds(0, TAIL)],
                               out_hbm.at[pl.ds(base + NFULL * CH, TAIL)],
                               wss[rem]))
    for w in ws:
        w.wait()


def _sc_gather(table, idx3):
    return pl.kernel(
        _sc_gather_body,
        out_type=jax.ShapeDtypeStruct((E, 128), _f32),
        mesh=_mesh(),
        scratch_types=[
            pltpu.VMEM((NCH, CH), jnp.int32),
            pltpu.VMEM((CH, 128), _f32),
            pltpu.VMEM((CH, 128), _f32),
            pltpu.VMEM((CH, 128), _f32),
            pltpu.VMEM((CH, 128), _f32),
            pltpu.SemaphoreType.DMA,
            pltpu.SemaphoreType.DMA,
            pltpu.SemaphoreType.DMA,
            pltpu.SemaphoreType.DMA,
            pltpu.SemaphoreType.DMA,
            pltpu.SemaphoreType.DMA,
            pltpu.SemaphoreType.DMA,
            pltpu.SemaphoreType.DMA,
        ],
    )(table, idx3)


def _scatter_phase(g_hbm, idx_v, acc, buf0, buf1, rs0, rs1, ss0, ss1, base):
    def step(t, carry):
        c0 = 2 * t
        c1 = 2 * t + 1
        r0 = pltpu.async_copy(g_hbm.at[pl.ds(base + c0 * CH, CH)], buf0, rs0)
        r1 = pltpu.async_copy(g_hbm.at[pl.ds(base + c1 * CH, CH)], buf1, rs1)
        r0.wait()
        s0 = pltpu.async_copy(buf0, acc.at[idx_v.at[c0]], ss0, add=True)
        r1.wait()
        s1 = pltpu.async_copy(buf1, acc.at[idx_v.at[c1]], ss1, add=True)
        s0.wait()
        s1.wait()
        return carry

    lax.fori_loop(0, NFULL // 2, step, 0)
    c0 = NFULL - 1
    r0 = pltpu.async_copy(g_hbm.at[pl.ds(base + c0 * CH, CH)], buf0, rs0)
    r1 = pltpu.async_copy(g_hbm.at[pl.ds(base + NFULL * CH, TAIL)],
                          buf1.at[pl.ds(0, TAIL)], rs1)
    r0.wait()
    s0 = pltpu.async_copy(buf0, acc.at[idx_v.at[c0]], ss0, add=True)
    r1.wait()
    s1 = pltpu.async_copy(buf1, acc.at[idx_v.at[NFULL]], ss1, add=True)
    s0.wait()
    s1.wait()


def _sc_scatter_body(g_hbm, ii_hbm, jj_hbm, z_hbm, out_hbm,
                     ii_v, jj_v, buf0, buf1, acc,
                     rs0, rs1, ss0, ss1):
    cid = lax.axis_index("c")
    sid = lax.axis_index("s")
    wid = sid * NC + cid
    base = wid * EPW
    sl = pl.ds(sid * NPS, NPS)
    pltpu.sync_copy(ii_hbm.at[wid], ii_v)
    pltpu.sync_copy(jj_hbm.at[wid], jj_v)
    pltpu.sync_copy(z_hbm, buf0)
    for k in range(NPS // CH):
        pltpu.sync_copy(buf0, acc.at[pl.ds(sid * NPS + k * CH, CH)])
    rem = NPS - (NPS // CH) * CH
    if rem:
        pltpu.sync_copy(buf0.at[pl.ds(0, rem)],
                        acc.at[pl.ds(sid * NPS + (NPS // CH) * CH, rem)])
    plsc.subcore_barrier()
    _scatter_phase(g_hbm, ii_v, acc, buf0, buf1, rs0, rs1, ss0, ss1, base)
    plsc.subcore_barrier()
    pltpu.sync_copy(acc.at[sl], out_hbm.at[cid, 0, sl])
    plsc.subcore_barrier()
    _scatter_phase(g_hbm, jj_v, acc, buf0, buf1, rs0, rs1, ss0, ss1, base)
    plsc.subcore_barrier()
    pltpu.sync_copy(acc.at[sl], out_hbm.at[cid, 1, sl])


def _sc_scatter(g, ii3, jj3, zeros_n):
    return pl.kernel(
        _sc_scatter_body,
        out_type=jax.ShapeDtypeStruct((NC, 2, NPAD, 128), _f32),
        mesh=_mesh(),
        scratch_types=[
            pltpu.VMEM((NCH, CH), jnp.int32),
            pltpu.VMEM((NCH, CH), jnp.int32),
            pltpu.VMEM((CH, 128), _f32),
            pltpu.VMEM((CH, 128), _f32),
            pltpu.VMEM_SHARED((NPAD, 128), _f32),
            pltpu.SemaphoreType.DMA,
            pltpu.SemaphoreType.DMA,
            pltpu.SemaphoreType.DMA,
            pltpu.SemaphoreType.DMA,
        ],
    )(g, ii3, jj3, zeros_n)


def _ln_relu(h):
    cnt = float(h.shape[0] * h.shape[1])
    m = jnp.sum(h) / cnt
    v = jnp.sum((h - m) * (h - m)) / cnt
    return jnp.maximum((h - m) * lax.rsqrt(v + EPS), 0.0)


def _node_open_body(xn_ref, w1t_ref, w2t_ref, out_ref):
    h = jnp.dot(xn_ref[...], w1t_ref[...], preferred_element_type=_f32)
    h = _ln_relu(h)
    r = jnp.dot(h, w2t_ref[...], preferred_element_type=_f32)
    out_ref[...] = jnp.concatenate([r, jnp.zeros_like(r)], axis=1)


def _node_open(xn_t, w1t, w2t):
    return pl.pallas_call(
        _node_open_body,
        out_shape=jax.ShapeDtypeStruct((N, 128), _f32),
    )(xn_t, w1t, w2t)


def _node_layer_body(parts_ref, xn_ref, wat_ref, wbt_ref, wct_ref, w2t_ref,
                     out_ref):
    p = parts_ref[...]
    s_i = p[0, 0, :N, :64] + p[1, 0, :N, :64]
    s_j = (p[0, 1, :N, :64] + p[1, 1, :N, :64]) - s_i
    ave = 0.5 * (s_i + s_j)
    div = s_i - s_j
    xn = xn_ref[...]
    h = jnp.dot(ave, wat_ref[...], preferred_element_type=_f32)
    h = h + jnp.dot(div, wbt_ref[...], preferred_element_type=_f32)
    h = h + jnp.dot(xn, wct_ref[...], preferred_element_type=_f32)
    h = _ln_relu(h)
    r = jnp.dot(h, w2t_ref[...], preferred_element_type=_f32)
    out_ref[...] = xn + HSTEP * jnp.concatenate(
        [r, jnp.zeros_like(r)], axis=1)


def _node_layer(parts, xn, wat, wbt, wct, w2t):
    return pl.pallas_call(
        _node_layer_body,
        out_shape=jax.ShapeDtypeStruct((N, 128), _f32),
    )(parts, xn, wat, wbt, wct, w2t)


def _final_body(xn_ref, wt_ref, out_ref):
    out_ref[...] = jnp.dot(xn_ref[...], wt_ref[...],
                           preferred_element_type=_f32)


def _final(xn, wt):
    return pl.pallas_call(
        _final_body,
        out_shape=jax.ShapeDtypeStruct((N, 128), _f32),
    )(xn, wt)


def _wspec(shape):
    return pl.BlockSpec(shape, lambda i: (0, 0))


def _eopen_stats_body(xe_ref, w1t_ref, sum_ref, sq_ref):
    i = pl.program_id(0)
    h = jnp.dot(xe_ref[...], w1t_ref[...], preferred_element_type=_f32)

    @pl.when(i == 0)
    def _():
        sum_ref[...] = jnp.zeros_like(sum_ref)
        sq_ref[...] = jnp.zeros_like(sq_ref)

    sum_ref[...] += jnp.sum(h, axis=0, keepdims=True)
    sq_ref[...] += jnp.sum(h * h, axis=0, keepdims=True)


def _eopen_stats(xe_t, w1t):
    return pl.pallas_call(
        _eopen_stats_body,
        grid=(NEB,),
        in_specs=[pl.BlockSpec((EB, 16), lambda i: (i, 0)), _wspec((16, 64))],
        out_specs=[pl.BlockSpec((1, 64), lambda i: (0, 0)),
                   pl.BlockSpec((1, 64), lambda i: (0, 0))],
        out_shape=[jax.ShapeDtypeStruct((1, 64), _f32),
                   jax.ShapeDtypeStruct((1, 64), _f32)],
    )(xe_t, w1t)


def _eopen_apply_body(xe_ref, w1t_ref, w2t_ref, sum_ref, sq_ref, out_ref):
    cnt = float(E * 64)
    m = jnp.sum(sum_ref[...]) / cnt
    v = jnp.sum(sq_ref[...]) / cnt - m * m
    h = jnp.dot(xe_ref[...], w1t_ref[...], preferred_element_type=_f32)
    h = jnp.maximum((h - m) * lax.rsqrt(v + EPS), 0.0)
    out_ref[...] = jnp.dot(h, w2t_ref[...], preferred_element_type=_f32)


def _eopen_apply(xe_t, w1t, w2t, sumv, sqv):
    return pl.pallas_call(
        _eopen_apply_body,
        grid=(NEB,),
        in_specs=[pl.BlockSpec((EB, 16), lambda i: (i, 0)),
                  _wspec((16, 64)), _wspec((64, 64)),
                  _wspec((1, 64)), _wspec((1, 64))],
        out_specs=pl.BlockSpec((EB, 64), lambda i: (i, 0)),
        out_shape=jax.ShapeDtypeStruct((E, 64), _f32),
    )(xe_t, w1t, w2t, sumv, sqv)


def _elayer_body(xg_ref, xe_ref, wat_ref, wbt_ref, w2t_ref,
                 g_ref, xeo_ref, h_scr, sum_ref, sq_ref):
    i2 = pl.program_id(0)

    @pl.when(i2 == 0)
    def _():
        sum_ref[...] = jnp.zeros_like(sum_ref)
        sq_ref[...] = jnp.zeros_like(sq_ref)

    @pl.when(i2 < NEB)
    def _():
        h = jnp.dot(xg_ref[:, :64], wat_ref[...],
                    preferred_element_type=_f32)
        h = h + jnp.dot(xe_ref[...], wbt_ref[...],
                        preferred_element_type=_f32)
        h_scr[pl.ds(i2 * EB, EB), :] = h.astype(jnp.bfloat16)
        sum_ref[...] += jnp.sum(h, axis=0, keepdims=True)
        sq_ref[...] += jnp.sum(h * h, axis=0, keepdims=True)

    @pl.when(i2 >= NEB)
    def _():
        i = i2 - NEB
        cnt = float(E * 128)
        m = jnp.sum(sum_ref[...]) / cnt
        v = jnp.sum(sq_ref[...]) / cnt - m * m
        h = h_scr[pl.ds(i * EB, EB), :].astype(_f32)
        hn = jnp.maximum((h - m) * lax.rsqrt(v + EPS), 0.0)
        g = jnp.dot(hn, w2t_ref[...], preferred_element_type=_f32)
        g_ref[...] = jnp.concatenate([g, jnp.zeros_like(g)], axis=1)
        xeo_ref[...] = xe_ref[...] + HSTEP * g


def _elayer(xg, xe, wat, wbt, w2t):
    return pl.pallas_call(
        _elayer_body,
        grid=(2 * NEB,),
        in_specs=[
            pl.BlockSpec((EB, 128),
                         lambda i2: (jnp.where(i2 < NEB, i2, 0), 0)),
            pl.BlockSpec((EB, 64),
                         lambda i2: (jnp.where(i2 < NEB, i2, i2 - NEB), 0)),
            _wspec((64, 128)), _wspec((64, 128)), _wspec((128, 64)),
        ],
        out_specs=[
            pl.BlockSpec((EB, 128),
                         lambda i2: (jnp.where(i2 < NEB, 0, i2 - NEB), 0)),
            pl.BlockSpec((EB, 64),
                         lambda i2: (jnp.where(i2 < NEB, 0, i2 - NEB), 0)),
        ],
        out_shape=[jax.ShapeDtypeStruct((E, 128), _f32),
                   jax.ShapeDtypeStruct((E, 64), _f32)],
        scratch_shapes=[pltpu.VMEM((E, 128), jnp.bfloat16),
                        pltpu.VMEM((1, 128), _f32),
                        pltpu.VMEM((1, 128), _f32)],
        compiler_params=pltpu.CompilerParams(
            vmem_limit_bytes=64 * 1024 * 1024),
    )(xg, xe, wat, wbt, w2t)


def _pad_rows(w, rows):
    return jnp.concatenate([w, jnp.zeros((rows - w.shape[0], w.shape[1]),
                                         _f32)], axis=0)


def kernel(xn, xe, iInd, jInd, K1Nopen, K2Nopen, K1Eopen, K2Eopen, KNout,
           KE1, KE2, KN1, KN2):
    def _pad_idx(ind, fill):
        w = ind.astype(jnp.int32).reshape(NW, EPW)
        pad = jnp.full((NW, NCH * CH - EPW), fill, jnp.int32)
        return jnp.concatenate([w, pad], axis=1).reshape(NW, NCH, CH)

    gi3 = _pad_idx(iInd, 0)
    ii3 = _pad_idx(iInd, TRASH)
    jj3 = _pad_idx(jInd, TRASH)
    zeros_n = jnp.zeros((CH, 128), _f32)

    xn_t = jnp.transpose(xn[0])
    xe_t = jnp.transpose(xe[0])
    xn_c = _node_open(xn_t, K1Nopen.T, K2Nopen.T)
    xg = _sc_gather(xn_c, gi3)
    sumv, sqv = _eopen_stats(xe_t, K1Eopen.T)
    xe_c = _eopen_apply(xe_t, K1Eopen.T, K2Eopen.T, sumv, sqv)

    nlayers = KE1.shape[0]
    for i in range(nlayers):
        wat = jnp.transpose(KE1[i][:, :64] + KE1[i][:, 64:128])
        wbt = jnp.transpose(KE1[i][:, 128:])
        w2t = jnp.transpose(KE2[i])
        g, xe_c = _elayer(xg, xe_c, wat, wbt, w2t)
        parts = _sc_scatter(g, ii3, jj3, zeros_n)
        xn_c = _node_layer(parts, xn_c,
                           jnp.transpose(KN1[i][:, :64]),
                           jnp.transpose(KN1[i][:, 64:128]),
                           _pad_rows(jnp.transpose(KN1[i][:, 128:]), 128),
                           jnp.transpose(KN2[i]))
        if i + 1 < nlayers:
            xg = _sc_gather(xn_c, gi3)

    xn_out = _final(xn_c, _pad_rows(KNout.T, 128))
    return jnp.transpose(xn_out)[None], jnp.transpose(xe_c)[None]

# --- scband reference (transcript-rebuilt; emitter-appended) ---
"""Pipeline reference for scband-g-net-68341519614738 (READ-ONLY COPY).

The authoritative reference and input builder live on the scoring server;
editing this copy changes nothing except your own understanding.
"""

import jax, jax.numpy as jnp
import numpy as np

N_NODES = 10000
N_EDGES = 160000
X_IN = 128
E_IN = 16
HID = 64
OUT = 128
NLAYERS = 2
H_STEP = 0.1


def _layer_norm_all(x):
    # F.layer_norm(x, x.shape): normalize over ALL elements, no affine params
    m = jnp.mean(x)
    v = jnp.mean((x - m) ** 2)
    return (x - m) / jnp.sqrt(v + 1e-5)


def _conv1x1(x, K):
    # F.conv1d with kernel size 1: x [B, Cin, L], K [Cout, Cin]
    return jnp.einsum('oc,bcl->bol', K, x)


def _double_layer(x, K1, K2):
    x = _conv1x1(x, K1)
    x = _layer_norm_all(x)
    x = jax.nn.relu(x)
    x = _conv1x1(x, K2)
    # dropout treated as identity (deterministic/eval reference)
    return x


def _edge_ave(g, iInd, jInd, nnodes):
    z = jnp.zeros((g.shape[0], g.shape[1], nnodes), dtype=g.dtype)
    x1 = z.at[:, :, iInd].add(g)
    x2 = z.at[:, :, jInd].add(g)
    return (x1 + x2) * 0.5


def _edge_div(g, iInd, jInd, nnodes):
    z = jnp.zeros((g.shape[0], g.shape[1], nnodes), dtype=g.dtype)
    x = z.at[:, :, iInd].add(g)
    x = x.at[:, :, jInd].add(-g)
    return x


def setup_inputs(seed: int = 0):
    key = jax.random.key(seed)
    ks = jax.random.split(key, 16)
    stdv = 0.001
    inp = {}
    inp['xn'] = jax.random.normal(ks[0], (1, X_IN, N_NODES), dtype=jnp.float32)
    inp['xe'] = jax.random.normal(ks[1], (1, E_IN, N_EDGES), dtype=jnp.float32)
    inp['iInd'] = jax.random.randint(ks[2], (N_EDGES,), 0, N_NODES)
    inp['jInd'] = jax.random.randint(ks[3], (N_EDGES,), 0, N_NODES)
    inp['K1Nopen'] = jax.random.normal(ks[4], (HID, X_IN), dtype=jnp.float32) * stdv
    inp['K2Nopen'] = jax.random.normal(ks[5], (HID, HID), dtype=jnp.float32) * stdv
    inp['K1Eopen'] = jax.random.normal(ks[6], (HID, E_IN), dtype=jnp.float32) * stdv
    inp['K2Eopen'] = jax.random.normal(ks[7], (HID, HID), dtype=jnp.float32) * stdv
    inp['KNout'] = jax.random.normal(ks[8], (OUT, HID), dtype=jnp.float32) * stdv
    inp['KE1'] = jax.random.normal(ks[9], (NLAYERS, 2 * HID, 3 * HID), dtype=jnp.float32) * stdv
    inp['KE2'] = jax.random.normal(ks[10], (NLAYERS, HID, 2 * HID), dtype=jnp.float32) * stdv
    inp['KN1'] = jax.random.normal(ks[11], (NLAYERS, 2 * HID, 3 * HID), dtype=jnp.float32) * stdv
    inp['KN2'] = jax.random.normal(ks[12], (NLAYERS, HID, 2 * HID), dtype=jnp.float32) * stdv
    return inp


def reference(xn, xe, iInd, jInd, K1Nopen, K2Nopen, K1Eopen, K2Eopen, KNout, KE1, KE2, KN1, KN2):
    nnodes = xn.shape[2]
    xn = _double_layer(xn, K1Nopen, K2Nopen)
    xe = _double_layer(xe, K1Eopen, K2Eopen)
    # NOTE: faithful to original forward, which sets row = col = Graph.iInd
    row = iInd
    col = iInd
    nlayers = KE1.shape[0]
    for i in range(nlayers):
        xec = jnp.concatenate([xn[:, :, row], xn[:, :, col], xe], axis=1)
        xec = _double_layer(xec, KE1[i], KE2[i])
        xnc = jnp.concatenate([
            _edge_ave(xec, iInd, jInd, nnodes),
            _edge_div(xec, iInd, jInd, nnodes),
            xn,
        ], axis=1)
        xnc = _double_layer(xnc, KN1[i], KN2[i])
        xn = xn + H_STEP * xnc
        xe = xe + H_STEP * xec
    xn = _conv1x1(xn, KNout)
    return (xn, xe)

if __name__ == "__main__":
    import jax
    _d = setup_inputs()
    print(jax.jit(kernel)(*tuple(_d.values())))

</pallas_src>

<mosaic_0001>
#map = affine_map<(d0, d1) -> (0, 0)>
#map1 = affine_map<(d0, d1) -> (0, 0, 0)>
module attributes {stable_mosaic.version = 14 : i64} {
  func.func @_sc_gather_body(%arg0: i32, %arg1: i32, %arg2: memref<10000x128xf32, #tpu.memory_space<hbm>>, %arg3: memref<32x42x120xi32, #tpu.memory_space<hbm>>, %arg4: memref<160000x128xf32, #tpu.memory_space<hbm>>, %arg5: memref<42x120xi32, #tpu.memory_space<vmem>>, %arg6: memref<120x128xf32, #tpu.memory_space<vmem>>, %arg7: memref<120x128xf32, #tpu.memory_space<vmem>>, %arg8: memref<120x128xf32, #tpu.memory_space<vmem>>, %arg9: memref<120x128xf32, #tpu.memory_space<vmem>>, %arg10: memref<!tpu.dma_semaphore, #tpu.memory_space<semaphore_mem>>, %arg11: memref<!tpu.dma_semaphore, #tpu.memory_space<semaphore_mem>>, %arg12: memref<!tpu.dma_semaphore, #tpu.memory_space<semaphore_mem>>, %arg13: memref<!tpu.dma_semaphore, #tpu.memory_space<semaphore_mem>>, %arg14: memref<!tpu.dma_semaphore, #tpu.memory_space<semaphore_mem>>, %arg15: memref<!tpu.dma_semaphore, #tpu.memory_space<semaphore_mem>>, %arg16: memref<!tpu.dma_semaphore, #tpu.memory_space<semaphore_mem>>, %arg17: memref<!tpu.dma_semaphore, #tpu.memory_space<semaphore_mem>>) attributes {dimension_semantics = [#tpu.dimension_semantics<core_parallel>, #tpu.dimension_semantics<subcore_parallel>], iteration_bounds = array<i64: 2, 16>, scalar_prefetch = 0 : i64, scratch_operands = 13 : i64, tpu.core_type = #tpu.core_type<sc_vector_subcore>, window_params = [{transform_indices = #map}, {transform_indices = #map1}, {transform_indices = #map}]} {
    %mul3A = arith.constant 2 : i32
    %mul3A_0 = arith.muli %arg1, %mul3A : i32
    %add3A = arith.addi %mul3A_0, %arg0 : i32
    %mul3A_1 = arith.constant 5000 : i32
    %mul3A_2 = arith.muli %add3A, %mul3A_1 : i32
    "tpu.region"() ({
      %run_scoped3A = tpu.sem_alloc : memref<!tpu.dma_semaphore, #tpu.memory_space<semaphore_mem>>
      %dma_start3A_66 = arith.constant 0 : i32
      %dma_start3A_67 = arith.constant 0 : i32
      %dma_start3A_68 = tpu.memref_slice %arg3[%add3A, %dma_start3A_66, %dma_start3A_67] : memref<32x42x120xi32, #tpu.memory_space<hbm>> -> memref<1x42x120xi32, #tpu.memory_space<hbm>>
      %dma_start3A_69 = tpu.memref_squeeze %dma_start3A_68 : memref<1x42x120xi32, #tpu.memory_space<hbm>> -> memref<42x120xi32, #tpu.memory_space<hbm>>
      %dma_start3A_70 = arith.constant 0 : i32
      %dma_start3A_71 = arith.constant 0 : i32
      %dma_start3A_72 = tpu.memref_slice %arg3[%add3A, %dma_start3A_70, %dma_start3A_71] : memref<32x42x120xi32, #tpu.memory_space<hbm>> -> memref<1x42x120xi32, #tpu.memory_space<hbm>>
      %dma_start3A_73 = tpu.memref_squeeze %dma_start3A_72 : memref<1x42x120xi32, #tpu.memory_space<hbm>> -> memref<42x120xi32, #tpu.memory_space<hbm>>
      tpu.enqueue_dma source(%dma_start3A_73 : memref<42x120xi32, #tpu.memory_space<hbm>>) target(%arg5 : memref<42x120xi32, #tpu.memory_space<vmem>>) target_semaphore(%run_scoped3A : memref<!tpu.dma_semaphore, #tpu.memory_space<semaphore_mem>>)
      %dma_wait3A_74 = arith.constant 0 : i32
      %dma_wait3A_75 = arith.constant 0 : i32
      %dma_wait3A_76 = tpu.memref_slice %arg3[%add3A, %dma_wait3A_74, %dma_wait3A_75] : memref<32x42x120xi32, #tpu.memory_space<hbm>> -> memref<1x42x120xi32, #tpu.memory_space<hbm>>
      %dma_wait3A_77 = tpu.memref_squeeze %dma_wait3A_76 : memref<1x42x120xi32, #tpu.memory_space<hbm>> -> memref<42x120xi32, #tpu.memory_space<hbm>>
      %dma_wait3A_78 = arith.constant 0 : i32
      %dma_wait3A_79 = arith.constant 0 : i32
      %dma_wait3A_80 = tpu.memref_slice %arg3[%add3A, %dma_wait3A_78, %dma_wait3A_79] : memref<32x42x120xi32, #tpu.memory_space<hbm>> -> memref<1x42x120xi32, #tpu.memory_space<hbm>>
      %dma_wait3A_81 = tpu.memref_squeeze %dma_wait3A_80 : memref<1x42x120xi32, #tpu.memory_space<hbm>> -> memref<42x120xi32, #tpu.memory_space<hbm>>
      tpu.wait_dma2 semaphore(%run_scoped3A : memref<!tpu.dma_semaphore, #tpu.memory_space<semaphore_mem>>) src(%dma_wait3A_81 : memref<42x120xi32, #tpu.memory_space<hbm>>) dst(%arg5 : memref<42x120xi32, #tpu.memory_space<vmem>>)
      tpu.yield
    }) : () -> ()
    %scan3A = arith.constant 0 : i32
    %scan3A_3 = arith.constant 0 : i32
    %scan3A_4 = arith.constant 10 : i32
    %scan3A_5 = arith.addi %scan3A_3, %scan3A_4 : i32
    %scan3A_6 = arith.constant 1 : i32
    scf.for %scan3A_66 = %scan3A_3 to %scan3A_5 step %scan3A_6  : i32 {
      %mul3A_67 = arith.constant 4 : i32
      %mul3A_68 = arith.muli %mul3A_67, %scan3A_66 : i32
      %add3A_69 = arith.constant 0 : i32
      %add3A_70 = arith.addi %mul3A_68, %add3A_69 : i32
      %dma_start3A_71 = arith.constant 0 : i32
      %dma_start3A_72 = tpu.memref_slice %arg5[%add3A_70, %dma_start3A_71] : memref<42x120xi32, #tpu.memory_space<vmem>> -> memref<1x120xi32, #tpu.memory_space<vmem>>
      %dma_start3A_73 = tpu.memref_squeeze %dma_start3A_72 : memref<1x120xi32, #tpu.memory_space<vmem>> -> memref<120xi32, #tpu.memory_space<vmem>>
      %dma_start3A_74 = arith.constant 0 : i32
      %dma_start3A_75 = arith.constant 0 : i32
      %dma_start3A_76 = tpu.memref_slice %arg2[%dma_start3A_74, %dma_start3A_75] : memref<10000x128xf32, #tpu.memory_space<hbm>> -> memref<10000x128xf32, #tpu.memory_space<hbm>>
      tpu.enqueue_indirect_dma source(%dma_start3A_76 : memref<10000x128xf32, #tpu.memory_space<hbm>>) target(%arg6 : memref<120x128xf32, #tpu.memory_space<vmem>>) offsets(%dma_start3A_73 : memref<120xi32, #tpu.memory_space<vmem>>) semaphore(%arg10 : memref<!tpu.dma_semaphore, #tpu.memory_space<semaphore_mem>>)
      %mul3A_77 = arith.constant 4 : i32
      %mul3A_78 = arith.muli %mul3A_77, %scan3A_66 : i32
      %add3A_79 = arith.constant 1 : i32
      %add3A_80 = arith.addi %mul3A_78, %add3A_79 : i32
      %dma_start3A_81 = arith.constant 0 : i32
      %dma_start3A_82 = tpu.memref_slice %arg5[%add3A_80, %dma_start3A_81] : memref<42x120xi32, #tpu.memory_space<vmem>> -> memref<1x120xi32, #tpu.memory_space<vmem>>
      %dma_start3A_83 = tpu.memref_squeeze %dma_start3A_82 : memref<1x120xi32, #tpu.memory_space<vmem>> -> memref<120xi32, #tpu.memory_space<vmem>>
      %dma_start3A_84 = arith.constant 0 : i32
      %dma_start3A_85 = arith.constant 0 : i32
      %dma_start3A_86 = tpu.memref_slice %arg2[%dma_start3A_84, %dma_start3A_85] : memref<10000x128xf32, #tpu.memory_space<hbm>> -> memref<10000x128xf32, #tpu.memory_space<hbm>>
      tpu.enqueue_indirect_dma source(%dma_start3A_86 : memref<10000x128xf32, #tpu.memory_space<hbm>>) target(%arg7 : memref<120x128xf32, #tpu.memory_space<vmem>>) offsets(%dma_start3A_83 : memref<120xi32, #tpu.memory_space<vmem>>) semaphore(%arg11 : memref<!tpu.dma_semaphore, #tpu.memory_space<semaphore_mem>>)
      %mul3A_87 = arith.constant 4 : i32
      %mul3A_88 = arith.muli %mul3A_87, %scan3A_66 : i32
      %add3A_89 = arith.constant 2 : i32
      %add3A_90 = arith.addi %mul3A_88, %add3A_89 : i32
      %dma_start3A_91 = arith.constant 0 : i32
      %dma_start3A_92 = tpu.memref_slice %arg5[%add3A_90, %dma_start3A_91] : memref<42x120xi32, #tpu.memory_space<vmem>> -> memref<1x120xi32, #tpu.memory_space<vmem>>
      %dma_start3A_93 = tpu.memref_squeeze %dma_start3A_92 : memref<1x120xi32, #tpu.memory_space<vmem>> -> memref<120xi32, #tpu.memory_space<vmem>>
      %dma_start3A_94 = arith.constant 0 : i32
      %dma_start3A_95 = arith.constant 0 : i32
      %dma_start3A_96 = tpu.memref_slice %arg2[%dma_start3A_94, %dma_start3A_95] : memref<10000x128xf32, #tpu.memory_space<hbm>> -> memref<10000x128xf32, #tpu.memory_space<hbm>>
      tpu.enqueue_indirect_dma source(%dma_start3A_96 : memref<10000x128xf32, #tpu.memory_space<hbm>>) target(%arg8 : memref<120x128xf32, #tpu.memory_space<vmem>>) offsets(%dma_start3A_93 : memref<120xi32, #tpu.memory_space<vmem>>) semaphore(%arg12 : memref<!tpu.dma_semaphore, #tpu.memory_space<semaphore_mem>>)
      %mul3A_97 = arith.constant 4 : i32
      %mul3A_98 = arith.muli %mul3A_97, %scan3A_66 : i32
      %add3A_99 = arith.constant 3 : i32
      %add3A_100 = arith.addi %mul3A_98, %add3A_99 : i32
      %dma_start3A_101 = arith.constant 0 : i32
      %dma_start3A_102 = tpu.memref_slice %arg5[%add3A_100, %dma_start3A_101] : memref<42x120xi32, #tpu.memory_space<vmem>> -> memref<1x120xi32, #tpu.memory_space<vmem>>
      %dma_start3A_103 = tpu.memref_squeeze %dma_start3A_102 : memref<1x120xi32, #tpu.memory_space<vmem>> -> memref<120xi32, #tpu.memory_space<vmem>>
      %dma_start3A_104 = arith.constant 0 : i32
      %dma_start3A_105 = arith.constant 0 : i32
      %dma_start3A_106 = tpu.memref_slice %arg2[%dma_start3A_104, %dma_start3A_105] : memref<10000x128xf32, #tpu.memory_space<hbm>> -> memref<10000x128xf32, #tpu.memory_space<hbm>>
      tpu.enqueue_indirect_dma source(%dma_start3A_106 : memref<10000x128xf32, #tpu.memory_space<hbm>>) target(%arg9 : memref<120x128xf32, #tpu.memory_space<vmem>>) offsets(%dma_start3A_103 : memref<120xi32, #tpu.memory_space<vmem>>) semaphore(%arg13 : memref<!tpu.dma_semaphore, #tpu.memory_space<semaphore_mem>>)
      %dma_wait3A_107 = arith.constant 0 : i32
      %dma_wait3A_108 = tpu.memref_slice %arg5[%add3A_70, %dma_wait3A_107] : memref<42x120xi32, #tpu.memory_space<vmem>> -> memref<1x120xi32, #tpu.memory_space<vmem>>
      %dma_wait3A_109 = tpu.memref_squeeze %dma_wait3A_108 : memref<1x120xi32, #tpu.memory_space<vmem>> -> memref<120xi32, #tpu.memory_space<vmem>>
      %dma_wait3A_110 = arith.constant 0 : i32
      %dma_wait3A_111 = arith.constant 0 : i32
      %dma_wait3A_112 = tpu.memref_slice %arg2[%dma_wait3A_110, %dma_wait3A_111] : memref<10000x128xf32, #tpu.memory_space<hbm>> -> memref<10000x128xf32, #tpu.memory_space<hbm>>
      tpu.wait_indirect_dma semaphore(%arg10 : memref<!tpu.dma_semaphore, #tpu.memory_space<semaphore_mem>>) src(%dma_wait3A_112 : memref<10000x128xf32, #tpu.memory_space<hbm>>) dst(%arg6 : memref<120x128xf32, #tpu.memory_space<vmem>>)
      %mul3A_113 = arith.constant 4 : i32
      %mul3A_114 = arith.muli %mul3A_113, %scan3A_66 : i32
      %add3A_115 = arith.constant 0 : i32
      %add3A_116 = arith.addi %mul3A_114, %add3A_115 : i32
      %mul3A_117 = arith.constant 120 : i32
      %mul3A_118 = arith.muli %add3A_116, %mul3A_117 : i32
      %add3A_119 = arith.addi %mul3A_2, %mul3A_118 : i32
      %dma_start3A_120 = arith.constant 0 : i32
      %dma_start3A_121 = tpu.memref_slice %arg4[%add3A_119, %dma_start3A_120] : memref<160000x128xf32, #tpu.memory_space<hbm>> -> memref<120x128xf32, #tpu.memory_space<hbm>>
      %dma_start3A_122 = arith.constant 0 : i32
      %dma_start3A_123 = tpu.memref_slice %arg4[%add3A_119, %dma_start3A_122] : memref<160000x128xf32, #tpu.memory_space<hbm>> -> memref<120x128xf32, #tpu.memory_space<hbm>>
      tpu.enqueue_dma source(%arg6 : memref<120x128xf32, #tpu.memory_space<vmem>>) target(%dma_start3A_123 : memref<120x128xf32, #tpu.memory_space<hbm>>) target_semaphore(%arg14 : memref<!tpu.dma_semaphore, #tpu.memory_space<semaphore_mem>>)
      %dma_wait3A_124 = arith.constant 0 : i32
      %dma_wait3A_125 = tpu.memref_slice %arg5[%add3A_80, %dma_wait3A_124] : memref<42x120xi32, #tpu.memory_space<vmem>> -> memref<1x120xi32, #tpu.memory_space<vmem>>
      %dma_wait3A_126 = tpu.memref_squeeze %dma_wait3A_125 : memref<1x120xi32, #tpu.memory_space<vmem>> -> memref<120xi32, #tpu.memory_space<vmem>>
      %dma_wait3A_127 = arith.constant 0 : i32
      %dma_wait3A_128 = arith.constant 0 : i32
      %dma_wait3A_129 = tpu.memref_slice %arg2[%dma_wait3A_127, %dma_wait3A_128] : memref<10000x128xf32, #tpu.memory_space<hbm>> -> memref<10000x128xf32, #tpu.memory_space<hbm>>
      tpu.wait_indirect_dma semaphore(%arg11 : memref<!tpu.dma_semaphore, #tpu.memory_space<semaphore_mem>>) src(%dma_wait3A_129 : memref<10000x128xf32, #tpu.memory_space<hbm>>) dst(%arg7 : memref<120x128xf32, #tpu.memory_space<vmem>>)
      %mul3A_130 = arith.constant 4 : i32
      %mul3A_131 = arith.muli %mul3A_130, %scan3A_66 : i32
      %add3A_132 = arith.constant 1 : i32
      %add3A_133 = arith.addi %mul3A_131, %add3A_132 : i32
      %mul3A_134 = arith.constant 120 : i32
      %mul3A_135 = arith.muli %add3A_133, %mul3A_134 : i32
      %add3A_136 = arith.addi %mul3A_2, %mul3A_135 : i32
      %dma_start3A_137 = arith.constant 0 : i32
      %dma_start3A_138 = tpu.memref_slice %arg4[%add3A_136, %dma_start3A_137] : memref<160000x128xf32, #tpu.memory_space<hbm>> -> memref<120x128xf32, #tpu.memory_space<hbm>>
      %dma_start3A_139 = arith.constant 0 : i32
      %dma_start3A_140 = tpu.memref_slice %arg4[%add3A_136, %dma_start3A_139] : memref<160000x128xf32, #tpu.memory_space<hbm>> -> memref<120x128xf32, #tpu.memory_space<hbm>>
      tpu.enqueue_dma source(%arg7 : memref<120x128xf32, #tpu.memory_space<vmem>>) target(%dma_start3A_140 : memref<120x128xf32, #tpu.memory_space<hbm>>) target_semaphore(%arg15 : memref<!tpu.dma_semaphore, #tpu.memory_space<semaphore_mem>>)
      %dma_wait3A_141 = arith.constant 0 : i32
      %dma_wait3A_142 = tpu.memref_slice %arg5[%add3A_90, %dma_wait3A_141] : memref<42x120xi32, #tpu.memory_space<vmem>> -> memref<1x120xi32, #tpu.memory_space<vmem>>
      %dma_wait3A_143 = tpu.memref_squeeze %dma_wait3A_142 : memref<1x120xi32, #tpu.memory_space<vmem>> -> memref<120xi32, #tpu.memory_space<vmem>>
      %dma_wait3A_144 = arith.constant 0 : i32
      %dma_wait3A_145 = arith.constant 0 : i32
      %dma_wait3A_146 = tpu.memref_slice %arg2[%dma_wait3A_144, %dma_wait3A_145] : memref<10000x128xf32, #tpu.memory_space<hbm>> -> memref<10000x128xf32, #tpu.memory_space<hbm>>
      tpu.wait_indirect_dma semaphore(%arg12 : memref<!tpu.dma_semaphore, #tpu.memory_space<semaphore_mem>>) src(%dma_wait3A_146 : memref<10000x128xf32, #tpu.memory_space<hbm>>) dst(%arg8 : memref<120x128xf32, #tpu.memory_space<vmem>>)
      %mul3A_147 = arith.constant 4 : i32
      %mul3A_148 = arith.muli %mul3A_147, %scan3A_66 : i32
      %add3A_149 = arith.constant 2 : i32
      %add3A_150 = arith.addi %mul3A_148, %add3A_149 : i32
      %mul3A_151 = arith.constant 120 : i32
      %mul3A_152 = arith.muli %add3A_150, %mul3A_151 : i32
      %add3A_153 = arith.addi %mul3A_2, %mul3A_152 : i32
      %dma_start3A_154 = arith.constant 0 : i32
      %dma_start3A_155 = tpu.memref_slice %arg4[%add3A_153, %dma_start3A_154] : memref<160000x128xf32, #tpu.memory_space<hbm>> -> memref<120x128xf32, #tpu.memory_space<hbm>>
      %dma_start3A_156 = arith.constant 0 : i32
      %dma_start3A_157 = tpu.memref_slice %arg4[%add3A_153, %dma_start3A_156] : memref<160000x128xf32, #tpu.memory_space<hbm>> -> memref<120x128xf32, #tpu.memory_space<hbm>>
      tpu.enqueue_dma source(%arg8 : memref<120x128xf32, #tpu.memory_space<vmem>>) target(%dma_start3A_157 : memref<120x128xf32, #tpu.memory_space<hbm>>) target_semaphore(%arg16 : memref<!tpu.dma_semaphore, #tpu.memory_space<semaphore_mem>>)
      %dma_wait3A_158 = arith.constant 0 : i32
      %dma_wait3A_159 = tpu.memref_slice %arg5[%add3A_100, %dma_wait3A_158] : memref<42x120xi32, #tpu.memory_space<vmem>> -> memref<1x120xi32, #tpu.memory_space<vmem>>
      %dma_wait3A_160 = tpu.memref_squeeze %dma_wait3A_159 : memref<1x120xi32, #tpu.memory_space<vmem>> -> memref<120xi32, #tpu.memory_space<vmem>>
      %dma_wait3A_161 = arith.constant 0 : i32
      %dma_wait3A_162 = arith.constant 0 : i32
      %dma_wait3A_163 = tpu.memref_slice %arg2[%dma_wait3A_161, %dma_wait3A_162] : memref<10000x128xf32, #tpu.memory_space<hbm>> -> memref<10000x128xf32, #tpu.memory_space<hbm>>
      tpu.wait_indirect_dma semaphore(%arg13 : memref<!tpu.dma_semaphore, #tpu.memory_space<semaphore_mem>>) src(%dma_wait3A_163 : memref<10000x128xf32, #tpu.memory_space<hbm>>) dst(%arg9 : memref<120x128xf32, #tpu.memory_space<vmem>>)
      %mul3A_164 = arith.constant 4 : i32
      %mul3A_165 = arith.muli %mul3A_164, %scan3A_66 : i32
      %add3A_166 = arith.constant 3 : i32
      %add3A_167 = arith.addi %mul3A_165, %add3A_166 : i32
      %mul3A_168 = arith.constant 120 : i32
      %mul3A_169 = arith.muli %add3A_167, %mul3A_168 : i32
      %add3A_170 = arith.addi %mul3A_2, %mul3A_169 : i32
      %dma_start3A_171 = arith.constant 0 : i32
      %dma_start3A_172 = tpu.memref_slice %arg4[%add3A_170, %dma_start3A_171] : memref<160000x128xf32, #tpu.memory_space<hbm>> -> memref<120x128xf32, #tpu.memory_space<hbm>>
      %dma_start3A_173 = arith.constant 0 : i32
      %dma_start3A_174 = tpu.memref_slice %arg4[%add3A_170, %dma_start3A_173] : memref<160000x128xf32, #tpu.memory_space<hbm>> -> memref<120x128xf32, #tpu.memory_space<hbm>>
      tpu.enqueue_dma source(%arg9 : memref<120x128xf32, #tpu.memory_space<vmem>>) target(%dma_start3A_174 : memref<120x128xf32, #tpu.memory_space<hbm>>) target_semaphore(%arg17 : memref<!tpu.dma_semaphore, #tpu.memory_space<semaphore_mem>>)
      %dma_wait3A_175 = arith.constant 0 : i32
      %dma_wait3A_176 = tpu.memref_slice %arg4[%add3A_119, %dma_wait3A_175] : memref<160000x128xf32, #tpu.memory_space<hbm>> -> memref<120x128xf32, #tpu.memory_space<hbm>>
      %dma_wait3A_177 = arith.constant 0 : i32
      %dma_wait3A_178 = tpu.memref_slice %arg4[%add3A_119, %dma_wait3A_177] : memref<160000x128xf32, #tpu.memory_space<hbm>> -> memref<120x128xf32, #tpu.memory_space<hbm>>
      tpu.wait_dma2 semaphore(%arg14 : memref<!tpu.dma_semaphore, #tpu.memory_space<semaphore_mem>>) src(%arg6 : memref<120x128xf32, #tpu.memory_space<vmem>>) dst(%dma_wait3A_178 : memref<120x128xf32, #tpu.memory_space<hbm>>)
      %dma_wait3A_179 = arith.constant 0 : i32
      %dma_wait3A_180 = tpu.memref_slice %arg4[%add3A_136, %dma_wait3A_179] : memref<160000x128xf32, #tpu.memory_space<hbm>> -> memref<120x128xf32, #tpu.memory_space<hbm>>
      %dma_wait3A_181 = arith.constant 0 : i32
      %dma_wait3A_182 = tpu.memref_slice %arg4[%add3A_136, %dma_wait3A_181] : memref<160000x128xf32, #tpu.memory_space<hbm>> -> memref<120x128xf32, #tpu.memory_space<hbm>>
      tpu.wait_dma2 semaphore(%arg15 : memref<!tpu.dma_semaphore, #tpu.memory_space<semaphore_mem>>) src(%arg7 : memref<120x128xf32, #tpu.memory_space<vmem>>) dst(%dma_wait3A_182 : memref<120x128xf32, #tpu.memory_space<hbm>>)
      %dma_wait3A_183 = arith.constant 0 : i32
      %dma_wait3A_184 = tpu.memref_slice %arg4[%add3A_153, %dma_wait3A_183] : memref<160000x128xf32, #tpu.memory_space<hbm>> -> memref<120x128xf32, #tpu.memory_space<hbm>>
      %dma_wait3A_185 = arith.constant 0 : i32
      %dma_wait3A_186 = tpu.memref_slice %arg4[%add3A_153, %dma_wait3A_185] : memref<160000x128xf32, #tpu.memory_space<hbm>> -> memref<120x128xf32, #tpu.memory_space<hbm>>
      tpu.wait_dma2 semaphore(%arg16 : memref<!tpu.dma_semaphore, #tpu.memory_space<semaphore_mem>>) src(%arg8 : memref<120x128xf32, #tpu.memory_space<vmem>>) dst(%dma_wait3A_186 : memref<120x128xf32, #tpu.memory_space<hbm>>)
      %dma_wait3A_187 = arith.constant 0 : i32
      %dma_wait3A_188 = tpu.memref_slice %arg4[%add3A_170, %dma_wait3A_187] : memref<160000x128xf32, #tpu.memory_space<hbm>> -> memref<120x128xf32, #tpu.memory_space<hbm>>
      %dma_wait3A_189 = arith.constant 0 : i32
      %dma_wait3A_190 = tpu.memref_slice %arg4[%add3A_170, %dma_wait3A_189] : memref<160000x128xf32, #tpu.memory_space<hbm>> -> memref<120x128xf32, #tpu.memory_space<hbm>>
      tpu.wait_dma2 semaphore(%arg17 : memref<!tpu.dma_semaphore, #tpu.memory_space<semaphore_mem>>) src(%arg9 : memref<120x128xf32, #tpu.memory_space<vmem>>) dst(%dma_wait3A_190 : memref<120x128xf32, #tpu.memory_space<hbm>>)
    }
    %scan3A_7 = arith.constant 10 : i32
    %dma_start3A = arith.constant 40 : i32
    %dma_start3A_8 = arith.constant 0 : i32
    %dma_start3A_9 = tpu.memref_slice %arg5[%dma_start3A, %dma_start3A_8] : memref<42x120xi32, #tpu.memory_space<vmem>> -> memref<1x120xi32, #tpu.memory_space<vmem>>
    %dma_start3A_10 = tpu.memref_squeeze %dma_start3A_9 : memref<1x120xi32, #tpu.memory_space<vmem>> -> memref<120xi32, #tpu.memory_space<vmem>>
    %dma_start3A_11 = arith.constant 0 : i32
    %dma_start3A_12 = arith.constant 0 : i32
    %dma_start3A_13 = tpu.memref_slice %arg2[%dma_start3A_11, %dma_start3A_12] : memref<10000x128xf32, #tpu.memory_space<hbm>> -> memref<10000x128xf32, #tpu.memory_space<hbm>>
    tpu.enqueue_indirect_dma source(%dma_start3A_13 : memref<10000x128xf32, #tpu.memory_space<hbm>>) target(%arg6 : memref<120x128xf32, #tpu.memory_space<vmem>>) offsets(%dma_start3A_10 : memref<120xi32, #tpu.memory_space<vmem>>) semaphore(%arg10 : memref<!tpu.dma_semaphore, #tpu.memory_space<semaphore_mem>>)
    %dma_start3A_14 = arith.constant 41 : i32
    %dma_start3A_15 = arith.constant 0 : i32
    %dma_start3A_16 = tpu.memref_slice %arg5[%dma_start3A_14, %dma_start3A_15] : memref<42x120xi32, #tpu.memory_space<vmem>> -> memref<1x120xi32, #tpu.memory_space<vmem>>
    %dma_start3A_17 = tpu.memref_squeeze %dma_start3A_16 : memref<1x120xi32, #tpu.memory_space<vmem>> -> memref<120xi32, #tpu.memory_space<vmem>>
    %dma_start3A_18 = arith.constant 0 : i32
    %dma_start3A_19 = arith.constant 0 : i32
    %dma_start3A_20 = tpu.memref_slice %arg2[%dma_start3A_18, %dma_start3A_19] : memref<10000x128xf32, #tpu.memory_space<hbm>> -> memref<10000x128xf32, #tpu.memory_space<hbm>>
    tpu.enqueue_indirect_dma source(%dma_start3A_20 : memref<10000x128xf32, #tpu.memory_space<hbm>>) target(%arg7 : memref<120x128xf32, #tpu.memory_space<vmem>>) offsets(%dma_start3A_17 : memref<120xi32, #tpu.memory_space<vmem>>) semaphore(%arg11 : memref<!tpu.dma_semaphore, #tpu.memory_space<semaphore_mem>>)
    %dma_wait3A = arith.constant 40 : i32
    %dma_wait3A_21 = arith.constant 0 : i32
    %dma_wait3A_22 = tpu.memref_slice %arg5[%dma_wait3A, %dma_wait3A_21] : memref<42x120xi32, #tpu.memory_space<vmem>> -> memref<1x120xi32, #tpu.memory_space<vmem>>
    %dma_wait3A_23 = tpu.memref_squeeze %dma_wait3A_22 : memref<1x120xi32, #tpu.memory_space<vmem>> -> memref<120xi32, #tpu.memory_space<vmem>>
    %dma_wait3A_24 = arith.constant 0 : i32
    %dma_wait3A_25 = arith.constant 0 : i32
    %dma_wait3A_26 = tpu.memref_slice %arg2[%dma_wait3A_24, %dma_wait3A_25] : memref<10000x128xf32, #tpu.memory_space<hbm>> -> memref<10000x128xf32, #tpu.memory_space<hbm>>
    tpu.wait_indirect_dma semaphore(%arg10 : memref<!tpu.dma_semaphore, #tpu.memory_space<semaphore_mem>>) src(%dma_wait3A_26 : memref<10000x128xf32, #tpu.memory_space<hbm>>) dst(%arg6 : memref<120x128xf32, #tpu.memory_space<vmem>>)
    %add3A_27 = arith.constant 4800 : i32
    %add3A_28 = arith.addi %mul3A_2, %add3A_27 : i32
    %dma_start3A_29 = arith.constant 0 : i32
    %dma_start3A_30 = tpu.memref_slice %arg4[%add3A_28, %dma_start3A_29] : memref<160000x128xf32, #tpu.memory_space<hbm>> -> memref<120x128xf32, #tpu.memory_space<hbm>>
    %dma_start3A_31 = arith.constant 0 : i32
    %dma_start3A_32 = tpu.memref_slice %arg4[%add3A_28, %dma_start3A_31] : memref<160000x128xf32, #tpu.memory_space<hbm>> -> memref<120x128xf32, #tpu.memory_space<hbm>>
    tpu.enqueue_dma source(%arg6 : memref<120x128xf32, #tpu.memory_space<vmem>>) target(%dma_start3A_32 : memref<120x128xf32, #tpu.memory_space<hbm>>) target_semaphore(%arg14 : memref<!tpu.dma_semaphore, #tpu.memory_space<semaphore_mem>>)
    %dma_wait3A_33 = arith.constant 41 : i32
    %dma_wait3A_34 = arith.constant 0 : i32
    %dma_wait3A_35 = tpu.memref_slice %arg5[%dma_wait3A_33, %dma_wait3A_34] : memref<42x120xi32, #tpu.memory_space<vmem>> -> memref<1x120xi32, #tpu.memory_space<vmem>>
    %dma_wait3A_36 = tpu.memref_squeeze %dma_wait3A_35 : memref<1x120xi32, #tpu.memory_space<vmem>> -> memref<120xi32, #tpu.memory_space<vmem>>
    %dma_wait3A_37 = arith.constant 0 : i32
    %dma_wait3A_38 = arith.constant 0 : i32
    %dma_wait3A_39 = tpu.memref_slice %arg2[%dma_wait3A_37, %dma_wait3A_38] : memref<10000x128xf32, #tpu.memory_space<hbm>> -> memref<10000x128xf32, #tpu.memory_space<hbm>>
    tpu.wait_indirect_dma semaphore(%arg11 : memref<!tpu.dma_semaphore, #tpu.memory_space<semaphore_mem>>) src(%dma_wait3A_39 : memref<10000x128xf32, #tpu.memory_space<hbm>>) dst(%arg7 : memref<120x128xf32, #tpu.memory_space<vmem>>)
    %add3A_40 = arith.constant 4920 : i32
    %add3A_41 = arith.addi %mul3A_2, %add3A_40 : i32
    %dma_start3A_42 = arith.constant 0 : i32
    %dma_start3A_43 = arith.constant 0 : i32
    %dma_start3A_44 = tpu.memref_slice %arg7[%dma_start3A_42, %dma_start3A_43] : memref<120x128xf32, #tpu.memory_space<vmem>> -> memref<80x128xf32, #tpu.memory_space<vmem>>
    %dma_start3A_45 = arith.constant 0 : i32
    %dma_start3A_46 = tpu.memref_slice %arg4[%add3A_41, %dma_start3A_45] : memref<160000x128xf32, #tpu.memory_space<hbm>> -> memref<80x128xf32, #tpu.memory_space<hbm>>
    %dma_start3A_47 = arith.constant 0 : i32
    %dma_start3A_48 = tpu.memref_slice %arg4[%add3A_41, %dma_start3A_47] : memref<160000x128xf32, #tpu.memory_space<hbm>> -> memref<80x128xf32, #tpu.memory_space<hbm>>
    %dma_start3A_49 = arith.constant 0 : i32
    %dma_start3A_50 = arith.constant 0 : i32
    %dma_start3A_51 = tpu.memref_slice %arg7[%dma_start3A_49, %dma_start3A_50] : memref<120x128xf32, #tpu.memory_space<vmem>> -> memref<80x128xf32, #tpu.memory_space<vmem>>
    tpu.enqueue_dma source(%dma_start3A_51 : memref<80x128xf32, #tpu.memory_space<vmem>>) target(%dma_start3A_48 : memref<80x128xf32, #tpu.memory_space<hbm>>) target_semaphore(%arg15 : memref<!tpu.dma_semaphore, #tpu.memory_space<semaphore_mem>>)
    %dma_wait3A_52 = arith.constant 0 : i32
    %dma_wait3A_53 = tpu.memref_slice %arg4[%add3A_28, %dma_wait3A_52] : memref<160000x128xf32, #tpu.memory_space<hbm>> -> memref<120x128xf32, #tpu.memory_space<hbm>>
    %dma_wait3A_54 = arith.constant 0 : i32
    %dma_wait3A_55 = tpu.memref_slice %arg4[%add3A_28, %dma_wait3A_54] : memref<160000x128xf32, #tpu.memory_space<hbm>> -> memref<120x128xf32, #tpu.memory_space<hbm>>
    tpu.wait_dma2 semaphore(%arg14 : memref<!tpu.dma_semaphore, #tpu.memory_space<semaphore_mem>>) src(%arg6 : memref<120x128xf32, #tpu.memory_space<vmem>>) dst(%dma_wait3A_55 : memref<120x128xf32, #tpu.memory_space<hbm>>)
    %dma_wait3A_56 = arith.constant 0 : i32
    %dma_wait3A_57 = arith.constant 0 : i32
    %dma_wait3A_58 = tpu.memref_slice %arg7[%dma_wait3A_56, %dma_wait3A_57] : memref<120x128xf32, #tpu.memory_space<vmem>> -> memref<80x128xf32, #tpu.memory_space<vmem>>
    %dma_wait3A_59 = arith.constant 0 : i32
    %dma_wait3A_60 = tpu.memref_slice %arg4[%add3A_41, %dma_wait3A_59] : memref<160000x128xf32, #tpu.memory_space<hbm>> -> memref<80x128xf32, #tpu.memory_space<hbm>>
    %dma_wait3A_61 = arith.constant 0 : i32
    %dma_wait3A_62 = tpu.memref_slice %arg4[%add3A_41, %dma_wait3A_61] : memref<160000x128xf32, #tpu.memory_space<hbm>> -> memref<80x128xf32, #tpu.memory_space<hbm>>
    %dma_wait3A_63 = arith.constant 0 : i32
    %dma_wait3A_64 = arith.constant 0 : i32
    %dma_wait3A_65 = tpu.memref_slice %arg7[%dma_wait3A_63, %dma_wait3A_64] : memref<120x128xf32, #tpu.memory_space<vmem>> -> memref<80x128xf32, #tpu.memory_space<vmem>>
    tpu.wait_dma2 semaphore(%arg15 : memref<!tpu.dma_semaphore, #tpu.memory_space<semaphore_mem>>) src(%dma_wait3A_65 : memref<80x128xf32, #tpu.memory_space<vmem>>) dst(%dma_wait3A_62 : memref<80x128xf32, #tpu.memory_space<hbm>>)
    return
  }
}

#map = affine_map<(d0, d1) -> (0, 0)>
#map1 = affine_map<(d0, d1) -> (0, 0, 0)>
#map2 = affine_map<(d0, d1) -> (0, 0, 0, 0)>
module attributes {stable_mosaic.version = 14 : i64} {
  func.func @_sc_scatter_body(%arg0: i32, %arg1: i32, %arg2: memref<160000x128xf32, #tpu.memory_space<hbm>>, %arg3: memref<32x42x120xi32, #tpu.memory_space<hbm>>, %arg4: memref<32x42x120xi32, #tpu.memory_space<hbm>>, %arg5: memref<120x128xf32, #tpu.memory_space<hbm>>, %arg6: memref<2x2x10240x128xf32, #tpu.memory_space<hbm>>, %arg7: memref<42x120xi32, #tpu.memory_space<vmem>>, %arg8: memref<42x120xi32, #tpu.memory_space<vmem>>, %arg9: memref<120x128xf32, #tpu.memory_space<vmem>>, %arg10: memref<120x128xf32, #tpu.memory_space<vmem>>, %arg11: memref<10240x128xf32, #tpu.memory_space<vmem_shared>>, %arg12: memref<!tpu.dma_semaphore, #tpu.memory_space<semaphore_mem>>, %arg13: memref<!tpu.dma_semaphore, #tpu.memory_space<semaphore_mem>>, %arg14: memref<!tpu.dma_semaphore, #tpu.memory_space<semaphore_mem>>, %arg15: memref<!tpu.dma_semaphore, #tpu.memory_space<semaphore_mem>>) attributes {dimension_semantics = [#tpu.dimension_semantics<core_parallel>, #tpu.dimension_semantics<subcore_parallel>], iteration_bounds = array<i64: 2, 16>, scalar_prefetch = 0 : i64, scratch_operands = 9 : i64, tpu.core_type = #tpu.core_type<sc_vector_subcore>, window_params = [{transform_indices = #map}, {transform_indices = #map1}, {transform_indices = #map1}, {transform_indices = #map}, {transform_indices = #map2}]} {
    %mul3A = arith.constant 2 : i32
    %mul3A_0 = arith.muli %arg1, %mul3A : i32
    %add3A = arith.addi %mul3A_0, %arg0 : i32
    %mul3A_1 = arith.constant 5000 : i32
    %mul3A_2 = arith.muli %add3A, %mul3A_1 : i32
    %mul3A_3 = arith.constant 640 : i32
    %mul3A_4 = arith.muli %arg1, %mul3A_3 : i32
    "tpu.region"() ({
      %run_scoped3A_162 = tpu.sem_alloc : memref<!tpu.dma_semaphore, #tpu.memory_space<semaphore_mem>>
      %dma_start3A_163 = arith.constant 0 : i32
      %dma_start3A_164 = arith.constant 0 : i32
      %dma_start3A_165 = tpu.memref_slice %arg3[%add3A, %dma_start3A_163, %dma_start3A_164] : memref<32x42x120xi32, #tpu.memory_space<hbm>> -> memref<1x42x120xi32, #tpu.memory_space<hbm>>
      %dma_start3A_166 = tpu.memref_squeeze %dma_start3A_165 : memref<1x42x120xi32, #tpu.memory_space<hbm>> -> memref<42x120xi32, #tpu.memory_space<hbm>>
      %dma_start3A_167 = arith.constant 0 : i32
      %dma_start3A_168 = arith.constant 0 : i32
      %dma_start3A_169 = tpu.memref_slice %arg3[%add3A, %dma_start3A_167, %dma_start3A_168] : memref<32x42x120xi32, #tpu.memory_space<hbm>> -> memref<1x42x120xi32, #tpu.memory_space<hbm>>
      %dma_start3A_170 = tpu.memref_squeeze %dma_start3A_169 : memref<1x42x120xi32, #tpu.memory_space<hbm>> -> memref<42x120xi32, #tpu.memory_space<hbm>>
      tpu.enqueue_dma source(%dma_start3A_170 : memref<42x120xi32, #tpu.memory_space<hbm>>) target(%arg7 : memref<42x120xi32, #tpu.memory_space<vmem>>) target_semaphore(%run_scoped3A_162 : memref<!tpu.dma_semaphore, #tpu.memory_space<semaphore_mem>>)
      %dma_wait3A_171 = arith.constant 0 : i32
      %dma_wait3A_172 = arith.constant 0 : i32
      %dma_wait3A_173 = tpu.memref_slice %arg3[%add3A, %dma_wait3A_171, %dma_wait3A_172] : memref<32x42x120xi32, #tpu.memory_space<hbm>> -> memref<1x42x120xi32, #tpu.memory_space<hbm>>
      %dma_wait3A_174 = tpu.memref_squeeze %dma_wait3A_173 : memref<1x42x120xi32, #tpu.memory_space<hbm>> -> memref<42x120xi32, #tpu.memory_space<hbm>>
      %dma_wait3A_175 = arith.constant 0 : i32
      %dma_wait3A_176 = arith.constant 0 : i32
      %dma_wait3A_177 = tpu.memref_slice %arg3[%add3A, %dma_wait3A_175, %dma_wait3A_176] : memref<32x42x120xi32, #tpu.memory_space<hbm>> -> memref<1x42x120xi32, #tpu.memory_space<hbm>>
      %dma_wait3A_178 = tpu.memref_squeeze %dma_wait3A_177 : memref<1x42x120xi32, #tpu.memory_space<hbm>> -> memref<42x120xi32, #tpu.memory_space<hbm>>
      tpu.wait_dma2 semaphore(%run_scoped3A_162 : memref<!tpu.dma_semaphore, #tpu.memory_space<semaphore_mem>>) src(%dma_wait3A_178 : memref<42x120xi32, #tpu.memory_space<hbm>>) dst(%arg7 : memref<42x120xi32, #tpu.memory_space<vmem>>)
      tpu.yield
    }) : () -> ()
    "tpu.region"() ({
      %run_scoped3A_162 = tpu.sem_alloc : memref<!tpu.dma_semaphore, #tpu.memory_space<semaphore_mem>>
      %dma_start3A_163 = arith.constant 0 : i32
      %dma_start3A_164 = arith.constant 0 : i32
      %dma_start3A_165 = tpu.memref_slice %arg4[%add3A, %dma_start3A_163, %dma_start3A_164] : memref<32x42x120xi32, #tpu.memory_space<hbm>> -> memref<1x42x120xi32, #tpu.memory_space<hbm>>
      %dma_start3A_166 = tpu.memref_squeeze %dma_start3A_165 : memref<1x42x120xi32, #tpu.memory_space<hbm>> -> memref<42x120xi32, #tpu.memory_space<hbm>>
      %dma_start3A_167 = arith.constant 0 : i32
      %dma_start3A_168 = arith.constant 0 : i32
      %dma_start3A_169 = tpu.memref_slice %arg4[%add3A, %dma_start3A_167, %dma_start3A_168] : memref<32x42x120xi32, #tpu.memory_space<hbm>> -> memref<1x42x120xi32, #tpu.memory_space<hbm>>
      %dma_start3A_170 = tpu.memref_squeeze %dma_start3A_169 : memref<1x42x120xi32, #tpu.memory_space<hbm>> -> memref<42x120xi32, #tpu.memory_space<hbm>>
      tpu.enqueue_dma source(%dma_start3A_170 : memref<42x120xi32, #tpu.memory_space<hbm>>) target(%arg8 : memref<42x120xi32, #tpu.memory_space<vmem>>) target_semaphore(%run_scoped3A_162 : memref<!tpu.dma_semaphore, #tpu.memory_space<semaphore_mem>>)
      %dma_wait3A_171 = arith.constant 0 : i32
      %dma_wait3A_172 = arith.constant 0 : i32
      %dma_wait3A_173 = tpu.memref_slice %arg4[%add3A, %dma_wait3A_171, %dma_wait3A_172] : memref<32x42x120xi32, #tpu.memory_space<hbm>> -> memref<1x42x120xi32, #tpu.memory_space<hbm>>
      %dma_wait3A_174 = tpu.memref_squeeze %dma_wait3A_173 : memref<1x42x120xi32, #tpu.memory_space<hbm>> -> memref<42x120xi32, #tpu.memory_space<hbm>>
      %dma_wait3A_175 = arith.constant 0 : i32
      %dma_wait3A_176 = arith.constant 0 : i32
      %dma_wait3A_177 = tpu.memref_slice %arg4[%add3A, %dma_wait3A_175, %dma_wait3A_176] : memref<32x42x120xi32, #tpu.memory_space<hbm>> -> memref<1x42x120xi32, #tpu.memory_space<hbm>>
      %dma_wait3A_178 = tpu.memref_squeeze %dma_wait3A_177 : memref<1x42x120xi32, #tpu.memory_space<hbm>> -> memref<42x120xi32, #tpu.memory_space<hbm>>
      tpu.wait_dma2 semaphore(%run_scoped3A_162 : memref<!tpu.dma_semaphore, #tpu.memory_space<semaphore_mem>>) src(%dma_wait3A_178 : memref<42x120xi32, #tpu.memory_space<hbm>>) dst(%arg8 : memref<42x120xi32, #tpu.memory_space<vmem>>)
      tpu.yield
    }) : () -> ()
    "tpu.region"() ({
      %run_scoped3A_162 = tpu.sem_alloc : memref<!tpu.dma_semaphore, #tpu.memory_space<semaphore_mem>>
      tpu.enqueue_dma source(%arg5 : memref<120x128xf32, #tpu.memory_space<hbm>>) target(%arg9 : memref<120x128xf32, #tpu.memory_space<vmem>>) target_semaphore(%run_scoped3A_162 : memref<!tpu.dma_semaphore, #tpu.memory_space<semaphore_mem>>)
      tpu.wait_dma2 semaphore(%run_scoped3A_162 : memref<!tpu.dma_semaphore, #tpu.memory_space<semaphore_mem>>) src(%arg5 : memref<120x128xf32, #tpu.memory_space<hbm>>) dst(%arg9 : memref<120x128xf32, #tpu.memory_space<vmem>>)
      tpu.yield
    }) : () -> ()
    %mul3A_5 = arith.constant 640 : i32
    %mul3A_6 = arith.muli %arg1, %mul3A_5 : i32
    %add3A_7 = arith.constant 0 : i32
    %add3A_8 = arith.addi %mul3A_6, %add3A_7 : i32
    "tpu.region"() ({
      %run_scoped3A_162 = tpu.sem_alloc : memref<!tpu.dma_semaphore, #tpu.memory_space<semaphore_mem>>
      %dma_start3A_163 = arith.constant 0 : i32
      %dma_start3A_164 = tpu.memref_slice %arg11[%add3A_8, %dma_start3A_163] : memref<10240x128xf32, #tpu.memory_space<vmem_shared>> -> memref<120x128xf32, #tpu.memory_space<vmem_shared>>
      %dma_start3A_165 = arith.constant 0 : i32
      %dma_start3A_166 = tpu.memref_slice %arg11[%add3A_8, %dma_start3A_165] : memref<10240x128xf32, #tpu.memory_space<vmem_shared>> -> memref<120x128xf32, #tpu.memory_space<vmem_shared>>
      tpu.enqueue_dma source(%arg9 : memref<120x128xf32, #tpu.memory_space<vmem>>) target(%dma_start3A_166 : memref<120x128xf32, #tpu.memory_space<vmem_shared>>) target_semaphore(%run_scoped3A_162 : memref<!tpu.dma_semaphore, #tpu.memory_space<semaphore_mem>>)
      %dma_wait3A_167 = arith.constant 0 : i32
      %dma_wait3A_168 = tpu.memref_slice %arg11[%add3A_8, %dma_wait3A_167] : memref<10240x128xf32, #tpu.memory_space<vmem_shared>> -> memref<120x128xf32, #tpu.memory_space<vmem_shared>>
      %dma_wait3A_169 = arith.constant 0 : i32
      %dma_wait3A_170 = tpu.memref_slice %arg11[%add3A_8, %dma_wait3A_169] : memref<10240x128xf32, #tpu.memory_space<vmem_shared>> -> memref<120x128xf32, #tpu.memory_space<vmem_shared>>
      tpu.wait_dma2 semaphore(%run_scoped3A_162 : memref<!tpu.dma_semaphore, #tpu.memory_space<semaphore_mem>>) src(%arg9 : memref<120x128xf32, #tpu.memory_space<vmem>>) dst(%dma_wait3A_170 : memref<120x128xf32, #tpu.memory_space<vmem_shared>>)
      tpu.yield
    }) : () -> ()
    %mul3A_9 = arith.constant 640 : i32
    %mul3A_10 = arith.muli %arg1, %mul3A_9 : i32
    %add3A_11 = arith.constant 120 : i32
    %add3A_12 = arith.addi %mul3A_10, %add3A_11 : i32
    "tpu.region"() ({
      %run_scoped3A_162 = tpu.sem_alloc : memref<!tpu.dma_semaphore, #tpu.memory_space<semaphore_mem>>
      %dma_start3A_163 = arith.constant 0 : i32
      %dma_start3A_164 = tpu.memref_slice %arg11[%add3A_12, %dma_start3A_163] : memref<10240x128xf32, #tpu.memory_space<vmem_shared>> -> memref<120x128xf32, #tpu.memory_space<vmem_shared>>
      %dma_start3A_165 = arith.constant 0 : i32
      %dma_start3A_166 = tpu.memref_slice %arg11[%add3A_12, %dma_start3A_165] : memref<10240x128xf32, #tpu.memory_space<vmem_shared>> -> memref<120x128xf32, #tpu.memory_space<vmem_shared>>
      tpu.enqueue_dma source(%arg9 : memref<120x128xf32, #tpu.memory_space<vmem>>) target(%dma_start3A_166 : memref<120x128xf32, #tpu.memory_space<vmem_shared>>) target_semaphore(%run_scoped3A_162 : memref<!tpu.dma_semaphore, #tpu.memory_space<semaphore_mem>>)
      %dma_wait3A_167 = arith.constant 0 : i32
      %dma_wait3A_168 = tpu.memref_slice %arg11[%add3A_12, %dma_wait3A_167] : memref<10240x128xf32, #tpu.memory_space<vmem_shared>> -> memref<120x128xf32, #tpu.memory_space<vmem_shared>>
      %dma_wait3A_169 = arith.constant 0 : i32
      %dma_wait3A_170 = tpu.memref_slice %arg11[%add3A_12, %dma_wait3A_169] : memref<10240x128xf32, #tpu.memory_space<vmem_shared>> -> memref<120x128xf32, #tpu.memory_space<vmem_shared>>
      tpu.wait_dma2 semaphore(%run_scoped3A_162 : memref<!tpu.dma_semaphore, #tpu.memory_space<semaphore_mem>>) src(%arg9 : memref<120x128xf32, #tpu.memory_space<vmem>>) dst(%dma_wait3A_170 : memref<120x128xf32, #tpu.memory_space<vmem_shared>>)
      tpu.yield
    }) : () -> ()
    %mul3A_13 = arith.constant 640 : i32
    %mul3A_14 = arith.muli %arg1, %mul3A_13 : i32
    %add3A_15 = arith.constant 240 : i32
    %add3A_16 = arith.addi %mul3A_14, %add3A_15 : i32
    "tpu.region"() ({
      %run_scoped3A_162 = tpu.sem_alloc : memref<!tpu.dma_semaphore, #tpu.memory_space<semaphore_mem>>
      %dma_start3A_163 = arith.constant 0 : i32
      %dma_start3A_164 = tpu.memref_slice %arg11[%add3A_16, %dma_start3A_163] : memref<10240x128xf32, #tpu.memory_space<vmem_shared>> -> memref<120x128xf32, #tpu.memory_space<vmem_shared>>
      %dma_start3A_165 = arith.constant 0 : i32
      %dma_start3A_166 = tpu.memref_slice %arg11[%add3A_16, %dma_start3A_165] : memref<10240x128xf32, #tpu.memory_space<vmem_shared>> -> memref<120x128xf32, #tpu.memory_space<vmem_shared>>
      tpu.enqueue_dma source(%arg9 : memref<120x128xf32, #tpu.memory_space<vmem>>) target(%dma_start3A_166 : memref<120x128xf32, #tpu.memory_space<vmem_shared>>) target_semaphore(%run_scoped3A_162 : memref<!tpu.dma_semaphore, #tpu.memory_space<semaphore_mem>>)
      %dma_wait3A_167 = arith.constant 0 : i32
      %dma_wait3A_168 = tpu.memref_slice %arg11[%add3A_16, %dma_wait3A_167] : memref<10240x128xf32, #tpu.memory_space<vmem_shared>> -> memref<120x128xf32, #tpu.memory_space<vmem_shared>>
      %dma_wait3A_169 = arith.constant 0 : i32
      %dma_wait3A_170 = tpu.memref_slice %arg11[%add3A_16, %dma_wait3A_169] : memref<10240x128xf32, #tpu.memory_space<vmem_shared>> -> memref<120x128xf32, #tpu.memory_space<vmem_shared>>
      tpu.wait_dma2 semaphore(%run_scoped3A_162 : memref<!tpu.dma_semaphore, #tpu.memory_space<semaphore_mem>>) src(%arg9 : memref<120x128xf32, #tpu.memory_space<vmem>>) dst(%dma_wait3A_170 : memref<120x128xf32, #tpu.memory_space<vmem_shared>>)
      tpu.yield
    }) : () -> ()
    %mul3A_17 = arith.constant 640 : i32
    %mul3A_18 = arith.muli %arg1, %mul3A_17 : i32
    %add3A_19 = arith.constant 360 : i32
    %add3A_20 = arith.addi %mul3A_18, %add3A_19 : i32
    "tpu.region"() ({
      %run_scoped3A_162 = tpu.sem_alloc : memref<!tpu.dma_semaphore, #tpu.memory_space<semaphore_mem>>
      %dma_start3A_163 = arith.constant 0 : i32
      %dma_start3A_164 = tpu.memref_slice %arg11[%add3A_20, %dma_start3A_163] : memref<10240x128xf32, #tpu.memory_space<vmem_shared>> -> memref<120x128xf32, #tpu.memory_space<vmem_shared>>
      %dma_start3A_165 = arith.constant 0 : i32
      %dma_start3A_166 = tpu.memref_slice %arg11[%add3A_20, %dma_start3A_165] : memref<10240x128xf32, #tpu.memory_space<vmem_shared>> -> memref<120x128xf32, #tpu.memory_space<vmem_shared>>
      tpu.enqueue_dma source(%arg9 : memref<120x128xf32, #tpu.memory_space<vmem>>) target(%dma_start3A_166 : memref<120x128xf32, #tpu.memory_space<vmem_shared>>) target_semaphore(%run_scoped3A_162 : memref<!tpu.dma_semaphore, #tpu.memory_space<semaphore_mem>>)
      %dma_wait3A_167 = arith.constant 0 : i32
      %dma_wait3A_168 = tpu.memref_slice %arg11[%add3A_20, %dma_wait3A_167] : memref<10240x128xf32, #tpu.memory_space<vmem_shared>> -> memref<120x128xf32, #tpu.memory_space<vmem_shared>>
      %dma_wait3A_169 = arith.constant 0 : i32
      %dma_wait3A_170 = tpu.memref_slice %arg11[%add3A_20, %dma_wait3A_169] : memref<10240x128xf32, #tpu.memory_space<vmem_shared>> -> memref<120x128xf32, #tpu.memory_space<vmem_shared>>
      tpu.wait_dma2 semaphore(%run_scoped3A_162 : memref<!tpu.dma_semaphore, #tpu.memory_space<semaphore_mem>>) src(%arg9 : memref<120x128xf32, #tpu.memory_space<vmem>>) dst(%dma_wait3A_170 : memref<120x128xf32, #tpu.memory_space<vmem_shared>>)
      tpu.yield
    }) : () -> ()
    %mul3A_21 = arith.constant 640 : i32
    %mul3A_22 = arith.muli %arg1, %mul3A_21 : i32
    %add3A_23 = arith.constant 480 : i32
    %add3A_24 = arith.addi %mul3A_22, %add3A_23 : i32
    "tpu.region"() ({
      %run_scoped3A_162 = tpu.sem_alloc : memref<!tpu.dma_semaphore, #tpu.memory_space<semaphore_mem>>
      %dma_start3A_163 = arith.constant 0 : i32
      %dma_start3A_164 = tpu.memref_slice %arg11[%add3A_24, %dma_start3A_163] : memref<10240x128xf32, #tpu.memory_space<vmem_shared>> -> memref<120x128xf32, #tpu.memory_space<vmem_shared>>
      %dma_start3A_165 = arith.constant 0 : i32
      %dma_start3A_166 = tpu.memref_slice %arg11[%add3A_24, %dma_start3A_165] : memref<10240x128xf32, #tpu.memory_space<vmem_shared>> -> memref<120x128xf32, #tpu.memory_space<vmem_shared>>
      tpu.enqueue_dma source(%arg9 : memref<120x128xf32, #tpu.memory_space<vmem>>) target(%dma_start3A_166 : memref<120x128xf32, #tpu.memory_space<vmem_shared>>) target_semaphore(%run_scoped3A_162 : memref<!tpu.dma_semaphore, #tpu.memory_space<semaphore_mem>>)
      %dma_wait3A_167 = arith.constant 0 : i32
      %dma_wait3A_168 = tpu.memref_slice %arg11[%add3A_24, %dma_wait3A_167] : memref<10240x128xf32, #tpu.memory_space<vmem_shared>> -> memref<120x128xf32, #tpu.memory_space<vmem_shared>>
      %dma_wait3A_169 = arith.constant 0 : i32
      %dma_wait3A_170 = tpu.memref_slice %arg11[%add3A_24, %dma_wait3A_169] : memref<10240x128xf32, #tpu.memory_space<vmem_shared>> -> memref<120x128xf32, #tpu.memory_space<vmem_shared>>
      tpu.wait_dma2 semaphore(%run_scoped3A_162 : memref<!tpu.dma_semaphore, #tpu.memory_space<semaphore_mem>>) src(%arg9 : memref<120x128xf32, #tpu.memory_space<vmem>>) dst(%dma_wait3A_170 : memref<120x128xf32, #tpu.memory_space<vmem_shared>>)
      tpu.yield
    }) : () -> ()
    %mul3A_25 = arith.constant 640 : i32
    %mul3A_26 = arith.muli %arg1, %mul3A_25 : i32
    %add3A_27 = arith.constant 600 : i32
    %add3A_28 = arith.addi %mul3A_26, %add3A_27 : i32
    "tpu.region"() ({
      %run_scoped3A_162 = tpu.sem_alloc : memref<!tpu.dma_semaphore, #tpu.memory_space<semaphore_mem>>
      %dma_start3A_163 = arith.constant 0 : i32
      %dma_start3A_164 = arith.constant 0 : i32
      %dma_start3A_165 = tpu.memref_slice %arg9[%dma_start3A_163, %dma_start3A_164] : memref<120x128xf32, #tpu.memory_space<vmem>> -> memref<40x128xf32, #tpu.memory_space<vmem>>
      %dma_start3A_166 = arith.constant 0 : i32
      %dma_start3A_167 = tpu.memref_slice %arg11[%add3A_28, %dma_start3A_166] : memref<10240x128xf32, #tpu.memory_space<vmem_shared>> -> memref<40x128xf32, #tpu.memory_space<vmem_shared>>
      %dma_start3A_168 = arith.constant 0 : i32
      %dma_start3A_169 = tpu.memref_slice %arg11[%add3A_28, %dma_start3A_168] : memref<10240x128xf32, #tpu.memory_space<vmem_shared>> -> memref<40x128xf32, #tpu.memory_space<vmem_shared>>
      %dma_start3A_170 = arith.constant 0 : i32
      %dma_start3A_171 = arith.constant 0 : i32
      %dma_start3A_172 = tpu.memref_slice %arg9[%dma_start3A_170, %dma_start3A_171] : memref<120x128xf32, #tpu.memory_space<vmem>> -> memref<40x128xf32, #tpu.memory_space<vmem>>
      tpu.enqueue_dma source(%dma_start3A_172 : memref<40x128xf32, #tpu.memory_space<vmem>>) target(%dma_start3A_169 : memref<40x128xf32, #tpu.memory_space<vmem_shared>>) target_semaphore(%run_scoped3A_162 : memref<!tpu.dma_semaphore, #tpu.memory_space<semaphore_mem>>)
      %dma_wait3A_173 = arith.constant 0 : i32
      %dma_wait3A_174 = arith.constant 0 : i32
      %dma_wait3A_175 = tpu.memref_slice %arg9[%dma_wait3A_173, %dma_wait3A_174] : memref<120x128xf32, #tpu.memory_space<vmem>> -> memref<40x128xf32, #tpu.memory_space<vmem>>
      %dma_wait3A_176 = arith.constant 0 : i32
      %dma_wait3A_177 = tpu.memref_slice %arg11[%add3A_28, %dma_wait3A_176] : memref<10240x128xf32, #tpu.memory_space<vmem_shared>> -> memref<40x128xf32, #tpu.memory_space<vmem_shared>>
      %dma_wait3A_178 = arith.constant 0 : i32
      %dma_wait3A_179 = tpu.memref_slice %arg11[%add3A_28, %dma_wait3A_178] : memref<10240x128xf32, #tpu.memory_space<vmem_shared>> -> memref<40x128xf32, #tpu.memory_space<vmem_shared>>
      %dma_wait3A_180 = arith.constant 0 : i32
      %dma_wait3A_181 = arith.constant 0 : i32
      %dma_wait3A_182 = tpu.memref_slice %arg9[%dma_wait3A_180, %dma_wait3A_181] : memref<120x128xf32, #tpu.memory_space<vmem>> -> memref<40x128xf32, #tpu.memory_space<vmem>>
      tpu.wait_dma2 semaphore(%run_scoped3A_162 : memref<!tpu.dma_semaphore, #tpu.memory_space<semaphore_mem>>) src(%dma_wait3A_182 : memref<40x128xf32, #tpu.memory_space<vmem>>) dst(%dma_wait3A_179 : memref<40x128xf32, #tpu.memory_space<vmem_shared>>)
      tpu.yield
    }) : () -> ()
    %barrier3A = arith.constant 0 : index
    tpu.barrier barrier_id(%barrier3A)
    %scan3A = arith.constant 0 : i32
    %scan3A_29 = arith.constant 0 : i32
    %scan3A_30 = arith.constant 20 : i32
    %scan3A_31 = arith.addi %scan3A_29, %scan3A_30 : i32
    %scan3A_32 = arith.constant 1 : i32
    scf.for %scan3A_162 = %scan3A_29 to %scan3A_31 step %scan3A_32  : i32 {
      %mul3A_163 = arith.constant 2 : i32
      %mul3A_164 = arith.muli %mul3A_163, %scan3A_162 : i32
      %mul3A_165 = arith.constant 2 : i32
      %mul3A_166 = arith.muli %mul3A_165, %scan3A_162 : i32
      %add3A_167 = arith.constant 1 : i32
      %add3A_168 = arith.addi %mul3A_166, %add3A_167 : i32
      %mul3A_169 = arith.constant 120 : i32
      %mul3A_170 = arith.muli %mul3A_164, %mul3A_169 : i32
      %add3A_171 = arith.addi %mul3A_2, %mul3A_170 : i32
      %dma_start3A_172 = arith.constant 0 : i32
      %dma_start3A_173 = tpu.memref_slice %arg2[%add3A_171, %dma_start3A_172] : memref<160000x128xf32, #tpu.memory_space<hbm>> -> memref<120x128xf32, #tpu.memory_space<hbm>>
      %dma_start3A_174 = arith.constant 0 : i32
      %dma_start3A_175 = tpu.memref_slice %arg2[%add3A_171, %dma_start3A_174] : memref<160000x128xf32, #tpu.memory_space<hbm>> -> memref<120x128xf32, #tpu.memory_space<hbm>>
      tpu.enqueue_dma source(%dma_start3A_175 : memref<120x128xf32, #tpu.memory_space<hbm>>) target(%arg9 : memref<120x128xf32, #tpu.memory_space<vmem>>) target_semaphore(%arg12 : memref<!tpu.dma_semaphore, #tpu.memory_space<semaphore_mem>>)
      %mul3A_176 = arith.constant 120 : i32
      %mul3A_177 = arith.muli %add3A_168, %mul3A_176 : i32
      %add3A_178 = arith.addi %mul3A_2, %mul3A_177 : i32
      %dma_start3A_179 = arith.constant 0 : i32
      %dma_start3A_180 = tpu.memref_slice %arg2[%add3A_178, %dma_start3A_179] : memref<160000x128xf32, #tpu.memory_space<hbm>> -> memref<120x128xf32, #tpu.memory_space<hbm>>
      %dma_start3A_181 = arith.constant 0 : i32
      %dma_start3A_182 = tpu.memref_slice %arg2[%add3A_178, %dma_start3A_181] : memref<160000x128xf32, #tpu.memory_space<hbm>> -> memref<120x128xf32, #tpu.memory_space<hbm>>
      tpu.enqueue_dma source(%dma_start3A_182 : memref<120x128xf32, #tpu.memory_space<hbm>>) target(%arg10 : memref<120x128xf32, #tpu.memory_space<vmem>>) target_semaphore(%arg13 : memref<!tpu.dma_semaphore, #tpu.memory_space<semaphore_mem>>)
      %dma_wait3A_183 = arith.constant 0 : i32
      %dma_wait3A_184 = tpu.memref_slice %arg2[%add3A_171, %dma_wait3A_183] : memref<160000x128xf32, #tpu.memory_space<hbm>> -> memref<120x128xf32, #tpu.memory_space<hbm>>
      %dma_wait3A_185 = arith.constant 0 : i32
      %dma_wait3A_186 = tpu.memref_slice %arg2[%add3A_171, %dma_wait3A_185] : memref<160000x128xf32, #tpu.memory_space<hbm>> -> memref<120x128xf32, #tpu.memory_space<hbm>>
      tpu.wait_dma2 semaphore(%arg12 : memref<!tpu.dma_semaphore, #tpu.memory_space<semaphore_mem>>) src(%dma_wait3A_186 : memref<120x128xf32, #tpu.memory_space<hbm>>) dst(%arg9 : memref<120x128xf32, #tpu.memory_space<vmem>>)
      %dma_start3A_187 = arith.constant 0 : i32
      %dma_start3A_188 = tpu.memref_slice %arg7[%mul3A_164, %dma_start3A_187] : memref<42x120xi32, #tpu.memory_space<vmem>> -> memref<1x120xi32, #tpu.memory_space<vmem>>
      %dma_start3A_189 = tpu.memref_squeeze %dma_start3A_188 : memref<1x120xi32, #tpu.memory_space<vmem>> -> memref<120xi32, #tpu.memory_space<vmem>>
      %dma_start3A_190 = arith.constant 0 : i32
      %dma_start3A_191 = arith.constant 0 : i32
      %dma_start3A_192 = tpu.memref_slice %arg11[%dma_start3A_190, %dma_start3A_191] : memref<10240x128xf32, #tpu.memory_space<vmem_shared>> -> memref<10240x128xf32, #tpu.memory_space<vmem_shared>>
      tpu.enqueue_indirect_dma source(%arg9 : memref<120x128xf32, #tpu.memory_space<vmem>>) target(%dma_start3A_192 : memref<10240x128xf32, #tpu.memory_space<vmem_shared>>) offsets(%dma_start3A_189 : memref<120xi32, #tpu.memory_space<vmem>>) semaphore(%arg14 : memref<!tpu.dma_semaphore, #tpu.memory_space<semaphore_mem>>) {add = true}
      %dma_wait3A_193 = arith.constant 0 : i32
      %dma_wait3A_194 = tpu.memref_slice %arg2[%add3A_178, %dma_wait3A_193] : memref<160000x128xf32, #tpu.memory_space<hbm>> -> memref<120x128xf32, #tpu.memory_space<hbm>>
      %dma_wait3A_195 = arith.constant 0 : i32
      %dma_wait3A_196 = tpu.memref_slice %arg2[%add3A_178, %dma_wait3A_195] : memref<160000x128xf32, #tpu.memory_space<hbm>> -> memref<120x128xf32, #tpu.memory_space<hbm>>
      tpu.wait_dma2 semaphore(%arg13 : memref<!tpu.dma_semaphore, #tpu.memory_space<semaphore_mem>>) src(%dma_wait3A_196 : memref<120x128xf32, #tpu.memory_space<hbm>>) dst(%arg10 : memref<120x128xf32, #tpu.memory_space<vmem>>)
      %dma_start3A_197 = arith.constant 0 : i32
      %dma_start3A_198 = tpu.memref_slice %arg7[%add3A_168, %dma_start3A_197] : memref<42x120xi32, #tpu.memory_space<vmem>> -> memref<1x120xi32, #tpu.memory_space<vmem>>
      %dma_start3A_199 = tpu.memref_squeeze %dma_start3A_198 : memref<1x120xi32, #tpu.memory_space<vmem>> -> memref<120xi32, #tpu.memory_space<vmem>>
      %dma_start3A_200 = arith.constant 0 : i32
      %dma_start3A_201 = arith.constant 0 : i32
      %dma_start3A_202 = tpu.memref_slice %arg11[%dma_start3A_200, %dma_start3A_201] : memref<10240x128xf32, #tpu.memory_space<vmem_shared>> -> memref<10240x128xf32, #tpu.memory_space<vmem_shared>>
      tpu.enqueue_indirect_dma source(%arg10 : memref<120x128xf32, #tpu.memory_space<vmem>>) target(%dma_start3A_202 : memref<10240x128xf32, #tpu.memory_space<vmem_shared>>) offsets(%dma_start3A_199 : memref<120xi32, #tpu.memory_space<vmem>>) semaphore(%arg15 : memref<!tpu.dma_semaphore, #tpu.memory_space<semaphore_mem>>) {add = true}
      %dma_wait3A_203 = arith.constant 0 : i32
      %dma_wait3A_204 = tpu.memref_slice %arg7[%mul3A_164, %dma_wait3A_203] : memref<42x120xi32, #tpu.memory_space<vmem>> -> memref<1x120xi32, #tpu.memory_space<vmem>>
      %dma_wait3A_205 = tpu.memref_squeeze %dma_wait3A_204 : memref<1x120xi32, #tpu.memory_space<vmem>> -> memref<120xi32, #tpu.memory_space<vmem>>
      %dma_wait3A_206 = arith.constant 0 : i32
      %dma_wait3A_207 = arith.constant 0 : i32
      %dma_wait3A_208 = tpu.memref_slice %arg11[%dma_wait3A_206, %dma_wait3A_207] : memref<10240x128xf32, #tpu.memory_space<vmem_shared>> -> memref<10240x128xf32, #tpu.memory_space<vmem_shared>>
      tpu.wait_indirect_dma semaphore(%arg14 : memref<!tpu.dma_semaphore, #tpu.memory_space<semaphore_mem>>) src(%arg9 : memref<120x128xf32, #tpu.memory_space<vmem>>) dst(%dma_wait3A_208 : memref<10240x128xf32, #tpu.memory_space<vmem_shared>>)
      %dma_wait3A_209 = arith.constant 0 : i32
      %dma_wait3A_210 = tpu.memref_slice %arg7[%add3A_168, %dma_wait3A_209] : memref<42x120xi32, #tpu.memory_space<vmem>> -> memref<1x120xi32, #tpu.memory_space<vmem>>
      %dma_wait3A_211 = tpu.memref_squeeze %dma_wait3A_210 : memref<1x120xi32, #tpu.memory_space<vmem>> -> memref<120xi32, #tpu.memory_space<vmem>>
      %dma_wait3A_212 = arith.constant 0 : i32
      %dma_wait3A_213 = arith.constant 0 : i32
      %dma_wait3A_214 = tpu.memref_slice %arg11[%dma_wait3A_212, %dma_wait3A_213] : memref<10240x128xf32, #tpu.memory_space<vmem_shared>> -> memref<10240x128xf32, #tpu.memory_space<vmem_shared>>
      tpu.wait_indirect_dma semaphore(%arg15 : memref<!tpu.dma_semaphore, #tpu.memory_space<semaphore_mem>>) src(%arg10 : memref<120x128xf32, #tpu.memory_space<vmem>>) dst(%dma_wait3A_214 : memref<10240x128xf32, #tpu.memory_space<vmem_shared>>)
    }
    %scan3A_33 = arith.constant 20 : i32
    %add3A_34 = arith.constant 4800 : i32
    %add3A_35 = arith.addi %mul3A_2, %add3A_34 : i32
    %dma_start3A = arith.constant 0 : i32
    %dma_start3A_36 = tpu.memref_slice %arg2[%add3A_35, %dma_start3A] : memref<160000x128xf32, #tpu.memory_space<hbm>> -> memref<120x128xf32, #tpu.memory_space<hbm>>
    %dma_start3A_37 = arith.constant 0 : i32
    %dma_start3A_38 = tpu.memref_slice %arg2[%add3A_35, %dma_start3A_37] : memref<160000x128xf32, #tpu.memory_space<hbm>> -> memref<120x128xf32, #tpu.memory_space<hbm>>
    tpu.enqueue_dma source(%dma_start3A_38 : memref<120x128xf32, #tpu.memory_space<hbm>>) target(%arg9 : memref<120x128xf32, #tpu.memory_space<vmem>>) target_semaphore(%arg12 : memref<!tpu.dma_semaphore, #tpu.memory_space<semaphore_mem>>)
    %add3A_39 = arith.constant 4920 : i32
    %add3A_40 = arith.addi %mul3A_2, %add3A_39 : i32
    %dma_start3A_41 = arith.constant 0 : i32
    %dma_start3A_42 = arith.constant 0 : i32
    %dma_start3A_43 = tpu.memref_slice %arg10[%dma_start3A_41, %dma_start3A_42] : memref<120x128xf32, #tpu.memory_space<vmem>> -> memref<80x128xf32, #tpu.memory_space<vmem>>
    %dma_start3A_44 = arith.constant 0 : i32
    %dma_start3A_45 = tpu.memref_slice %arg2[%add3A_40, %dma_start3A_44] : memref<160000x128xf32, #tpu.memory_space<hbm>> -> memref<80x128xf32, #tpu.memory_space<hbm>>
    %dma_start3A_46 = arith.constant 0 : i32
    %dma_start3A_47 = arith.constant 0 : i32
    %dma_start3A_48 = tpu.memref_slice %arg10[%dma_start3A_46, %dma_start3A_47] : memref<120x128xf32, #tpu.memory_space<vmem>> -> memref<80x128xf32, #tpu.memory_space<vmem>>
    %dma_start3A_49 = arith.constant 0 : i32
    %dma_start3A_50 = tpu.memref_slice %arg2[%add3A_40, %dma_start3A_49] : memref<160000x128xf32, #tpu.memory_space<hbm>> -> memref<80x128xf32, #tpu.memory_space<hbm>>
    tpu.enqueue_dma source(%dma_start3A_50 : memref<80x128xf32, #tpu.memory_space<hbm>>) target(%dma_start3A_48 : memref<80x128xf32, #tpu.memory_space<vmem>>) target_semaphore(%arg13 : memref<!tpu.dma_semaphore, #tpu.memory_space<semaphore_mem>>)
    %dma_wait3A = arith.constant 0 : i32
    %dma_wait3A_51 = tpu.memref_slice %arg2[%add3A_35, %dma_wait3A] : memref<160000x128xf32, #tpu.memory_space<hbm>> -> memref<120x128xf32, #tpu.memory_space<hbm>>
    %dma_wait3A_52 = arith.constant 0 : i32
    %dma_wait3A_53 = tpu.memref_slice %arg2[%add3A_35, %dma_wait3A_52] : memref<160000x128xf32, #tpu.memory_space<hbm>> -> memref<120x128xf32, #tpu.memory_space<hbm>>
    tpu.wait_dma2 semaphore(%arg12 : memref<!tpu.dma_semaphore, #tpu.memory_space<semaphore_mem>>) src(%dma_wait3A_53 : memref<120x128xf32, #tpu.memory_space<hbm>>) dst(%arg9 : memref<120x128xf32, #tpu.memory_space<vmem>>)
    %dma_start3A_54 = arith.constant 40 : i32
    %dma_start3A_55 = arith.constant 0 : i32
    %dma_start3A_56 = tpu.memref_slice %arg7[%dma_start3A_54, %dma_start3A_55] : memref<42x120xi32, #tpu.memory_space<vmem>> -> memref<1x120xi32, #tpu.memory_space<vmem>>
    %dma_start3A_57 = tpu.memref_squeeze %dma_start3A_56 : memref<1x120xi32, #tpu.memory_space<vmem>> -> memref<120xi32, #tpu.memory_space<vmem>>
    %dma_start3A_58 = arith.constant 0 : i32
    %dma_start3A_59 = arith.constant 0 : i32
    %dma_start3A_60 = tpu.memref_slice %arg11[%dma_start3A_58, %dma_start3A_59] : memref<10240x128xf32, #tpu.memory_space<vmem_shared>> -> memref<10240x128xf32, #tpu.memory_space<vmem_shared>>
    tpu.enqueue_indirect_dma source(%arg9 : memref<120x128xf32, #tpu.memory_space<vmem>>) target(%dma_start3A_60 : memref<10240x128xf32, #tpu.memory_space<vmem_shared>>) offsets(%dma_start3A_57 : memref<120xi32, #tpu.memory_space<vmem>>) semaphore(%arg14 : memref<!tpu.dma_semaphore, #tpu.memory_space<semaphore_mem>>) {add = true}
    %dma_wait3A_61 = arith.constant 0 : i32
    %dma_wait3A_62 = arith.constant 0 : i32
    %dma_wait3A_63 = tpu.memref_slice %arg10[%dma_wait3A_61, %dma_wait3A_62] : memref<120x128xf32, #tpu.memory_space<vmem>> -> memref<80x128xf32, #tpu.memory_space<vmem>>
    %dma_wait3A_64 = arith.constant 0 : i32
    %dma_wait3A_65 = tpu.memref_slice %arg2[%add3A_40, %dma_wait3A_64] : memref<160000x128xf32, #tpu.memory_space<hbm>> -> memref<80x128xf32, #tpu.memory_space<hbm>>
    %dma_wait3A_66 = arith.constant 0 : i32
    %dma_wait3A_67 = arith.constant 0 : i32
    %dma_wait3A_68 = tpu.memref_slice %arg10[%dma_wait3A_66, %dma_wait3A_67] : memref<120x128xf32, #tpu.memory_space<vmem>> -> memref<80x128xf32, #tpu.memory_space<vmem>>
    %dma_wait3A_69 = arith.constant 0 : i32
    %dma_wait3A_70 = tpu.memref_slice %arg2[%add3A_40, %dma_wait3A_69] : memref<160000x128xf32, #tpu.memory_space<hbm>> -> memref<80x128xf32, #tpu.memory_space<hbm>>
    tpu.wait_dma2 semaphore(%arg13 : memref<!tpu.dma_semaphore, #tpu.memory_space<semaphore_mem>>) src(%dma_wait3A_70 : memref<80x128xf32, #tpu.memory_space<hbm>>) dst(%dma_wait3A_68 : memref<80x128xf32, #tpu.memory_space<vmem>>)
    %dma_start3A_71 = arith.constant 41 : i32
    %dma_start3A_72 = arith.constant 0 : i32
    %dma_start3A_73 = tpu.memref_slice %arg7[%dma_start3A_71, %dma_start3A_72] : memref<42x120xi32, #tpu.memory_space<vmem>> -> memref<1x120xi32, #tpu.memory_space<vmem>>
    %dma_start3A_74 = tpu.memref_squeeze %dma_start3A_73 : memref<1x120xi32, #tpu.memory_space<vmem>> -> memref<120xi32, #tpu.memory_space<vmem>>
    %dma_start3A_75 = arith.constant 0 : i32
    %dma_start3A_76 = arith.constant 0 : i32
    %dma_start3A_77 = tpu.memref_slice %arg11[%dma_start3A_75, %dma_start3A_76] : memref<10240x128xf32, #tpu.memory_space<vmem_shared>> -> memref<10240x128xf32, #tpu.memory_space<vmem_shared>>
    tpu.enqueue_indirect_dma source(%arg10 : memref<120x128xf32, #tpu.memory_space<vmem>>) target(%dma_start3A_77 : memref<10240x128xf32, #tpu.memory_space<vmem_shared>>) offsets(%dma_start3A_74 : memref<120xi32, #tpu.memory_space<vmem>>) semaphore(%arg15 : memref<!tpu.dma_semaphore, #tpu.memory_space<semaphore_mem>>) {add = true}
    %dma_wait3A_78 = arith.constant 40 : i32
    %dma_wait3A_79 = arith.constant 0 : i32
    %dma_wait3A_80 = tpu.memref_slice %arg7[%dma_wait3A_78, %dma_wait3A_79] : memref<42x120xi32, #tpu.memory_space<vmem>> -> memref<1x120xi32, #tpu.memory_space<vmem>>
    %dma_wait3A_81 = tpu.memref_squeeze %dma_wait3A_80 : memref<1x120xi32, #tpu.memory_space<vmem>> -> memref<120xi32, #tpu.memory_space<vmem>>
    %dma_wait3A_82 = arith.constant 0 : i32
    %dma_wait3A_83 = arith.constant 0 : i32
    %dma_wait3A_84 = tpu.memref_slice %arg11[%dma_wait3A_82, %dma_wait3A_83] : memref<10240x128xf32, #tpu.memory_space<vmem_shared>> -> memref<10240x128xf32, #tpu.memory_space<vmem_shared>>
    tpu.wait_indirect_dma semaphore(%arg14 : memref<!tpu.dma_semaphore, #tpu.memory_space<semaphore_mem>>) src(%arg9 : memref<120x128xf32, #tpu.memory_space<vmem>>) dst(%dma_wait3A_84 : memref<10240x128xf32, #tpu.memory_space<vmem_shared>>)
    %dma_wait3A_85 = arith.constant 41 : i32
    %dma_wait3A_86 = arith.constant 0 : i32
    %dma_wait3A_87 = tpu.memref_slice %arg7[%dma_wait3A_85, %dma_wait3A_86] : memref<42x120xi32, #tpu.memory_space<vmem>> -> memref<1x120xi32, #tpu.memory_space<vmem>>
    %dma_wait3A_88 = tpu.memref_squeeze %dma_wait3A_87 : memref<1x120xi32, #tpu.memory_space<vmem>> -> memref<120xi32, #tpu.memory_space<vmem>>
    %dma_wait3A_89 = arith.constant 0 : i32
    %dma_wait3A_90 = arith.constant 0 : i32
    %dma_wait3A_91 = tpu.memref_slice %arg11[%dma_wait3A_89, %dma_wait3A_90] : memref<10240x128xf32, #tpu.memory_space<vmem_shared>> -> memref<10240x128xf32, #tpu.memory_space<vmem_shared>>
    tpu.wait_indirect_dma semaphore(%arg15 : memref<!tpu.dma_semaphore, #tpu.memory_space<semaphore_mem>>) src(%arg10 : memref<120x128xf32, #tpu.memory_space<vmem>>) dst(%dma_wait3A_91 : memref<10240x128xf32, #tpu.memory_space<vmem_shared>>)
    %barrier3A_92 = arith.constant 0 : index
    tpu.barrier barrier_id(%barrier3A_92)
    %run_scoped3A = arith.constant 0 : i32
    "tpu.region"() ({
      %run_scoped3A_162 = tpu.sem_alloc : memref<!tpu.dma_semaphore, #tpu.memory_space<semaphore_mem>>
      %dma_start3A_163 = arith.constant 0 : i32
      %dma_start3A_164 = tpu.memref_slice %arg6[%arg0, %run_scoped3A, %mul3A_4, %dma_start3A_163] : memref<2x2x10240x128xf32, #tpu.memory_space<hbm>> -> memref<1x1x640x128xf32, #tpu.memory_space<hbm>>
      %dma_start3A_165 = tpu.memref_squeeze %dma_start3A_164 : memref<1x1x640x128xf32, #tpu.memory_space<hbm>> -> memref<640x128xf32, #tpu.memory_space<hbm>>
      %dma_start3A_166 = arith.constant 0 : i32
      %dma_start3A_167 = tpu.memref_slice %arg11[%mul3A_4, %dma_start3A_166] : memref<10240x128xf32, #tpu.memory_space<vmem_shared>> -> memref<640x128xf32, #tpu.memory_space<vmem_shared>>
      tpu.enqueue_dma source(%dma_start3A_167 : memref<640x128xf32, #tpu.memory_space<vmem_shared>>) target(%dma_start3A_165 : memref<640x128xf32, #tpu.memory_space<hbm>>) target_semaphore(%run_scoped3A_162 : memref<!tpu.dma_semaphore, #tpu.memory_space<semaphore_mem>>)
      %dma_wait3A_168 = arith.constant 0 : i32
      %dma_wait3A_169 = tpu.memref_slice %arg6[%arg0, %run_scoped3A, %mul3A_4, %dma_wait3A_168] : memref<2x2x10240x128xf32, #tpu.memory_space<hbm>> -> memref<1x1x640x128xf32, #tpu.memory_space<hbm>>
      %dma_wait3A_170 = tpu.memref_squeeze %dma_wait3A_169 : memref<1x1x640x128xf32, #tpu.memory_space<hbm>> -> memref<640x128xf32, #tpu.memory_space<hbm>>
      %dma_wait3A_171 = arith.constant 0 : i32
      %dma_wait3A_172 = tpu.memref_slice %arg11[%mul3A_4, %dma_wait3A_171] : memref<10240x128xf32, #tpu.memory_space<vmem_shared>> -> memref<640x128xf32, #tpu.memory_space<vmem_shared>>
      tpu.wait_dma2 semaphore(%run_scoped3A_162 : memref<!tpu.dma_semaphore, #tpu.memory_space<semaphore_mem>>) src(%dma_wait3A_172 : memref<640x128xf32, #tpu.memory_space<vmem_shared>>) dst(%dma_wait3A_170 : memref<640x128xf32, #tpu.memory_space<hbm>>)
      tpu.yield
    }) : () -> ()
    %barrier3A_93 = arith.constant 0 : index
    tpu.barrier barrier_id(%barrier3A_93)
    %scan3A_94 = arith.constant 0 : i32
    %scan3A_95 = arith.constant 0 : i32
    %scan3A_96 = arith.constant 20 : i32
    %scan3A_97 = arith.addi %scan3A_95, %scan3A_96 : i32
    %scan3A_98 = arith.constant 1 : i32
    scf.for %scan3A_162 = %scan3A_95 to %scan3A_97 step %scan3A_98  : i32 {
      %mul3A_163 = arith.constant 2 : i32
      %mul3A_164 = arith.muli %mul3A_163, %scan3A_162 : i32
      %mul3A_165 = arith.constant 2 : i32
      %mul3A_166 = arith.muli %mul3A_165, %scan3A_162 : i32
      %add3A_167 = arith.constant 1 : i32
      %add3A_168 = arith.addi %mul3A_166, %add3A_167 : i32
      %mul3A_169 = arith.constant 120 : i32
      %mul3A_170 = arith.muli %mul3A_164, %mul3A_169 : i32
      %add3A_171 = arith.addi %mul3A_2, %mul3A_170 : i32
      %dma_start3A_172 = arith.constant 0 : i32
      %dma_start3A_173 = tpu.memref_slice %arg2[%add3A_171, %dma_start3A_172] : memref<160000x128xf32, #tpu.memory_space<hbm>> -> memref<120x128xf32, #tpu.memory_space<hbm>>
      %dma_start3A_174 = arith.constant 0 : i32
      %dma_start3A_175 = tpu.memref_slice %arg2[%add3A_171, %dma_start3A_174] : memref<160000x128xf32, #tpu.memory_space<hbm>> -> memref<120x128xf32, #tpu.memory_space<hbm>>
      tpu.enqueue_dma source(%dma_start3A_175 : memref<120x128xf32, #tpu.memory_space<hbm>>) target(%arg9 : memref<120x128xf32, #tpu.memory_space<vmem>>) target_semaphore(%arg12 : memref<!tpu.dma_semaphore, #tpu.memory_space<semaphore_mem>>)
      %mul3A_176 = arith.constant 120 : i32
      %mul3A_177 = arith.muli %add3A_168, %mul3A_176 : i32
      %add3A_178 = arith.addi %mul3A_2, %mul3A_177 : i32
      %dma_start3A_179 = arith.constant 0 : i32
      %dma_start3A_180 = tpu.memref_slice %arg2[%add3A_178, %dma_start3A_179] : memref<160000x128xf32, #tpu.memory_space<hbm>> -> memref<120x128xf32, #tpu.memory_space<hbm>>
      %dma_start3A_181 = arith.constant 0 : i32
      %dma_start3A_182 = tpu.memref_slice %arg2[%add3A_178, %dma_start3A_181] : memref<160000x128xf32, #tpu.memory_space<hbm>> -> memref<120x128xf32, #tpu.memory_space<hbm>>
      tpu.enqueue_dma source(%dma_start3A_182 : memref<120x128xf32, #tpu.memory_space<hbm>>) target(%arg10 : memref<120x128xf32, #tpu.memory_space<vmem>>) target_semaphore(%arg13 : memref<!tpu.dma_semaphore, #tpu.memory_space<semaphore_mem>>)
      %dma_wait3A_183 = arith.constant 0 : i32
      %dma_wait3A_184 = tpu.memref_slice %arg2[%add3A_171, %dma_wait3A_183] : memref<160000x128xf32, #tpu.memory_space<hbm>> -> memref<120x128xf32, #tpu.memory_space<hbm>>
      %dma_wait3A_185 = arith.constant 0 : i32
      %dma_wait3A_186 = tpu.memref_slice %arg2[%add3A_171, %dma_wait3A_185] : memref<160000x128xf32, #tpu.memory_space<hbm>> -> memref<120x128xf32, #tpu.memory_space<hbm>>
      tpu.wait_dma2 semaphore(%arg12 : memref<!tpu.dma_semaphore, #tpu.memory_space<semaphore_mem>>) src(%dma_wait3A_186 : memref<120x128xf32, #tpu.memory_space<hbm>>) dst(%arg9 : memref<120x128xf32, #tpu.memory_space<vmem>>)
      %dma_start3A_187 = arith.constant 0 : i32
      %dma_start3A_188 = tpu.memref_slice %arg8[%mul3A_164, %dma_start3A_187] : memref<42x120xi32, #tpu.memory_space<vmem>> -> memref<1x120xi32, #tpu.memory_space<vmem>>
      %dma_start3A_189 = tpu.memref_squeeze %dma_start3A_188 : memref<1x120xi32, #tpu.memory_space<vmem>> -> memref<120xi32, #tpu.memory_space<vmem>>
      %dma_start3A_190 = arith.constant 0 : i32
      %dma_start3A_191 = arith.constant 0 : i32
      %dma_start3A_192 = tpu.memref_slice %arg11[%dma_start3A_190, %dma_start3A_191] : memref<10240x128xf32, #tpu.memory_space<vmem_shared>> -> memref<10240x128xf32, #tpu.memory_space<vmem_shared>>
      tpu.enqueue_indirect_dma source(%arg9 : memref<120x128xf32, #tpu.memory_space<vmem>>) target(%dma_start3A_192 : memref<10240x128xf32, #tpu.memory_space<vmem_shared>>) offsets(%dma_start3A_189 : memref<120xi32, #tpu.memory_space<vmem>>) semaphore(%arg14 : memref<!tpu.dma_semaphore, #tpu.memory_space<semaphore_mem>>) {add = true}
      %dma_wait3A_193 = arith.constant 0 : i32
      %dma_wait3A_194 = tpu.memref_slice %arg2[%add3A_178, %dma_wait3A_193] : memref<160000x128xf32, #tpu.memory_space<hbm>> -> memref<120x128xf32, #tpu.memory_space<hbm>>
      %dma_wait3A_195 = arith.constant 0 : i32
      %dma_wait3A_196 = tpu.memref_slice %arg2[%add3A_178, %dma_wait3A_195] : memref<160000x128xf32, #tpu.memory_space<hbm>> -> memref<120x128xf32, #tpu.memory_space<hbm>>
      tpu.wait_dma2 semaphore(%arg13 : memref<!tpu.dma_semaphore, #tpu.memory_space<semaphore_mem>>) src(%dma_wait3A_196 : memref<120x128xf32, #tpu.memory_space<hbm>>) dst(%arg10 : memref<120x128xf32, #tpu.memory_space<vmem>>)
      %dma_start3A_197 = arith.constant 0 : i32
      %dma_start3A_198 = tpu.memref_slice %arg8[%add3A_168, %dma_start3A_197] : memref<42x120xi32, #tpu.memory_space<vmem>> -> memref<1x120xi32, #tpu.memory_space<vmem>>
      %dma_start3A_199 = tpu.memref_squeeze %dma_start3A_198 : memref<1x120xi32, #tpu.memory_space<vmem>> -> memref<120xi32, #tpu.memory_space<vmem>>
      %dma_start3A_200 = arith.constant 0 : i32
      %dma_start3A_201 = arith.constant 0 : i32
      %dma_start3A_202 = tpu.memref_slice %arg11[%dma_start3A_200, %dma_start3A_201] : memref<10240x128xf32, #tpu.memory_space<vmem_shared>> -> memref<10240x128xf32, #tpu.memory_space<vmem_shared>>
      tpu.enqueue_indirect_dma source(%arg10 : memref<120x128xf32, #tpu.memory_space<vmem>>) target(%dma_start3A_202 : memref<10240x128xf32, #tpu.memory_space<vmem_shared>>) offsets(%dma_start3A_199 : memref<120xi32, #tpu.memory_space<vmem>>) semaphore(%arg15 : memref<!tpu.dma_semaphore, #tpu.memory_space<semaphore_mem>>) {add = true}
      %dma_wait3A_203 = arith.constant 0 : i32
      %dma_wait3A_204 = tpu.memref_slice %arg8[%mul3A_164, %dma_wait3A_203] : memref<42x120xi32, #tpu.memory_space<vmem>> -> memref<1x120xi32, #tpu.memory_space<vmem>>
      %dma_wait3A_205 = tpu.memref_squeeze %dma_wait3A_204 : memref<1x120xi32, #tpu.memory_space<vmem>> -> memref<120xi32, #tpu.memory_space<vmem>>
      %dma_wait3A_206 = arith.constant 0 : i32
      %dma_wait3A_207 = arith.constant 0 : i32
      %dma_wait3A_208 = tpu.memref_slice %arg11[%dma_wait3A_206, %dma_wait3A_207] : memref<10240x128xf32, #tpu.memory_space<vmem_shared>> -> memref<10240x128xf32, #tpu.memory_space<vmem_shared>>
      tpu.wait_indirect_dma semaphore(%arg14 : memref<!tpu.dma_semaphore, #tpu.memory_space<semaphore_mem>>) src(%arg9 : memref<120x128xf32, #tpu.memory_space<vmem>>) dst(%dma_wait3A_208 : memref<10240x128xf32, #tpu.memory_space<vmem_shared>>)
      %dma_wait3A_209 = arith.constant 0 : i32
      %dma_wait3A_210 = tpu.memref_slice %arg8[%add3A_168, %dma_wait3A_209] : memref<42x120xi32, #tpu.memory_space<vmem>> -> memref<1x120xi32, #tpu.memory_space<vmem>>
      %dma_wait3A_211 = tpu.memref_squeeze %dma_wait3A_210 : memref<1x120xi32, #tpu.memory_space<vmem>> -> memref<120xi32, #tpu.memory_space<vmem>>
      %dma_wait3A_212 = arith.constant 0 : i32
      %dma_wait3A_213 = arith.constant 0 : i32
      %dma_wait3A_214 = tpu.memref_slice %arg11[%dma_wait3A_212, %dma_wait3A_213] : memref<10240x128xf32, #tpu.memory_space<vmem_shared>> -> memref<10240x128xf32, #tpu.memory_space<vmem_shared>>
      tpu.wait_indirect_dma semaphore(%arg15 : memref<!tpu.dma_semaphore, #tpu.memory_space<semaphore_mem>>) src(%arg10 : memref<120x128xf32, #tpu.memory_space<vmem>>) dst(%dma_wait3A_214 : memref<10240x128xf32, #tpu.memory_space<vmem_shared>>)
    }
    %scan3A_99 = arith.constant 20 : i32
    %add3A_100 = arith.constant 4800 : i32
    %add3A_101 = arith.addi %mul3A_2, %add3A_100 : i32
    %dma_start3A_102 = arith.constant 0 : i32
    %dma_start3A_103 = tpu.memref_slice %arg2[%add3A_101, %dma_start3A_102] : memref<160000x128xf32, #tpu.memory_space<hbm>> -> memref<120x128xf32, #tpu.memory_space<hbm>>
    %dma_start3A_104 = arith.constant 0 : i32
    %dma_start3A_105 = tpu.memref_slice %arg2[%add3A_101, %dma_start3A_104] : memref<160000x128xf32, #tpu.memory_space<hbm>> -> memref<120x128xf32, #tpu.memory_space<hbm>>
    tpu.enqueue_dma source(%dma_start3A_105 : memref<120x128xf32, #tpu.memory_space<hbm>>) target(%arg9 : memref<120x128xf32, #tpu.memory_space<vmem>>) target_semaphore(%arg12 : memref<!tpu.dma_semaphore, #tpu.memory_space<semaphore_mem>>)
    %add3A_106 = arith.constant 4920 : i32
    %add3A_107 = arith.addi %mul3A_2, %add3A_106 : i32
    %dma_start3A_108 = arith.constant 0 : i32
    %dma_start3A_109 = arith.constant 0 : i32
    %dma_start3A_110 = tpu.memref_slice %arg10[%dma_start3A_108, %dma_start3A_109] : memref<120x128xf32, #tpu.memory_space<vmem>> -> memref<80x128xf32, #tpu.memory_space<vmem>>
    %dma_start3A_111 = arith.constant 0 : i32
    %dma_start3A_112 = tpu.memref_slice %arg2[%add3A_107, %dma_start3A_111] : memref<160000x128xf32, #tpu.memory_space<hbm>> -> memref<80x128xf32, #tpu.memory_space<hbm>>
    %dma_start3A_113 = arith.constant 0 : i32
    %dma_start3A_114 = arith.constant 0 : i32
    %dma_start3A_115 = tpu.memref_slice %arg10[%dma_start3A_113, %dma_start3A_114] : memref<120x128xf32, #tpu.memory_space<vmem>> -> memref<80x128xf32, #tpu.memory_space<vmem>>
    %dma_start3A_116 = arith.constant 0 : i32
    %dma_start3A_117 = tpu.memref_slice %arg2[%add3A_107, %dma_start3A_116] : memref<160000x128xf32, #tpu.memory_space<hbm>> -> memref<80x128xf32, #tpu.memory_space<hbm>>
    tpu.enqueue_dma source(%dma_start3A_117 : memref<80x128xf32, #tpu.memory_space<hbm>>) target(%dma_start3A_115 : memref<80x128xf32, #tpu.memory_space<vmem>>) target_semaphore(%arg13 : memref<!tpu.dma_semaphore, #tpu.memory_space<semaphore_mem>>)
    %dma_wait3A_118 = arith.constant 0 : i32
    %dma_wait3A_119 = tpu.memref_slice %arg2[%add3A_101, %dma_wait3A_118] : memref<160000x128xf32, #tpu.memory_space<hbm>> -> memref<120x128xf32, #tpu.memory_space<hbm>>
    %dma_wait3A_120 = arith.constant 0 : i32
    %dma_wait3A_121 = tpu.memref_slice %arg2[%add3A_101, %dma_wait3A_120] : memref<160000x128xf32, #tpu.memory_space<hbm>> -> memref<120x128xf32, #tpu.memory_space<hbm>>
    tpu.wait_dma2 semaphore(%arg12 : memref<!tpu.dma_semaphore, #tpu.memory_space<semaphore_mem>>) src(%dma_wait3A_121 : memref<120x128xf32, #tpu.memory_space<hbm>>) dst(%arg9 : memref<120x128xf32, #tpu.memory_space<vmem>>)
    %dma_start3A_122 = arith.constant 40 : i32
    %dma_start3A_123 = arith.constant 0 : i32
    %dma_start3A_124 = tpu.memref_slice %arg8[%dma_start3A_122, %dma_start3A_123] : memref<42x120xi32, #tpu.memory_space<vmem>> -> memref<1x120xi32, #tpu.memory_space<vmem>>
    %dma_start3A_125 = tpu.memref_squeeze %dma_start3A_124 : memref<1x120xi32, #tpu.memory_space<vmem>> -> memref<120xi32, #tpu.memory_space<vmem>>
    %dma_start3A_126 = arith.constant 0 : i32
    %dma_start3A_127 = arith.constant 0 : i32
    %dma_start3A_128 = tpu.memref_slice %arg11[%dma_start3A_126, %dma_start3A_127] : memref<10240x128xf32, #tpu.memory_space<vmem_shared>> -> memref<10240x128xf32, #tpu.memory_space<vmem_shared>>
    tpu.enqueue_indirect_dma source(%arg9 : memref<120x128xf32, #tpu.memory_space<vmem>>) target(%dma_start3A_128 : memref<10240x128xf32, #tpu.memory_space<vmem_shared>>) offsets(%dma_start3A_125 : memref<120xi32, #tpu.memory_space<vmem>>) semaphore(%arg14 : memref<!tpu.dma_semaphore, #tpu.memory_space<semaphore_mem>>) {add = true}
    %dma_wait3A_129 = arith.constant 0 : i32
    %dma_wait3A_130 = arith.constant 0 : i32
    %dma_wait3A_131 = tpu.memref_slice %arg10[%dma_wait3A_129, %dma_wait3A_130] : memref<120x128xf32, #tpu.memory_space<vmem>> -> memref<80x128xf32, #tpu.memory_space<vmem>>
    %dma_wait3A_132 = arith.constant 0 : i32
    %dma_wait3A_133 = tpu.memref_slice %arg2[%add3A_107, %dma_wait3A_132] : memref<160000x128xf32, #tpu.memory_space<hbm>> -> memref<80x128xf32, #tpu.memory_space<hbm>>
    %dma_wait3A_134 = arith.constant 0 : i32
    %dma_wait3A_135 = arith.constant 0 : i32
    %dma_wait3A_136 = tpu.memref_slice %arg10[%dma_wait3A_134, %dma_wait3A_135] : memref<120x128xf32, #tpu.memory_space<vmem>> -> memref<80x128xf32, #tpu.memory_space<vmem>>
    %dma_wait3A_137 = arith.constant 0 : i32
    %dma_wait3A_138 = tpu.memref_slice %arg2[%add3A_107, %dma_wait3A_137] : memref<160000x128xf32, #tpu.memory_space<hbm>> -> memref<80x128xf32, #tpu.memory_space<hbm>>
    tpu.wait_dma2 semaphore(%arg13 : memref<!tpu.dma_semaphore, #tpu.memory_space<semaphore_mem>>) src(%dma_wait3A_138 : memref<80x128xf32, #tpu.memory_space<hbm>>) dst(%dma_wait3A_136 : memref<80x128xf32, #tpu.memory_space<vmem>>)
    %dma_start3A_139 = arith.constant 41 : i32
    %dma_start3A_140 = arith.constant 0 : i32
    %dma_start3A_141 = tpu.memref_slice %arg8[%dma_start3A_139, %dma_start3A_140] : memref<42x120xi32, #tpu.memory_space<vmem>> -> memref<1x120xi32, #tpu.memory_space<vmem>>
    %dma_start3A_142 = tpu.memref_squeeze %dma_start3A_141 : memref<1x120xi32, #tpu.memory_space<vmem>> -> memref<120xi32, #tpu.memory_space<vmem>>
    %dma_start3A_143 = arith.constant 0 : i32
    %dma_start3A_144 = arith.constant 0 : i32
    %dma_start3A_145 = tpu.memref_slice %arg11[%dma_start3A_143, %dma_start3A_144] : memref<10240x128xf32, #tpu.memory_space<vmem_shared>> -> memref<10240x128xf32, #tpu.memory_space<vmem_shared>>
    tpu.enqueue_indirect_dma source(%arg10 : memref<120x128xf32, #tpu.memory_space<vmem>>) target(%dma_start3A_145 : memref<10240x128xf32, #tpu.memory_space<vmem_shared>>) offsets(%dma_start3A_142 : memref<120xi32, #tpu.memory_space<vmem>>) semaphore(%arg15 : memref<!tpu.dma_semaphore, #tpu.memory_space<semaphore_mem>>) {add = true}
    %dma_wait3A_146 = arith.constant 40 : i32
    %dma_wait3A_147 = arith.constant 0 : i32
    %dma_wait3A_148 = tpu.memref_slice %arg8[%dma_wait3A_146, %dma_wait3A_147] : memref<42x120xi32, #tpu.memory_space<vmem>> -> memref<1x120xi32, #tpu.memory_space<vmem>>
    %dma_wait3A_149 = tpu.memref_squeeze %dma_wait3A_148 : memref<1x120xi32, #tpu.memory_space<vmem>> -> memref<120xi32, #tpu.memory_space<vmem>>
    %dma_wait3A_150 = arith.constant 0 : i32
    %dma_wait3A_151 = arith.constant 0 : i32
    %dma_wait3A_152 = tpu.memref_slice %arg11[%dma_wait3A_150, %dma_wait3A_151] : memref<10240x128xf32, #tpu.memory_space<vmem_shared>> -> memref<10240x128xf32, #tpu.memory_space<vmem_shared>>
    tpu.wait_indirect_dma semaphore(%arg14 : memref<!tpu.dma_semaphore, #tpu.memory_space<semaphore_mem>>) src(%arg9 : memref<120x128xf32, #tpu.memory_space<vmem>>) dst(%dma_wait3A_152 : memref<10240x128xf32, #tpu.memory_space<vmem_shared>>)
    %dma_wait3A_153 = arith.constant 41 : i32
    %dma_wait3A_154 = arith.constant 0 : i32
    %dma_wait3A_155 = tpu.memref_slice %arg8[%dma_wait3A_153, %dma_wait3A_154] : memref<42x120xi32, #tpu.memory_space<vmem>> -> memref<1x120xi32, #tpu.memory_space<vmem>>
    %dma_wait3A_156 = tpu.memref_squeeze %dma_wait3A_155 : memref<1x120xi32, #tpu.memory_space<vmem>> -> memref<120xi32, #tpu.memory_space<vmem>>
    %dma_wait3A_157 = arith.constant 0 : i32
    %dma_wait3A_158 = arith.constant 0 : i32
    %dma_wait3A_159 = tpu.memref_slice %arg11[%dma_wait3A_157, %dma_wait3A_158] : memref<10240x128xf32, #tpu.memory_space<vmem_shared>> -> memref<10240x128xf32, #tpu.memory_space<vmem_shared>>
    tpu.wait_indirect_dma semaphore(%arg15 : memref<!tpu.dma_semaphore, #tpu.memory_space<semaphore_mem>>) src(%arg10 : memref<120x128xf32, #tpu.memory_space<vmem>>) dst(%dma_wait3A_159 : memref<10240x128xf32, #tpu.memory_space<vmem_shared>>)
    %barrier3A_160 = arith.constant 0 : index
    tpu.barrier barrier_id(%barrier3A_160)
    %run_scoped3A_161 = arith.constant 1 : i32
    "tpu.region"() ({
      %run_scoped3A_162 = tpu.sem_alloc : memref<!tpu.dma_semaphore, #tpu.memory_space<semaphore_mem>>
      %dma_start3A_163 = arith.constant 0 : i32
      %dma_start3A_164 = tpu.memref_slice %arg6[%arg0, %run_scoped3A_161, %mul3A_4, %dma_start3A_163] : memref<2x2x10240x128xf32, #tpu.memory_space<hbm>> -> memref<1x1x640x128xf32, #tpu.memory_space<hbm>>
      %dma_start3A_165 = tpu.memref_squeeze %dma_start3A_164 : memref<1x1x640x128xf32, #tpu.memory_space<hbm>> -> memref<640x128xf32, #tpu.memory_space<hbm>>
      %dma_start3A_166 = arith.constant 0 : i32
      %dma_start3A_167 = tpu.memref_slice %arg11[%mul3A_4, %dma_start3A_166] : memref<10240x128xf32, #tpu.memory_space<vmem_shared>> -> memref<640x128xf32, #tpu.memory_space<vmem_shared>>
      tpu.enqueue_dma source(%dma_start3A_167 : memref<640x128xf32, #tpu.memory_space<vmem_shared>>) target(%dma_start3A_165 : memref<640x128xf32, #tpu.memory_space<hbm>>) target_semaphore(%run_scoped3A_162 : memref<!tpu.dma_semaphore, #tpu.memory_space<semaphore_mem>>)
      %dma_wait3A_168 = arith.constant 0 : i32
      %dma_wait3A_169 = tpu.memref_slice %arg6[%arg0, %run_scoped3A_161, %mul3A_4, %dma_wait3A_168] : memref<2x2x10240x128xf32, #tpu.memory_space<hbm>> -> memref<1x1x640x128xf32, #tpu.memory_space<hbm>>
      %dma_wait3A_170 = tpu.memref_squeeze %dma_wait3A_169 : memref<1x1x640x128xf32, #tpu.memory_space<hbm>> -> memref<640x128xf32, #tpu.memory_space<hbm>>
      %dma_wait3A_171 = arith.constant 0 : i32
      %dma_wait3A_172 = tpu.memref_slice %arg11[%mul3A_4, %dma_wait3A_171] : memref<10240x128xf32, #tpu.memory_space<vmem_shared>> -> memref<640x128xf32, #tpu.memory_space<vmem_shared>>
      tpu.wait_dma2 semaphore(%run_scoped3A_162 : memref<!tpu.dma_semaphore, #tpu.memory_space<semaphore_mem>>) src(%dma_wait3A_172 : memref<640x128xf32, #tpu.memory_space<vmem_shared>>) dst(%dma_wait3A_170 : memref<640x128xf32, #tpu.memory_space<hbm>>)
      tpu.yield
    }) : () -> ()
    return
  }
}

#map = affine_map<(d0, d1) -> (0, 0)>
#map1 = affine_map<(d0, d1) -> (0, 0, 0)>
module attributes {stable_mosaic.version = 14 : i64} {
  func.func @_sc_gather_body(%arg0: i32, %arg1: i32, %arg2: memref<10000x128xf32, #tpu.memory_space<hbm>>, %arg3: memref<32x42x120xi32, #tpu.memory_space<hbm>>, %arg4: memref<160000x128xf32, #tpu.memory_space<hbm>>, %arg5: memref<42x120xi32, #tpu.memory_space<vmem>>, %arg6: memref<120x128xf32, #tpu.memory_space<vmem>>, %arg7: memref<120x128xf32, #tpu.memory_space<vmem>>, %arg8: memref<120x128xf32, #tpu.memory_space<vmem>>, %arg9: memref<120x128xf32, #tpu.memory_space<vmem>>, %arg10: memref<!tpu.dma_semaphore, #tpu.memory_space<semaphore_mem>>, %arg11: memref<!tpu.dma_semaphore, #tpu.memory_space<semaphore_mem>>, %arg12: memref<!tpu.dma_semaphore, #tpu.memory_space<semaphore_mem>>, %arg13: memref<!tpu.dma_semaphore, #tpu.memory_space<semaphore_mem>>, %arg14: memref<!tpu.dma_semaphore, #tpu.memory_space<semaphore_mem>>, %arg15: memref<!tpu.dma_semaphore, #tpu.memory_space<semaphore_mem>>, %arg16: memref<!tpu.dma_semaphore, #tpu.memory_space<semaphore_mem>>, %arg17: memref<!tpu.dma_semaphore, #tpu.memory_space<semaphore_mem>>) attributes {dimension_semantics = [#tpu.dimension_semantics<core_parallel>, #tpu.dimension_semantics<subcore_parallel>], iteration_bounds = array<i64: 2, 16>, scalar_prefetch = 0 : i64, scratch_operands = 13 : i64, tpu.core_type = #tpu.core_type<sc_vector_subcore>, window_params = [{transform_indices = #map}, {transform_indices = #map1}, {transform_indices = #map}]} {
    %mul3A = arith.constant 2 : i32
    %mul3A_0 = arith.muli %arg1, %mul3A : i32
    %add3A = arith.addi %mul3A_0, %arg0 : i32
    %mul3A_1 = arith.constant 5000 : i32
    %mul3A_2 = arith.muli %add3A, %mul3A_1 : i32
    "tpu.region"() ({
      %run_scoped3A = tpu.sem_alloc : memref<!tpu.dma_semaphore, #tpu.memory_space<semaphore_mem>>
      %dma_start3A_66 = arith.constant 0 : i32
      %dma_start3A_67 = arith.constant 0 : i32
      %dma_start3A_68 = tpu.memref_slice %arg3[%add3A, %dma_start3A_66, %dma_start3A_67] : memref<32x42x120xi32, #tpu.memory_space<hbm>> -> memref<1x42x120xi32, #tpu.memory_space<hbm>>
      %dma_start3A_69 = tpu.memref_squeeze %dma_start3A_68 : memref<1x42x120xi32, #tpu.memory_space<hbm>> -> memref<42x120xi32, #tpu.memory_space<hbm>>
      %dma_start3A_70 = arith.constant 0 : i32
      %dma_start3A_71 = arith.constant 0 : i32
      %dma_start3A_72 = tpu.memref_slice %arg3[%add3A, %dma_start3A_70, %dma_start3A_71] : memref<32x42x120xi32, #tpu.memory_space<hbm>> -> memref<1x42x120xi32, #tpu.memory_space<hbm>>
      %dma_start3A_73 = tpu.memref_squeeze %dma_start3A_72 : memref<1x42x120xi32, #tpu.memory_space<hbm>> -> memref<42x120xi32, #tpu.memory_space<hbm>>
      tpu.enqueue_dma source(%dma_start3A_73 : memref<42x120xi32, #tpu.memory_space<hbm>>) target(%arg5 : memref<42x120xi32, #tpu.memory_space<vmem>>) target_semaphore(%run_scoped3A : memref<!tpu.dma_semaphore, #tpu.memory_space<semaphore_mem>>)
      %dma_wait3A_74 = arith.constant 0 : i32
      %dma_wait3A_75 = arith.constant 0 : i32
      %dma_wait3A_76 = tpu.memref_slice %arg3[%add3A, %dma_wait3A_74, %dma_wait3A_75] : memref<32x42x120xi32, #tpu.memory_space<hbm>> -> memref<1x42x120xi32, #tpu.memory_space<hbm>>
      %dma_wait3A_77 = tpu.memref_squeeze %dma_wait3A_76 : memref<1x42x120xi32, #tpu.memory_space<hbm>> -> memref<42x120xi32, #tpu.memory_space<hbm>>
      %dma_wait3A_78 = arith.constant 0 : i32
      %dma_wait3A_79 = arith.constant 0 : i32
      %dma_wait3A_80 = tpu.memref_slice %arg3[%add3A, %dma_wait3A_78, %dma_wait3A_79] : memref<32x42x120xi32, #tpu.memory_space<hbm>> -> memref<1x42x120xi32, #tpu.memory_space<hbm>>
      %dma_wait3A_81 = tpu.memref_squeeze %dma_wait3A_80 : memref<1x42x120xi32, #tpu.memory_space<hbm>> -> memref<42x120xi32, #tpu.memory_space<hbm>>
      tpu.wait_dma2 semaphore(%run_scoped3A : memref<!tpu.dma_semaphore, #tpu.memory_space<semaphore_mem>>) src(%dma_wait3A_81 : memref<42x120xi32, #tpu.memory_space<hbm>>) dst(%arg5 : memref<42x120xi32, #tpu.memory_space<vmem>>)
      tpu.yield
    }) : () -> ()
    %scan3A = arith.constant 0 : i32
    %scan3A_3 = arith.constant 0 : i32
    %scan3A_4 = arith.constant 10 : i32
    %scan3A_5 = arith.addi %scan3A_3, %scan3A_4 : i32
    %scan3A_6 = arith.constant 1 : i32
    scf.for %scan3A_66 = %scan3A_3 to %scan3A_5 step %scan3A_6  : i32 {
      %mul3A_67 = arith.constant 4 : i32
      %mul3A_68 = arith.muli %mul3A_67, %scan3A_66 : i32
      %add3A_69 = arith.constant 0 : i32
      %add3A_70 = arith.addi %mul3A_68, %add3A_69 : i32
      %dma_start3A_71 = arith.constant 0 : i32
      %dma_start3A_72 = tpu.memref_slice %arg5[%add3A_70, %dma_start3A_71] : memref<42x120xi32, #tpu.memory_space<vmem>> -> memref<1x120xi32, #tpu.memory_space<vmem>>
      %dma_start3A_73 = tpu.memref_squeeze %dma_start3A_72 : memref<1x120xi32, #tpu.memory_space<vmem>> -> memref<120xi32, #tpu.memory_space<vmem>>
      %dma_start3A_74 = arith.constant 0 : i32
      %dma_start3A_75 = arith.constant 0 : i32
      %dma_start3A_76 = tpu.memref_slice %arg2[%dma_start3A_74, %dma_start3A_75] : memref<10000x128xf32, #tpu.memory_space<hbm>> -> memref<10000x128xf32, #tpu.memory_space<hbm>>
      tpu.enqueue_indirect_dma source(%dma_start3A_76 : memref<10000x128xf32, #tpu.memory_space<hbm>>) target(%arg6 : memref<120x128xf32, #tpu.memory_space<vmem>>) offsets(%dma_start3A_73 : memref<120xi32, #tpu.memory_space<vmem>>) semaphore(%arg10 : memref<!tpu.dma_semaphore, #tpu.memory_space<semaphore_mem>>)
      %mul3A_77 = arith.constant 4 : i32
      %mul3A_78 = arith.muli %mul3A_77, %scan3A_66 : i32
      %add3A_79 = arith.constant 1 : i32
      %add3A_80 = arith.addi %mul3A_78, %add3A_79 : i32
      %dma_start3A_81 = arith.constant 0 : i32
      %dma_start3A_82 = tpu.memref_slice %arg5[%add3A_80, %dma_start3A_81] : memref<42x120xi32, #tpu.memory_space<vmem>> -> memref<1x120xi32, #tpu.memory_space<vmem>>
      %dma_start3A_83 = tpu.memref_squeeze %dma_start3A_82 : memref<1x120xi32, #tpu.memory_space<vmem>> -> memref<120xi32, #tpu.memory_space<vmem>>
      %dma_start3A_84 = arith.constant 0 : i32
      %dma_start3A_85 = arith.constant 0 : i32
      %dma_start3A_86 = tpu.memref_slice %arg2[%dma_start3A_84, %dma_start3A_85] : memref<10000x128xf32, #tpu.memory_space<hbm>> -> memref<10000x128xf32, #tpu.memory_space<hbm>>
      tpu.enqueue_indirect_dma source(%dma_start3A_86 : memref<10000x128xf32, #tpu.memory_space<hbm>>) target(%arg7 : memref<120x128xf32, #tpu.memory_space<vmem>>) offsets(%dma_start3A_83 : memref<120xi32, #tpu.memory_space<vmem>>) semaphore(%arg11 : memref<!tpu.dma_semaphore, #tpu.memory_space<semaphore_mem>>)
      %mul3A_87 = arith.constant 4 : i32
      %mul3A_88 = arith.muli %mul3A_87, %scan3A_66 : i32
      %add3A_89 = arith.constant 2 : i32
      %add3A_90 = arith.addi %mul3A_88, %add3A_89 : i32
      %dma_start3A_91 = arith.constant 0 : i32
      %dma_start3A_92 = tpu.memref_slice %arg5[%add3A_90, %dma_start3A_91] : memref<42x120xi32, #tpu.memory_space<vmem>> -> memref<1x120xi32, #tpu.memory_space<vmem>>
      %dma_start3A_93 = tpu.memref_squeeze %dma_start3A_92 : memref<1x120xi32, #tpu.memory_space<vmem>> -> memref<120xi32, #tpu.memory_space<vmem>>
      %dma_start3A_94 = arith.constant 0 : i32
      %dma_start3A_95 = arith.constant 0 : i32
      %dma_start3A_96 = tpu.memref_slice %arg2[%dma_start3A_94, %dma_start3A_95] : memref<10000x128xf32, #tpu.memory_space<hbm>> -> memref<10000x128xf32, #tpu.memory_space<hbm>>
      tpu.enqueue_indirect_dma source(%dma_start3A_96 : memref<10000x128xf32, #tpu.memory_space<hbm>>) target(%arg8 : memref<120x128xf32, #tpu.memory_space<vmem>>) offsets(%dma_start3A_93 : memref<120xi32, #tpu.memory_space<vmem>>) semaphore(%arg12 : memref<!tpu.dma_semaphore, #tpu.memory_space<semaphore_mem>>)
      %mul3A_97 = arith.constant 4 : i32
      %mul3A_98 = arith.muli %mul3A_97, %scan3A_66 : i32
      %add3A_99 = arith.constant 3 : i32
      %add3A_100 = arith.addi %mul3A_98, %add3A_99 : i32
      %dma_start3A_101 = arith.constant 0 : i32
      %dma_start3A_102 = tpu.memref_slice %arg5[%add3A_100, %dma_start3A_101] : memref<42x120xi32, #tpu.memory_space<vmem>> -> memref<1x120xi32, #tpu.memory_space<vmem>>
      %dma_start3A_103 = tpu.memref_squeeze %dma_start3A_102 : memref<1x120xi32, #tpu.memory_space<vmem>> -> memref<120xi32, #tpu.memory_space<vmem>>
      %dma_start3A_104 = arith.constant 0 : i32
      %dma_start3A_105 = arith.constant 0 : i32
      %dma_start3A_106 = tpu.memref_slice %arg2[%dma_start3A_104, %dma_start3A_105] : memref<10000x128xf32, #tpu.memory_space<hbm>> -> memref<10000x128xf32, #tpu.memory_space<hbm>>
      tpu.enqueue_indirect_dma source(%dma_start3A_106 : memref<10000x128xf32, #tpu.memory_space<hbm>>) target(%arg9 : memref<120x128xf32, #tpu.memory_space<vmem>>) offsets(%dma_start3A_103 : memref<120xi32, #tpu.memory_space<vmem>>) semaphore(%arg13 : memref<!tpu.dma_semaphore, #tpu.memory_space<semaphore_mem>>)
      %dma_wait3A_107 = arith.constant 0 : i32
      %dma_wait3A_108 = tpu.memref_slice %arg5[%add3A_70, %dma_wait3A_107] : memref<42x120xi32, #tpu.memory_space<vmem>> -> memref<1x120xi32, #tpu.memory_space<vmem>>
      %dma_wait3A_109 = tpu.memref_squeeze %dma_wait3A_108 : memref<1x120xi32, #tpu.memory_space<vmem>> -> memref<120xi32, #tpu.memory_space<vmem>>
      %dma_wait3A_110 = arith.constant 0 : i32
      %dma_wait3A_111 = arith.constant 0 : i32
      %dma_wait3A_112 = tpu.memref_slice %arg2[%dma_wait3A_110, %dma_wait3A_111] : memref<10000x128xf32, #tpu.memory_space<hbm>> -> memref<10000x128xf32, #tpu.memory_space<hbm>>
      tpu.wait_indirect_dma semaphore(%arg10 : memref<!tpu.dma_semaphore, #tpu.memory_space<semaphore_mem>>) src(%dma_wait3A_112 : memref<10000x128xf32, #tpu.memory_space<hbm>>) dst(%arg6 : memref<120x128xf32, #tpu.memory_space<vmem>>)
      %mul3A_113 = arith.constant 4 : i32
      %mul3A_114 = arith.muli %mul3A_113, %scan3A_66 : i32
      %add3A_115 = arith.constant 0 : i32
      %add3A_116 = arith.addi %mul3A_114, %add3A_115 : i32
      %mul3A_117 = arith.constant 120 : i32
      %mul3A_118 = arith.muli %add3A_116, %mul3A_117 : i32
      %add3A_119 = arith.addi %mul3A_2, %mul3A_118 : i32
      %dma_start3A_120 = arith.constant 0 : i32
      %dma_start3A_121 = tpu.memref_slice %arg4[%add3A_119, %dma_start3A_120] : memref<160000x128xf32, #tpu.memory_space<hbm>> -> memref<120x128xf32, #tpu.memory_space<hbm>>
      %dma_start3A_122 = arith.constant 0 : i32
      %dma_start3A_123 = tpu.memref_slice %arg4[%add3A_119, %dma_start3A_122] : memref<160000x128xf32, #tpu.memory_space<hbm>> -> memref<120x128xf32, #tpu.memory_space<hbm>>
      tpu.enqueue_dma source(%arg6 : memref<120x128xf32, #tpu.memory_space<vmem>>) target(%dma_start3A_123 : memref<120x128xf32, #tpu.memory_space<hbm>>) target_semaphore(%arg14 : memref<!tpu.dma_semaphore, #tpu.memory_space<semaphore_mem>>)
      %dma_wait3A_124 = arith.constant 0 : i32
      %dma_wait3A_125 = tpu.memref_slice %arg5[%add3A_80, %dma_wait3A_124] : memref<42x120xi32, #tpu.memory_space<vmem>> -> memref<1x120xi32, #tpu.memory_space<vmem>>
      %dma_wait3A_126 = tpu.memref_squeeze %dma_wait3A_125 : memref<1x120xi32, #tpu.memory_space<vmem>> -> memref<120xi32, #tpu.memory_space<vmem>>
      %dma_wait3A_127 = arith.constant 0 : i32
      %dma_wait3A_128 = arith.constant 0 : i32
      %dma_wait3A_129 = tpu.memref_slice %arg2[%dma_wait3A_127, %dma_wait3A_128] : memref<10000x128xf32, #tpu.memory_space<hbm>> -> memref<10000x128xf32, #tpu.memory_space<hbm>>
      tpu.wait_indirect_dma semaphore(%arg11 : memref<!tpu.dma_semaphore, #tpu.memory_space<semaphore_mem>>) src(%dma_wait3A_129 : memref<10000x128xf32, #tpu.memory_space<hbm>>) dst(%arg7 : memref<120x128xf32, #tpu.memory_space<vmem>>)
      %mul3A_130 = arith.constant 4 : i32
      %mul3A_131 = arith.muli %mul3A_130, %scan3A_66 : i32
      %add3A_132 = arith.constant 1 : i32
      %add3A_133 = arith.addi %mul3A_131, %add3A_132 : i32
      %mul3A_134 = arith.constant 120 : i32
      %mul3A_135 = arith.muli %add3A_133, %mul3A_134 : i32
      %add3A_136 = arith.addi %mul3A_2, %mul3A_135 : i32
      %dma_start3A_137 = arith.constant 0 : i32
      %dma_start3A_138 = tpu.memref_slice %arg4[%add3A_136, %dma_start3A_137] : memref<160000x128xf32, #tpu.memory_space<hbm>> -> memref<120x128xf32, #tpu.memory_space<hbm>>
      %dma_start3A_139 = arith.constant 0 : i32
      %dma_start3A_140 = tpu.memref_slice %arg4[%add3A_136, %dma_start3A_139] : memref<160000x128xf32, #tpu.memory_space<hbm>> -> memref<120x128xf32, #tpu.memory_space<hbm>>
      tpu.enqueue_dma source(%arg7 : memref<120x128xf32, #tpu.memory_space<vmem>>) target(%dma_start3A_140 : memref<120x128xf32, #tpu.memory_space<hbm>>) target_semaphore(%arg15 : memref<!tpu.dma_semaphore, #tpu.memory_space<semaphore_mem>>)
      %dma_wait3A_141 = arith.constant 0 : i32
      %dma_wait3A_142 = tpu.memref_slice %arg5[%add3A_90, %dma_wait3A_141] : memref<42x120xi32, #tpu.memory_space<vmem>> -> memref<1x120xi32, #tpu.memory_space<vmem>>
      %dma_wait3A_143 = tpu.memref_squeeze %dma_wait3A_142 : memref<1x120xi32, #tpu.memory_space<vmem>> -> memref<120xi32, #tpu.memory_space<vmem>>
      %dma_wait3A_144 = arith.constant 0 : i32
      %dma_wait3A_145 = arith.constant 0 : i32
      %dma_wait3A_146 = tpu.memref_slice %arg2[%dma_wait3A_144, %dma_wait3A_145] : memref<10000x128xf32, #tpu.memory_space<hbm>> -> memref<10000x128xf32, #tpu.memory_space<hbm>>
      tpu.wait_indirect_dma semaphore(%arg12 : memref<!tpu.dma_semaphore, #tpu.memory_space<semaphore_mem>>) src(%dma_wait3A_146 : memref<10000x128xf32, #tpu.memory_space<hbm>>) dst(%arg8 : memref<120x128xf32, #tpu.memory_space<vmem>>)
      %mul3A_147 = arith.constant 4 : i32
      %mul3A_148 = arith.muli %mul3A_147, %scan3A_66 : i32
      %add3A_149 = arith.constant 2 : i32
      %add3A_150 = arith.addi %mul3A_148, %add3A_149 : i32
      %mul3A_151 = arith.constant 120 : i32
      %mul3A_152 = arith.muli %add3A_150, %mul3A_151 : i32
      %add3A_153 = arith.addi %mul3A_2, %mul3A_152 : i32
      %dma_start3A_154 = arith.constant 0 : i32
      %dma_start3A_155 = tpu.memref_slice %arg4[%add3A_153, %dma_start3A_154] : memref<160000x128xf32, #tpu.memory_space<hbm>> -> memref<120x128xf32, #tpu.memory_space<hbm>>
      %dma_start3A_156 = arith.constant 0 : i32
      %dma_start3A_157 = tpu.memref_slice %arg4[%add3A_153, %dma_start3A_156] : memref<160000x128xf32, #tpu.memory_space<hbm>> -> memref<120x128xf32, #tpu.memory_space<hbm>>
      tpu.enqueue_dma source(%arg8 : memref<120x128xf32, #tpu.memory_space<vmem>>) target(%dma_start3A_157 : memref<120x128xf32, #tpu.memory_space<hbm>>) target_semaphore(%arg16 : memref<!tpu.dma_semaphore, #tpu.memory_space<semaphore_mem>>)
      %dma_wait3A_158 = arith.constant 0 : i32
      %dma_wait3A_159 = tpu.memref_slice %arg5[%add3A_100, %dma_wait3A_158] : memref<42x120xi32, #tpu.memory_space<vmem>> -> memref<1x120xi32, #tpu.memory_space<vmem>>
      %dma_wait3A_160 = tpu.memref_squeeze %dma_wait3A_159 : memref<1x120xi32, #tpu.memory_space<vmem>> -> memref<120xi32, #tpu.memory_space<vmem>>
      %dma_wait3A_161 = arith.constant 0 : i32
      %dma_wait3A_162 = arith.constant 0 : i32
      %dma_wait3A_163 = tpu.memref_slice %arg2[%dma_wait3A_161, %dma_wait3A_162] : memref<10000x128xf32, #tpu.memory_space<hbm>> -> memref<10000x128xf32, #tpu.memory_space<hbm>>
      tpu.wait_indirect_dma semaphore(%arg13 : memref<!tpu.dma_semaphore, #tpu.memory_space<semaphore_mem>>) src(%dma_wait3A_163 : memref<10000x128xf32, #tpu.memory_space<hbm>>) dst(%arg9 : memref<120x128xf32, #tpu.memory_space<vmem>>)
      %mul3A_164 = arith.constant 4 : i32
      %mul3A_165 = arith.muli %mul3A_164, %scan3A_66 : i32
      %add3A_166 = arith.constant 3 : i32
      %add3A_167 = arith.addi %mul3A_165, %add3A_166 : i32
      %mul3A_168 = arith.constant 120 : i32
      %mul3A_169 = arith.muli %add3A_167, %mul3A_168 : i32
      %add3A_170 = arith.addi %mul3A_2, %mul3A_169 : i32
      %dma_start3A_171 = arith.constant 0 : i32
      %dma_start3A_172 = tpu.memref_slice %arg4[%add3A_170, %dma_start3A_171] : memref<160000x128xf32, #tpu.memory_space<hbm>> -> memref<120x128xf32, #tpu.memory_space<hbm>>
      %dma_start3A_173 = arith.constant 0 : i32
      %dma_start3A_174 = tpu.memref_slice %arg4[%add3A_170, %dma_start3A_173] : memref<160000x128xf32, #tpu.memory_space<hbm>> -> memref<120x128xf32, #tpu.memory_space<hbm>>
      tpu.enqueue_dma source(%arg9 : memref<120x128xf32, #tpu.memory_space<vmem>>) target(%dma_start3A_174 : memref<120x128xf32, #tpu.memory_space<hbm>>) target_semaphore(%arg17 : memref<!tpu.dma_semaphore, #tpu.memory_space<semaphore_mem>>)
      %dma_wait3A_175 = arith.constant 0 : i32
      %dma_wait3A_176 = tpu.memref_slice %arg4[%add3A_119, %dma_wait3A_175] : memref<160000x128xf32, #tpu.memory_space<hbm>> -> memref<120x128xf32, #tpu.memory_space<hbm>>
      %dma_wait3A_177 = arith.constant 0 : i32
      %dma_wait3A_178 = tpu.memref_slice %arg4[%add3A_119, %dma_wait3A_177] : memref<160000x128xf32, #tpu.memory_space<hbm>> -> memref<120x128xf32, #tpu.memory_space<hbm>>
      tpu.wait_dma2 semaphore(%arg14 : memref<!tpu.dma_semaphore, #tpu.memory_space<semaphore_mem>>) src(%arg6 : memref<120x128xf32, #tpu.memory_space<vmem>>) dst(%dma_wait3A_178 : memref<120x128xf32, #tpu.memory_space<hbm>>)
      %dma_wait3A_179 = arith.constant 0 : i32
      %dma_wait3A_180 = tpu.memref_slice %arg4[%add3A_136, %dma_wait3A_179] : memref<160000x128xf32, #tpu.memory_space<hbm>> -> memref<120x128xf32, #tpu.memory_space<hbm>>
      %dma_wait3A_181 = arith.constant 0 : i32
      %dma_wait3A_182 = tpu.memref_slice %arg4[%add3A_136, %dma_wait3A_181] : memref<160000x128xf32, #tpu.memory_space<hbm>> -> memref<120x128xf32, #tpu.memory_space<hbm>>
      tpu.wait_dma2 semaphore(%arg15 : memref<!tpu.dma_semaphore, #tpu.memory_space<semaphore_mem>>) src(%arg7 : memref<120x128xf32, #tpu.memory_space<vmem>>) dst(%dma_wait3A_182 : memref<120x128xf32, #tpu.memory_space<hbm>>)
      %dma_wait3A_183 = arith.constant 0 : i32
      %dma_wait3A_184 = tpu.memref_slice %arg4[%add3A_153, %dma_wait3A_183] : memref<160000x128xf32, #tpu.memory_space<hbm>> -> memref<120x128xf32, #tpu.memory_space<hbm>>
      %dma_wait3A_185 = arith.constant 0 : i32
      %dma_wait3A_186 = tpu.memref_slice %arg4[%add3A_153, %dma_wait3A_185] : memref<160000x128xf32, #tpu.memory_space<hbm>> -> memref<120x128xf32, #tpu.memory_space<hbm>>
      tpu.wait_dma2 semaphore(%arg16 : memref<!tpu.dma_semaphore, #tpu.memory_space<semaphore_mem>>) src(%arg8 : memref<120x128xf32, #tpu.memory_space<vmem>>) dst(%dma_wait3A_186 : memref<120x128xf32, #tpu.memory_space<hbm>>)
      %dma_wait3A_187 = arith.constant 0 : i32
      %dma_wait3A_188 = tpu.memref_slice %arg4[%add3A_170, %dma_wait3A_187] : memref<160000x128xf32, #tpu.memory_space<hbm>> -> memref<120x128xf32, #tpu.memory_space<hbm>>
      %dma_wait3A_189 = arith.constant 0 : i32
      %dma_wait3A_190 = tpu.memref_slice %arg4[%add3A_170, %dma_wait3A_189] : memref<160000x128xf32, #tpu.memory_space<hbm>> -> memref<120x128xf32, #tpu.memory_space<hbm>>
      tpu.wait_dma2 semaphore(%arg17 : memref<!tpu.dma_semaphore, #tpu.memory_space<semaphore_mem>>) src(%arg9 : memref<120x128xf32, #tpu.memory_space<vmem>>) dst(%dma_wait3A_190 : memref<120x128xf32, #tpu.memory_space<hbm>>)
    }
    %scan3A_7 = arith.constant 10 : i32
    %dma_start3A = arith.constant 40 : i32
    %dma_start3A_8 = arith.constant 0 : i32
    %dma_start3A_9 = tpu.memref_slice %arg5[%dma_start3A, %dma_start3A_8] : memref<42x120xi32, #tpu.memory_space<vmem>> -> memref<1x120xi32, #tpu.memory_space<vmem>>
    %dma_start3A_10 = tpu.memref_squeeze %dma_start3A_9 : memref<1x120xi32, #tpu.memory_space<vmem>> -> memref<120xi32, #tpu.memory_space<vmem>>
    %dma_start3A_11 = arith.constant 0 : i32
    %dma_start3A_12 = arith.constant 0 : i32
    %dma_start3A_13 = tpu.memref_slice %arg2[%dma_start3A_11, %dma_start3A_12] : memref<10000x128xf32, #tpu.memory_space<hbm>> -> memref<10000x128xf32, #tpu.memory_space<hbm>>
    tpu.enqueue_indirect_dma source(%dma_start3A_13 : memref<10000x128xf32, #tpu.memory_space<hbm>>) target(%arg6 : memref<120x128xf32, #tpu.memory_space<vmem>>) offsets(%dma_start3A_10 : memref<120xi32, #tpu.memory_space<vmem>>) semaphore(%arg10 : memref<!tpu.dma_semaphore, #tpu.memory_space<semaphore_mem>>)
    %dma_start3A_14 = arith.constant 41 : i32
    %dma_start3A_15 = arith.constant 0 : i32
    %dma_start3A_16 = tpu.memref_slice %arg5[%dma_start3A_14, %dma_start3A_15] : memref<42x120xi32, #tpu.memory_space<vmem>> -> memref<1x120xi32, #tpu.memory_space<vmem>>
    %dma_start3A_17 = tpu.memref_squeeze %dma_start3A_16 : memref<1x120xi32, #tpu.memory_space<vmem>> -> memref<120xi32, #tpu.memory_space<vmem>>
    %dma_start3A_18 = arith.constant 0 : i32
    %dma_start3A_19 = arith.constant 0 : i32
    %dma_start3A_20 = tpu.memref_slice %arg2[%dma_start3A_18, %dma_start3A_19] : memref<10000x128xf32, #tpu.memory_space<hbm>> -> memref<10000x128xf32, #tpu.memory_space<hbm>>
    tpu.enqueue_indirect_dma source(%dma_start3A_20 : memref<10000x128xf32, #tpu.memory_space<hbm>>) target(%arg7 : memref<120x128xf32, #tpu.memory_space<vmem>>) offsets(%dma_start3A_17 : memref<120xi32, #tpu.memory_space<vmem>>) semaphore(%arg11 : memref<!tpu.dma_semaphore, #tpu.memory_space<semaphore_mem>>)
    %dma_wait3A = arith.constant 40 : i32
    %dma_wait3A_21 = arith.constant 0 : i32
    %dma_wait3A_22 = tpu.memref_slice %arg5[%dma_wait3A, %dma_wait3A_21] : memref<42x120xi32, #tpu.memory_space<vmem>> -> memref<1x120xi32, #tpu.memory_space<vmem>>
    %dma_wait3A_23 = tpu.memref_squeeze %dma_wait3A_22 : memref<1x120xi32, #tpu.memory_space<vmem>> -> memref<120xi32, #tpu.memory_space<vmem>>
    %dma_wait3A_24 = arith.constant 0 : i32
    %dma_wait3A_25 = arith.constant 0 : i32
    %dma_wait3A_26 = tpu.memref_slice %arg2[%dma_wait3A_24, %dma_wait3A_25] : memref<10000x128xf32, #tpu.memory_space<hbm>> -> memref<10000x128xf32, #tpu.memory_space<hbm>>
    tpu.wait_indirect_dma semaphore(%arg10 : memref<!tpu.dma_semaphore, #tpu.memory_space<semaphore_mem>>) src(%dma_wait3A_26 : memref<10000x128xf32, #tpu.memory_space<hbm>>) dst(%arg6 : memref<120x128xf32, #tpu.memory_space<vmem>>)
    %add3A_27 = arith.constant 4800 : i32
    %add3A_28 = arith.addi %mul3A_2, %add3A_27 : i32
    %dma_start3A_29 = arith.constant 0 : i32
    %dma_start3A_30 = tpu.memref_slice %arg4[%add3A_28, %dma_start3A_29] : memref<160000x128xf32, #tpu.memory_space<hbm>> -> memref<120x128xf32, #tpu.memory_space<hbm>>
    %dma_start3A_31 = arith.constant 0 : i32
    %dma_start3A_32 = tpu.memref_slice %arg4[%add3A_28, %dma_start3A_31] : memref<160000x128xf32, #tpu.memory_space<hbm>> -> memref<120x128xf32, #tpu.memory_space<hbm>>
    tpu.enqueue_dma source(%arg6 : memref<120x128xf32, #tpu.memory_space<vmem>>) target(%dma_start3A_32 : memref<120x128xf32, #tpu.memory_space<hbm>>) target_semaphore(%arg14 : memref<!tpu.dma_semaphore, #tpu.memory_space<semaphore_mem>>)
    %dma_wait3A_33 = arith.constant 41 : i32
    %dma_wait3A_34 = arith.constant 0 : i32
    %dma_wait3A_35 = tpu.memref_slice %arg5[%dma_wait3A_33, %dma_wait3A_34] : memref<42x120xi32, #tpu.memory_space<vmem>> -> memref<1x120xi32, #tpu.memory_space<vmem>>
    %dma_wait3A_36 = tpu.memref_squeeze %dma_wait3A_35 : memref<1x120xi32, #tpu.memory_space<vmem>> -> memref<120xi32, #tpu.memory_space<vmem>>
    %dma_wait3A_37 = arith.constant 0 : i32
    %dma_wait3A_38 = arith.constant 0 : i32
    %dma_wait3A_39 = tpu.memref_slice %arg2[%dma_wait3A_37, %dma_wait3A_38] : memref<10000x128xf32, #tpu.memory_space<hbm>> -> memref<10000x128xf32, #tpu.memory_space<hbm>>
    tpu.wait_indirect_dma semaphore(%arg11 : memref<!tpu.dma_semaphore, #tpu.memory_space<semaphore_mem>>) src(%dma_wait3A_39 : memref<10000x128xf32, #tpu.memory_space<hbm>>) dst(%arg7 : memref<120x128xf32, #tpu.memory_space<vmem>>)
    %add3A_40 = arith.constant 4920 : i32
    %add3A_41 = arith.addi %mul3A_2, %add3A_40 : i32
    %dma_start3A_42 = arith.constant 0 : i32
    %dma_start3A_43 = arith.constant 0 : i32
    %dma_start3A_44 = tpu.memref_slice %arg7[%dma_start3A_42, %dma_start3A_43] : memref<120x128xf32, #tpu.memory_space<vmem>> -> memref<80x128xf32, #tpu.memory_space<vmem>>
    %dma_start3A_45 = arith.constant 0 : i32
    %dma_start3A_46 = tpu.memref_slice %arg4[%add3A_41, %dma_start3A_45] : memref<160000x128xf32, #tpu.memory_space<hbm>> -> memref<80x128xf32, #tpu.memory_space<hbm>>
    %dma_start3A_47 = arith.constant 0 : i32
    %dma_start3A_48 = tpu.memref_slice %arg4[%add3A_41, %dma_start3A_47] : memref<160000x128xf32, #tpu.memory_space<hbm>> -> memref<80x128xf32, #tpu.memory_space<hbm>>
    %dma_start3A_49 = arith.constant 0 : i32
    %dma_start3A_50 = arith.constant 0 : i32
    %dma_start3A_51 = tpu.memref_slice %arg7[%dma_start3A_49, %dma_start3A_50] : memref<120x128xf32, #tpu.memory_space<vmem>> -> memref<80x128xf32, #tpu.memory_space<vmem>>
    tpu.enqueue_dma source(%dma_start3A_51 : memref<80x128xf32, #tpu.memory_space<vmem>>) target(%dma_start3A_48 : memref<80x128xf32, #tpu.memory_space<hbm>>) target_semaphore(%arg15 : memref<!tpu.dma_semaphore, #tpu.memory_space<semaphore_mem>>)
    %dma_wait3A_52 = arith.constant 0 : i32
    %dma_wait3A_53 = tpu.memref_slice %arg4[%add3A_28, %dma_wait3A_52] : memref<160000x128xf32, #tpu.memory_space<hbm>> -> memref<120x128xf32, #tpu.memory_space<hbm>>
    %dma_wait3A_54 = arith.constant 0 : i32
    %dma_wait3A_55 = tpu.memref_slice %arg4[%add3A_28, %dma_wait3A_54] : memref<160000x128xf32, #tpu.memory_space<hbm>> -> memref<120x128xf32, #tpu.memory_space<hbm>>
    tpu.wait_dma2 semaphore(%arg14 : memref<!tpu.dma_semaphore, #tpu.memory_space<semaphore_mem>>) src(%arg6 : memref<120x128xf32, #tpu.memory_space<vmem>>) dst(%dma_wait3A_55 : memref<120x128xf32, #tpu.memory_space<hbm>>)
    %dma_wait3A_56 = arith.constant 0 : i32
    %dma_wait3A_57 = arith.constant 0 : i32
    %dma_wait3A_58 = tpu.memref_slice %arg7[%dma_wait3A_56, %dma_wait3A_57] : memref<120x128xf32, #tpu.memory_space<vmem>> -> memref<80x128xf32, #tpu.memory_space<vmem>>
    %dma_wait3A_59 = arith.constant 0 : i32
    %dma_wait3A_60 = tpu.memref_slice %arg4[%add3A_41, %dma_wait3A_59] : memref<160000x128xf32, #tpu.memory_space<hbm>> -> memref<80x128xf32, #tpu.memory_space<hbm>>
    %dma_wait3A_61 = arith.constant 0 : i32
    %dma_wait3A_62 = tpu.memref_slice %arg4[%add3A_41, %dma_wait3A_61] : memref<160000x128xf32, #tpu.memory_space<hbm>> -> memref<80x128xf32, #tpu.memory_space<hbm>>
    %dma_wait3A_63 = arith.constant 0 : i32
    %dma_wait3A_64 = arith.constant 0 : i32
    %dma_wait3A_65 = tpu.memref_slice %arg7[%dma_wait3A_63, %dma_wait3A_64] : memref<120x128xf32, #tpu.memory_space<vmem>> -> memref<80x128xf32, #tpu.memory_space<vmem>>
    tpu.wait_dma2 semaphore(%arg15 : memref<!tpu.dma_semaphore, #tpu.memory_space<semaphore_mem>>) src(%dma_wait3A_65 : memref<80x128xf32, #tpu.memory_space<vmem>>) dst(%dma_wait3A_62 : memref<80x128xf32, #tpu.memory_space<hbm>>)
    return
  }
}

#map = affine_map<(d0, d1) -> (0, 0)>
#map1 = affine_map<(d0, d1) -> (0, 0, 0)>
#map2 = affine_map<(d0, d1) -> (0, 0, 0, 0)>
module attributes {stable_mosaic.version = 14 : i64} {
  func.func @_sc_scatter_body(%arg0: i32, %arg1: i32, %arg2: memref<160000x128xf32, #tpu.memory_space<hbm>>, %arg3: memref<32x42x120xi32, #tpu.memory_space<hbm>>, %arg4: memref<32x42x120xi32, #tpu.memory_space<hbm>>, %arg5: memref<120x128xf32, #tpu.memory_space<hbm>>, %arg6: memref<2x2x10240x128xf32, #tpu.memory_space<hbm>>, %arg7: memref<42x120xi32, #tpu.memory_space<vmem>>, %arg8: memref<42x120xi32, #tpu.memory_space<vmem>>, %arg9: memref<120x128xf32, #tpu.memory_space<vmem>>, %arg10: memref<120x128xf32, #tpu.memory_space<vmem>>, %arg11: memref<10240x128xf32, #tpu.memory_space<vmem_shared>>, %arg12: memref<!tpu.dma_semaphore, #tpu.memory_space<semaphore_mem>>, %arg13: memref<!tpu.dma_semaphore, #tpu.memory_space<semaphore_mem>>, %arg14: memref<!tpu.dma_semaphore, #tpu.memory_space<semaphore_mem>>, %arg15: memref<!tpu.dma_semaphore, #tpu.memory_space<semaphore_mem>>) attributes {dimension_semantics = [#tpu.dimension_semantics<core_parallel>, #tpu.dimension_semantics<subcore_parallel>], iteration_bounds = array<i64: 2, 16>, scalar_prefetch = 0 : i64, scratch_operands = 9 : i64, tpu.core_type = #tpu.core_type<sc_vector_subcore>, window_params = [{transform_indices = #map}, {transform_indices = #map1}, {transform_indices = #map1}, {transform_indices = #map}, {transform_indices = #map2}]} {
    %mul3A = arith.constant 2 : i32
    %mul3A_0 = arith.muli %arg1, %mul3A : i32
    %add3A = arith.addi %mul3A_0, %arg0 : i32
    %mul3A_1 = arith.constant 5000 : i32
    %mul3A_2 = arith.muli %add3A, %mul3A_1 : i32
    %mul3A_3 = arith.constant 640 : i32
    %mul3A_4 = arith.muli %arg1, %mul3A_3 : i32
    "tpu.region"() ({
      %run_scoped3A_162 = tpu.sem_alloc : memref<!tpu.dma_semaphore, #tpu.memory_space<semaphore_mem>>
      %dma_start3A_163 = arith.constant 0 : i32
      %dma_start3A_164 = arith.constant 0 : i32
      %dma_start3A_165 = tpu.memref_slice %arg3[%add3A, %dma_start3A_163, %dma_start3A_164] : memref<32x42x120xi32, #tpu.memory_space<hbm>> -> memref<1x42x120xi32, #tpu.memory_space<hbm>>
      %dma_start3A_166 = tpu.memref_squeeze %dma_start3A_165 : memref<1x42x120xi32, #tpu.memory_space<hbm>> -> memref<42x120xi32, #tpu.memory_space<hbm>>
      %dma_start3A_167 = arith.constant 0 : i32
      %dma_start3A_168 = arith.constant 0 : i32
      %dma_start3A_169 = tpu.memref_slice %arg3[%add3A, %dma_start3A_167, %dma_start3A_168] : memref<32x42x120xi32, #tpu.memory_space<hbm>> -> memref<1x42x120xi32, #tpu.memory_space<hbm>>
      %dma_start3A_170 = tpu.memref_squeeze %dma_start3A_169 : memref<1x42x120xi32, #tpu.memory_space<hbm>> -> memref<42x120xi32, #tpu.memory_space<hbm>>
      tpu.enqueue_dma source(%dma_start3A_170 : memref<42x120xi32, #tpu.memory_space<hbm>>) target(%arg7 : memref<42x120xi32, #tpu.memory_space<vmem>>) target_semaphore(%run_scoped3A_162 : memref<!tpu.dma_semaphore, #tpu.memory_space<semaphore_mem>>)
      %dma_wait3A_171 = arith.constant 0 : i32
      %dma_wait3A_172 = arith.constant 0 : i32
      %dma_wait3A_173 = tpu.memref_slice %arg3[%add3A, %dma_wait3A_171, %dma_wait3A_172] : memref<32x42x120xi32, #tpu.memory_space<hbm>> -> memref<1x42x120xi32, #tpu.memory_space<hbm>>
      %dma_wait3A_174 = tpu.memref_squeeze %dma_wait3A_173 : memref<1x42x120xi32, #tpu.memory_space<hbm>> -> memref<42x120xi32, #tpu.memory_space<hbm>>
      %dma_wait3A_175 = arith.constant 0 : i32
      %dma_wait3A_176 = arith.constant 0 : i32
      %dma_wait3A_177 = tpu.memref_slice %arg3[%add3A, %dma_wait3A_175, %dma_wait3A_176] : memref<32x42x120xi32, #tpu.memory_space<hbm>> -> memref<1x42x120xi32, #tpu.memory_space<hbm>>
      %dma_wait3A_178 = tpu.memref_squeeze %dma_wait3A_177 : memref<1x42x120xi32, #tpu.memory_space<hbm>> -> memref<42x120xi32, #tpu.memory_space<hbm>>
      tpu.wait_dma2 semaphore(%run_scoped3A_162 : memref<!tpu.dma_semaphore, #tpu.memory_space<semaphore_mem>>) src(%dma_wait3A_178 : memref<42x120xi32, #tpu.memory_space<hbm>>) dst(%arg7 : memref<42x120xi32, #tpu.memory_space<vmem>>)
      tpu.yield
    }) : () -> ()
    "tpu.region"() ({
      %run_scoped3A_162 = tpu.sem_alloc : memref<!tpu.dma_semaphore, #tpu.memory_space<semaphore_mem>>
      %dma_start3A_163 = arith.constant 0 : i32
      %dma_start3A_164 = arith.constant 0 : i32
      %dma_start3A_165 = tpu.memref_slice %arg4[%add3A, %dma_start3A_163, %dma_start3A_164] : memref<32x42x120xi32, #tpu.memory_space<hbm>> -> memref<1x42x120xi32, #tpu.memory_space<hbm>>
      %dma_start3A_166 = tpu.memref_squeeze %dma_start3A_165 : memref<1x42x120xi32, #tpu.memory_space<hbm>> -> memref<42x120xi32, #tpu.memory_space<hbm>>
      %dma_start3A_167 = arith.constant 0 : i32
      %dma_start3A_168 = arith.constant 0 : i32
      %dma_start3A_169 = tpu.memref_slice %arg4[%add3A, %dma_start3A_167, %dma_start3A_168] : memref<32x42x120xi32, #tpu.memory_space<hbm>> -> memref<1x42x120xi32, #tpu.memory_space<hbm>>
      %dma_start3A_170 = tpu.memref_squeeze %dma_start3A_169 : memref<1x42x120xi32, #tpu.memory_space<hbm>> -> memref<42x120xi32, #tpu.memory_space<hbm>>
      tpu.enqueue_dma source(%dma_start3A_170 : memref<42x120xi32, #tpu.memory_space<hbm>>) target(%arg8 : memref<42x120xi32, #tpu.memory_space<vmem>>) target_semaphore(%run_scoped3A_162 : memref<!tpu.dma_semaphore, #tpu.memory_space<semaphore_mem>>)
      %dma_wait3A_171 = arith.constant 0 : i32
      %dma_wait3A_172 = arith.constant 0 : i32
      %dma_wait3A_173 = tpu.memref_slice %arg4[%add3A, %dma_wait3A_171, %dma_wait3A_172] : memref<32x42x120xi32, #tpu.memory_space<hbm>> -> memref<1x42x120xi32, #tpu.memory_space<hbm>>
      %dma_wait3A_174 = tpu.memref_squeeze %dma_wait3A_173 : memref<1x42x120xi32, #tpu.memory_space<hbm>> -> memref<42x120xi32, #tpu.memory_space<hbm>>
      %dma_wait3A_175 = arith.constant 0 : i32
      %dma_wait3A_176 = arith.constant 0 : i32
      %dma_wait3A_177 = tpu.memref_slice %arg4[%add3A, %dma_wait3A_175, %dma_wait3A_176] : memref<32x42x120xi32, #tpu.memory_space<hbm>> -> memref<1x42x120xi32, #tpu.memory_space<hbm>>
      %dma_wait3A_178 = tpu.memref_squeeze %dma_wait3A_177 : memref<1x42x120xi32, #tpu.memory_space<hbm>> -> memref<42x120xi32, #tpu.memory_space<hbm>>
      tpu.wait_dma2 semaphore(%run_scoped3A_162 : memref<!tpu.dma_semaphore, #tpu.memory_space<semaphore_mem>>) src(%dma_wait3A_178 : memref<42x120xi32, #tpu.memory_space<hbm>>) dst(%arg8 : memref<42x120xi32, #tpu.memory_space<vmem>>)
      tpu.yield
    }) : () -> ()
    "tpu.region"() ({
      %run_scoped3A_162 = tpu.sem_alloc : memref<!tpu.dma_semaphore, #tpu.memory_space<semaphore_mem>>
      tpu.enqueue_dma source(%arg5 : memref<120x128xf32, #tpu.memory_space<hbm>>) target(%arg9 : memref<120x128xf32, #tpu.memory_space<vmem>>) target_semaphore(%run_scoped3A_162 : memref<!tpu.dma_semaphore, #tpu.memory_space<semaphore_mem>>)
      tpu.wait_dma2 semaphore(%run_scoped3A_162 : memref<!tpu.dma_semaphore, #tpu.memory_space<semaphore_mem>>) src(%arg5 : memref<120x128xf32, #tpu.memory_space<hbm>>) dst(%arg9 : memref<120x128xf32, #tpu.memory_space<vmem>>)
      tpu.yield
    }) : () -> ()
    %mul3A_5 = arith.constant 640 : i32
    %mul3A_6 = arith.muli %arg1, %mul3A_5 : i32
    %add3A_7 = arith.constant 0 : i32
    %add3A_8 = arith.addi %mul3A_6, %add3A_7 : i32
    "tpu.region"() ({
      %run_scoped3A_162 = tpu.sem_alloc : memref<!tpu.dma_semaphore, #tpu.memory_space<semaphore_mem>>
      %dma_start3A_163 = arith.constant 0 : i32
      %dma_start3A_164 = tpu.memref_slice %arg11[%add3A_8, %dma_start3A_163] : memref<10240x128xf32, #tpu.memory_space<vmem_shared>> -> memref<120x128xf32, #tpu.memory_space<vmem_shared>>
      %dma_start3A_165 = arith.constant 0 : i32
      %dma_start3A_166 = tpu.memref_slice %arg11[%add3A_8, %dma_start3A_165] : memref<10240x128xf32, #tpu.memory_space<vmem_shared>> -> memref<120x128xf32, #tpu.memory_space<vmem_shared>>
      tpu.enqueue_dma source(%arg9 : memref<120x128xf32, #tpu.memory_space<vmem>>) target(%dma_start3A_166 : memref<120x128xf32, #tpu.memory_space<vmem_shared>>) target_semaphore(%run_scoped3A_162 : memref<!tpu.dma_semaphore, #tpu.memory_space<semaphore_mem>>)
      %dma_wait3A_167 = arith.constant 0 : i32
      %dma_wait3A_168 = tpu.memref_slice %arg11[%add3A_8, %dma_wait3A_167] : memref<10240x128xf32, #tpu.memory_space<vmem_shared>> -> memref<120x128xf32, #tpu.memory_space<vmem_shared>>
      %dma_wait3A_169 = arith.constant 0 : i32
      %dma_wait3A_170 = tpu.memref_slice %arg11[%add3A_8, %dma_wait3A_169] : memref<10240x128xf32, #tpu.memory_space<vmem_shared>> -> memref<120x128xf32, #tpu.memory_space<vmem_shared>>
      tpu.wait_dma2 semaphore(%run_scoped3A_162 : memref<!tpu.dma_semaphore, #tpu.memory_space<semaphore_mem>>) src(%arg9 : memref<120x128xf32, #tpu.memory_space<vmem>>) dst(%dma_wait3A_170 : memref<120x128xf32, #tpu.memory_space<vmem_shared>>)
      tpu.yield
    }) : () -> ()
    %mul3A_9 = arith.constant 640 : i32
    %mul3A_10 = arith.muli %arg1, %mul3A_9 : i32
    %add3A_11 = arith.constant 120 : i32
    %add3A_12 = arith.addi %mul3A_10, %add3A_11 : i32
    "tpu.region"() ({
      %run_scoped3A_162 = tpu.sem_alloc : memref<!tpu.dma_semaphore, #tpu.memory_space<semaphore_mem>>
      %dma_start3A_163 = arith.constant 0 : i32
      %dma_start3A_164 = tpu.memref_slice %arg11[%add3A_12, %dma_start3A_163] : memref<10240x128xf32, #tpu.memory_space<vmem_shared>> -> memref<120x128xf32, #tpu.memory_space<vmem_shared>>
      %dma_start3A_165 = arith.constant 0 : i32
      %dma_start3A_166 = tpu.memref_slice %arg11[%add3A_12, %dma_start3A_165] : memref<10240x128xf32, #tpu.memory_space<vmem_shared>> -> memref<120x128xf32, #tpu.memory_space<vmem_shared>>
      tpu.enqueue_dma source(%arg9 : memref<120x128xf32, #tpu.memory_space<vmem>>) target(%dma_start3A_166 : memref<120x128xf32, #tpu.memory_space<vmem_shared>>) target_semaphore(%run_scoped3A_162 : memref<!tpu.dma_semaphore, #tpu.memory_space<semaphore_mem>>)
      %dma_wait3A_167 = arith.constant 0 : i32
      %dma_wait3A_168 = tpu.memref_slice %arg11[%add3A_12, %dma_wait3A_167] : memref<10240x128xf32, #tpu.memory_space<vmem_shared>> -> memref<120x128xf32, #tpu.memory_space<vmem_shared>>
      %dma_wait3A_169 = arith.constant 0 : i32
      %dma_wait3A_170 = tpu.memref_slice %arg11[%add3A_12, %dma_wait3A_169] : memref<10240x128xf32, #tpu.memory_space<vmem_shared>> -> memref<120x128xf32, #tpu.memory_space<vmem_shared>>
      tpu.wait_dma2 semaphore(%run_scoped3A_162 : memref<!tpu.dma_semaphore, #tpu.memory_space<semaphore_mem>>) src(%arg9 : memref<120x128xf32, #tpu.memory_space<vmem>>) dst(%dma_wait3A_170 : memref<120x128xf32, #tpu.memory_space<vmem_shared>>)
      tpu.yield
    }) : () -> ()
    %mul3A_13 = arith.constant 640 : i32
    %mul3A_14 = arith.muli %arg1, %mul3A_13 : i32
    %add3A_15 = arith.constant 240 : i32
    %add3A_16 = arith.addi %mul3A_14, %add3A_15 : i32
    "tpu.region"() ({
      %run_scoped3A_162 = tpu.sem_alloc : memref<!tpu.dma_semaphore, #tpu.memory_space<semaphore_mem>>
      %dma_start3A_163 = arith.constant 0 : i32
      %dma_start3A_164 = tpu.memref_slice %arg11[%add3A_16, %dma_start3A_163] : memref<10240x128xf32, #tpu.memory_space<vmem_shared>> -> memref<120x128xf32, #tpu.memory_space<vmem_shared>>
      %dma_start3A_165 = arith.constant 0 : i32
      %dma_start3A_166 = tpu.memref_slice %arg11[%add3A_16, %dma_start3A_165] : memref<10240x128xf32, #tpu.memory_space<vmem_shared>> -> memref<120x128xf32, #tpu.memory_space<vmem_shared>>
      tpu.enqueue_dma source(%arg9 : memref<120x128xf32, #tpu.memory_space<vmem>>) target(%dma_start3A_166 : memref<120x128xf32, #tpu.memory_space<vmem_shared>>) target_semaphore(%run_scoped3A_162 : memref<!tpu.dma_semaphore, #tpu.memory_space<semaphore_mem>>)
      %dma_wait3A_167 = arith.constant 0 : i32
      %dma_wait3A_168 = tpu.memref_slice %arg11[%add3A_16, %dma_wait3A_167] : memref<10240x128xf32, #tpu.memory_space<vmem_shared>> -> memref<120x128xf32, #tpu.memory_space<vmem_shared>>
      %dma_wait3A_169 = arith.constant 0 : i32
      %dma_wait3A_170 = tpu.memref_slice %arg11[%add3A_16, %dma_wait3A_169] : memref<10240x128xf32, #tpu.memory_space<vmem_shared>> -> memref<120x128xf32, #tpu.memory_space<vmem_shared>>
      tpu.wait_dma2 semaphore(%run_scoped3A_162 : memref<!tpu.dma_semaphore, #tpu.memory_space<semaphore_mem>>) src(%arg9 : memref<120x128xf32, #tpu.memory_space<vmem>>) dst(%dma_wait3A_170 : memref<120x128xf32, #tpu.memory_space<vmem_shared>>)
      tpu.yield
    }) : () -> ()
    %mul3A_17 = arith.constant 640 : i32
    %mul3A_18 = arith.muli %arg1, %mul3A_17 : i32
    %add3A_19 = arith.constant 360 : i32
    %add3A_20 = arith.addi %mul3A_18, %add3A_19 : i32
    "tpu.region"() ({
      %run_scoped3A_162 = tpu.sem_alloc : memref<!tpu.dma_semaphore, #tpu.memory_space<semaphore_mem>>
      %dma_start3A_163 = arith.constant 0 : i32
      %dma_start3A_164 = tpu.memref_slice %arg11[%add3A_20, %dma_start3A_163] : memref<10240x128xf32, #tpu.memory_space<vmem_shared>> -> memref<120x128xf32, #tpu.memory_space<vmem_shared>>
      %dma_start3A_165 = arith.constant 0 : i32
      %dma_start3A_166 = tpu.memref_slice %arg11[%add3A_20, %dma_start3A_165] : memref<10240x128xf32, #tpu.memory_space<vmem_shared>> -> memref<120x128xf32, #tpu.memory_space<vmem_shared>>
      tpu.enqueue_dma source(%arg9 : memref<120x128xf32, #tpu.memory_space<vmem>>) target(%dma_start3A_166 : memref<120x128xf32, #tpu.memory_space<vmem_shared>>) target_semaphore(%run_scoped3A_162 : memref<!tpu.dma_semaphore, #tpu.memory_space<semaphore_mem>>)
      %dma_wait3A_167 = arith.constant 0 : i32
      %dma_wait3A_168 = tpu.memref_slice %arg11[%add3A_20, %dma_wait3A_167] : memref<10240x128xf32, #tpu.memory_space<vmem_shared>> -> memref<120x128xf32, #tpu.memory_space<vmem_shared>>
      %dma_wait3A_169 = arith.constant 0 : i32
      %dma_wait3A_170 = tpu.memref_slice %arg11[%add3A_20, %dma_wait3A_169] : memref<10240x128xf32, #tpu.memory_space<vmem_shared>> -> memref<120x128xf32, #tpu.memory_space<vmem_shared>>
      tpu.wait_dma2 semaphore(%run_scoped3A_162 : memref<!tpu.dma_semaphore, #tpu.memory_space<semaphore_mem>>) src(%arg9 : memref<120x128xf32, #tpu.memory_space<vmem>>) dst(%dma_wait3A_170 : memref<120x128xf32, #tpu.memory_space<vmem_shared>>)
      tpu.yield
    }) : () -> ()
    %mul3A_21 = arith.constant 640 : i32
    %mul3A_22 = arith.muli %arg1, %mul3A_21 : i32
    %add3A_23 = arith.constant 480 : i32
    %add3A_24 = arith.addi %mul3A_22, %add3A_23 : i32
    "tpu.region"() ({
      %run_scoped3A_162 = tpu.sem_alloc : memref<!tpu.dma_semaphore, #tpu.memory_space<semaphore_mem>>
      %dma_start3A_163 = arith.constant 0 : i32
      %dma_start3A_164 = tpu.memref_slice %arg11[%add3A_24, %dma_start3A_163] : memref<10240x128xf32, #tpu.memory_space<vmem_shared>> -> memref<120x128xf32, #tpu.memory_space<vmem_shared>>
      %dma_start3A_165 = arith.constant 0 : i32
      %dma_start3A_166 = tpu.memref_slice %arg11[%add3A_24, %dma_start3A_165] : memref<10240x128xf32, #tpu.memory_space<vmem_shared>> -> memref<120x128xf32, #tpu.memory_space<vmem_shared>>
      tpu.enqueue_dma source(%arg9 : memref<120x128xf32, #tpu.memory_space<vmem>>) target(%dma_start3A_166 : memref<120x128xf32, #tpu.memory_space<vmem_shared>>) target_semaphore(%run_scoped3A_162 : memref<!tpu.dma_semaphore, #tpu.memory_space<semaphore_mem>>)
      %dma_wait3A_167 = arith.constant 0 : i32
      %dma_wait3A_168 = tpu.memref_slice %arg11[%add3A_24, %dma_wait3A_167] : memref<10240x128xf32, #tpu.memory_space<vmem_shared>> -> memref<120x128xf32, #tpu.memory_space<vmem_shared>>
      %dma_wait3A_169 = arith.constant 0 : i32
      %dma_wait3A_170 = tpu.memref_slice %arg11[%add3A_24, %dma_wait3A_169] : memref<10240x128xf32, #tpu.memory_space<vmem_shared>> -> memref<120x128xf32, #tpu.memory_space<vmem_shared>>
      tpu.wait_dma2 semaphore(%run_scoped3A_162 : memref<!tpu.dma_semaphore, #tpu.memory_space<semaphore_mem>>) src(%arg9 : memref<120x128xf32, #tpu.memory_space<vmem>>) dst(%dma_wait3A_170 : memref<120x128xf32, #tpu.memory_space<vmem_shared>>)
      tpu.yield
    }) : () -> ()
    %mul3A_25 = arith.constant 640 : i32
    %mul3A_26 = arith.muli %arg1, %mul3A_25 : i32
    %add3A_27 = arith.constant 600 : i32
    %add3A_28 = arith.addi %mul3A_26, %add3A_27 : i32
    "tpu.region"() ({
      %run_scoped3A_162 = tpu.sem_alloc : memref<!tpu.dma_semaphore, #tpu.memory_space<semaphore_mem>>
      %dma_start3A_163 = arith.constant 0 : i32
      %dma_start3A_164 = arith.constant 0 : i32
      %dma_start3A_165 = tpu.memref_slice %arg9[%dma_start3A_163, %dma_start3A_164] : memref<120x128xf32, #tpu.memory_space<vmem>> -> memref<40x128xf32, #tpu.memory_space<vmem>>
      %dma_start3A_166 = arith.constant 0 : i32
      %dma_start3A_167 = tpu.memref_slice %arg11[%add3A_28, %dma_start3A_166] : memref<10240x128xf32, #tpu.memory_space<vmem_shared>> -> memref<40x128xf32, #tpu.memory_space<vmem_shared>>
      %dma_start3A_168 = arith.constant 0 : i32
      %dma_start3A_169 = tpu.memref_slice %arg11[%add3A_28, %dma_start3A_168] : memref<10240x128xf32, #tpu.memory_space<vmem_shared>> -> memref<40x128xf32, #tpu.memory_space<vmem_shared>>
      %dma_start3A_170 = arith.constant 0 : i32
      %dma_start3A_171 = arith.constant 0 : i32
      %dma_start3A_172 = tpu.memref_slice %arg9[%dma_start3A_170, %dma_start3A_171] : memref<120x128xf32, #tpu.memory_space<vmem>> -> memref<40x128xf32, #tpu.memory_space<vmem>>
      tpu.enqueue_dma source(%dma_start3A_172 : memref<40x128xf32, #tpu.memory_space<vmem>>) target(%dma_start3A_169 : memref<40x128xf32, #tpu.memory_space<vmem_shared>>) target_semaphore(%run_scoped3A_162 : memref<!tpu.dma_semaphore, #tpu.memory_space<semaphore_mem>>)
      %dma_wait3A_173 = arith.constant 0 : i32
      %dma_wait3A_174 = arith.constant 0 : i32
      %dma_wait3A_175 = tpu.memref_slice %arg9[%dma_wait3A_173, %dma_wait3A_174] : memref<120x128xf32, #tpu.memory_space<vmem>> -> memref<40x128xf32, #tpu.memory_space<vmem>>
      %dma_wait3A_176 = arith.constant 0 : i32
      %dma_wait3A_177 = tpu.memref_slice %arg11[%add3A_28, %dma_wait3A_176] : memref<10240x128xf32, #tpu.memory_space<vmem_shared>> -> memref<40x128xf32, #tpu.memory_space<vmem_shared>>
      %dma_wait3A_178 = arith.constant 0 : i32
      %dma_wait3A_179 = tpu.memref_slice %arg11[%add3A_28, %dma_wait3A_178] : memref<10240x128xf32, #tpu.memory_space<vmem_shared>> -> memref<40x128xf32, #tpu.memory_space<vmem_shared>>
      %dma_wait3A_180 = arith.constant 0 : i32
      %dma_wait3A_181 = arith.constant 0 : i32
      %dma_wait3A_182 = tpu.memref_slice %arg9[%dma_wait3A_180, %dma_wait3A_181] : memref<120x128xf32, #tpu.memory_space<vmem>> -> memref<40x128xf32, #tpu.memory_space<vmem>>
      tpu.wait_dma2 semaphore(%run_scoped3A_162 : memref<!tpu.dma_semaphore, #tpu.memory_space<semaphore_mem>>) src(%dma_wait3A_182 : memref<40x128xf32, #tpu.memory_space<vmem>>) dst(%dma_wait3A_179 : memref<40x128xf32, #tpu.memory_space<vmem_shared>>)
      tpu.yield
    }) : () -> ()
    %barrier3A = arith.constant 0 : index
    tpu.barrier barrier_id(%barrier3A)
    %scan3A = arith.constant 0 : i32
    %scan3A_29 = arith.constant 0 : i32
    %scan3A_30 = arith.constant 20 : i32
    %scan3A_31 = arith.addi %scan3A_29, %scan3A_30 : i32
    %scan3A_32 = arith.constant 1 : i32
    scf.for %scan3A_162 = %scan3A_29 to %scan3A_31 step %scan3A_32  : i32 {
      %mul3A_163 = arith.constant 2 : i32
      %mul3A_164 = arith.muli %mul3A_163, %scan3A_162 : i32
      %mul3A_165 = arith.constant 2 : i32
      %mul3A_166 = arith.muli %mul3A_165, %scan3A_162 : i32
      %add3A_167 = arith.constant 1 : i32
      %add3A_168 = arith.addi %mul3A_166, %add3A_167 : i32
      %mul3A_169 = arith.constant 120 : i32
      %mul3A_170 = arith.muli %mul3A_164, %mul3A_169 : i32
      %add3A_171 = arith.addi %mul3A_2, %mul3A_170 : i32
      %dma_start3A_172 = arith.constant 0 : i32
      %dma_start3A_173 = tpu.memref_slice %arg2[%add3A_171, %dma_start3A_172] : memref<160000x128xf32, #tpu.memory_space<hbm>> -> memref<120x128xf32, #tpu.memory_space<hbm>>
      %dma_start3A_174 = arith.constant 0 : i32
      %dma_start3A_175 = tpu.memref_slice %arg2[%add3A_171, %dma_start3A_174] : memref<160000x128xf32, #tpu.memory_space<hbm>> -> memref<120x128xf32, #tpu.memory_space<hbm>>
      tpu.enqueue_dma source(%dma_start3A_175 : memref<120x128xf32, #tpu.memory_space<hbm>>) target(%arg9 : memref<120x128xf32, #tpu.memory_space<vmem>>) target_semaphore(%arg12 : memref<!tpu.dma_semaphore, #tpu.memory_space<semaphore_mem>>)
      %mul3A_176 = arith.constant 120 : i32
      %mul3A_177 = arith.muli %add3A_168, %mul3A_176 : i32
      %add3A_178 = arith.addi %mul3A_2, %mul3A_177 : i32
      %dma_start3A_179 = arith.constant 0 : i32
      %dma_start3A_180 = tpu.memref_slice %arg2[%add3A_178, %dma_start3A_179] : memref<160000x128xf32, #tpu.memory_space<hbm>> -> memref<120x128xf32, #tpu.memory_space<hbm>>
      %dma_start3A_181 = arith.constant 0 : i32
      %dma_start3A_182 = tpu.memref_slice %arg2[%add3A_178, %dma_start3A_181] : memref<160000x128xf32, #tpu.memory_space<hbm>> -> memref<120x128xf32, #tpu.memory_space<hbm>>
      tpu.enqueue_dma source(%dma_start3A_182 : memref<120x128xf32, #tpu.memory_space<hbm>>) target(%arg10 : memref<120x128xf32, #tpu.memory_space<vmem>>) target_semaphore(%arg13 : memref<!tpu.dma_semaphore, #tpu.memory_space<semaphore_mem>>)
      %dma_wait3A_183 = arith.constant 0 : i32
      %dma_wait3A_184 = tpu.memref_slice %arg2[%add3A_171, %dma_wait3A_183] : memref<160000x128xf32, #tpu.memory_space<hbm>> -> memref<120x128xf32, #tpu.memory_space<hbm>>
      %dma_wait3A_185 = arith.constant 0 : i32
      %dma_wait3A_186 = tpu.memref_slice %arg2[%add3A_171, %dma_wait3A_185] : memref<160000x128xf32, #tpu.memory_space<hbm>> -> memref<120x128xf32, #tpu.memory_space<hbm>>
      tpu.wait_dma2 semaphore(%arg12 : memref<!tpu.dma_semaphore, #tpu.memory_space<semaphore_mem>>) src(%dma_wait3A_186 : memref<120x128xf32, #tpu.memory_space<hbm>>) dst(%arg9 : memref<120x128xf32, #tpu.memory_space<vmem>>)
      %dma_start3A_187 = arith.constant 0 : i32
      %dma_start3A_188 = tpu.memref_slice %arg7[%mul3A_164, %dma_start3A_187] : memref<42x120xi32, #tpu.memory_space<vmem>> -> memref<1x120xi32, #tpu.memory_space<vmem>>
      %dma_start3A_189 = tpu.memref_squeeze %dma_start3A_188 : memref<1x120xi32, #tpu.memory_space<vmem>> -> memref<120xi32, #tpu.memory_space<vmem>>
      %dma_start3A_190 = arith.constant 0 : i32
      %dma_start3A_191 = arith.constant 0 : i32
      %dma_start3A_192 = tpu.memref_slice %arg11[%dma_start3A_190, %dma_start3A_191] : memref<10240x128xf32, #tpu.memory_space<vmem_shared>> -> memref<10240x128xf32, #tpu.memory_space<vmem_shared>>
      tpu.enqueue_indirect_dma source(%arg9 : memref<120x128xf32, #tpu.memory_space<vmem>>) target(%dma_start3A_192 : memref<10240x128xf32, #tpu.memory_space<vmem_shared>>) offsets(%dma_start3A_189 : memref<120xi32, #tpu.memory_space<vmem>>) semaphore(%arg14 : memref<!tpu.dma_semaphore, #tpu.memory_space<semaphore_mem>>) {add = true}
      %dma_wait3A_193 = arith.constant 0 : i32
      %dma_wait3A_194 = tpu.memref_slice %arg2[%add3A_178, %dma_wait3A_193] : memref<160000x128xf32, #tpu.memory_space<hbm>> -> memref<120x128xf32, #tpu.memory_space<hbm>>
      %dma_wait3A_195 = arith.constant 0 : i32
      %dma_wait3A_196 = tpu.memref_slice %arg2[%add3A_178, %dma_wait3A_195] : memref<160000x128xf32, #tpu.memory_space<hbm>> -> memref<120x128xf32, #tpu.memory_space<hbm>>
      tpu.wait_dma2 semaphore(%arg13 : memref<!tpu.dma_semaphore, #tpu.memory_space<semaphore_mem>>) src(%dma_wait3A_196 : memref<120x128xf32, #tpu.memory_space<hbm>>) dst(%arg10 : memref<120x128xf32, #tpu.memory_space<vmem>>)
      %dma_start3A_197 = arith.constant 0 : i32
      %dma_start3A_198 = tpu.memref_slice %arg7[%add3A_168, %dma_start3A_197] : memref<42x120xi32, #tpu.memory_space<vmem>> -> memref<1x120xi32, #tpu.memory_space<vmem>>
      %dma_start3A_199 = tpu.memref_squeeze %dma_start3A_198 : memref<1x120xi32, #tpu.memory_space<vmem>> -> memref<120xi32, #tpu.memory_space<vmem>>
      %dma_start3A_200 = arith.constant 0 : i32
      %dma_start3A_201 = arith.constant 0 : i32
      %dma_start3A_202 = tpu.memref_slice %arg11[%dma_start3A_200, %dma_start3A_201] : memref<10240x128xf32, #tpu.memory_space<vmem_shared>> -> memref<10240x128xf32, #tpu.memory_space<vmem_shared>>
      tpu.enqueue_indirect_dma source(%arg10 : memref<120x128xf32, #tpu.memory_space<vmem>>) target(%dma_start3A_202 : memref<10240x128xf32, #tpu.memory_space<vmem_shared>>) offsets(%dma_start3A_199 : memref<120xi32, #tpu.memory_space<vmem>>) semaphore(%arg15 : memref<!tpu.dma_semaphore, #tpu.memory_space<semaphore_mem>>) {add = true}
      %dma_wait3A_203 = arith.constant 0 : i32
      %dma_wait3A_204 = tpu.memref_slice %arg7[%mul3A_164, %dma_wait3A_203] : memref<42x120xi32, #tpu.memory_space<vmem>> -> memref<1x120xi32, #tpu.memory_space<vmem>>
      %dma_wait3A_205 = tpu.memref_squeeze %dma_wait3A_204 : memref<1x120xi32, #tpu.memory_space<vmem>> -> memref<120xi32, #tpu.memory_space<vmem>>
      %dma_wait3A_206 = arith.constant 0 : i32
      %dma_wait3A_207 = arith.constant 0 : i32
      %dma_wait3A_208 = tpu.memref_slice %arg11[%dma_wait3A_206, %dma_wait3A_207] : memref<10240x128xf32, #tpu.memory_space<vmem_shared>> -> memref<10240x128xf32, #tpu.memory_space<vmem_shared>>
      tpu.wait_indirect_dma semaphore(%arg14 : memref<!tpu.dma_semaphore, #tpu.memory_space<semaphore_mem>>) src(%arg9 : memref<120x128xf32, #tpu.memory_space<vmem>>) dst(%dma_wait3A_208 : memref<10240x128xf32, #tpu.memory_space<vmem_shared>>)
      %dma_wait3A_209 = arith.constant 0 : i32
      %dma_wait3A_210 = tpu.memref_slice %arg7[%add3A_168, %dma_wait3A_209] : memref<42x120xi32, #tpu.memory_space<vmem>> -> memref<1x120xi32, #tpu.memory_space<vmem>>
      %dma_wait3A_211 = tpu.memref_squeeze %dma_wait3A_210 : memref<1x120xi32, #tpu.memory_space<vmem>> -> memref<120xi32, #tpu.memory_space<vmem>>
      %dma_wait3A_212 = arith.constant 0 : i32
      %dma_wait3A_213 = arith.constant 0 : i32
      %dma_wait3A_214 = tpu.memref_slice %arg11[%dma_wait3A_212, %dma_wait3A_213] : memref<10240x128xf32, #tpu.memory_space<vmem_shared>> -> memref<10240x128xf32, #tpu.memory_space<vmem_shared>>
      tpu.wait_indirect_dma semaphore(%arg15 : memref<!tpu.dma_semaphore, #tpu.memory_space<semaphore_mem>>) src(%arg10 : memref<120x128xf32, #tpu.memory_space<vmem>>) dst(%dma_wait3A_214 : memref<10240x128xf32, #tpu.memory_space<vmem_shared>>)
    }
    %scan3A_33 = arith.constant 20 : i32
    %add3A_34 = arith.constant 4800 : i32
    %add3A_35 = arith.addi %mul3A_2, %add3A_34 : i32
    %dma_start3A = arith.constant 0 : i32
    %dma_start3A_36 = tpu.memref_slice %arg2[%add3A_35, %dma_start3A] : memref<160000x128xf32, #tpu.memory_space<hbm>> -> memref<120x128xf32, #tpu.memory_space<hbm>>
    %dma_start3A_37 = arith.constant 0 : i32
    %dma_start3A_38 = tpu.memref_slice %arg2[%add3A_35, %dma_start3A_37] : memref<160000x128xf32, #tpu.memory_space<hbm>> -> memref<120x128xf32, #tpu.memory_space<hbm>>
    tpu.enqueue_dma source(%dma_start3A_38 : memref<120x128xf32, #tpu.memory_space<hbm>>) target(%arg9 : memref<120x128xf32, #tpu.memory_space<vmem>>) target_semaphore(%arg12 : memref<!tpu.dma_semaphore, #tpu.memory_space<semaphore_mem>>)
    %add3A_39 = arith.constant 4920 : i32
    %add3A_40 = arith.addi %mul3A_2, %add3A_39 : i32
    %dma_start3A_41 = arith.constant 0 : i32
    %dma_start3A_42 = arith.constant 0 : i32
    %dma_start3A_43 = tpu.memref_slice %arg10[%dma_start3A_41, %dma_start3A_42] : memref<120x128xf32, #tpu.memory_space<vmem>> -> memref<80x128xf32, #tpu.memory_space<vmem>>
    %dma_start3A_44 = arith.constant 0 : i32
    %dma_start3A_45 = tpu.memref_slice %arg2[%add3A_40, %dma_start3A_44] : memref<160000x128xf32, #tpu.memory_space<hbm>> -> memref<80x128xf32, #tpu.memory_space<hbm>>
    %dma_start3A_46 = arith.constant 0 : i32
    %dma_start3A_47 = arith.constant 0 : i32
    %dma_start3A_48 = tpu.memref_slice %arg10[%dma_start3A_46, %dma_start3A_47] : memref<120x128xf32, #tpu.memory_space<vmem>> -> memref<80x128xf32, #tpu.memory_space<vmem>>
    %dma_start3A_49 = arith.constant 0 : i32
    %dma_start3A_50 = tpu.memref_slice %arg2[%add3A_40, %dma_start3A_49] : memref<160000x128xf32, #tpu.memory_space<hbm>> -> memref<80x128xf32, #tpu.memory_space<hbm>>
    tpu.enqueue_dma source(%dma_start3A_50 : memref<80x128xf32, #tpu.memory_space<hbm>>) target(%dma_start3A_48 : memref<80x128xf32, #tpu.memory_space<vmem>>) target_semaphore(%arg13 : memref<!tpu.dma_semaphore, #tpu.memory_space<semaphore_mem>>)
    %dma_wait3A = arith.constant 0 : i32
    %dma_wait3A_51 = tpu.memref_slice %arg2[%add3A_35, %dma_wait3A] : memref<160000x128xf32, #tpu.memory_space<hbm>> -> memref<120x128xf32, #tpu.memory_space<hbm>>
    %dma_wait3A_52 = arith.constant 0 : i32
    %dma_wait3A_53 = tpu.memref_slice %arg2[%add3A_35, %dma_wait3A_52] : memref<160000x128xf32, #tpu.memory_space<hbm>> -> memref<120x128xf32, #tpu.memory_space<hbm>>
    tpu.wait_dma2 semaphore(%arg12 : memref<!tpu.dma_semaphore, #tpu.memory_space<semaphore_mem>>) src(%dma_wait3A_53 : memref<120x128xf32, #tpu.memory_space<hbm>>) dst(%arg9 : memref<120x128xf32, #tpu.memory_space<vmem>>)
    %dma_start3A_54 = arith.constant 40 : i32
    %dma_start3A_55 = arith.constant 0 : i32
    %dma_start3A_56 = tpu.memref_slice %arg7[%dma_start3A_54, %dma_start3A_55] : memref<42x120xi32, #tpu.memory_space<vmem>> -> memref<1x120xi32, #tpu.memory_space<vmem>>
    %dma_start3A_57 = tpu.memref_squeeze %dma_start3A_56 : memref<1x120xi32, #tpu.memory_space<vmem>> -> memref<120xi32, #tpu.memory_space<vmem>>
    %dma_start3A_58 = arith.constant 0 : i32
    %dma_start3A_59 = arith.constant 0 : i32
    %dma_start3A_60 = tpu.memref_slice %arg11[%dma_start3A_58, %dma_start3A_59] : memref<10240x128xf32, #tpu.memory_space<vmem_shared>> -> memref<10240x128xf32, #tpu.memory_space<vmem_shared>>
    tpu.enqueue_indirect_dma source(%arg9 : memref<120x128xf32, #tpu.memory_space<vmem>>) target(%dma_start3A_60 : memref<10240x128xf32, #tpu.memory_space<vmem_shared>>) offsets(%dma_start3A_57 : memref<120xi32, #tpu.memory_space<vmem>>) semaphore(%arg14 : memref<!tpu.dma_semaphore, #tpu.memory_space<semaphore_mem>>) {add = true}
    %dma_wait3A_61 = arith.constant 0 : i32
    %dma_wait3A_62 = arith.constant 0 : i32
    %dma_wait3A_63 = tpu.memref_slice %arg10[%dma_wait3A_61, %dma_wait3A_62] : memref<120x128xf32, #tpu.memory_space<vmem>> -> memref<80x128xf32, #tpu.memory_space<vmem>>
    %dma_wait3A_64 = arith.constant 0 : i32
    %dma_wait3A_65 = tpu.memref_slice %arg2[%add3A_40, %dma_wait3A_64] : memref<160000x128xf32, #tpu.memory_space<hbm>> -> memref<80x128xf32, #tpu.memory_space<hbm>>
    %dma_wait3A_66 = arith.constant 0 : i32
    %dma_wait3A_67 = arith.constant 0 : i32
    %dma_wait3A_68 = tpu.memref_slice %arg10[%dma_wait3A_66, %dma_wait3A_67] : memref<120x128xf32, #tpu.memory_space<vmem>> -> memref<80x128xf32, #tpu.memory_space<vmem>>
    %dma_wait3A_69 = arith.constant 0 : i32
    %dma_wait3A_70 = tpu.memref_slice %arg2[%add3A_40, %dma_wait3A_69] : memref<160000x128xf32, #tpu.memory_space<hbm>> -> memref<80x128xf32, #tpu.memory_space<hbm>>
    tpu.wait_dma2 semaphore(%arg13 : memref<!tpu.dma_semaphore, #tpu.memory_space<semaphore_mem>>) src(%dma_wait3A_70 : memref<80x128xf32, #tpu.memory_space<hbm>>) dst(%dma_wait3A_68 : memref<80x128xf32, #tpu.memory_space<vmem>>)
    %dma_start3A_71 = arith.constant 41 : i32
    %dma_start3A_72 = arith.constant 0 : i32
    %dma_start3A_73 = tpu.memref_slice %arg7[%dma_start3A_71, %dma_start3A_72] : memref<42x120xi32, #tpu.memory_space<vmem>> -> memref<1x120xi32, #tpu.memory_space<vmem>>
    %dma_start3A_74 = tpu.memref_squeeze %dma_start3A_73 : memref<1x120xi32, #tpu.memory_space<vmem>> -> memref<120xi32, #tpu.memory_space<vmem>>
    %dma_start3A_75 = arith.constant 0 : i32
    %dma_start3A_76 = arith.constant 0 : i32
    %dma_start3A_77 = tpu.memref_slice %arg11[%dma_start3A_75, %dma_start3A_76] : memref<10240x128xf32, #tpu.memory_space<vmem_shared>> -> memref<10240x128xf32, #tpu.memory_space<vmem_shared>>
    tpu.enqueue_indirect_dma source(%arg10 : memref<120x128xf32, #tpu.memory_space<vmem>>) target(%dma_start3A_77 : memref<10240x128xf32, #tpu.memory_space<vmem_shared>>) offsets(%dma_start3A_74 : memref<120xi32, #tpu.memory_space<vmem>>) semaphore(%arg15 : memref<!tpu.dma_semaphore, #tpu.memory_space<semaphore_mem>>) {add = true}
    %dma_wait3A_78 = arith.constant 40 : i32
    %dma_wait3A_79 = arith.constant 0 : i32
    %dma_wait3A_80 = tpu.memref_slice %arg7[%dma_wait3A_78, %dma_wait3A_79] : memref<42x120xi32, #tpu.memory_space<vmem>> -> memref<1x120xi32, #tpu.memory_space<vmem>>
    %dma_wait3A_81 = tpu.memref_squeeze %dma_wait3A_80 : memref<1x120xi32, #tpu.memory_space<vmem>> -> memref<120xi32, #tpu.memory_space<vmem>>
    %dma_wait3A_82 = arith.constant 0 : i32
    %dma_wait3A_83 = arith.constant 0 : i32
    %dma_wait3A_84 = tpu.memref_slice %arg11[%dma_wait3A_82, %dma_wait3A_83] : memref<10240x128xf32, #tpu.memory_space<vmem_shared>> -> memref<10240x128xf32, #tpu.memory_space<vmem_shared>>
    tpu.wait_indirect_dma semaphore(%arg14 : memref<!tpu.dma_semaphore, #tpu.memory_space<semaphore_mem>>) src(%arg9 : memref<120x128xf32, #tpu.memory_space<vmem>>) dst(%dma_wait3A_84 : memref<10240x128xf32, #tpu.memory_space<vmem_shared>>)
    %dma_wait3A_85 = arith.constant 41 : i32
    %dma_wait3A_86 = arith.constant 0 : i32
    %dma_wait3A_87 = tpu.memref_slice %arg7[%dma_wait3A_85, %dma_wait3A_86] : memref<42x120xi32, #tpu.memory_space<vmem>> -> memref<1x120xi32, #tpu.memory_space<vmem>>
    %dma_wait3A_88 = tpu.memref_squeeze %dma_wait3A_87 : memref<1x120xi32, #tpu.memory_space<vmem>> -> memref<120xi32, #tpu.memory_space<vmem>>
    %dma_wait3A_89 = arith.constant 0 : i32
    %dma_wait3A_90 = arith.constant 0 : i32
    %dma_wait3A_91 = tpu.memref_slice %arg11[%dma_wait3A_89, %dma_wait3A_90] : memref<10240x128xf32, #tpu.memory_space<vmem_shared>> -> memref<10240x128xf32, #tpu.memory_space<vmem_shared>>
    tpu.wait_indirect_dma semaphore(%arg15 : memref<!tpu.dma_semaphore, #tpu.memory_space<semaphore_mem>>) src(%arg10 : memref<120x128xf32, #tpu.memory_space<vmem>>) dst(%dma_wait3A_91 : memref<10240x128xf32, #tpu.memory_space<vmem_shared>>)
    %barrier3A_92 = arith.constant 0 : index
    tpu.barrier barrier_id(%barrier3A_92)
    %run_scoped3A = arith.constant 0 : i32
    "tpu.region"() ({
      %run_scoped3A_162 = tpu.sem_alloc : memref<!tpu.dma_semaphore, #tpu.memory_space<semaphore_mem>>
      %dma_start3A_163 = arith.constant 0 : i32
      %dma_start3A_164 = tpu.memref_slice %arg6[%arg0, %run_scoped3A, %mul3A_4, %dma_start3A_163] : memref<2x2x10240x128xf32, #tpu.memory_space<hbm>> -> memref<1x1x640x128xf32, #tpu.memory_space<hbm>>
      %dma_start3A_165 = tpu.memref_squeeze %dma_start3A_164 : memref<1x1x640x128xf32, #tpu.memory_space<hbm>> -> memref<640x128xf32, #tpu.memory_space<hbm>>
      %dma_start3A_166 = arith.constant 0 : i32
      %dma_start3A_167 = tpu.memref_slice %arg11[%mul3A_4, %dma_start3A_166] : memref<10240x128xf32, #tpu.memory_space<vmem_shared>> -> memref<640x128xf32, #tpu.memory_space<vmem_shared>>
      tpu.enqueue_dma source(%dma_start3A_167 : memref<640x128xf32, #tpu.memory_space<vmem_shared>>) target(%dma_start3A_165 : memref<640x128xf32, #tpu.memory_space<hbm>>) target_semaphore(%run_scoped3A_162 : memref<!tpu.dma_semaphore, #tpu.memory_space<semaphore_mem>>)
      %dma_wait3A_168 = arith.constant 0 : i32
      %dma_wait3A_169 = tpu.memref_slice %arg6[%arg0, %run_scoped3A, %mul3A_4, %dma_wait3A_168] : memref<2x2x10240x128xf32, #tpu.memory_space<hbm>> -> memref<1x1x640x128xf32, #tpu.memory_space<hbm>>
      %dma_wait3A_170 = tpu.memref_squeeze %dma_wait3A_169 : memref<1x1x640x128xf32, #tpu.memory_space<hbm>> -> memref<640x128xf32, #tpu.memory_space<hbm>>
      %dma_wait3A_171 = arith.constant 0 : i32
      %dma_wait3A_172 = tpu.memref_slice %arg11[%mul3A_4, %dma_wait3A_171] : memref<10240x128xf32, #tpu.memory_space<vmem_shared>> -> memref<640x128xf32, #tpu.memory_space<vmem_shared>>
      tpu.wait_dma2 semaphore(%run_scoped3A_162 : memref<!tpu.dma_semaphore, #tpu.memory_space<semaphore_mem>>) src(%dma_wait3A_172 : memref<640x128xf32, #tpu.memory_space<vmem_shared>>) dst(%dma_wait3A_170 : memref<640x128xf32, #tpu.memory_space<hbm>>)
      tpu.yield
    }) : () -> ()
    %barrier3A_93 = arith.constant 0 : index
    tpu.barrier barrier_id(%barrier3A_93)
    %scan3A_94 = arith.constant 0 : i32
    %scan3A_95 = arith.constant 0 : i32
    %scan3A_96 = arith.constant 20 : i32
    %scan3A_97 = arith.addi %scan3A_95, %scan3A_96 : i32
    %scan3A_98 = arith.constant 1 : i32
    scf.for %scan3A_162 = %scan3A_95 to %scan3A_97 step %scan3A_98  : i32 {
      %mul3A_163 = arith.constant 2 : i32
      %mul3A_164 = arith.muli %mul3A_163, %scan3A_162 : i32
      %mul3A_165 = arith.constant 2 : i32
      %mul3A_166 = arith.muli %mul3A_165, %scan3A_162 : i32
      %add3A_167 = arith.constant 1 : i32
      %add3A_168 = arith.addi %mul3A_166, %add3A_167 : i32
      %mul3A_169 = arith.constant 120 : i32
      %mul3A_170 = arith.muli %mul3A_164, %mul3A_169 : i32
      %add3A_171 = arith.addi %mul3A_2, %mul3A_170 : i32
      %dma_start3A_172 = arith.constant 0 : i32
      %dma_start3A_173 = tpu.memref_slice %arg2[%add3A_171, %dma_start3A_172] : memref<160000x128xf32, #tpu.memory_space<hbm>> -> memref<120x128xf32, #tpu.memory_space<hbm>>
      %dma_start3A_174 = arith.constant 0 : i32
      %dma_start3A_175 = tpu.memref_slice %arg2[%add3A_171, %dma_start3A_174] : memref<160000x128xf32, #tpu.memory_space<hbm>> -> memref<120x128xf32, #tpu.memory_space<hbm>>
      tpu.enqueue_dma source(%dma_start3A_175 : memref<120x128xf32, #tpu.memory_space<hbm>>) target(%arg9 : memref<120x128xf32, #tpu.memory_space<vmem>>) target_semaphore(%arg12 : memref<!tpu.dma_semaphore, #tpu.memory_space<semaphore_mem>>)
      %mul3A_176 = arith.constant 120 : i32
      %mul3A_177 = arith.muli %add3A_168, %mul3A_176 : i32
      %add3A_178 = arith.addi %mul3A_2, %mul3A_177 : i32
      %dma_start3A_179 = arith.constant 0 : i32
      %dma_start3A_180 = tpu.memref_slice %arg2[%add3A_178, %dma_start3A_179] : memref<160000x128xf32, #tpu.memory_space<hbm>> -> memref<120x128xf32, #tpu.memory_space<hbm>>
      %dma_start3A_181 = arith.constant 0 : i32
      %dma_start3A_182 = tpu.memref_slice %arg2[%add3A_178, %dma_start3A_181] : memref<160000x128xf32, #tpu.memory_space<hbm>> -> memref<120x128xf32, #tpu.memory_space<hbm>>
      tpu.enqueue_dma source(%dma_start3A_182 : memref<120x128xf32, #tpu.memory_space<hbm>>) target(%arg10 : memref<120x128xf32, #tpu.memory_space<vmem>>) target_semaphore(%arg13 : memref<!tpu.dma_semaphore, #tpu.memory_space<semaphore_mem>>)
      %dma_wait3A_183 = arith.constant 0 : i32
      %dma_wait3A_184 = tpu.memref_slice %arg2[%add3A_171, %dma_wait3A_183] : memref<160000x128xf32, #tpu.memory_space<hbm>> -> memref<120x128xf32, #tpu.memory_space<hbm>>
      %dma_wait3A_185 = arith.constant 0 : i32
      %dma_wait3A_186 = tpu.memref_slice %arg2[%add3A_171, %dma_wait3A_185] : memref<160000x128xf32, #tpu.memory_space<hbm>> -> memref<120x128xf32, #tpu.memory_space<hbm>>
      tpu.wait_dma2 semaphore(%arg12 : memref<!tpu.dma_semaphore, #tpu.memory_space<semaphore_mem>>) src(%dma_wait3A_186 : memref<120x128xf32, #tpu.memory_space<hbm>>) dst(%arg9 : memref<120x128xf32, #tpu.memory_space<vmem>>)
      %dma_start3A_187 = arith.constant 0 : i32
      %dma_start3A_188 = tpu.memref_slice %arg8[%mul3A_164, %dma_start3A_187] : memref<42x120xi32, #tpu.memory_space<vmem>> -> memref<1x120xi32, #tpu.memory_space<vmem>>
      %dma_start3A_189 = tpu.memref_squeeze %dma_start3A_188 : memref<1x120xi32, #tpu.memory_space<vmem>> -> memref<120xi32, #tpu.memory_space<vmem>>
      %dma_start3A_190 = arith.constant 0 : i32
      %dma_start3A_191 = arith.constant 0 : i32
      %dma_start3A_192 = tpu.memref_slice %arg11[%dma_start3A_190, %dma_start3A_191] : memref<10240x128xf32, #tpu.memory_space<vmem_shared>> -> memref<10240x128xf32, #tpu.memory_space<vmem_shared>>
      tpu.enqueue_indirect_dma source(%arg9 : memref<120x128xf32, #tpu.memory_space<vmem>>) target(%dma_start3A_192 : memref<10240x128xf32, #tpu.memory_space<vmem_shared>>) offsets(%dma_start3A_189 : memref<120xi32, #tpu.memory_space<vmem>>) semaphore(%arg14 : memref<!tpu.dma_semaphore, #tpu.memory_space<semaphore_mem>>) {add = true}
      %dma_wait3A_193 = arith.constant 0 : i32
      %dma_wait3A_194 = tpu.memref_slice %arg2[%add3A_178, %dma_wait3A_193] : memref<160000x128xf32, #tpu.memory_space<hbm>> -> memref<120x128xf32, #tpu.memory_space<hbm>>
      %dma_wait3A_195 = arith.constant 0 : i32
      %dma_wait3A_196 = tpu.memref_slice %arg2[%add3A_178, %dma_wait3A_195] : memref<160000x128xf32, #tpu.memory_space<hbm>> -> memref<120x128xf32, #tpu.memory_space<hbm>>
      tpu.wait_dma2 semaphore(%arg13 : memref<!tpu.dma_semaphore, #tpu.memory_space<semaphore_mem>>) src(%dma_wait3A_196 : memref<120x128xf32, #tpu.memory_space<hbm>>) dst(%arg10 : memref<120x128xf32, #tpu.memory_space<vmem>>)
      %dma_start3A_197 = arith.constant 0 : i32
      %dma_start3A_198 = tpu.memref_slice %arg8[%add3A_168, %dma_start3A_197] : memref<42x120xi32, #tpu.memory_space<vmem>> -> memref<1x120xi32, #tpu.memory_space<vmem>>
      %dma_start3A_199 = tpu.memref_squeeze %dma_start3A_198 : memref<1x120xi32, #tpu.memory_space<vmem>> -> memref<120xi32, #tpu.memory_space<vmem>>
      %dma_start3A_200 = arith.constant 0 : i32
      %dma_start3A_201 = arith.constant 0 : i32
      %dma_start3A_202 = tpu.memref_slice %arg11[%dma_start3A_200, %dma_start3A_201] : memref<10240x128xf32, #tpu.memory_space<vmem_shared>> -> memref<10240x128xf32, #tpu.memory_space<vmem_shared>>
      tpu.enqueue_indirect_dma source(%arg10 : memref<120x128xf32, #tpu.memory_space<vmem>>) target(%dma_start3A_202 : memref<10240x128xf32, #tpu.memory_space<vmem_shared>>) offsets(%dma_start3A_199 : memref<120xi32, #tpu.memory_space<vmem>>) semaphore(%arg15 : memref<!tpu.dma_semaphore, #tpu.memory_space<semaphore_mem>>) {add = true}
      %dma_wait3A_203 = arith.constant 0 : i32
      %dma_wait3A_204 = tpu.memref_slice %arg8[%mul3A_164, %dma_wait3A_203] : memref<42x120xi32, #tpu.memory_space<vmem>> -> memref<1x120xi32, #tpu.memory_space<vmem>>
      %dma_wait3A_205 = tpu.memref_squeeze %dma_wait3A_204 : memref<1x120xi32, #tpu.memory_space<vmem>> -> memref<120xi32, #tpu.memory_space<vmem>>
      %dma_wait3A_206 = arith.constant 0 : i32
      %dma_wait3A_207 = arith.constant 0 : i32
      %dma_wait3A_208 = tpu.memref_slice %arg11[%dma_wait3A_206, %dma_wait3A_207] : memref<10240x128xf32, #tpu.memory_space<vmem_shared>> -> memref<10240x128xf32, #tpu.memory_space<vmem_shared>>
      tpu.wait_indirect_dma semaphore(%arg14 : memref<!tpu.dma_semaphore, #tpu.memory_space<semaphore_mem>>) src(%arg9 : memref<120x128xf32, #tpu.memory_space<vmem>>) dst(%dma_wait3A_208 : memref<10240x128xf32, #tpu.memory_space<vmem_shared>>)
      %dma_wait3A_209 = arith.constant 0 : i32
      %dma_wait3A_210 = tpu.memref_slice %arg8[%add3A_168, %dma_wait3A_209] : memref<42x120xi32, #tpu.memory_space<vmem>> -> memref<1x120xi32, #tpu.memory_space<vmem>>
      %dma_wait3A_211 = tpu.memref_squeeze %dma_wait3A_210 : memref<1x120xi32, #tpu.memory_space<vmem>> -> memref<120xi32, #tpu.memory_space<vmem>>
      %dma_wait3A_212 = arith.constant 0 : i32
      %dma_wait3A_213 = arith.constant 0 : i32
      %dma_wait3A_214 = tpu.memref_slice %arg11[%dma_wait3A_212, %dma_wait3A_213] : memref<10240x128xf32, #tpu.memory_space<vmem_shared>> -> memref<10240x128xf32, #tpu.memory_space<vmem_shared>>
      tpu.wait_indirect_dma semaphore(%arg15 : memref<!tpu.dma_semaphore, #tpu.memory_space<semaphore_mem>>) src(%arg10 : memref<120x128xf32, #tpu.memory_space<vmem>>) dst(%dma_wait3A_214 : memref<10240x128xf32, #tpu.memory_space<vmem_shared>>)
    }
    %scan3A_99 = arith.constant 20 : i32
    %add3A_100 = arith.constant 4800 : i32
    %add3A_101 = arith.addi %mul3A_2, %add3A_100 : i32
    %dma_start3A_102 = arith.constant 0 : i32
    %dma_start3A_103 = tpu.memref_slice %arg2[%add3A_101, %dma_start3A_102] : memref<160000x128xf32, #tpu.memory_space<hbm>> -> memref<120x128xf32, #tpu.memory_space<hbm>>
    %dma_start3A_104 = arith.constant 0 : i32
    %dma_start3A_105 = tpu.memref_slice %arg2[%add3A_101, %dma_start3A_104] : memref<160000x128xf32, #tpu.memory_space<hbm>> -> memref<120x128xf32, #tpu.memory_space<hbm>>
    tpu.enqueue_dma source(%dma_start3A_105 : memref<120x128xf32, #tpu.memory_space<hbm>>) target(%arg9 : memref<120x128xf32, #tpu.memory_space<vmem>>) target_semaphore(%arg12 : memref<!tpu.dma_semaphore, #tpu.memory_space<semaphore_mem>>)
    %add3A_106 = arith.constant 4920 : i32
    %add3A_107 = arith.addi %mul3A_2, %add3A_106 : i32
    %dma_start3A_108 = arith.constant 0 : i32
    %dma_start3A_109 = arith.constant 0 : i32
    %dma_start3A_110 = tpu.memref_slice %arg10[%dma_start3A_108, %dma_start3A_109] : memref<120x128xf32, #tpu.memory_space<vmem>> -> memref<80x128xf32, #tpu.memory_space<vmem>>
    %dma_start3A_111 = arith.constant 0 : i32
    %dma_start3A_112 = tpu.memref_slice %arg2[%add3A_107, %dma_start3A_111] : memref<160000x128xf32, #tpu.memory_space<hbm>> -> memref<80x128xf32, #tpu.memory_space<hbm>>
    %dma_start3A_113 = arith.constant 0 : i32
    %dma_start3A_114 = arith.constant 0 : i32
    %dma_start3A_115 = tpu.memref_slice %arg10[%dma_start3A_113, %dma_start3A_114] : memref<120x128xf32, #tpu.memory_space<vmem>> -> memref<80x128xf32, #tpu.memory_space<vmem>>
    %dma_start3A_116 = arith.constant 0 : i32
    %dma_start3A_117 = tpu.memref_slice %arg2[%add3A_107, %dma_start3A_116] : memref<160000x128xf32, #tpu.memory_space<hbm>> -> memref<80x128xf32, #tpu.memory_space<hbm>>
    tpu.enqueue_dma source(%dma_start3A_117 : memref<80x128xf32, #tpu.memory_space<hbm>>) target(%dma_start3A_115 : memref<80x128xf32, #tpu.memory_space<vmem>>) target_semaphore(%arg13 : memref<!tpu.dma_semaphore, #tpu.memory_space<semaphore_mem>>)
    %dma_wait3A_118 = arith.constant 0 : i32
    %dma_wait3A_119 = tpu.memref_slice %arg2[%add3A_101, %dma_wait3A_118] : memref<160000x128xf32, #tpu.memory_space<hbm>> -> memref<120x128xf32, #tpu.memory_space<hbm>>
    %dma_wait3A_120 = arith.constant 0 : i32
    %dma_wait3A_121 = tpu.memref_slice %arg2[%add3A_101, %dma_wait3A_120] : memref<160000x128xf32, #tpu.memory_space<hbm>> -> memref<120x128xf32, #tpu.memory_space<hbm>>
    tpu.wait_dma2 semaphore(%arg12 : memref<!tpu.dma_semaphore, #tpu.memory_space<semaphore_mem>>) src(%dma_wait3A_121 : memref<120x128xf32, #tpu.memory_space<hbm>>) dst(%arg9 : memref<120x128xf32, #tpu.memory_space<vmem>>)
    %dma_start3A_122 = arith.constant 40 : i32
    %dma_start3A_123 = arith.constant 0 : i32
    %dma_start3A_124 = tpu.memref_slice %arg8[%dma_start3A_122, %dma_start3A_123] : memref<42x120xi32, #tpu.memory_space<vmem>> -> memref<1x120xi32, #tpu.memory_space<vmem>>
    %dma_start3A_125 = tpu.memref_squeeze %dma_start3A_124 : memref<1x120xi32, #tpu.memory_space<vmem>> -> memref<120xi32, #tpu.memory_space<vmem>>
    %dma_start3A_126 = arith.constant 0 : i32
    %dma_start3A_127 = arith.constant 0 : i32
    %dma_start3A_128 = tpu.memref_slice %arg11[%dma_start3A_126, %dma_start3A_127] : memref<10240x128xf32, #tpu.memory_space<vmem_shared>> -> memref<10240x128xf32, #tpu.memory_space<vmem_shared>>
    tpu.enqueue_indirect_dma source(%arg9 : memref<120x128xf32, #tpu.memory_space<vmem>>) target(%dma_start3A_128 : memref<10240x128xf32, #tpu.memory_space<vmem_shared>>) offsets(%dma_start3A_125 : memref<120xi32, #tpu.memory_space<vmem>>) semaphore(%arg14 : memref<!tpu.dma_semaphore, #tpu.memory_space<semaphore_mem>>) {add = true}
    %dma_wait3A_129 = arith.constant 0 : i32
    %dma_wait3A_130 = arith.constant 0 : i32
    %dma_wait3A_131 = tpu.memref_slice %arg10[%dma_wait3A_129, %dma_wait3A_130] : memref<120x128xf32, #tpu.memory_space<vmem>> -> memref<80x128xf32, #tpu.memory_space<vmem>>
    %dma_wait3A_132 = arith.constant 0 : i32
    %dma_wait3A_133 = tpu.memref_slice %arg2[%add3A_107, %dma_wait3A_132] : memref<160000x128xf32, #tpu.memory_space<hbm>> -> memref<80x128xf32, #tpu.memory_space<hbm>>
    %dma_wait3A_134 = arith.constant 0 : i32
    %dma_wait3A_135 = arith.constant 0 : i32
    %dma_wait3A_136 = tpu.memref_slice %arg10[%dma_wait3A_134, %dma_wait3A_135] : memref<120x128xf32, #tpu.memory_space<vmem>> -> memref<80x128xf32, #tpu.memory_space<vmem>>
    %dma_wait3A_137 = arith.constant 0 : i32
    %dma_wait3A_138 = tpu.memref_slice %arg2[%add3A_107, %dma_wait3A_137] : memref<160000x128xf32, #tpu.memory_space<hbm>> -> memref<80x128xf32, #tpu.memory_space<hbm>>
    tpu.wait_dma2 semaphore(%arg13 : memref<!tpu.dma_semaphore, #tpu.memory_space<semaphore_mem>>) src(%dma_wait3A_138 : memref<80x128xf32, #tpu.memory_space<hbm>>) dst(%dma_wait3A_136 : memref<80x128xf32, #tpu.memory_space<vmem>>)
    %dma_start3A_139 = arith.constant 41 : i32
    %dma_start3A_140 = arith.constant 0 : i32
    %dma_start3A_141 = tpu.memref_slice %arg8[%dma_start3A_139, %dma_start3A_140] : memref<42x120xi32, #tpu.memory_space<vmem>> -> memref<1x120xi32, #tpu.memory_space<vmem>>
    %dma_start3A_142 = tpu.memref_squeeze %dma_start3A_141 : memref<1x120xi32, #tpu.memory_space<vmem>> -> memref<120xi32, #tpu.memory_space<vmem>>
    %dma_start3A_143 = arith.constant 0 : i32
    %dma_start3A_144 = arith.constant 0 : i32
    %dma_start3A_145 = tpu.memref_slice %arg11[%dma_start3A_143, %dma_start3A_144] : memref<10240x128xf32, #tpu.memory_space<vmem_shared>> -> memref<10240x128xf32, #tpu.memory_space<vmem_shared>>
    tpu.enqueue_indirect_dma source(%arg10 : memref<120x128xf32, #tpu.memory_space<vmem>>) target(%dma_start3A_145 : memref<10240x128xf32, #tpu.memory_space<vmem_shared>>) offsets(%dma_start3A_142 : memref<120xi32, #tpu.memory_space<vmem>>) semaphore(%arg15 : memref<!tpu.dma_semaphore, #tpu.memory_space<semaphore_mem>>) {add = true}
    %dma_wait3A_146 = arith.constant 40 : i32
    %dma_wait3A_147 = arith.constant 0 : i32
    %dma_wait3A_148 = tpu.memref_slice %arg8[%dma_wait3A_146, %dma_wait3A_147] : memref<42x120xi32, #tpu.memory_space<vmem>> -> memref<1x120xi32, #tpu.memory_space<vmem>>
    %dma_wait3A_149 = tpu.memref_squeeze %dma_wait3A_148 : memref<1x120xi32, #tpu.memory_space<vmem>> -> memref<120xi32, #tpu.memory_space<vmem>>
    %dma_wait3A_150 = arith.constant 0 : i32
    %dma_wait3A_151 = arith.constant 0 : i32
    %dma_wait3A_152 = tpu.memref_slice %arg11[%dma_wait3A_150, %dma_wait3A_151] : memref<10240x128xf32, #tpu.memory_space<vmem_shared>> -> memref<10240x128xf32, #tpu.memory_space<vmem_shared>>
    tpu.wait_indirect_dma semaphore(%arg14 : memref<!tpu.dma_semaphore, #tpu.memory_space<semaphore_mem>>) src(%arg9 : memref<120x128xf32, #tpu.memory_space<vmem>>) dst(%dma_wait3A_152 : memref<10240x128xf32, #tpu.memory_space<vmem_shared>>)
    %dma_wait3A_153 = arith.constant 41 : i32
    %dma_wait3A_154 = arith.constant 0 : i32
    %dma_wait3A_155 = tpu.memref_slice %arg8[%dma_wait3A_153, %dma_wait3A_154] : memref<42x120xi32, #tpu.memory_space<vmem>> -> memref<1x120xi32, #tpu.memory_space<vmem>>
    %dma_wait3A_156 = tpu.memref_squeeze %dma_wait3A_155 : memref<1x120xi32, #tpu.memory_space<vmem>> -> memref<120xi32, #tpu.memory_space<vmem>>
    %dma_wait3A_157 = arith.constant 0 : i32
    %dma_wait3A_158 = arith.constant 0 : i32
    %dma_wait3A_159 = tpu.memref_slice %arg11[%dma_wait3A_157, %dma_wait3A_158] : memref<10240x128xf32, #tpu.memory_space<vmem_shared>> -> memref<10240x128xf32, #tpu.memory_space<vmem_shared>>
    tpu.wait_indirect_dma semaphore(%arg15 : memref<!tpu.dma_semaphore, #tpu.memory_space<semaphore_mem>>) src(%arg10 : memref<120x128xf32, #tpu.memory_space<vmem>>) dst(%dma_wait3A_159 : memref<10240x128xf32, #tpu.memory_space<vmem_shared>>)
    %barrier3A_160 = arith.constant 0 : index
    tpu.barrier barrier_id(%barrier3A_160)
    %run_scoped3A_161 = arith.constant 1 : i32
    "tpu.region"() ({
      %run_scoped3A_162 = tpu.sem_alloc : memref<!tpu.dma_semaphore, #tpu.memory_space<semaphore_mem>>
      %dma_start3A_163 = arith.constant 0 : i32
      %dma_start3A_164 = tpu.memref_slice %arg6[%arg0, %run_scoped3A_161, %mul3A_4, %dma_start3A_163] : memref<2x2x10240x128xf32, #tpu.memory_space<hbm>> -> memref<1x1x640x128xf32, #tpu.memory_space<hbm>>
      %dma_start3A_165 = tpu.memref_squeeze %dma_start3A_164 : memref<1x1x640x128xf32, #tpu.memory_space<hbm>> -> memref<640x128xf32, #tpu.memory_space<hbm>>
      %dma_start3A_166 = arith.constant 0 : i32
      %dma_start3A_167 = tpu.memref_slice %arg11[%mul3A_4, %dma_start3A_166] : memref<10240x128xf32, #tpu.memory_space<vmem_shared>> -> memref<640x128xf32, #tpu.memory_space<vmem_shared>>
      tpu.enqueue_dma source(%dma_start3A_167 : memref<640x128xf32, #tpu.memory_space<vmem_shared>>) target(%dma_start3A_165 : memref<640x128xf32, #tpu.memory_space<hbm>>) target_semaphore(%run_scoped3A_162 : memref<!tpu.dma_semaphore, #tpu.memory_space<semaphore_mem>>)
      %dma_wait3A_168 = arith.constant 0 : i32
      %dma_wait3A_169 = tpu.memref_slice %arg6[%arg0, %run_scoped3A_161, %mul3A_4, %dma_wait3A_168] : memref<2x2x10240x128xf32, #tpu.memory_space<hbm>> -> memref<1x1x640x128xf32, #tpu.memory_space<hbm>>
      %dma_wait3A_170 = tpu.memref_squeeze %dma_wait3A_169 : memref<1x1x640x128xf32, #tpu.memory_space<hbm>> -> memref<640x128xf32, #tpu.memory_space<hbm>>
      %dma_wait3A_171 = arith.constant 0 : i32
      %dma_wait3A_172 = tpu.memref_slice %arg11[%mul3A_4, %dma_wait3A_171] : memref<10240x128xf32, #tpu.memory_space<vmem_shared>> -> memref<640x128xf32, #tpu.memory_space<vmem_shared>>
      tpu.wait_dma2 semaphore(%run_scoped3A_162 : memref<!tpu.dma_semaphore, #tpu.memory_space<semaphore_mem>>) src(%dma_wait3A_172 : memref<640x128xf32, #tpu.memory_space<vmem_shared>>) dst(%dma_wait3A_170 : memref<640x128xf32, #tpu.memory_space<hbm>>)
      tpu.yield
    }) : () -> ()
    return
  }
}

module attributes {stable_mosaic.version = 14 : i64} {
  func.func @_node_open_body(%arg0: memref<10000x128xf32, #tpu.memory_space<vmem>>, %arg1: memref<128x64xf32, #tpu.memory_space<vmem>>, %arg2: memref<64x64xf32, #tpu.memory_space<vmem>>, %arg3: memref<10000x128xf32, #tpu.memory_space<vmem>>) attributes {dimension_semantics = [], scalar_prefetch = 0 : i64, scratch_operands = 0 : i64, tpu.core_type = #tpu.core_type<tc>} {
    %get3A = arith.constant 0 : index
    %get3A_0 = arith.constant 0 : index
    %get3A_1 = vector.load %arg0[%get3A, %get3A_0] : memref<10000x128xf32, #tpu.memory_space<vmem>>, vector<10000x128xf32>
    %get3A_2 = arith.constant 0 : index
    %get3A_3 = arith.constant 0 : index
    %get3A_4 = vector.load %arg1[%get3A_2, %get3A_3] : memref<128x64xf32, #tpu.memory_space<vmem>>, vector<128x64xf32>
    %dot_general3A = arith.constant dense<0.000000e+00> : vector<10000x64xf32>
    %dot_general3A_5 = tpu.matmul %get3A_1, %get3A_4, %dot_general3A {dimension_numbers = #tpu.dot_dimension_numbers<[1], [0], [0], [1], [0, 0, 1, 1], [], []>, transpose_lhs_hint = false} : vector<10000x128xf32>, vector<128x64xf32>, vector<10000x64xf32> -> vector<10000x64xf32>
    %reduce_sum3A = vector.shape_cast %dot_general3A_5 : vector<10000x64xf32> to vector<1x10000x64xf32>
    %reduce_sum3A_6 = arith.constant dense<0.000000e+00> : vector<1xf32>
    %reduce_sum3A_7 = vector.multi_reduction <add>, %reduce_sum3A, %reduce_sum3A_6 [1, 2] : vector<1x10000x64xf32> to vector<1xf32>
    %reduce_sum3A_8 = vector.shape_cast %reduce_sum3A_7 : vector<1xf32> to vector<1x1x1xf32>
    %reduce_sum3A_9 = vector.extract %reduce_sum3A_8[0, 0, 0] : f32 from vector<1x1x1xf32>
    %div3A = arith.constant 6.400000e+05 : f32
    %div3A_10 = arith.divf %reduce_sum3A_9, %div3A : f32
    %sub3A = vector.broadcast %div3A_10 : f32 to vector<10000x64xf32>
    %sub3A_11 = arith.subf %dot_general3A_5, %sub3A : vector<10000x64xf32>
    %sub3A_12 = vector.broadcast %div3A_10 : f32 to vector<10000x64xf32>
    %sub3A_13 = arith.subf %dot_general3A_5, %sub3A_12 : vector<10000x64xf32>
    %mul3A = arith.mulf %sub3A_11, %sub3A_13 : vector<10000x64xf32>
    %reduce_sum3A_14 = vector.shape_cast %mul3A : vector<10000x64xf32> to vector<1x10000x64xf32>
    %reduce_sum3A_15 = arith.constant dense<0.000000e+00> : vector<1xf32>
    %reduce_sum3A_16 = vector.multi_reduction <add>, %reduce_sum3A_14, %reduce_sum3A_15 [1, 2] : vector<1x10000x64xf32> to vector<1xf32>
    %reduce_sum3A_17 = vector.shape_cast %reduce_sum3A_16 : vector<1xf32> to vector<1x1x1xf32>
    %reduce_sum3A_18 = vector.extract %reduce_sum3A_17[0, 0, 0] : f32 from vector<1x1x1xf32>
    %div3A_19 = arith.constant 6.400000e+05 : f32
    %div3A_20 = arith.divf %reduce_sum3A_18, %div3A_19 : f32
    %sub3A_21 = vector.broadcast %div3A_10 : f32 to vector<10000x64xf32>
    %sub3A_22 = arith.subf %dot_general3A_5, %sub3A_21 : vector<10000x64xf32>
    %add3A = arith.constant 9.99999974E-6 : f32
    %add3A_23 = arith.addf %div3A_20, %add3A : f32
    %rsqrt3A = math.rsqrt %add3A_23 : f32
    %mul3A_24 = vector.broadcast %rsqrt3A : f32 to vector<10000x64xf32>
    %mul3A_25 = arith.mulf %sub3A_22, %mul3A_24 : vector<10000x64xf32>
    %max3A = arith.constant 0.000000e+00 : f32
    %max3A_26 = vector.broadcast %max3A : f32 to vector<10000x64xf32>
    %max3A_27 = arith.maximumf %mul3A_25, %max3A_26 : vector<10000x64xf32>
    %get3A_28 = arith.constant 0 : index
    %get3A_29 = arith.constant 0 : index
    %get3A_30 = vector.load %arg2[%get3A_28, %get3A_29] : memref<64x64xf32, #tpu.memory_space<vmem>>, vector<64x64xf32>
    %dot_general3A_31 = arith.constant dense<0.000000e+00> : vector<10000x64xf32>
    %dot_general3A_32 = tpu.matmul %max3A_27, %get3A_30, %dot_general3A_31 {dimension_numbers = #tpu.dot_dimension_numbers<[1], [0], [0], [1], [0, 0, 1, 1], [], []>, transpose_lhs_hint = false} : vector<10000x64xf32>, vector<64x64xf32>, vector<10000x64xf32> -> vector<10000x64xf32>
    %broadcast_in_dim3A = arith.constant 0.000000e+00 : f32
    %broadcast_in_dim3A_33 = vector.broadcast %broadcast_in_dim3A : f32 to vector<10000x64xf32>
    %concatenate3A = tpu.concatenate %dot_general3A_32, %broadcast_in_dim3A_33 in 1 : vector<10000x64xf32>, vector<10000x64xf32> -> vector<10000x128xf32>
    %swap3A = arith.constant 0 : index
    %swap3A_34 = arith.constant 0 : index
    %swap3A_35 = vector.load %arg3[%swap3A, %swap3A_34] : memref<10000x128xf32, #tpu.memory_space<vmem>>, vector<10000x128xf32>
    tpu.vector_store %arg3[%swap3A, %swap3A_34], %concatenate3A {strides = array<i32>} : memref<10000x128xf32, #tpu.memory_space<vmem>>, vector<10000x128xf32>,
    return
  }
}

module attributes {stable_mosaic.version = 14 : i64} {
  func.func @_eopen_stats_body(%arg0: i32, %arg1: memref<2000x16xf32, #tpu.memory_space<vmem>>, %arg2: memref<16x64xf32, #tpu.memory_space<vmem>>, %arg3: memref<1x64xf32, #tpu.memory_space<vmem>>, %arg4: memref<1x64xf32, #tpu.memory_space<vmem>>) attributes {dimension_semantics = [#tpu.dimension_semantics<arbitrary>], iteration_bounds = array<i64: 80>, scalar_prefetch = 0 : i64, scratch_operands = 0 : i64, tpu.core_type = #tpu.core_type<tc>, window_params = [{transform_indices = @transform_0, window_bounds = array<i64: 2000, 16>}, {pipeline_mode = #tpu.pipeline_mode<synchronous>, transform_indices = @transform_1, window_bounds = array<i64: 16, 64>}, {pipeline_mode = #tpu.pipeline_mode<synchronous>, transform_indices = @transform_2, window_bounds = array<i64: 1, 64>}, {pipeline_mode = #tpu.pipeline_mode<synchronous>, transform_indices = @transform_3, window_bounds = array<i64: 1, 64>}]} {
    %get3A = arith.constant 0 : index
    %get3A_0 = arith.constant 0 : index
    %get3A_1 = vector.load %arg1[%get3A, %get3A_0] : memref<2000x16xf32, #tpu.memory_space<vmem>>, vector<2000x16xf32>
    %get3A_2 = arith.constant 0 : index
    %get3A_3 = arith.constant 0 : index
    %get3A_4 = vector.load %arg2[%get3A_2, %get3A_3] : memref<16x64xf32, #tpu.memory_space<vmem>>, vector<16x64xf32>
    %dot_general3A = arith.constant dense<0.000000e+00> : vector<2000x64xf32>
    %dot_general3A_5 = tpu.matmul %get3A_1, %get3A_4, %dot_general3A {dimension_numbers = #tpu.dot_dimension_numbers<[1], [0], [0], [1], [0, 0, 1, 1], [], []>, transpose_lhs_hint = false} : vector<2000x16xf32>, vector<16x64xf32>, vector<2000x64xf32> -> vector<2000x64xf32>
    %eq3A = arith.constant 0 : i32
    %eq3A_6 = arith.cmpi eq, %arg0, %eq3A : i32
    %convert_element_type3A = arith.extui %eq3A_6 : i1 to i32
    %cond3A = arith.constant 0 : i32
    %cond3A_7 = arith.cmpi ne, %convert_element_type3A, %cond3A : i32
    scf.if %cond3A_7 {
      %broadcast_in_dim3A_24 = arith.constant 0.000000e+00 : f32
      %broadcast_in_dim3A_25 = vector.broadcast %broadcast_in_dim3A_24 : f32 to vector<1x64xf32>
      %swap3A_26 = arith.constant 0 : index
      %swap3A_27 = arith.constant 0 : index
      %swap3A_28 = vector.load %arg3[%swap3A_26, %swap3A_27] : memref<1x64xf32, #tpu.memory_space<vmem>>, vector<1x64xf32>
      tpu.vector_store %arg3[%swap3A_26, %swap3A_27], %broadcast_in_dim3A_25 {strides = array<i32>} : memref<1x64xf32, #tpu.memory_space<vmem>>, vector<1x64xf32>,
      %broadcast_in_dim3A_29 = arith.constant 0.000000e+00 : f32
      %broadcast_in_dim3A_30 = vector.broadcast %broadcast_in_dim3A_29 : f32 to vector<1x64xf32>
      %swap3A_31 = arith.constant 0 : index
      %swap3A_32 = arith.constant 0 : index
      %swap3A_33 = vector.load %arg4[%swap3A_31, %swap3A_32] : memref<1x64xf32, #tpu.memory_space<vmem>>, vector<1x64xf32>
      tpu.vector_store %arg4[%swap3A_31, %swap3A_32], %broadcast_in_dim3A_30 {strides = array<i32>} : memref<1x64xf32, #tpu.memory_space<vmem>>, vector<1x64xf32>,
    } else {
    }
    %get3A_8 = arith.constant 0 : index
    %get3A_9 = arith.constant 0 : index
    %get3A_10 = vector.load %arg3[%get3A_8, %get3A_9] : memref<1x64xf32, #tpu.memory_space<vmem>>, vector<1x64xf32>
    %reduce_sum3A = arith.constant dense<0.000000e+00> : vector<64xf32>
    %reduce_sum3A_11 = vector.multi_reduction <add>, %dot_general3A_5, %reduce_sum3A [0] : vector<2000x64xf32> to vector<64xf32>
    %broadcast_in_dim3A = vector.shape_cast %reduce_sum3A_11 : vector<64xf32> to vector<1x64xf32>
    %add3A = arith.addf %get3A_10, %broadcast_in_dim3A : vector<1x64xf32>
    %swap3A = arith.constant 0 : index
    %swap3A_12 = arith.constant 0 : index
    %swap3A_13 = vector.load %arg3[%swap3A, %swap3A_12] : memref<1x64xf32, #tpu.memory_space<vmem>>, vector<1x64xf32>
    tpu.vector_store %arg3[%swap3A, %swap3A_12], %add3A {strides = array<i32>} : memref<1x64xf32, #tpu.memory_space<vmem>>, vector<1x64xf32>,
    %get3A_14 = arith.constant 0 : index
    %get3A_15 = arith.constant 0 : index
    %get3A_16 = vector.load %arg4[%get3A_14, %get3A_15] : memref<1x64xf32, #tpu.memory_space<vmem>>, vector<1x64xf32>
    %mul3A = arith.mulf %dot_general3A_5, %dot_general3A_5 : vector<2000x64xf32>
    %reduce_sum3A_17 = arith.constant dense<0.000000e+00> : vector<64xf32>
    %reduce_sum3A_18 = vector.multi_reduction <add>, %mul3A, %reduce_sum3A_17 [0] : vector<2000x64xf32> to vector<64xf32>
    %broadcast_in_dim3A_19 = vector.shape_cast %reduce_sum3A_18 : vector<64xf32> to vector<1x64xf32>
    %add3A_20 = arith.addf %get3A_16, %broadcast_in_dim3A_19 : vector<1x64xf32>
    %swap3A_21 = arith.constant 0 : index
    %swap3A_22 = arith.constant 0 : index
    %swap3A_23 = vector.load %arg4[%swap3A_21, %swap3A_22] : memref<1x64xf32, #tpu.memory_space<vmem>>, vector<1x64xf32>
    tpu.vector_store %arg4[%swap3A_21, %swap3A_22], %add3A_20 {strides = array<i32>} : memref<1x64xf32, #tpu.memory_space<vmem>>, vector<1x64xf32>,
    return
  }
  func.func @transform_0(%arg0: i32) -> (i32, i32) {
    %c0_i32 = arith.constant 0 : i32
    %c0_i32_0 = arith.constant 0 : i32
    return %arg0, %c0_i32 : i32, i32
  }
  func.func @transform_1(%arg0: i32) -> (i32, i32) {
    %c0_i32 = arith.constant 0 : i32
    %c0_i32_0 = arith.constant 0 : i32
    %c0_i32_1 = arith.constant 0 : i32
    return %c0_i32, %c0_i32_0 : i32, i32
  }
  func.func @transform_2(%arg0: i32) -> (i32, i32) {
    %c0_i32 = arith.constant 0 : i32
    %c0_i32_0 = arith.constant 0 : i32
    %c0_i32_1 = arith.constant 0 : i32
    return %c0_i32, %c0_i32_0 : i32, i32
  }
  func.func @transform_3(%arg0: i32) -> (i32, i32) {
    %c0_i32 = arith.constant 0 : i32
    %c0_i32_0 = arith.constant 0 : i32
    %c0_i32_1 = arith.constant 0 : i32
    return %c0_i32, %c0_i32_0 : i32, i32
  }
}

module attributes {stable_mosaic.version = 14 : i64} {
  func.func @_eopen_apply_body(%arg0: i32, %arg1: memref<2000x16xf32, #tpu.memory_space<vmem>>, %arg2: memref<16x64xf32, #tpu.memory_space<vmem>>, %arg3: memref<64x64xf32, #tpu.memory_space<vmem>>, %arg4: memref<1x64xf32, #tpu.memory_space<vmem>>, %arg5: memref<1x64xf32, #tpu.memory_space<vmem>>, %arg6: memref<2000x64xf32, #tpu.memory_space<vmem>>) attributes {dimension_semantics = [#tpu.dimension_semantics<arbitrary>], iteration_bounds = array<i64: 80>, scalar_prefetch = 0 : i64, scratch_operands = 0 : i64, tpu.core_type = #tpu.core_type<tc>, window_params = [{transform_indices = @transform_0, window_bounds = array<i64: 2000, 16>}, {pipeline_mode = #tpu.pipeline_mode<synchronous>, transform_indices = @transform_1, window_bounds = array<i64: 16, 64>}, {pipeline_mode = #tpu.pipeline_mode<synchronous>, transform_indices = @transform_2, window_bounds = array<i64: 64, 64>}, {pipeline_mode = #tpu.pipeline_mode<synchronous>, transform_indices = @transform_3, window_bounds = array<i64: 1, 64>}, {pipeline_mode = #tpu.pipeline_mode<synchronous>, transform_indices = @transform_4, window_bounds = array<i64: 1, 64>}, {transform_indices = @transform_5, window_bounds = array<i64: 2000, 64>}]} {
    %get3A = arith.constant 0 : index
    %get3A_0 = arith.constant 0 : index
    %get3A_1 = vector.load %arg4[%get3A, %get3A_0] : memref<1x64xf32, #tpu.memory_space<vmem>>, vector<1x64xf32>
    %reduce_sum3A = vector.shape_cast %get3A_1 : vector<1x64xf32> to vector<1x1x64xf32>
    %reduce_sum3A_2 = arith.constant dense<0.000000e+00> : vector<1xf32>
    %reduce_sum3A_3 = vector.multi_reduction <add>, %reduce_sum3A, %reduce_sum3A_2 [1, 2] : vector<1x1x64xf32> to vector<1xf32>
    %reduce_sum3A_4 = vector.shape_cast %reduce_sum3A_3 : vector<1xf32> to vector<1x1x1xf32>
    %reduce_sum3A_5 = vector.extract %reduce_sum3A_4[0, 0, 0] : f32 from vector<1x1x1xf32>
    %div3A = arith.constant 1.024000e+07 : f32
    %div3A_6 = arith.divf %reduce_sum3A_5, %div3A : f32
    %get3A_7 = arith.constant 0 : index
    %get3A_8 = arith.constant 0 : index
    %get3A_9 = vector.load %arg5[%get3A_7, %get3A_8] : memref<1x64xf32, #tpu.memory_space<vmem>>, vector<1x64xf32>
    %reduce_sum3A_10 = vector.shape_cast %get3A_9 : vector<1x64xf32> to vector<1x1x64xf32>
    %reduce_sum3A_11 = arith.constant dense<0.000000e+00> : vector<1xf32>
    %reduce_sum3A_12 = vector.multi_reduction <add>, %reduce_sum3A_10, %reduce_sum3A_11 [1, 2] : vector<1x1x64xf32> to vector<1xf32>
    %reduce_sum3A_13 = vector.shape_cast %reduce_sum3A_12 : vector<1xf32> to vector<1x1x1xf32>
    %reduce_sum3A_14 = vector.extract %reduce_sum3A_13[0, 0, 0] : f32 from vector<1x1x1xf32>
    %div3A_15 = arith.constant 1.024000e+07 : f32
    %div3A_16 = arith.divf %reduce_sum3A_14, %div3A_15 : f32
    %mul3A = arith.mulf %div3A_6, %div3A_6 : f32
    %sub3A = arith.subf %div3A_16, %mul3A : f32
    %get3A_17 = arith.constant 0 : index
    %get3A_18 = arith.constant 0 : index
    %get3A_19 = vector.load %arg1[%get3A_17, %get3A_18] : memref<2000x16xf32, #tpu.memory_space<vmem>>, vector<2000x16xf32>
    %get3A_20 = arith.constant 0 : index
    %get3A_21 = arith.constant 0 : index
    %get3A_22 = vector.load %arg2[%get3A_20, %get3A_21] : memref<16x64xf32, #tpu.memory_space<vmem>>, vector<16x64xf32>
    %dot_general3A = arith.constant dense<0.000000e+00> : vector<2000x64xf32>
    %dot_general3A_23 = tpu.matmul %get3A_19, %get3A_22, %dot_general3A {dimension_numbers = #tpu.dot_dimension_numbers<[1], [0], [0], [1], [0, 0, 1, 1], [], []>, transpose_lhs_hint = false} : vector<2000x16xf32>, vector<16x64xf32>, vector<2000x64xf32> -> vector<2000x64xf32>
    %sub3A_24 = vector.broadcast %div3A_6 : f32 to vector<2000x64xf32>
    %sub3A_25 = arith.subf %dot_general3A_23, %sub3A_24 : vector<2000x64xf32>
    %add3A = arith.constant 9.99999974E-6 : f32
    %add3A_26 = arith.addf %sub3A, %add3A : f32
    %rsqrt3A = math.rsqrt %add3A_26 : f32
    %mul3A_27 = vector.broadcast %rsqrt3A : f32 to vector<2000x64xf32>
    %mul3A_28 = arith.mulf %sub3A_25, %mul3A_27 : vector<2000x64xf32>
    %max3A = arith.constant 0.000000e+00 : f32
    %max3A_29 = vector.broadcast %max3A : f32 to vector<2000x64xf32>
    %max3A_30 = arith.maximumf %mul3A_28, %max3A_29 : vector<2000x64xf32>
    %get3A_31 = arith.constant 0 : index
    %get3A_32 = arith.constant 0 : index
    %get3A_33 = vector.load %arg3[%get3A_31, %get3A_32] : memref<64x64xf32, #tpu.memory_space<vmem>>, vector<64x64xf32>
    %dot_general3A_34 = arith.constant dense<0.000000e+00> : vector<2000x64xf32>
    %dot_general3A_35 = tpu.matmul %max3A_30, %get3A_33, %dot_general3A_34 {dimension_numbers = #tpu.dot_dimension_numbers<[1], [0], [0], [1], [0, 0, 1, 1], [], []>, transpose_lhs_hint = false} : vector<2000x64xf32>, vector<64x64xf32>, vector<2000x64xf32> -> vector<2000x64xf32>
    %swap3A = arith.constant 0 : index
    %swap3A_36 = arith.constant 0 : index
    %swap3A_37 = vector.load %arg6[%swap3A, %swap3A_36] : memref<2000x64xf32, #tpu.memory_space<vmem>>, vector<2000x64xf32>
    tpu.vector_store %arg6[%swap3A, %swap3A_36], %dot_general3A_35 {strides = array<i32>} : memref<2000x64xf32, #tpu.memory_space<vmem>>, vector<2000x64xf32>,
    return
  }
  func.func @transform_0(%arg0: i32) -> (i32, i32) {
    %c0_i32 = arith.constant 0 : i32
    %c0_i32_0 = arith.constant 0 : i32
    return %arg0, %c0_i32 : i32, i32
  }
  func.func @transform_1(%arg0: i32) -> (i32, i32) {
    %c0_i32 = arith.constant 0 : i32
    %c0_i32_0 = arith.constant 0 : i32
    %c0_i32_1 = arith.constant 0 : i32
    return %c0_i32, %c0_i32_0 : i32, i32
  }
  func.func @transform_2(%arg0: i32) -> (i32, i32) {
    %c0_i32 = arith.constant 0 : i32
    %c0_i32_0 = arith.constant 0 : i32
    %c0_i32_1 = arith.constant 0 : i32
    return %c0_i32, %c0_i32_0 : i32, i32
  }
  func.func @transform_3(%arg0: i32) -> (i32, i32) {
    %c0_i32 = arith.constant 0 : i32
    %c0_i32_0 = arith.constant 0 : i32
    %c0_i32_1 = arith.constant 0 : i32
    return %c0_i32, %c0_i32_0 : i32, i32
  }
  func.func @transform_4(%arg0: i32) -> (i32, i32) {
    %c0_i32 = arith.constant 0 : i32
    %c0_i32_0 = arith.constant 0 : i32
    %c0_i32_1 = arith.constant 0 : i32
    return %c0_i32, %c0_i32_0 : i32, i32
  }
  func.func @transform_5(%arg0: i32) -> (i32, i32) {
    %c0_i32 = arith.constant 0 : i32
    %c0_i32_0 = arith.constant 0 : i32
    return %arg0, %c0_i32 : i32, i32
  }
}

module attributes {stable_mosaic.version = 14 : i64} {
  func.func @_elayer_body(%arg0: i32, %arg1: memref<2000x128xf32, #tpu.memory_space<vmem>>, %arg2: memref<2000x64xf32, #tpu.memory_space<vmem>>, %arg3: memref<64x128xf32, #tpu.memory_space<vmem>>, %arg4: memref<64x128xf32, #tpu.memory_space<vmem>>, %arg5: memref<128x64xf32, #tpu.memory_space<vmem>>, %arg6: memref<2000x128xf32, #tpu.memory_space<vmem>>, %arg7: memref<2000x64xf32, #tpu.memory_space<vmem>>, %arg8: memref<160000x128xbf16, #tpu.memory_space<vmem>>, %arg9: memref<1x128xf32, #tpu.memory_space<vmem>>, %arg10: memref<1x128xf32, #tpu.memory_space<vmem>>) attributes {dimension_semantics = [#tpu.dimension_semantics<arbitrary>], iteration_bounds = array<i64: 160>, scalar_prefetch = 0 : i64, scratch_operands = 3 : i64, tpu.core_type = #tpu.core_type<tc>, window_params = [{transform_indices = @transform_0, window_bounds = array<i64: 2000, 128>}, {transform_indices = @transform_1, window_bounds = array<i64: 2000, 64>}, {pipeline_mode = #tpu.pipeline_mode<synchronous>, transform_indices = @transform_2, window_bounds = array<i64: 64, 128>}, {pipeline_mode = #tpu.pipeline_mode<synchronous>, transform_indices = @transform_3, window_bounds = array<i64: 64, 128>}, {pipeline_mode = #tpu.pipeline_mode<synchronous>, transform_indices = @transform_4, window_bounds = array<i64: 128, 64>}, {transform_indices = @transform_5, window_bounds = array<i64: 2000, 128>}, {transform_indices = @transform_6, window_bounds = array<i64: 2000, 64>}]} {
    %eq3A = arith.constant 0 : i32
    %eq3A_0 = arith.cmpi eq, %arg0, %eq3A : i32
    %convert_element_type3A = arith.extui %eq3A_0 : i1 to i32
    %cond3A = arith.constant 0 : i32
    %cond3A_1 = arith.cmpi ne, %convert_element_type3A, %cond3A : i32
    scf.if %cond3A_1 {
      %broadcast_in_dim3A = arith.constant 0.000000e+00 : f32
      %broadcast_in_dim3A_10 = vector.broadcast %broadcast_in_dim3A : f32 to vector<1x128xf32>
      %swap3A = arith.constant 0 : index
      %swap3A_11 = arith.constant 0 : index
      %swap3A_12 = vector.load %arg9[%swap3A, %swap3A_11] : memref<1x128xf32, #tpu.memory_space<vmem>>, vector<1x128xf32>
      tpu.vector_store %arg9[%swap3A, %swap3A_11], %broadcast_in_dim3A_10 {strides = array<i32>} : memref<1x128xf32, #tpu.memory_space<vmem>>, vector<1x128xf32>,
      %broadcast_in_dim3A_13 = arith.constant 0.000000e+00 : f32
      %broadcast_in_dim3A_14 = vector.broadcast %broadcast_in_dim3A_13 : f32 to vector<1x128xf32>
      %swap3A_15 = arith.constant 0 : index
      %swap3A_16 = arith.constant 0 : index
      %swap3A_17 = vector.load %arg10[%swap3A_15, %swap3A_16] : memref<1x128xf32, #tpu.memory_space<vmem>>, vector<1x128xf32>
      tpu.vector_store %arg10[%swap3A_15, %swap3A_16], %broadcast_in_dim3A_14 {strides = array<i32>} : memref<1x128xf32, #tpu.memory_space<vmem>>, vector<1x128xf32>,
    } else {
    }
    %lt3A = arith.constant 80 : i32
    %lt3A_2 = arith.cmpi slt, %arg0, %lt3A : i32
    %convert_element_type3A_3 = arith.extui %lt3A_2 : i1 to i32
    %cond3A_4 = arith.constant 0 : i32
    %cond3A_5 = arith.cmpi ne, %convert_element_type3A_3, %cond3A_4 : i32
    scf.if %cond3A_5 {
      %get3A = arith.constant 0 : index
      %get3A_10 = arith.constant 0 : index
      %get3A_11 = vector.load %arg1[%get3A, %get3A_10] : memref<2000x128xf32, #tpu.memory_space<vmem>>, vector<2000x64xf32>
      %get3A_12 = arith.constant 0 : index
      %get3A_13 = arith.constant 0 : index
      %get3A_14 = vector.load %arg3[%get3A_12, %get3A_13] : memref<64x128xf32, #tpu.memory_space<vmem>>, vector<64x128xf32>
      %dot_general3A = arith.constant dense<0.000000e+00> : vector<2000x128xf32>
      %dot_general3A_15 = tpu.matmul %get3A_11, %get3A_14, %dot_general3A {dimension_numbers = #tpu.dot_dimension_numbers<[1], [0], [0], [1], [0, 0, 1, 1], [], []>, transpose_lhs_hint = false} : vector<2000x64xf32>, vector<64x128xf32>, vector<2000x128xf32> -> vector<2000x128xf32>
      %get3A_16 = arith.constant 0 : index
      %get3A_17 = arith.constant 0 : index
      %get3A_18 = vector.load %arg2[%get3A_16, %get3A_17] : memref<2000x64xf32, #tpu.memory_space<vmem>>, vector<2000x64xf32>
      %get3A_19 = arith.constant 0 : index
      %get3A_20 = arith.constant 0 : index
      %get3A_21 = vector.load %arg4[%get3A_19, %get3A_20] : memref<64x128xf32, #tpu.memory_space<vmem>>, vector<64x128xf32>
      %dot_general3A_22 = arith.constant dense<0.000000e+00> : vector<2000x128xf32>
      %dot_general3A_23 = tpu.matmul %get3A_18, %get3A_21, %dot_general3A_22 {dimension_numbers = #tpu.dot_dimension_numbers<[1], [0], [0], [1], [0, 0, 1, 1], [], []>, transpose_lhs_hint = false} : vector<2000x64xf32>, vector<64x128xf32>, vector<2000x128xf32> -> vector<2000x128xf32>
      %add3A = arith.addf %dot_general3A_15, %dot_general3A_23 : vector<2000x128xf32>
      %convert_element_type3A_24 = arith.truncf %add3A : vector<2000x128xf32> to vector<2000x128xbf16>
      %mul3A = arith.constant 2000 : i32
      %mul3A_25 = arith.muli %arg0, %mul3A : i32
      %swap3A = arith.index_cast %mul3A_25 : i32 to index
      %swap3A_26 = arith.constant 0 : index
      %swap3A_27 = vector.load %arg8[%swap3A, %swap3A_26] : memref<160000x128xbf16, #tpu.memory_space<vmem>>, vector<2000x128xbf16>
      tpu.vector_store %arg8[%swap3A, %swap3A_26], %convert_element_type3A_24 {strides = array<i32>} : memref<160000x128xbf16, #tpu.memory_space<vmem>>, vector<2000x128xbf16>,
      %get3A_28 = arith.constant 0 : index
      %get3A_29 = arith.constant 0 : index
      %get3A_30 = vector.load %arg9[%get3A_28, %get3A_29] : memref<1x128xf32, #tpu.memory_space<vmem>>, vector<1x128xf32>
      %reduce_sum3A = arith.constant dense<0.000000e+00> : vector<128xf32>
      %reduce_sum3A_31 = vector.multi_reduction <add>, %add3A, %reduce_sum3A [0] : vector<2000x128xf32> to vector<128xf32>
      %broadcast_in_dim3A = vector.shape_cast %reduce_sum3A_31 : vector<128xf32> to vector<1x128xf32>
      %add3A_32 = arith.addf %get3A_30, %broadcast_in_dim3A : vector<1x128xf32>
      %swap3A_33 = arith.constant 0 : index
      %swap3A_34 = arith.constant 0 : index
      %swap3A_35 = vector.load %arg9[%swap3A_33, %swap3A_34] : memref<1x128xf32, #tpu.memory_space<vmem>>, vector<1x128xf32>
      tpu.vector_store %arg9[%swap3A_33, %swap3A_34], %add3A_32 {strides = array<i32>} : memref<1x128xf32, #tpu.memory_space<vmem>>, vector<1x128xf32>,
      %get3A_36 = arith.constant 0 : index
      %get3A_37 = arith.constant 0 : index
      %get3A_38 = vector.load %arg10[%get3A_36, %get3A_37] : memref<1x128xf32, #tpu.memory_space<vmem>>, vector<1x128xf32>
      %mul3A_39 = arith.mulf %add3A, %add3A : vector<2000x128xf32>
      %reduce_sum3A_40 = arith.constant dense<0.000000e+00> : vector<128xf32>
      %reduce_sum3A_41 = vector.multi_reduction <add>, %mul3A_39, %reduce_sum3A_40 [0] : vector<2000x128xf32> to vector<128xf32>
      %broadcast_in_dim3A_42 = vector.shape_cast %reduce_sum3A_41 : vector<128xf32> to vector<1x128xf32>
      %add3A_43 = arith.addf %get3A_38, %broadcast_in_dim3A_42 : vector<1x128xf32>
      %swap3A_44 = arith.constant 0 : index
      %swap3A_45 = arith.constant 0 : index
      %swap3A_46 = vector.load %arg10[%swap3A_44, %swap3A_45] : memref<1x128xf32, #tpu.memory_space<vmem>>, vector<1x128xf32>
      tpu.vector_store %arg10[%swap3A_44, %swap3A_45], %add3A_43 {strides = array<i32>} : memref<1x128xf32, #tpu.memory_space<vmem>>, vector<1x128xf32>,
    } else {
    }
    %ge3A = arith.constant 80 : i32
    %ge3A_6 = arith.cmpi sge, %arg0, %ge3A : i32
    %convert_element_type3A_7 = arith.extui %ge3A_6 : i1 to i32
    %cond3A_8 = arith.constant 0 : i32
    %cond3A_9 = arith.cmpi ne, %convert_element_type3A_7, %cond3A_8 : i32
    scf.if %cond3A_9 {
      %sub3A = arith.constant 80 : i32
      %sub3A_10 = arith.subi %arg0, %sub3A : i32
      %get3A = arith.constant 0 : index
      %get3A_11 = arith.constant 0 : index
      %get3A_12 = vector.load %arg9[%get3A, %get3A_11] : memref<1x128xf32, #tpu.memory_space<vmem>>, vector<1x128xf32>
      %reduce_sum3A = vector.shape_cast %get3A_12 : vector<1x128xf32> to vector<1x1x128xf32>
      %reduce_sum3A_13 = arith.constant dense<0.000000e+00> : vector<1xf32>
      %reduce_sum3A_14 = vector.multi_reduction <add>, %reduce_sum3A, %reduce_sum3A_13 [1, 2] : vector<1x1x128xf32> to vector<1xf32>
      %reduce_sum3A_15 = vector.shape_cast %reduce_sum3A_14 : vector<1xf32> to vector<1x1x1xf32>
      %reduce_sum3A_16 = vector.extract %reduce_sum3A_15[0, 0, 0] : f32 from vector<1x1x1xf32>
      %div3A = arith.constant 2.048000e+07 : f32
      %div3A_17 = arith.divf %reduce_sum3A_16, %div3A : f32
      %get3A_18 = arith.constant 0 : index
      %get3A_19 = arith.constant 0 : index
      %get3A_20 = vector.load %arg10[%get3A_18, %get3A_19] : memref<1x128xf32, #tpu.memory_space<vmem>>, vector<1x128xf32>
      %reduce_sum3A_21 = vector.shape_cast %get3A_20 : vector<1x128xf32> to vector<1x1x128xf32>
      %reduce_sum3A_22 = arith.constant dense<0.000000e+00> : vector<1xf32>
      %reduce_sum3A_23 = vector.multi_reduction <add>, %reduce_sum3A_21, %reduce_sum3A_22 [1, 2] : vector<1x1x128xf32> to vector<1xf32>
      %reduce_sum3A_24 = vector.shape_cast %reduce_sum3A_23 : vector<1xf32> to vector<1x1x1xf32>
      %reduce_sum3A_25 = vector.extract %reduce_sum3A_24[0, 0, 0] : f32 from vector<1x1x1xf32>
      %div3A_26 = arith.constant 2.048000e+07 : f32
      %div3A_27 = arith.divf %reduce_sum3A_25, %div3A_26 : f32
      %mul3A = arith.mulf %div3A_17, %div3A_17 : f32
      %sub3A_28 = arith.subf %div3A_27, %mul3A : f32
      %mul3A_29 = arith.constant 2000 : i32
      %mul3A_30 = arith.muli %sub3A_10, %mul3A_29 : i32
      %get3A_31 = arith.index_cast %mul3A_30 : i32 to index
      %get3A_32 = arith.constant 0 : index
      %get3A_33 = vector.load %arg8[%get3A_31, %get3A_32] : memref<160000x128xbf16, #tpu.memory_space<vmem>>, vector<2000x128xbf16>
      %convert_element_type3A_34 = arith.extf %get3A_33 : vector<2000x128xbf16> to vector<2000x128xf32>
      %sub3A_35 = vector.broadcast %div3A_17 : f32 to vector<2000x128xf32>
      %sub3A_36 = arith.subf %convert_element_type3A_34, %sub3A_35 : vector<2000x128xf32>
      %add3A = arith.constant 9.99999974E-6 : f32
      %add3A_37 = arith.addf %sub3A_28, %add3A : f32
      %rsqrt3A = math.rsqrt %add3A_37 : f32
      %mul3A_38 = vector.broadcast %rsqrt3A : f32 to vector<2000x128xf32>
      %mul3A_39 = arith.mulf %sub3A_36, %mul3A_38 : vector<2000x128xf32>
      %max3A = arith.constant 0.000000e+00 : f32
      %max3A_40 = vector.broadcast %max3A : f32 to vector<2000x128xf32>
      %max3A_41 = arith.maximumf %mul3A_39, %max3A_40 : vector<2000x128xf32>
      %get3A_42 = arith.constant 0 : index
      %get3A_43 = arith.constant 0 : index
      %get3A_44 = vector.load %arg5[%get3A_42, %get3A_43] : memref<128x64xf32, #tpu.memory_space<vmem>>, vector<128x64xf32>
      %dot_general3A = arith.constant dense<0.000000e+00> : vector<2000x64xf32>
      %dot_general3A_45 = tpu.matmul %max3A_41, %get3A_44, %dot_general3A {dimension_numbers = #tpu.dot_dimension_numbers<[1], [0], [0], [1], [0, 0, 1, 1], [], []>, transpose_lhs_hint = false} : vector<2000x128xf32>, vector<128x64xf32>, vector<2000x64xf32> -> vector<2000x64xf32>
      %broadcast_in_dim3A = arith.constant 0.000000e+00 : f32
      %broadcast_in_dim3A_46 = vector.broadcast %broadcast_in_dim3A : f32 to vector<2000x64xf32>
      %concatenate3A = tpu.concatenate %dot_general3A_45, %broadcast_in_dim3A_46 in 1 : vector<2000x64xf32>, vector<2000x64xf32> -> vector<2000x128xf32>
      %swap3A = arith.constant 0 : index
      %swap3A_47 = arith.constant 0 : index
      %swap3A_48 = vector.load %arg6[%swap3A, %swap3A_47] : memref<2000x128xf32, #tpu.memory_space<vmem>>, vector<2000x128xf32>
      tpu.vector_store %arg6[%swap3A, %swap3A_47], %concatenate3A {strides = array<i32>} : memref<2000x128xf32, #tpu.memory_space<vmem>>, vector<2000x128xf32>,
      %get3A_49 = arith.constant 0 : index
      %get3A_50 = arith.constant 0 : index
      %get3A_51 = vector.load %arg2[%get3A_49, %get3A_50] : memref<2000x64xf32, #tpu.memory_space<vmem>>, vector<2000x64xf32>
      %mul3A_52 = arith.constant 1.000000e-01 : f32
      %mul3A_53 = vector.broadcast %mul3A_52 : f32 to vector<2000x64xf32>
      %mul3A_54 = arith.mulf %mul3A_53, %dot_general3A_45 : vector<2000x64xf32>
      %add3A_55 = arith.addf %get3A_51, %mul3A_54 : vector<2000x64xf32>
      %swap3A_56 = arith.constant 0 : index
      %swap3A_57 = arith.constant 0 : index
      %swap3A_58 = vector.load %arg7[%swap3A_56, %swap3A_57] : memref<2000x64xf32, #tpu.memory_space<vmem>>, vector<2000x64xf32>
      tpu.vector_store %arg7[%swap3A_56, %swap3A_57], %add3A_55 {strides = array<i32>} : memref<2000x64xf32, #tpu.memory_space<vmem>>, vector<2000x64xf32>,
    } else {
    }
    return
  }
  func.func @transform_0(%arg0: i32) -> (i32, i32) {
    %lt3A = arith.constant 80 : i32
    %lt3A_0 = arith.cmpi slt, %arg0, %lt3A : i32
    %jit3A = arith.constant 0 : i32
    %select_n3A = arith.select %lt3A_0, %arg0, %jit3A : i32
    %c0_i32 = arith.constant 0 : i32
    %c0_i32_1 = arith.constant 0 : i32
    return %select_n3A, %c0_i32 : i32, i32
  }
  func.func @transform_1(%arg0: i32) -> (i32, i32) {
    %lt3A = arith.constant 80 : i32
    %lt3A_0 = arith.cmpi slt, %arg0, %lt3A : i32
    %sub3A = arith.constant 80 : i32
    %sub3A_1 = arith.subi %arg0, %sub3A : i32
    %select_n3A = arith.select %lt3A_0, %arg0, %sub3A_1 : i32
    %c0_i32 = arith.constant 0 : i32
    %c0_i32_2 = arith.constant 0 : i32
    return %select_n3A, %c0_i32 : i32, i32
  }
  func.func @transform_2(%arg0: i32) -> (i32, i32) {
    %c0_i32 = arith.constant 0 : i32
    %c0_i32_0 = arith.constant 0 : i32
    %c0_i32_1 = arith.constant 0 : i32
    return %c0_i32, %c0_i32_0 : i32, i32
  }
  func.func @transform_3(%arg0: i32) -> (i32, i32) {
    %c0_i32 = arith.constant 0 : i32
    %c0_i32_0 = arith.constant 0 : i32
    %c0_i32_1 = arith.constant 0 : i32
    return %c0_i32, %c0_i32_0 : i32, i32
  }
  func.func @transform_4(%arg0: i32) -> (i32, i32) {
    %c0_i32 = arith.constant 0 : i32
    %c0_i32_0 = arith.constant 0 : i32
    %c0_i32_1 = arith.constant 0 : i32
    return %c0_i32, %c0_i32_0 : i32, i32
  }
  func.func @transform_5(%arg0: i32) -> (i32, i32) {
    %lt3A = arith.constant 80 : i32
    %lt3A_0 = arith.cmpi slt, %arg0, %lt3A : i32
    %sub3A = arith.constant 80 : i32
    %sub3A_1 = arith.subi %arg0, %sub3A : i32
    %jit3A = arith.constant 0 : i32
    %select_n3A = arith.select %lt3A_0, %jit3A, %sub3A_1 : i32
    %c0_i32 = arith.constant 0 : i32
    %c0_i32_2 = arith.constant 0 : i32
    return %select_n3A, %c0_i32 : i32, i32
  }
  func.func @transform_6(%arg0: i32) -> (i32, i32) {
    %lt3A = arith.constant 80 : i32
    %lt3A_0 = arith.cmpi slt, %arg0, %lt3A : i32
    %sub3A = arith.constant 80 : i32
    %sub3A_1 = arith.subi %arg0, %sub3A : i32
    %jit3A = arith.constant 0 : i32
    %select_n3A = arith.select %lt3A_0, %jit3A, %sub3A_1 : i32
    %c0_i32 = arith.constant 0 : i32
    %c0_i32_2 = arith.constant 0 : i32
    return %select_n3A, %c0_i32 : i32, i32
  }
}

module attributes {stable_mosaic.version = 14 : i64} {
  func.func @_node_layer_body(%arg0: memref<2x2x10240x128xf32, #tpu.memory_space<vmem>>, %arg1: memref<10000x128xf32, #tpu.memory_space<vmem>>, %arg2: memref<64x128xf32, #tpu.memory_space<vmem>>, %arg3: memref<64x128xf32, #tpu.memory_space<vmem>>, %arg4: memref<128x128xf32, #tpu.memory_space<vmem>>, %arg5: memref<128x64xf32, #tpu.memory_space<vmem>>, %arg6: memref<10000x128xf32, #tpu.memory_space<vmem>>) attributes {dimension_semantics = [], scalar_prefetch = 0 : i64, scratch_operands = 0 : i64, tpu.core_type = #tpu.core_type<tc>} {
    %get3A = arith.constant 0 : index
    %get3A_0 = arith.constant 0 : index
    %get3A_1 = arith.constant 0 : index
    %get3A_2 = arith.constant 0 : index
    %get3A_3 = vector.load %arg0[%get3A, %get3A_0, %get3A_1, %get3A_2] : memref<2x2x10240x128xf32, #tpu.memory_space<vmem>>, vector<2x2x10240x128xf32>
    %slice3A = vector.extract_strided_slice %get3A_3 {offsets = [0, 0, 0, 0], sizes = [1, 1, 10000, 64], strides = [1, 1, 1, 1]} : vector<2x2x10240x128xf32> to vector<1x1x10000x64xf32>
    %squeeze3A = vector.shape_cast %slice3A : vector<1x1x10000x64xf32> to vector<10000x64xf32>
    %slice3A_4 = vector.extract_strided_slice %get3A_3 {offsets = [1, 0, 0, 0], sizes = [1, 1, 10000, 64], strides = [1, 1, 1, 1]} : vector<2x2x10240x128xf32> to vector<1x1x10000x64xf32>
    %squeeze3A_5 = vector.shape_cast %slice3A_4 : vector<1x1x10000x64xf32> to vector<10000x64xf32>
    %add3A = arith.addf %squeeze3A, %squeeze3A_5 : vector<10000x64xf32>
    %slice3A_6 = vector.extract_strided_slice %get3A_3 {offsets = [0, 1, 0, 0], sizes = [1, 1, 10000, 64], strides = [1, 1, 1, 1]} : vector<2x2x10240x128xf32> to vector<1x1x10000x64xf32>
    %squeeze3A_7 = vector.shape_cast %slice3A_6 : vector<1x1x10000x64xf32> to vector<10000x64xf32>
    %slice3A_8 = vector.extract_strided_slice %get3A_3 {offsets = [1, 1, 0, 0], sizes = [1, 1, 10000, 64], strides = [1, 1, 1, 1]} : vector<2x2x10240x128xf32> to vector<1x1x10000x64xf32>
    %squeeze3A_9 = vector.shape_cast %slice3A_8 : vector<1x1x10000x64xf32> to vector<10000x64xf32>
    %add3A_10 = arith.addf %squeeze3A_7, %squeeze3A_9 : vector<10000x64xf32>
    %sub3A = arith.subf %add3A_10, %add3A : vector<10000x64xf32>
    %add3A_11 = arith.addf %add3A, %sub3A : vector<10000x64xf32>
    %mul3A = arith.constant 5.000000e-01 : f32
    %mul3A_12 = vector.broadcast %mul3A : f32 to vector<10000x64xf32>
    %mul3A_13 = arith.mulf %mul3A_12, %add3A_11 : vector<10000x64xf32>
    %sub3A_14 = arith.subf %add3A, %sub3A : vector<10000x64xf32>
    %get3A_15 = arith.constant 0 : index
    %get3A_16 = arith.constant 0 : index
    %get3A_17 = vector.load %arg1[%get3A_15, %get3A_16] : memref<10000x128xf32, #tpu.memory_space<vmem>>, vector<10000x128xf32>
    %get3A_18 = arith.constant 0 : index
    %get3A_19 = arith.constant 0 : index
    %get3A_20 = vector.load %arg2[%get3A_18, %get3A_19] : memref<64x128xf32, #tpu.memory_space<vmem>>, vector<64x128xf32>
    %dot_general3A = arith.constant dense<0.000000e+00> : vector<10000x128xf32>
    %dot_general3A_21 = tpu.matmul %mul3A_13, %get3A_20, %dot_general3A {dimension_numbers = #tpu.dot_dimension_numbers<[1], [0], [0], [1], [0, 0, 1, 1], [], []>, transpose_lhs_hint = false} : vector<10000x64xf32>, vector<64x128xf32>, vector<10000x128xf32> -> vector<10000x128xf32>
    %get3A_22 = arith.constant 0 : index
    %get3A_23 = arith.constant 0 : index
    %get3A_24 = vector.load %arg3[%get3A_22, %get3A_23] : memref<64x128xf32, #tpu.memory_space<vmem>>, vector<64x128xf32>
    %dot_general3A_25 = arith.constant dense<0.000000e+00> : vector<10000x128xf32>
    %dot_general3A_26 = tpu.matmul %sub3A_14, %get3A_24, %dot_general3A_25 {dimension_numbers = #tpu.dot_dimension_numbers<[1], [0], [0], [1], [0, 0, 1, 1], [], []>, transpose_lhs_hint = false} : vector<10000x64xf32>, vector<64x128xf32>, vector<10000x128xf32> -> vector<10000x128xf32>
    %add3A_27 = arith.addf %dot_general3A_21, %dot_general3A_26 : vector<10000x128xf32>
    %get3A_28 = arith.constant 0 : index
    %get3A_29 = arith.constant 0 : index
    %get3A_30 = vector.load %arg4[%get3A_28, %get3A_29] : memref<128x128xf32, #tpu.memory_space<vmem>>, vector<128x128xf32>
    %dot_general3A_31 = arith.constant dense<0.000000e+00> : vector<10000x128xf32>
    %dot_general3A_32 = tpu.matmul %get3A_17, %get3A_30, %dot_general3A_31 {dimension_numbers = #tpu.dot_dimension_numbers<[1], [0], [0], [1], [0, 0, 1, 1], [], []>, transpose_lhs_hint = false} : vector<10000x128xf32>, vector<128x128xf32>, vector<10000x128xf32> -> vector<10000x128xf32>
    %add3A_33 = arith.addf %add3A_27, %dot_general3A_32 : vector<10000x128xf32>
    %reduce_sum3A = vector.shape_cast %add3A_33 : vector<10000x128xf32> to vector<1x10000x128xf32>
    %reduce_sum3A_34 = arith.constant dense<0.000000e+00> : vector<1xf32>
    %reduce_sum3A_35 = vector.multi_reduction <add>, %reduce_sum3A, %reduce_sum3A_34 [1, 2] : vector<1x10000x128xf32> to vector<1xf32>
    %reduce_sum3A_36 = vector.shape_cast %reduce_sum3A_35 : vector<1xf32> to vector<1x1x1xf32>
    %reduce_sum3A_37 = vector.extract %reduce_sum3A_36[0, 0, 0] : f32 from vector<1x1x1xf32>
    %div3A = arith.constant 1.280000e+06 : f32
    %div3A_38 = arith.divf %reduce_sum3A_37, %div3A : f32
    %sub3A_39 = vector.broadcast %div3A_38 : f32 to vector<10000x128xf32>
    %sub3A_40 = arith.subf %add3A_33, %sub3A_39 : vector<10000x128xf32>
    %sub3A_41 = vector.broadcast %div3A_38 : f32 to vector<10000x128xf32>
    %sub3A_42 = arith.subf %add3A_33, %sub3A_41 : vector<10000x128xf32>
    %mul3A_43 = arith.mulf %sub3A_40, %sub3A_42 : vector<10000x128xf32>
    %reduce_sum3A_44 = vector.shape_cast %mul3A_43 : vector<10000x128xf32> to vector<1x10000x128xf32>
    %reduce_sum3A_45 = arith.constant dense<0.000000e+00> : vector<1xf32>
    %reduce_sum3A_46 = vector.multi_reduction <add>, %reduce_sum3A_44, %reduce_sum3A_45 [1, 2] : vector<1x10000x128xf32> to vector<1xf32>
    %reduce_sum3A_47 = vector.shape_cast %reduce_sum3A_46 : vector<1xf32> to vector<1x1x1xf32>
    %reduce_sum3A_48 = vector.extract %reduce_sum3A_47[0, 0, 0] : f32 from vector<1x1x1xf32>
    %div3A_49 = arith.constant 1.280000e+06 : f32
    %div3A_50 = arith.divf %reduce_sum3A_48, %div3A_49 : f32
    %sub3A_51 = vector.broadcast %div3A_38 : f32 to vector<10000x128xf32>
    %sub3A_52 = arith.subf %add3A_33, %sub3A_51 : vector<10000x128xf32>
    %add3A_53 = arith.constant 9.99999974E-6 : f32
    %add3A_54 = arith.addf %div3A_50, %add3A_53 : f32
    %rsqrt3A = math.rsqrt %add3A_54 : f32
    %mul3A_55 = vector.broadcast %rsqrt3A : f32 to vector<10000x128xf32>
    %mul3A_56 = arith.mulf %sub3A_52, %mul3A_55 : vector<10000x128xf32>
    %max3A = arith.constant 0.000000e+00 : f32
    %max3A_57 = vector.broadcast %max3A : f32 to vector<10000x128xf32>
    %max3A_58 = arith.maximumf %mul3A_56, %max3A_57 : vector<10000x128xf32>
    %get3A_59 = arith.constant 0 : index
    %get3A_60 = arith.constant 0 : index
    %get3A_61 = vector.load %arg5[%get3A_59, %get3A_60] : memref<128x64xf32, #tpu.memory_space<vmem>>, vector<128x64xf32>
    %dot_general3A_62 = arith.constant dense<0.000000e+00> : vector<10000x64xf32>
    %dot_general3A_63 = tpu.matmul %max3A_58, %get3A_61, %dot_general3A_62 {dimension_numbers = #tpu.dot_dimension_numbers<[1], [0], [0], [1], [0, 0, 1, 1], [], []>, transpose_lhs_hint = false} : vector<10000x128xf32>, vector<128x64xf32>, vector<10000x64xf32> -> vector<10000x64xf32>
    %broadcast_in_dim3A = arith.constant 0.000000e+00 : f32
    %broadcast_in_dim3A_64 = vector.broadcast %broadcast_in_dim3A : f32 to vector<10000x64xf32>
    %concatenate3A = tpu.concatenate %dot_general3A_63, %broadcast_in_dim3A_64 in 1 : vector<10000x64xf32>, vector<10000x64xf32> -> vector<10000x128xf32>
    %mul3A_65 = arith.constant 1.000000e-01 : f32
    %mul3A_66 = vector.broadcast %mul3A_65 : f32 to vector<10000x128xf32>
    %mul3A_67 = arith.mulf %mul3A_66, %concatenate3A : vector<10000x128xf32>
    %add3A_68 = arith.addf %get3A_17, %mul3A_67 : vector<10000x128xf32>
    %swap3A = arith.constant 0 : index
    %swap3A_69 = arith.constant 0 : index
    %swap3A_70 = vector.load %arg6[%swap3A, %swap3A_69] : memref<10000x128xf32, #tpu.memory_space<vmem>>, vector<10000x128xf32>
    tpu.vector_store %arg6[%swap3A, %swap3A_69], %add3A_68 {strides = array<i32>} : memref<10000x128xf32, #tpu.memory_space<vmem>>, vector<10000x128xf32>,
    return
  }
}

module attributes {stable_mosaic.version = 14 : i64} {
  func.func @_final_body(%arg0: memref<10000x128xf32, #tpu.memory_space<vmem>>, %arg1: memref<128x128xf32, #tpu.memory_space<vmem>>, %arg2: memref<10000x128xf32, #tpu.memory_space<vmem>>) attributes {dimension_semantics = [], scalar_prefetch = 0 : i64, scratch_operands = 0 : i64, tpu.core_type = #tpu.core_type<tc>} {
    %get3A = arith.constant 0 : index
    %get3A_0 = arith.constant 0 : index
    %get3A_1 = vector.load %arg0[%get3A, %get3A_0] : memref<10000x128xf32, #tpu.memory_space<vmem>>, vector<10000x128xf32>
    %get3A_2 = arith.constant 0 : index
    %get3A_3 = arith.constant 0 : index
    %get3A_4 = vector.load %arg1[%get3A_2, %get3A_3] : memref<128x128xf32, #tpu.memory_space<vmem>>, vector<128x128xf32>
    %dot_general3A = arith.constant dense<0.000000e+00> : vector<10000x128xf32>
    %dot_general3A_5 = tpu.matmul %get3A_1, %get3A_4, %dot_general3A {dimension_numbers = #tpu.dot_dimension_numbers<[1], [0], [0], [1], [0, 0, 1, 1], [], []>, transpose_lhs_hint = false} : vector<10000x128xf32>, vector<128x128xf32>, vector<10000x128xf32> -> vector<10000x128xf32>
    %swap3A = arith.constant 0 : index
    %swap3A_6 = arith.constant 0 : index
    %swap3A_7 = vector.load %arg2[%swap3A, %swap3A_6] : memref<10000x128xf32, #tpu.memory_space<vmem>>, vector<10000x128xf32>
    tpu.vector_store %arg2[%swap3A, %swap3A_6], %dot_general3A_5 {strides = array<i32>} : memref<10000x128xf32, #tpu.memory_space<vmem>>, vector<10000x128xf32>,
    return
  }
}

</mosaic_0001>

<sc_bundles>
// kernel: kernel.14.cloned.1.call-start
scs
__scs_entry_jumppad:
0x0: {  	(pc) =	sbr.rel $0x88, $3  }
0x1: {  	(tag) =	ssettag $0x0;
	lr =	simm.s32 $0x1  }
0x2: {  	[smem:$0x3F94] =	sst lr;
	_ =	strace $0xD0000000  }
0x3: {  	_ = 	snop  }
0x4: {  	_ = 	snop  }
0x5: {  	_ = 	snop  }
0x6: {  	_ = 	snop  }
0x7: {  	_ = 	snop  }
__scs_overlays_trampoline_lowered:
0x8: {  	[smem:$0x3FA3] =	sst s0  }
0x9: {  	[smem:$0x3FA4] =	sst s1  }
0xa: {  	[smem:$0x3FA5] =	sst s2  }
0xb: {  	[smem:$0x3FA6] =	sst s3  }
0xc: {  	[smem:$0x3FA7] =	sst s4  }
0xd: {  	[smem:$0x3FA8] =	sst s5  }
0xe: {  	[smem:$0x3FA9] =	sst s6  }
0xf: {  	[smem:$0x3FAA] =	sst s7  }
0x10: {  	[smem:$0x3FAB] =	sst s8  }
0x11: {  	[smem:$0x3FAC] =	sst s9;
	s0 =	simm.s32 @!p0 $0x0  }
0x12: {  	s1 =	sld [smem:$0x3F92];
	s0 =	simm.s32 @p0 $0x1  }
0x13: {  	[smem:$0x3FAD] =	sst s0;
	s0 =	simm.s32 @!p1 $0x0  }
0x14: {  	s2 =	sld [smem:$0x3F91];
	s0 =	simm.s32 @p1 $0x1  }
0x15: {  	[smem:$0x3FAE] =	sst s0;
	s0 =	simm.s32 @!p2 $0x0  }
0x16: {  	s3 =	sld [smem:$0x3FDB];
	s0 =	simm.s32 @p2 $0x1  }
0x17: {  	s4 =	simm.s32 $0x1BF5;
	[smem:$0x3FB0] =	sst s0  }
0x18: {  	s0 =	sld [smem:$0x3F93];
	_ =	swait.ge [sflag:s4], $0x0  }
0x19: {  	s7 =	sld [smem:$0x3F94]  }
0x1a: {  	s8 =	sadd.s32 $0xFFFFE003, lr  }
0x1b: {  	s9 =	sadd.s32 $0xFFFFFEF7, lr;
	s5 =	simm.s32 $0xFFFFFFFF;
	p2 =	slt.u32 s8, $0xFFFFF086  }
0x1c: {  	p1 =	slt.u32 s9, $0xF7A;
	s5 =	simm.s32 @!p2 $0x0  }
0x1d: {  	s5 =	simm.s32 @p1 $0x1;
	p0 =	seq.s32 s7, s2  }
0x1e: {  	s7 =	smul.u32 @!p0 $0xF7A, s2;
	p2 =	seq.s32 @!p0 s5, $0x0  }
0x1f: {  	s9 =	smul.u32 $0xF7A, s1;
	s8 =	simm.s32 @!p0 $0x1BF5;
	p2 =	por !p2, p0  }
0x20: {  	[sflag:s8] =	ssyncset.s32 @!p0 $0xFFFFF086;
	s6 =	sadd.s32 @!p0 s3, s7;
	s7 =	simm.s32 @!p0 $0x108  }
0x21: {  	s3 =	sadd.s32 s3, s9;
	s6 =	sadd.s32 @!p0 $0x88, s6;
	s7 =	simm.s32 @p2 $0x1082  }
0x22: {  	[simem:s7], [sflag:s8] =	dma.local @!p0 [hbm:s6], $0xF7A  }
0x23: {  	s9 =	sor.u32 $0xD0000000, s2;
	s6 =	simm.s32 $0x108;
	_ =	swait.ge @!p0 [sflag:s8], $0x0  }
0x24: {  	s3 =	sadd.s32 $0x88, s3;
	s6 =	simm.s32 @!p1 $0x1082;
	[sflag:s4] =	ssyncset.s32 $0xFFFFF086  }
0x25: {  	[simem:s6], [sflag:s4] =	dma.local [hbm:s3], $0xF7A  }
0x26: {  	[smem:$0x3F94] =	sst s1;
	(tag) =	ssettag s2;
	_ =	strace s9  }
0x27: {  	s1 =	sld [smem:$0x3FA4]  }
0x28: {  	s2 =	sld [smem:$0x3FA5]  }
0x29: {  	s4 =	sld [smem:$0x3FA7]  }
0x2a: {  	p0 =	seq.s32 s5, $0x0;
	s5 =	sld [smem:$0x3FA8]  }
0x2b: {  	s6 =	sld [smem:$0x3FA9]  }
0x2c: {  	s7 =	sld [smem:$0x3FAA]  }
0x2d: {  	s3 =	simm.s32 $0x108;
	s8 =	sld [smem:$0x3FAB]  }
0x2e: {  	s3 =	simm.s32 @!p0 $0x1082;
	s9 =	sld [smem:$0x3FAC]  }
0x2f: {  	lr =	sadd.s32 s0, s3;
	s0 =	sld [smem:$0x3FA3]  }
0x30: {  	s3 =	sld [smem:$0x3FA6]  }
0x31: {  	[smem:$0x3FAF] =	sst s10  }
0x32: {  	s10 =	sld [smem:$0x3FAD];
	_ =	sdelay $0x3  }
0x33: {  	p0 =	seq.s32 s10, $0x1;
	s10 =	sld [smem:$0x3FAF];
	_ =	sdelay $0x3  }
0x34: {  	[smem:$0x3FAF] =	sst s10  }
0x35: {  	s10 =	sld [smem:$0x3FAE];
	_ =	sdelay $0x3  }
0x36: {  	p1 =	seq.s32 s10, $0x1;
	s10 =	sld [smem:$0x3FAF];
	_ =	sdelay $0x3  }
0x37: {  	[smem:$0x3FAF] =	sst s10  }
0x38: {  	s10 =	sld [smem:$0x3FB0]  }
0x39: {  	_ = 	snop;
	(pc) =	sbr.ind lr, $3  }
0x3a: {  	_ = 	snop  }
0x3b: {  	_ = 	snop  }
0x3c: {  	p2 =	seq.s32 s10, $0x1;
	s10 =	sld [smem:$0x3FAF]  }
0x3d: {  	_ =	shalt  }
0x3e: {  	_ =	shalt  }
0x3f: {  	_ =	shalt  }
0x40: {  	_ =	shalt  }
0x41: {  	_ =	shalt  }
0x42: {  	_ =	shalt  }
0x43: {  	_ =	shalt  }
0x44: {  	_ =	shalt  }
0x45: {  	_ =	shalt  }
0x46: {  	_ =	shalt  }
0x47: {  	_ =	shalt  }
0x48: {  	_ =	shalt  }
0x49: {  	_ =	shalt  }
0x4a: {  	_ =	shalt  }
0x4b: {  	_ =	shalt  }
0x4c: {  	_ =	shalt  }
0x4d: {  	_ =	shalt  }
0x4e: {  	_ =	shalt  }
0x4f: {  	_ =	shalt  }
0x50: {  	_ =	shalt  }
0x51: {  	_ =	shalt  }
0x52: {  	_ =	shalt  }
0x53: {  	_ =	shalt  }
0x54: {  	_ =	shalt  }
0x55: {  	_ =	shalt  }
0x56: {  	_ =	shalt  }
0x57: {  	_ =	shalt  }
0x58: {  	_ =	shalt  }
0x59: {  	_ =	shalt  }
0x5a: {  	_ =	shalt  }
0x5b: {  	_ =	shalt  }
0x5c: {  	_ =	shalt  }
0x5d: {  	_ =	shalt  }
0x5e: {  	_ =	shalt  }
0x5f: {  	_ =	shalt  }
0x60: {  	_ =	shalt  }
0x61: {  	_ =	shalt  }
0x62: {  	_ =	shalt  }
0x63: {  	_ =	shalt  }
0x64: {  	_ =	shalt  }
0x65: {  	_ =	shalt  }
0x66: {  	_ =	shalt  }
0x67: {  	_ =	shalt  }
0x68: {  	_ =	shalt  }
0x69: {  	_ =	shalt  }
0x6a: {  	_ =	shalt  }
0x6b: {  	_ =	shalt  }
0x6c: {  	_ =	shalt  }
0x6d: {  	_ =	shalt  }
0x6e: {  	_ =	shalt  }
0x6f: {  	_ =	shalt  }
0x70: {  	_ =	shalt  }
0x71: {  	_ =	shalt  }
0x72: {  	_ =	shalt  }
0x73: {  	_ =	shalt  }
0x74: {  	_ =	shalt  }
0x75: {  	_ =	shalt  }
0x76: {  	_ =	shalt  }
0x77: {  	_ =	shalt  }
0x78: {  	_ =	shalt  }
0x79: {  	_ =	shalt  }
0x7a: {  	_ =	shalt  }
0x7b: {  	_ =	shalt  }
0x7c: {  	_ =	shalt  }
0x7d: {  	_ =	shalt  }
0x7e: {  	_ =	shalt  }
0x7f: {  	_ =	shalt  }
0x80: {  	_ =	shalt  }
0x81: {  	_ =	shalt  }
0x82: {  	_ =	shalt  }
0x83: {  	_ =	shalt  }
0x84: {  	_ =	shalt  }
0x85: {  	_ =	shalt  }
0x86: {  	_ =	shalt  }
0x87: {  	_ =	shalt  }
.Lfunc_end0:
.L_simem_size_0:
called_computation.1_lowered:
.L_overlay_start_0:
0x88: {  	s2 =	sld [smem:$0x3FD9]  }
0x89: {  	s3 =	sld [smem:$0x3FFE];
	_ =	sdelay $0x1  }
0x8a: {  	s1 =	srdreg.scid  }
0x8b: {  	s0 =	sand.u32 $0x1, s1  }
0x8c: {  	s14 =	sshll.u32 s0, $0xA;
	s2 =	sadd.s32 s3, s2  }
0x8d: {  	s2 =	sadd.s32 s2, s14  }
0x8e: {  	[smem:$0x3FBB] =	sst s2  }
0x8f: {  	_ = 	snop  }
0x90: {  	s2 =	sld [smem:$0x3FD0];
	_ =	sdelay $0x2  }
0x91: {  	s15 =	simm.s32 $0xB;
	s4 =	simm.s32 $0x10  }
0x92: {  	[smem:s4], [sflag:s15] =	dma.local [hbm:s2], $0x1  }
0x93: {  	_ =	swait.eq [sflag:s15], $0x1  }
0x94: {  	[sflag:s15] =	ssyncset.done $0x0  }
0x95: {  	[sflag:s15] =	ssyncadd.s32 $0xFFFFFFFF  }
0x96: {  	s16 =	sld [smem:$0x10];
	(tm) =	ssettm $0x1  }
0x97: {  	s17 =	sld [smem:$0x3FFB];
	_ =	sdelay $0x3  }
0x98: {  	_ =	strace s17  }
0x99: {  	s3 =	sld [smem:$0x3FFC];
	_ =	sdelay $0x3  }
0x9a: {  	_ =	strace s3  }
0x9b: {  	s3 =	sld [smem:$0x3FFD];
	_ =	sdelay $0x3  }
0x9c: {  	_ =	strace s3  }
0x9d: {  	_ =	strace $0x8FFFFFFF  }
0x9e: {  	s18 =	sld [smem:$0x3FDB];
	_ =	sdelay $0x1  }
0x9f: {  	s19 =	simm.s32 $_scs_section_size  }
0xa0: {  	s5 =	simm.s32 $_size__tile_overlayer_lowered;
	s6 =	simm.s32 $_tile_overlayer_lowered  }
0xa1: {  	s22 =	simm.s32 $0x1BFF;
	s21 =	sshll.u32 s6, $0x1;
	s3 =	sadd.s32 s19, s18  }
0xa2: {  	s7 =	simm.s32 $0x0;
	s20 =	sshll.u32 s5, $0x1;
	s5 =	sadd.s32 s21, s3  }
0xa3: {  	[timem:s7], [sflag:s22] =	dma.local [hbm:s5], s20  }
0xa4: {  	_ =	swait.ge [sflag:s22], s20  }
0xa5: {  	s4 =	ssub.s32 $0x0, s20;
	[sflag:s22] =	ssyncset.done $0x0  }
0xa6: {  	[sflag:s22] =	ssyncadd.s32 s4;
	_ =	sdelay $0x1  }
0xa7: {  	s23 =	simm.s32 $0x1B8B  }
0xa8: {  	_ =	swait.ge [sflag:s23], $0x1  }
0xa9: {  	[sflag:s23] =	ssyncset.done $0x0  }
0xaa: {  	s25 =	simm.s32 $0x1B8E;
	s24 =	sld [smem:$0x3FFE];
	[sflag:s23] =	ssyncadd.s32 $0xFFFFFFFF  }
0xab: {  	s26 =	simm.s32 $execute0_lowered;
	[smem:$0x3FD2] =	sst s25  }
0xac: {  	s5 =	sshll.u32 s26, $0x1;
	_ =	strace $0x80000046;
	[dreg:$0x1] =	wrdreg $0xFFFFFFFF  }
0xad: {  	s28 =	simm.s32 $_size_execute0_lowered;
	s3 =	sadd.s32 s3, s5;
	[dreg:$0x0] =	wrdreg $0x0  }
0xae: {  	s5 =	sshll.u32 s28, $0x1;
	[dreg:$0x2] =	wrdreg s3  }
0xaf: {  	[dreg:$0x3] =	wrdreg s5  }
0xb0: {  	[dreg:$0x4] =	wrdreg $0xC0  }
0xb1: {  	_ =	task [dreg:s7], $0x5FFFF  }
0xb2: {  	[dreg:$0x1] =	wrdreg $0xFFFFFFFF  }
0xb3: {  	[dreg:$0x0] =	wrdreg $0x60  }
0xb4: {  	[dreg:$0x2] =	wrdreg s16  }
0xb5: {  	[dreg:$0x3] =	wrdreg s24  }
0xb6: {  	[dreg:$0x4] =	wrdreg $0x9  }
0xb7: {  	_ =	task.clear_ibuf [dreg:s7], $0x5FFFF;
	_ =	strace $0x90000046  }
0xb8: {  	s29 =	simm.s32 $0x9;
	_ =	strace $0x80000048  }
0xb9: {  	_ =	swait.ge [sflag:s29], $0x1  }
0xba: {  	[sflag:s29] =	ssyncadd.s32 $0xFFFFFFFF  }
0xbb: {  	_ =	strace $0x90000048  }
0xbc: {  	_ =	sfence  }
0xbd: {  	s30 =	sld [smem:$0x0];
	_ =	sdelay $0x2  }
0xbe: {  	s31 =	sshll.u32 s1, $0xD;
	s1 =	sshrl.u32 s1, $0x2  }
0xbf: {  	s3 =	sand.u32 $0x4000, s31;
	s1 =	sadd.s32 s1, s30  }
0xc0: {  	s0 =	sor.u32 s3, s0;
	s1 =	sshll.u32 s1, $0x11  }
0xc1: {  	s0 =	sor.u32 s1, s0  }
0xc2: {  	s0 =	sadd.s32 $0x8F2B, s0  }
0xc3: {  	[sflag:s0] =	ssyncadd.remote.s32 $0x1  }
0xc4: {  	_ =	sfence.sel $0xFFFF  }
0xc5: {  	[dreg:$0x0] =	wrdreg $0xFFFFFFFF;
	(pc) =	sbr.abs _section_cstart, $3  }
0xc6: {  	[dreg:$0x1] =	wrdreg $0xFFFFFFFF  }
0xc7: {  	_ =	task.clear_ibuf [dreg:s7], $0x2FFFF;
	_ =	strace $0x9FFFFFFF  }
0xc8: {  	(tm) =	ssettm $0x7FFFFFFF  }
0xc9: {  	_ =	shalt  }
tec
execute0_lowered:
.L_overlay_start_1:
0x0: {  	(tag) =	ssettag $0x1  }
0x1: {  	s1 =	srdreg.scid  }
0x2: {  	s0 =	stileid.u32;
	s2 =	rddreg [dreg:$0x0]  }
0x3: {  	s4 =	rddreg [dreg:$0x1];
	s3 =	simm.s32 $0x0;
	s13 =	simm.s32 $0x9000  }
0x4: {  	s14 =	simm.s32 $0xCC00;
	s15 =	simm.s32 $0x1;
	s16 =	simm.s32 $0x2  }
0x5: {  	s17 =	simm.s32 $0x3;
	s18 =	simm.s32 $0x4;
	s19 =	simm.s32 $0x5  }
0x6: {  	s20 =	simm.s32 $0x6;
	s21 =	simm.s32 $0x7;
	s22 =	simm.s32 $0x8  }
0x7: {  	s23 =	simm.s32 $0x1400;
	s24 =	simm.s32 $0x1480;
	s25 =	simm.s32 $0x0  }
0x8: {  	s6 =	sand.u32 $0x1, s1;
	s29 =	sshll.u32 s0, $0x1;
	s11 =	smul.u32 $0x27100, s0  }
0x9: {  	s1 =	rddreg [dreg:$0x2];
	s5 =	sor.u32 s6, s29;
	s12 =	smul.u32 $0x13880, s6  }
0xa: {  	[smem:$0x7FF] =	sst s3;
	s9 =	sadd.s32 $0xB800, s4;
	s7 =	smul.u32 $0x300, s5  }
0xb: {  	_ =	strace $0x80000047;
	s8 =	ssub.s32 $0x2, s6;
	s5 =	smul.u32 $0x9C400, s5  }
0xc: {  	s30 =	sshrl.u32 s8, $0x1;
	s31 =	sadd.s32 s11, s9;
	s11 =	simm.s32 $0x1800  }
0xd: {  	s8 =	ssub.s32 s8, s30;
	s7 =	sadd.s32 s7, s4;
	s5 =	sshrl.u32 s5, $0x3  }
0xe: {  	s10 =	sadd.s32 s9, s5;
	s4 =	sadd.s32 $0x5800, s7;
	s7 =	smax.u32 s8, $0x1  }
0xf: {  	s8 =	sadd.s32 s12, s31;
	s9 =	simm.s32 $0x9;
	s12 =	simm.s32 $0x5400  }
0x10: {  	s5 =	sadd.s32 $0x12C00, s10;
	s6 =	sadd.s32 $0x13380, s10;
	s10 =	simm.s32 $0x78  }
.LBB2_1:
0x11: {  	[tilespmem:s3], [sflag:$0x9] =	stream.linear.gather [hbm4b:s4+s3], $0x1500, $0x38;
	[tilespmem:$0x10800] =	vst v63  }
0x12: {  	_ =	swait.ge [sflag:s9], $0x1500  }
0x13: {  	[sflag:s9] =	ssyncset.done $0x0  }
0x14: {  	[sflag:s9] =	ssyncadd.s32 $0xFFFFEB00  }
0x15: {  	[tilespmem:s11], [sflag:$0x1] =	stream.indirect.gather [hbm4b:s2+s10], $0x80, s3, s10, $0xb8;
	[tilespmem:$0x10800] =	vst v63  }
0x16: {  	s26 =	simm.s32 $0x80  }
0x17: {  	[tilespmem:s12], [sflag:$0x2] =	stream.indirect.gather [hbm4b:s2+s10], $0x80, s26, s10, $0xb8;
	[tilespmem:$0x10800] =	vst v63  }
0x18: {  	s29 =	simm.s32 $0x100  }
0x19: {  	[tilespmem:s13], [sflag:$0x3] =	stream.indirect.gather [hbm4b:s2+s10], $0x80, s29, s10, $0xb8;
	[tilespmem:$0x10800] =	vst v63  }
0x1a: {  	s30 =	simm.s32 $0x180  }
0x1b: {  	[tilespmem:s14], [sflag:$0x4] =	stream.indirect.gather [hbm4b:s2+s10], $0x80, s30, s10, $0xb8;
	[tilespmem:$0x10800] =	vst v63  }
0x1c: {  	_ =	swait.ge [sflag:s15], $0x3C00  }
0x1d: {  	[sflag:s15] =	ssyncset.done $0x0  }
0x1e: {  	s31 =	sadd.s32 $0x0, s8;
	[sflag:s15] =	ssyncadd.s32 $0xFFFFC400  }
0x1f: {  	[hbm4b:s31+s3] =	stream.linear.scatter [tilespmem:s11], [sflag:$0x5], $0x3C00, $0x38;
	[tilespmem:$0x10800] =	vst v63  }
0x20: {  	_ =	swait.ge [sflag:s16], $0x3C00  }
0x21: {  	[sflag:s16] =	ssyncset.done $0x0  }
0x22: {  	s28 =	sadd.s32 $0x780, s31;
	[sflag:s16] =	ssyncadd.s32 $0xFFFFC400  }
0x23: {  	[hbm4b:s28+s3] =	stream.linear.scatter [tilespmem:s12], [sflag:$0x6], $0x3C00, $0x38;
	[tilespmem:$0x10800] =	vst v63  }
0x24: {  	_ =	swait.ge [sflag:s17], $0x3C00  }
0x25: {  	[sflag:s17] =	ssyncset.done $0x0  }
0x26: {  	s28 =	sadd.s32 $0xF00, s31;
	[sflag:s17] =	ssyncadd.s32 $0xFFFFC400  }
0x27: {  	[hbm4b:s28+s3] =	stream.linear.scatter [tilespmem:s13], [sflag:$0x7], $0x3C00, $0x38;
	[tilespmem:$0x10800] =	vst v63  }
0x28: {  	_ =	swait.ge [sflag:s18], $0x3C00  }
0x29: {  	[sflag:s18] =	ssyncset.done $0x0  }
0x2a: {  	s26 =	sadd.s32 $0x1680, s31;
	[sflag:s18] =	ssyncadd.s32 $0xFFFFC400  }
0x2b: {  	[hbm4b:s26+s3] =	stream.linear.scatter [tilespmem:s14], [sflag:$0x8], $0x3C00, $0x38;
	[tilespmem:$0x10800] =	vst v63  }
0x2c: {  	_ =	swait.ge [sflag:s19], $0x3C00  }
0x2d: {  	[sflag:s19] =	ssyncset.done $0x0  }
0x2e: {  	[sflag:s19] =	ssyncadd.s32 $0xFFFFC400  }
0x2f: {  	_ =	swait.ge [sflag:s20], $0x3C00  }
0x30: {  	[sflag:s20] =	ssyncset.done $0x0  }
0x31: {  	[sflag:s20] =	ssyncadd.s32 $0xFFFFC400  }
0x32: {  	_ =	swait.ge [sflag:s21], $0x3C00  }
0x33: {  	[sflag:s21] =	ssyncset.done $0x0  }
0x34: {  	[sflag:s21] =	ssyncadd.s32 $0xFFFFC400  }
0x35: {  	_ =	swait.ge [sflag:s22], $0x3C00  }
0x36: {  	s28 =	simm.s32 $0x0;
	s26 =	simm.s32 $0x1E00;
	[sflag:s22] =	ssyncset.done $0x0  }
.LBB2_2:
0x37: {  	p0 =	sne.s32 s26, $0x10E00;
	[sflag:s22] =	ssyncadd.s32 $0xFFFFC400;
	s28 =	sadd.s32 $0x200, s28  }
0x38: {  	[tilespmem:s11], [sflag:$0x1] =	stream.indirect.gather [hbm4b:s2+s10], $0x80, s28, s10, $0xb8;
	[tilespmem:$0x10800] =	vst v63  }
0x39: {  	s30 =	smov.u32 s26;
	s26 =	sadd.s32 $0x1E00, s26;
	s29 =	sadd.s32 $0x80, s28  }
0x3a: {  	[tilespmem:s12], [sflag:$0x2] =	stream.indirect.gather [hbm4b:s2+s10], $0x80, s29, s10, $0xb8;
	[tilespmem:$0x10800] =	vst v63  }
0x3b: {  	s29 =	sadd.s32 $0x100, s28  }
0x3c: {  	[tilespmem:s13], [sflag:$0x3] =	stream.indirect.gather [hbm4b:s2+s10], $0x80, s29, s10, $0xb8;
	[tilespmem:$0x10800] =	vst v63  }
0x3d: {  	s29 =	sadd.s32 $0x180, s28  }
0x3e: {  	[tilespmem:s14], [sflag:$0x4] =	stream.indirect.gather [hbm4b:s2+s10], $0x80, s29, s10, $0xb8;
	[tilespmem:$0x10800] =	vst v63  }
0x3f: {  	_ =	swait.ge [sflag:s15], $0x3C00  }
0x40: {  	[sflag:s15] =	ssyncset.done $0x0  }
0x41: {  	s29 =	sadd.s32 s30, s8;
	[sflag:s15] =	ssyncadd.s32 $0xFFFFC400  }
0x42: {  	[hbm4b:s29+s3] =	stream.linear.scatter [tilespmem:s11], [sflag:$0x5], $0x3C00, $0x38;
	[tilespmem:$0x10800] =	vst v63  }
0x43: {  	_ =	swait.ge [sflag:s16], $0x3C00  }
0x44: {  	[sflag:s16] =	ssyncset.done $0x0  }
0x45: {  	s30 =	sadd.s32 $0x780, s29;
	[sflag:s16] =	ssyncadd.s32 $0xFFFFC400  }
0x46: {  	[hbm4b:s30+s3] =	stream.linear.scatter [tilespmem:s12], [sflag:$0x6], $0x3C00, $0x38;
	[tilespmem:$0x10800] =	vst v63  }
0x47: {  	_ =	swait.ge [sflag:s17], $0x3C00  }
0x48: {  	[sflag:s17] =	ssyncset.done $0x0  }
0x49: {  	s30 =	sadd.s32 $0xF00, s29;
	[sflag:s17] =	ssyncadd.s32 $0xFFFFC400  }
0x4a: {  	[hbm4b:s30+s3] =	stream.linear.scatter [tilespmem:s13], [sflag:$0x7], $0x3C00, $0x38;
	[tilespmem:$0x10800] =	vst v63  }
0x4b: {  	_ =	swait.ge [sflag:s18], $0x3C00  }
0x4c: {  	[sflag:s18] =	ssyncset.done $0x0  }
0x4d: {  	s29 =	sadd.s32 $0x1680, s29;
	[sflag:s18] =	ssyncadd.s32 $0xFFFFC400  }
0x4e: {  	[hbm4b:s29+s3] =	stream.linear.scatter [tilespmem:s14], [sflag:$0x8], $0x3C00, $0x38;
	[tilespmem:$0x10800] =	vst v63  }
0x4f: {  	_ =	swait.ge [sflag:s19], $0x3C00  }
0x50: {  	[sflag:s19] =	ssyncset.done $0x0  }
0x51: {  	[sflag:s19] =	ssyncadd.s32 $0xFFFFC400  }
0x52: {  	_ =	swait.ge [sflag:s20], $0x3C00  }
0x53: {  	[sflag:s20] =	ssyncset.done $0x0  }
0x54: {  	[sflag:s20] =	ssyncadd.s32 $0xFFFFC400  }
.Ltmp0:
0x55: {  	_ =	swait.ge [sflag:s21], $0x3C00;
	(pc) =	sbr.rel @p0 .LBB2_2-.Ltmp0, $4  }
0x56: {  	[sflag:s21] =	ssyncset.done $0x0  }
0x57: {  	[sflag:s21] =	ssyncadd.s32 $0xFFFFC400  }
0x58: {  	_ =	swait.ge [sflag:s22], $0x3C00  }
0x59: {  	[sflag:s22] =	ssyncset.done $0x0  }
0x5a: {  	[sflag:s22] =	ssyncadd.s32 $0xFFFFC400  }
0x5b: {  	[tilespmem:s11], [sflag:$0x1] =	stream.indirect.gather [hbm4b:s2+s10], $0x80, s23, s10, $0xb8;
	[tilespmem:$0x10800] =	vst v63  }
0x5c: {  	_ = 	snop  }
0x5d: {  	[tilespmem:s12], [sflag:$0x2] =	stream.indirect.gather [hbm4b:s2+s10], $0x80, s24, s10, $0xb8;
	[tilespmem:$0x10800] =	vst v63  }
0x5e: {  	_ =	swait.ge [sflag:s15], $0x3C00  }
0x5f: {  	[sflag:s15] =	ssyncset.done $0x0  }
0x60: {  	[sflag:s15] =	ssyncadd.s32 $0xFFFFC400  }
0x61: {  	[hbm4b:s5+s3] =	stream.linear.scatter [tilespmem:s11], [sflag:$0x5], $0x3C00, $0x38;
	[tilespmem:$0x10800] =	vst v63  }
0x62: {  	_ =	swait.ge [sflag:s16], $0x3C00  }
0x63: {  	[sflag:s16] =	ssyncset.done $0x0  }
0x64: {  	s25 =	sadd.s32 $0x1, s25;
	[sflag:s16] =	ssyncadd.s32 $0xFFFFC400  }
0x65: {  	[hbm4b:s6+s3] =	stream.linear.scatter [tilespmem:s12], [sflag:$0x6], $0x2800, $0x38;
	[tilespmem:$0x10800] =	vst v63  }
0x66: {  	p0 =	sne.s32 s25, s7;
	_ =	swait.ge [sflag:s19], $0x3C00  }
.Ltmp1:
0x67: {  	[sflag:s19] =	ssyncset.done $0x0;
	(pc) =	sbr.rel @p0 .LBB2_1-.Ltmp1, $4  }
0x68: {  	[sflag:s19] =	ssyncadd.s32 $0xFFFFC400  }
0x69: {  	_ =	swait.ge [sflag:s20], $0x2800  }
0x6a: {  	[sflag:s20] =	ssyncset.done $0x0  }
0x6b: {  	[sflag:s20] =	ssyncadd.s32 $0xFFFFD800  }
0x6c: {  	_ =	sfence.sel $0x180000  }
0x6d: {  	[bflag:$0x0] =	sbarrier.arrive $0xFFFF  }
0x6e: {  	p0 =	sne.s32 s0, $0x0;
	_ =	strace $0x90000047  }
0x6f: {  	s0 =	sadd.s32 @!p0 $0x100000, s1;
	[bflag:$0x2] =	sbarrier.arrive $0xFFFF  }
0x70: {  	[sflag:s0] =	ssyncadd.tile.s32 @!p0 $0x1;
	_ =	shalt  }
.Lfunc_end2:
_tile_overlayer_lowered:
.L_overlay_start_2:
0x71: {  	(tag) =	ssettag $0x2  }
0x72: {  	s0 =	rddreg [dreg:$0x0];
	s2 =	stileid.u32  }
0x73: {  	s1 =	rddreg [dreg:$0x1];
	p0 =	sne.s32 s2, $0x0  }
0x74: {  	s3 =	rddreg [dreg:$0x2];
	[bflag:$0x3] =	sbarrier.arrive $0xFFFF;
	s2 =	simm.s32 @!p0 $0x1C09  }
0x75: {  	[timem:s3], [sflag:s2] =	dma.local @!p0 [hbm:s0], s1  }
0x76: {  	s0 =	simm.s32 @!p0 $0x9  }
0x77: {  	_ =	swait.ge @!p0 [sflag:s0], s1  }
0x78: {  	s1 =	ssub.s32 @!p0 $0x0, s1;
	[sflag:s0] =	ssyncset.done @!p0 $0x0  }
0x79: {  	[sflag:s0] =	ssyncadd.s32 @!p0 s1  }
0x7a: {  	[bflag:$0x3] =	sbarrier.arrive $0xFFFF  }
0x7b: {  	_ =	shalt  }

// kernel: kernel.17.cloned.1.call-start
scs
__scs_entry_jumppad:
0x0: {  	(pc) =	sbr.rel $0x88, $3  }
0x1: {  	(tag) =	ssettag $0x0;
	lr =	simm.s32 $0x1  }
0x2: {  	[smem:$0x3F94] =	sst lr;
	_ =	strace $0xD0000000  }
0x3: {  	_ = 	snop  }
0x4: {  	_ = 	snop  }
0x5: {  	_ = 	snop  }
0x6: {  	_ = 	snop  }
0x7: {  	_ = 	snop  }
__scs_overlays_trampoline_lowered:
0x8: {  	[smem:$0x3FA3] =	sst s0  }
0x9: {  	[smem:$0x3FA4] =	sst s1  }
0xa: {  	[smem:$0x3FA5] =	sst s2  }
0xb: {  	[smem:$0x3FA6] =	sst s3  }
0xc: {  	[smem:$0x3FA7] =	sst s4  }
0xd: {  	[smem:$0x3FA8] =	sst s5  }
0xe: {  	[smem:$0x3FA9] =	sst s6  }
0xf: {  	[smem:$0x3FAA] =	sst s7  }
0x10: {  	[smem:$0x3FAB] =	sst s8  }
0x11: {  	[smem:$0x3FAC] =	sst s9;
	s0 =	simm.s32 @!p0 $0x0  }
0x12: {  	s1 =	sld [smem:$0x3F92];
	s0 =	simm.s32 @p0 $0x1  }
0x13: {  	[smem:$0x3FAD] =	sst s0;
	s0 =	simm.s32 @!p1 $0x0  }
0x14: {  	s2 =	sld [smem:$0x3F91];
	s0 =	simm.s32 @p1 $0x1  }
0x15: {  	[smem:$0x3FAE] =	sst s0;
	s0 =	simm.s32 @!p2 $0x0  }
0x16: {  	s3 =	sld [smem:$0x3FDB];
	s0 =	simm.s32 @p2 $0x1  }
0x17: {  	s4 =	simm.s32 $0x1BF5;
	[smem:$0x3FB0] =	sst s0  }
0x18: {  	s0 =	sld [smem:$0x3F93];
	_ =	swait.ge [sflag:s4], $0x0  }
0x19: {  	s7 =	sld [smem:$0x3F94]  }
0x1a: {  	s8 =	sadd.s32 $0xFFFFE003, lr  }
0x1b: {  	s9 =	sadd.s32 $0xFFFFFEF7, lr;
	s5 =	simm.s32 $0xFFFFFFFF;
	p2 =	slt.u32 s8, $0xFFFFF086  }
0x1c: {  	p1 =	slt.u32 s9, $0xF7A;
	s5 =	simm.s32 @!p2 $0x0  }
0x1d: {  	s5 =	simm.s32 @p1 $0x1;
	p0 =	seq.s32 s7, s2  }
0x1e: {  	s7 =	smul.u32 @!p0 $0xF7A, s2;
	p2 =	seq.s32 @!p0 s5, $0x0  }
0x1f: {  	s9 =	smul.u32 $0xF7A, s1;
	s8 =	simm.s32 @!p0 $0x1BF5;
	p2 =	por !p2, p0  }
0x20: {  	[sflag:s8] =	ssyncset.s32 @!p0 $0xFFFFF086;
	s6 =	sadd.s32 @!p0 s3, s7;
	s7 =	simm.s32 @!p0 $0x108  }
0x21: {  	s3 =	sadd.s32 s3, s9;
	s6 =	sadd.s32 @!p0 $0x88, s6;
	s7 =	simm.s32 @p2 $0x1082  }
0x22: {  	[simem:s7], [sflag:s8] =	dma.local @!p0 [hbm:s6], $0xF7A  }
0x23: {  	s9 =	sor.u32 $0xD0000000, s2;
	s6 =	simm.s32 $0x108;
	_ =	swait.ge @!p0 [sflag:s8], $0x0  }
0x24: {  	s3 =	sadd.s32 $0x88, s3;
	s6 =	simm.s32 @!p1 $0x1082;
	[sflag:s4] =	ssyncset.s32 $0xFFFFF086  }
0x25: {  	[simem:s6], [sflag:s4] =	dma.local [hbm:s3], $0xF7A  }
0x26: {  	[smem:$0x3F94] =	sst s1;
	(tag) =	ssettag s2;
	_ =	strace s9  }
0x27: {  	s1 =	sld [smem:$0x3FA4]  }
0x28: {  	s2 =	sld [smem:$0x3FA5]  }
0x29: {  	s4 =	sld [smem:$0x3FA7]  }
0x2a: {  	p0 =	seq.s32 s5, $0x0;
	s5 =	sld [smem:$0x3FA8]  }
0x2b: {  	s6 =	sld [smem:$0x3FA9]  }
0x2c: {  	s7 =	sld [smem:$0x3FAA]  }
0x2d: {  	s3 =	simm.s32 $0x108;
	s8 =	sld [smem:$0x3FAB]  }
0x2e: {  	s3 =	simm.s32 @!p0 $0x1082;
	s9 =	sld [smem:$0x3FAC]  }
0x2f: {  	lr =	sadd.s32 s0, s3;
	s0 =	sld [smem:$0x3FA3]  }
0x30: {  	s3 =	sld [smem:$0x3FA6]  }
0x31: {  	[smem:$0x3FAF] =	sst s10  }
0x32: {  	s10 =	sld [smem:$0x3FAD];
	_ =	sdelay $0x3  }
0x33: {  	p0 =	seq.s32 s10, $0x1;
	s10 =	sld [smem:$0x3FAF];
	_ =	sdelay $0x3  }
0x34: {  	[smem:$0x3FAF] =	sst s10  }
0x35: {  	s10 =	sld [smem:$0x3FAE];
	_ =	sdelay $0x3  }
0x36: {  	p1 =	seq.s32 s10, $0x1;
	s10 =	sld [smem:$0x3FAF];
	_ =	sdelay $0x3  }
0x37: {  	[smem:$0x3FAF] =	sst s10  }
0x38: {  	s10 =	sld [smem:$0x3FB0]  }
0x39: {  	_ = 	snop;
	(pc) =	sbr.ind lr, $3  }
0x3a: {  	_ = 	snop  }
0x3b: {  	_ = 	snop  }
0x3c: {  	p2 =	seq.s32 s10, $0x1;
	s10 =	sld [smem:$0x3FAF]  }
0x3d: {  	_ =	shalt  }
0x3e: {  	_ =	shalt  }
0x3f: {  	_ =	shalt  }
0x40: {  	_ =	shalt  }
0x41: {  	_ =	shalt  }
0x42: {  	_ =	shalt  }
0x43: {  	_ =	shalt  }
0x44: {  	_ =	shalt  }
0x45: {  	_ =	shalt  }
0x46: {  	_ =	shalt  }
0x47: {  	_ =	shalt  }
0x48: {  	_ =	shalt  }
0x49: {  	_ =	shalt  }
0x4a: {  	_ =	shalt  }
0x4b: {  	_ =	shalt  }
0x4c: {  	_ =	shalt  }
0x4d: {  	_ =	shalt  }
0x4e: {  	_ =	shalt  }
0x4f: {  	_ =	shalt  }
0x50: {  	_ =	shalt  }
0x51: {  	_ =	shalt  }
0x52: {  	_ =	shalt  }
0x53: {  	_ =	shalt  }
0x54: {  	_ =	shalt  }
0x55: {  	_ =	shalt  }
0x56: {  	_ =	shalt  }
0x57: {  	_ =	shalt  }
0x58: {  	_ =	shalt  }
0x59: {  	_ =	shalt  }
0x5a: {  	_ =	shalt  }
0x5b: {  	_ =	shalt  }
0x5c: {  	_ =	shalt  }
0x5d: {  	_ =	shalt  }
0x5e: {  	_ =	shalt  }
0x5f: {  	_ =	shalt  }
0x60: {  	_ =	shalt  }
0x61: {  	_ =	shalt  }
0x62: {  	_ =	shalt  }
0x63: {  	_ =	shalt  }
0x64: {  	_ =	shalt  }
0x65: {  	_ =	shalt  }
0x66: {  	_ =	shalt  }
0x67: {  	_ =	shalt  }
0x68: {  	_ =	shalt  }
0x69: {  	_ =	shalt  }
0x6a: {  	_ =	shalt  }
0x6b: {  	_ =	shalt  }
0x6c: {  	_ =	shalt  }
0x6d: {  	_ =	shalt  }
0x6e: {  	_ =	shalt  }
0x6f: {  	_ =	shalt  }
0x70: {  	_ =	shalt  }
0x71: {  	_ =	shalt  }
0x72: {  	_ =	shalt  }
0x73: {  	_ =	shalt  }
0x74: {  	_ =	shalt  }
0x75: {  	_ =	shalt  }
0x76: {  	_ =	shalt  }
0x77: {  	_ =	shalt  }
0x78: {  	_ =	shalt  }
0x79: {  	_ =	shalt  }
0x7a: {  	_ =	shalt  }
0x7b: {  	_ =	shalt  }
0x7c: {  	_ =	shalt  }
0x7d: {  	_ =	shalt  }
0x7e: {  	_ =	shalt  }
0x7f: {  	_ =	shalt  }
0x80: {  	_ =	shalt  }
0x81: {  	_ =	shalt  }
0x82: {  	_ =	shalt  }
0x83: {  	_ =	shalt  }
0x84: {  	_ =	shalt  }
0x85: {  	_ =	shalt  }
0x86: {  	_ =	shalt  }
0x87: {  	_ =	shalt  }
.Lfunc_end0:
.L_simem_size_0:
called_computation.2_lowered:
.L_overlay_start_0:
0x88: {  	s2 =	sld [smem:$0x3FD9]  }
0x89: {  	s3 =	sld [smem:$0x3FFE];
	_ =	sdelay $0x1  }
0x8a: {  	s1 =	srdreg.scid  }
0x8b: {  	s0 =	sand.u32 $0x1, s1  }
0x8c: {  	s14 =	sshll.u32 s0, $0xA;
	s2 =	sadd.s32 s3, s2  }
0x8d: {  	s2 =	sadd.s32 s2, s14  }
0x8e: {  	[smem:$0x3FBB] =	sst s2  }
0x8f: {  	_ = 	snop  }
0x90: {  	s2 =	sld [smem:$0x3FD0];
	_ =	sdelay $0x2  }
0x91: {  	s15 =	simm.s32 $0xB;
	s4 =	simm.s32 $0x10  }
0x92: {  	[smem:s4], [sflag:s15] =	dma.local [hbm:s2], $0x1  }
0x93: {  	_ =	swait.eq [sflag:s15], $0x1  }
0x94: {  	[sflag:s15] =	ssyncset.done $0x0  }
0x95: {  	[sflag:s15] =	ssyncadd.s32 $0xFFFFFFFF  }
0x96: {  	s16 =	sld [smem:$0x11];
	(tm) =	ssettm $0x1  }
0x97: {  	s17 =	sld [smem:$0x3FFB];
	_ =	sdelay $0x3  }
0x98: {  	_ =	strace s17  }
0x99: {  	s3 =	sld [smem:$0x3FFC];
	_ =	sdelay $0x3  }
0x9a: {  	_ =	strace s3  }
0x9b: {  	s3 =	sld [smem:$0x3FFD];
	_ =	sdelay $0x3  }
0x9c: {  	_ =	strace s3  }
0x9d: {  	_ =	strace $0x8FFFFFFF  }
0x9e: {  	s18 =	sld [smem:$0x3FDB];
	_ =	sdelay $0x1  }
0x9f: {  	s19 =	simm.s32 $_scs_section_size  }
0xa0: {  	s5 =	simm.s32 $_size__tile_overlayer_lowered;
	s6 =	simm.s32 $_tile_overlayer_lowered  }
0xa1: {  	s22 =	simm.s32 $0x1BFF;
	s21 =	sshll.u32 s6, $0x1;
	s3 =	sadd.s32 s19, s18  }
0xa2: {  	s7 =	simm.s32 $0x0;
	s20 =	sshll.u32 s5, $0x1;
	s5 =	sadd.s32 s21, s3  }
0xa3: {  	[timem:s7], [sflag:s22] =	dma.local [hbm:s5], s20  }
0xa4: {  	_ =	swait.ge [sflag:s22], s20  }
0xa5: {  	s4 =	ssub.s32 $0x0, s20;
	[sflag:s22] =	ssyncset.done $0x0  }
0xa6: {  	[sflag:s22] =	ssyncadd.s32 s4;
	_ =	sdelay $0x1  }
0xa7: {  	s23 =	simm.s32 $0x1B8B  }
0xa8: {  	_ =	swait.ge [sflag:s23], $0x1  }
0xa9: {  	[sflag:s23] =	ssyncset.done $0x0  }
0xaa: {  	s25 =	simm.s32 $0x1B8E;
	s24 =	sld [smem:$0x3FFE];
	[sflag:s23] =	ssyncadd.s32 $0xFFFFFFFF  }
0xab: {  	s26 =	simm.s32 $execute0_lowered;
	[smem:$0x3FD2] =	sst s25  }
0xac: {  	s5 =	sshll.u32 s26, $0x1;
	_ =	strace $0x80000049;
	[dreg:$0x1] =	wrdreg $0xFFFFFFFF  }
0xad: {  	s28 =	simm.s32 $_size_execute0_lowered;
	s3 =	sadd.s32 s3, s5;
	[dreg:$0x0] =	wrdreg $0x0  }
0xae: {  	s5 =	sshll.u32 s28, $0x1;
	[dreg:$0x2] =	wrdreg s3  }
0xaf: {  	[dreg:$0x3] =	wrdreg s5  }
0xb0: {  	[dreg:$0x4] =	wrdreg $0xC0  }
0xb1: {  	_ =	task [dreg:s7], $0x5FFFF  }
0xb2: {  	[dreg:$0x1] =	wrdreg $0xFFFFFFFF  }
0xb3: {  	[dreg:$0x0] =	wrdreg $0x60  }
0xb4: {  	[dreg:$0x2] =	wrdreg s24  }
0xb5: {  	[dreg:$0x3] =	wrdreg s16  }
0xb6: {  	[dreg:$0x4] =	wrdreg $0xA8000  }
0xb7: {  	[dreg:$0x5] =	wrdreg $0x9  }
0xb8: {  	_ =	task.clear_ibuf [dreg:s7], $0x6FFFF;
	_ =	strace $0x90000049  }
0xb9: {  	s29 =	simm.s32 $0x9;
	_ =	strace $0x8000004B  }
0xba: {  	_ =	swait.ge [sflag:s29], $0x1  }
0xbb: {  	[sflag:s29] =	ssyncadd.s32 $0xFFFFFFFF  }
0xbc: {  	_ =	strace $0x9000004B  }
0xbd: {  	_ =	sfence  }
0xbe: {  	s30 =	sld [smem:$0x0];
	_ =	sdelay $0x2  }
0xbf: {  	s31 =	sshll.u32 s1, $0xD;
	s1 =	sshrl.u32 s1, $0x2  }
0xc0: {  	s3 =	sand.u32 $0x4000, s31;
	s1 =	sadd.s32 s1, s30  }
0xc1: {  	s0 =	sor.u32 s3, s0;
	s1 =	sshll.u32 s1, $0x11  }
0xc2: {  	s0 =	sor.u32 s1, s0  }
0xc3: {  	s0 =	sadd.s32 $0x8F2B, s0  }
0xc4: {  	[sflag:s0] =	ssyncadd.remote.s32 $0x1  }
0xc5: {  	_ =	sfence.sel $0xFFFF  }
0xc6: {  	[dreg:$0x0] =	wrdreg $0xFFFFFFFF;
	(pc) =	sbr.abs _section_cstart, $3  }
0xc7: {  	[dreg:$0x1] =	wrdreg $0xFFFFFFFF  }
0xc8: {  	_ =	task.clear_ibuf [dreg:s7], $0x2FFFF;
	_ =	strace $0x9FFFFFFF  }
0xc9: {  	(tm) =	ssettm $0x7FFFFFFF  }
tec
execute0_lowered:
.L_overlay_start_1:
0x0: {  	(tag) =	ssettag $0x1  }
0x1: {  	s0 =	rddreg [dreg:$0x0]  }
0x2: {  	s1 =	rddreg [dreg:$0x1]  }
0x3: {  	s2 =	rddreg [dreg:$0x2]  }
0x4: {  	s4 =	srdreg.scid;
	s19 =	stileid.u32;
	s3 =	simm.s32 $0x0  }
0x5: {  	s21 =	simm.s32 $0x3000;
	s22 =	simm.s32 $0x6C00;
	s8 =	smul.u32 $0x50000, s19  }
0x6: {  	s23 =	simm.s32 $0x1;
	s28 =	simm.s32 $0x4;
	s14 =	smul.u32 $0x14000, s19  }
0x7: {  	s16 =	sand.u32 $0x1, s4;
	s24 =	sshll.u32 s19, $0x1;
	s19 =	smul.u32 $0x27100, s19  }
0x8: {  	[smem:$0x7FF] =	sst s3;
	s18 =	sadd.s32 $0x76AC00, s0;
	s13 =	smul.u32 $0x280000, s16  }
0x9: {  	s6 =	sor.u32 s16, s24;
	_ =	strace $0x8000004A;
	s29 =	smul.u32 $0x13880, s16  }
0xa: {  	s5 =	ssub.s32 $0x2, s16;
	s24 =	simm.s32 $0x78;
	s4 =	smul.u32 $0x300, s6  }
0xb: {  	s7 =	sshrl.u32 s5, $0x1;
	s26 =	sshrl.u32 s8, $0x2;
	s12 =	smul.u32 $0x9C400, s6  }
0xc: {  	s30 =	sadd.s32 s19, s18;
	s19 =	simm.s32 $0x5;
	s25 =	ssub.s32 s5, s7  }
0xd: {  	s7 =	sadd.s32 s26, s2;
	s14 =	sadd.s32 s14, s13;
	s31 =	sadd.s32 s29, s30  }
0xe: {  	s26 =	simm.s32 $0x3;
	s9 =	sadd.s32 s4, s0;
	s0 =	sadd.s32 $0x27D800, s0  }
0xf: {  	s8 =	sadd.s32 $0x3C00, s7;
	s10 =	sadd.s32 $0xB400, s7;
	s11 =	sadd.s32 $0xF000, s7  }
0x10: {  	s15 =	sshrl.u32 s12, $0x3;
	s12 =	sadd.s32 $0x12C00, s7;
	s17 =	sshrl.u32 s14, $0x3  }
0x11: {  	[dreg:$0x4] =	wrdreg s0;
	s5 =	sadd.s32 $0x4EDC00, s9;
	s15 =	sadd.s32 s18, s15  }
0x12: {  	s6 =	sadd.s32 $0x4F3C00, s9;
	s9 =	sadd.s32 $0x7800, s7;
	s13 =	sadd.s32 $0x12C00, s15  }
0x13: {  	s14 =	sadd.s32 $0x13380, s15;
	s15 =	sadd.s32 s1, s17;
	s17 =	smax.u32 s25, $0x1  }
0x14: {  	s25 =	simm.s32 $0x2;
	s1 =	simm.s32 $0x0;
	s16 =	sadd.s32 $0x28000, s15  }
.LBB2_1:
0x15: {  	[tilespmem:s3], [sflag:$0x5] =	stream.linear.gather [hbm4b:s5+s3], $0x1500, $0x38;
	[tilespmem:$0x1E800] =	vst v63  }
0x16: {  	_ =	swait.ge [sflag:s19], $0x1500  }
0x17: {  	[sflag:s19] =	ssyncset.done $0x0  }
0x18: {  	s0 =	simm.s32 $0x1800;
	[sflag:s19] =	ssyncadd.s32 $0xFFFFEB00  }
0x19: {  	[tilespmem:s0], [sflag:$0x5] =	stream.linear.gather [hbm4b:s6+s3], $0x1500, $0x38;
	[tilespmem:$0x1E800] =	vst v63  }
0x1a: {  	_ =	swait.ge [sflag:s19], $0x1500  }
0x1b: {  	[sflag:s19] =	ssyncset.done $0x0  }
0x1c: {  	s20 =	rddreg [dreg:$0x4];
	[sflag:s19] =	ssyncadd.s32 $0xFFFFEB00  }
0x1d: {  	[tilespmem:s21], [sflag:$0x5] =	stream.linear.gather [hbm4b:s20+s3], $0x3C00, $0x38;
	[tilespmem:$0x1E800] =	vst v63  }
0x1e: {  	_ =	swait.ge [sflag:s19], $0x3C00  }
0x1f: {  	[sflag:s19] =	ssyncset.done $0x0  }
0x20: {  	[sflag:s19] =	ssyncadd.s32 $0xFFFFC400  }
0x21: {  	[spmem:s7] =	stream.linear.scatter [tilespmem:s21], [sflag:$0x5], $0x3C00, $0x38;
	[tilespmem:$0x1E800] =	vst v63  }
0x22: {  	_ =	swait.ge [sflag:s19], $0x3C00  }
0x23: {  	[sflag:s19] =	ssyncset.done $0x0  }
0x24: {  	[sflag:s19] =	ssyncadd.s32 $0xFFFFC400  }
0x25: {  	[spmem:s8] =	stream.linear.scatter [tilespmem:s21], [sflag:$0x5], $0x3C00, $0x38;
	[tilespmem:$0x1E800] =	vst v63  }
0x26: {  	_ =	swait.ge [sflag:s19], $0x3C00  }
0x27: {  	[sflag:s19] =	ssyncset.done $0x0  }
0x28: {  	[sflag:s19] =	ssyncadd.s32 $0xFFFFC400  }
0x29: {  	[spmem:s9] =	stream.linear.scatter [tilespmem:s21], [sflag:$0x5], $0x3C00, $0x38;
	[tilespmem:$0x1E800] =	vst v63  }
0x2a: {  	_ =	swait.ge [sflag:s19], $0x3C00  }
0x2b: {  	[sflag:s19] =	ssyncset.done $0x0  }
0x2c: {  	[sflag:s19] =	ssyncadd.s32 $0xFFFFC400  }
0x2d: {  	[spmem:s10] =	stream.linear.scatter [tilespmem:s21], [sflag:$0x5], $0x3C00, $0x38;
	[tilespmem:$0x1E800] =	vst v63  }
0x2e: {  	_ =	swait.ge [sflag:s19], $0x3C00  }
0x2f: {  	[sflag:s19] =	ssyncset.done $0x0  }
0x30: {  	[sflag:s19] =	ssyncadd.s32 $0xFFFFC400  }
0x31: {  	[spmem:s11] =	stream.linear.scatter [tilespmem:s21], [sflag:$0x5], $0x3C00, $0x38;
	[tilespmem:$0x1E800] =	vst v63  }
0x32: {  	_ =	swait.ge [sflag:s19], $0x3C00  }
0x33: {  	[sflag:s19] =	ssyncset.done $0x0  }
0x34: {  	[sflag:s19] =	ssyncadd.s32 $0xFFFFC400  }
0x35: {  	[spmem:s12] =	stream.linear.scatter [tilespmem:s21], [sflag:$0x5], $0x1400, $0x38;
	[tilespmem:$0x1E800] =	vst v63  }
0x36: {  	_ =	swait.ge [sflag:s19], $0x1400  }
0x37: {  	[sflag:s19] =	ssyncset.done $0x0  }
0x38: {  	[sflag:s19] =	ssyncadd.s32 $0xFFFFEC00  }
0x39: {  	[bflag:$0x0] =	sbarrier.arrive $0xFFFF  }
0x3a: {  	[tilespmem:s21], [sflag:$0x1] =	stream.linear.gather [hbm4b:s31+s3], $0x3C00, $0x38;
	[tilespmem:$0x1E800] =	vst v63  }
0x3b: {  	s20 =	sadd.s32 $0x780, s31  }
0x3c: {  	[tilespmem:s22], [sflag:$0x2] =	stream.linear.gather [hbm4b:s20+s3], $0x3C00, $0x38;
	[tilespmem:$0x1E800] =	vst v63  }
0x3d: {  	_ =	swait.ge [sflag:s23], $0x3C00  }
0x3e: {  	[sflag:s23] =	ssyncset.done $0x0  }
0x3f: {  	s18 =	simm.s32 $0x0;
	[sflag:s23] =	ssyncadd.s32 $0xFFFFC400  }
0x40: {  	[spmem:s2] =	stream.indirect.scatter.add.f32 [tilespmem:s21], [sflag:$0x3], $0x80, s18, s24, $0xb8;
	[tilespmem:$0x1E800] =	vst v63  }
0x41: {  	_ =	swait.ge [sflag:s25], $0x3C00  }
0x42: {  	[sflag:s25] =	ssyncset.done $0x0  }
0x43: {  	s30 =	simm.s32 $0x80;
	[sflag:s25] =	ssyncadd.s32 $0xFFFFC400  }
0x44: {  	[spmem:s2] =	stream.indirect.scatter.add.f32 [tilespmem:s22], [sflag:$0x4], $0x80, s30, s24, $0xb8;
	[tilespmem:$0x1E800] =	vst v63  }
0x45: {  	_ =	swait.ge [sflag:s26], $0x3C00  }
0x46: {  	[sflag:s26] =	ssyncset.done $0x0  }
0x47: {  	[sflag:s26] =	ssyncadd.s32 $0xFFFFC400  }
0x48: {  	_ =	swait.ge [sflag:s28], $0x3C00  }
0x49: {  	s29 =	simm.s32 $0x400;
	s18 =	smov.u32 s31;
	[sflag:s28] =	ssyncset.done $0x0  }
.LBB2_2:
0x4a: {  	p0 =	sne.s32 s29, $0x4C00;
	[sflag:s28] =	ssyncadd.s32 $0xFFFFC400;
	s18 =	sadd.s32 $0xF00, s18  }
0x4b: {  	[tilespmem:s21], [sflag:$0x1] =	stream.linear.gather [hbm4b:s18+s3], $0x3C00, $0x38;
	[tilespmem:$0x1E800] =	vst v63  }
0x4c: {  	s0 =	smov.u32 s29;
	s29 =	sadd.s32 $0x400, s29;
	s30 =	sadd.s32 $0x780, s18  }
0x4d: {  	[tilespmem:s22], [sflag:$0x2] =	stream.linear.gather [hbm4b:s30+s3], $0x3C00, $0x38;
	[tilespmem:$0x1E800] =	vst v63  }
0x4e: {  	_ =	swait.ge [sflag:s23], $0x3C00  }
0x4f: {  	[sflag:s23] =	ssyncset.done $0x0  }
0x50: {  	s0 =	sshra.s32 s0, $0x2;
	[sflag:s23] =	ssyncadd.s32 $0xFFFFC400  }
0x51: {  	[spmem:s2] =	stream.indirect.scatter.add.f32 [tilespmem:s21], [sflag:$0x3], $0x80, s0, s24, $0xb8;
	[tilespmem:$0x1E800] =	vst v63  }
0x52: {  	_ =	swait.ge [sflag:s25], $0x3C00  }
0x53: {  	[sflag:s25] =	ssyncset.done $0x0  }
0x54: {  	s0 =	sadd.s32 $0x80, s0;
	[sflag:s25] =	ssyncadd.s32 $0xFFFFC400  }
0x55: {  	[spmem:s2] =	stream.indirect.scatter.add.f32 [tilespmem:s22], [sflag:$0x4], $0x80, s0, s24, $0xb8;
	[tilespmem:$0x1E800] =	vst v63  }
.Ltmp0:
0x56: {  	_ =	swait.ge [sflag:s26], $0x3C00;
	(pc) =	sbr.rel @p0 .LBB2_2-.Ltmp0, $4  }
0x57: {  	[sflag:s26] =	ssyncset.done $0x0  }
0x58: {  	[sflag:s26] =	ssyncadd.s32 $0xFFFFC400  }
0x59: {  	_ =	swait.ge [sflag:s28], $0x3C00  }
0x5a: {  	[sflag:s28] =	ssyncset.done $0x0  }
0x5b: {  	[sflag:s28] =	ssyncadd.s32 $0xFFFFC400;
	s0 =	simm.s32 $0x0  }
0x5c: {  	[tilespmem:s21], [sflag:$0x1] =	stream.linear.gather [hbm4b:s13+s0], $0x3C00, $0x38;
	[tilespmem:$0x1E800] =	vst v63  }
0x5d: {  	_ = 	snop  }
0x5e: {  	[tilespmem:s22], [sflag:$0x2] =	stream.linear.gather [hbm4b:s14+s0], $0x2800, $0x38;
	[tilespmem:$0x1E800] =	vst v63  }
0x5f: {  	_ =	swait.ge [sflag:s23], $0x3C00  }
0x60: {  	[sflag:s23] =	ssyncset.done $0x0  }
0x61: {  	s4 =	simm.s32 $0x1400;
	[sflag:s23] =	ssyncadd.s32 $0xFFFFC400  }
0x62: {  	[spmem:s2] =	stream.indirect.scatter.add.f32 [tilespmem:s21], [sflag:$0x3], $0x80, s4, s24, $0xb8;
	[tilespmem:$0x1E800] =	vst v63  }
0x63: {  	_ =	swait.ge [sflag:s25], $0x2800  }
0x64: {  	[sflag:s25] =	ssyncset.done $0x0  }
0x65: {  	s18 =	simm.s32 $0x1480;
	[sflag:s25] =	ssyncadd.s32 $0xFFFFD800  }
0x66: {  	[spmem:s2] =	stream.indirect.scatter.add.f32 [tilespmem:s22], [sflag:$0x4], $0x80, s18, s24, $0xb8;
	[tilespmem:$0x1E800] =	vst v63  }
0x67: {  	_ =	swait.ge [sflag:s26], $0x3C00  }
0x68: {  	[sflag:s26] =	ssyncset.done $0x0  }
0x69: {  	[sflag:s26] =	ssyncadd.s32 $0xFFFFC400  }
0x6a: {  	_ =	swait.ge [sflag:s28], $0x3C00  }
0x6b: {  	s4 =	stileid.u32;
	[sflag:s28] =	ssyncset.done $0x0  }
0x6c: {  	s0 =	sshll.u32 s4, $0x6;
	[sflag:s28] =	ssyncadd.s32 $0xFFFFC400  }
0x6d: {  	s30 =	sshrl.u32 s7, $0x3;
	s29 =	sor.u32 $0x1C05, s0;
	[bflag:$0x0] =	sbarrier.arrive $0xFFFF  }
0x6e: {  	[hbm:s15], [sflag:s29] =	dma.local [spmem:s30], $0x2800  }
0x6f: {  	_ =	swait.ge [sflag:s19], $0x2800  }
0x70: {  	[sflag:s19] =	ssyncset.done $0x0  }
0x71: {  	[sflag:s19] =	ssyncadd.s32 $0xFFFFD800  }
0x72: {  	[bflag:$0x0] =	sbarrier.arrive $0xFFFF  }
0x73: {  	[tilespmem:s21], [sflag:$0x1] =	stream.linear.gather [hbm4b:s31+s3], $0x3C00, $0x38;
	[tilespmem:$0x1E800] =	vst v63  }
0x74: {  	_ = 	snop  }
0x75: {  	[tilespmem:s22], [sflag:$0x2] =	stream.linear.gather [hbm4b:s20+s3], $0x3C00, $0x38;
	[tilespmem:$0x1E800] =	vst v63  }
0x76: {  	_ =	swait.ge [sflag:s23], $0x3C00  }
0x77: {  	[sflag:s23] =	ssyncset.done $0x0  }
0x78: {  	s18 =	simm.s32 $0x1800;
	[sflag:s23] =	ssyncadd.s32 $0xFFFFC400  }
0x79: {  	[spmem:s2] =	stream.indirect.scatter.add.f32 [tilespmem:s21], [sflag:$0x3], $0x80, s18, s24, $0xb8;
	[tilespmem:$0x1E800] =	vst v63  }
0x7a: {  	_ =	swait.ge [sflag:s25], $0x3C00  }
0x7b: {  	[sflag:s25] =	ssyncset.done $0x0  }
0x7c: {  	s20 =	simm.s32 $0x1880;
	[sflag:s25] =	ssyncadd.s32 $0xFFFFC400  }
0x7d: {  	[spmem:s2] =	stream.indirect.scatter.add.f32 [tilespmem:s22], [sflag:$0x4], $0x80, s20, s24, $0xb8;
	[tilespmem:$0x1E800] =	vst v63  }
0x7e: {  	_ =	swait.ge [sflag:s26], $0x3C00  }
0x7f: {  	[sflag:s26] =	ssyncset.done $0x0  }
0x80: {  	[sflag:s26] =	ssyncadd.s32 $0xFFFFC400  }
0x81: {  	_ =	swait.ge [sflag:s28], $0x3C00  }
0x82: {  	s18 =	smov.u32 s31;
	s20 =	simm.s32 $0x400;
	[sflag:s28] =	ssyncset.done $0x0  }
.LBB2_4:
0x83: {  	p0 =	sne.s32 s20, $0x4C00;
	[sflag:s28] =	ssyncadd.s32 $0xFFFFC400;
	s18 =	sadd.s32 $0xF00, s18  }
0x84: {  	[tilespmem:s21], [sflag:$0x1] =	stream.linear.gather [hbm4b:s18+s3], $0x3C00, $0x38;
	[tilespmem:$0x1E800] =	vst v63  }
0x85: {  	s4 =	smov.u32 s20;
	s20 =	sadd.s32 $0x400, s20;
	s0 =	sadd.s32 $0x780, s18  }
0x86: {  	[tilespmem:s22], [sflag:$0x2] =	stream.linear.gather [hbm4b:s0+s3], $0x3C00, $0x38;
	[tilespmem:$0x1E800] =	vst v63  }
0x87: {  	_ =	swait.ge [sflag:s23], $0x3C00  }
0x88: {  	s0 =	sshra.s32 s4, $0x2;
	[sflag:s23] =	ssyncset.done $0x0  }
0x89: {  	s4 =	sadd.s32 $0x1800, s0;
	[sflag:s23] =	ssyncadd.s32 $0xFFFFC400  }
0x8a: {  	[spmem:s2] =	stream.indirect.scatter.add.f32 [tilespmem:s21], [sflag:$0x3], $0x80, s4, s24, $0xb8;
	[tilespmem:$0x1E800] =	vst v63  }
0x8b: {  	_ =	swait.ge [sflag:s25], $0x3C00  }
0x8c: {  	[sflag:s25] =	ssyncset.done $0x0  }
0x8d: {  	s0 =	sadd.s32 $0x1880, s0;
	[sflag:s25] =	ssyncadd.s32 $0xFFFFC400  }
0x8e: {  	[spmem:s2] =	stream.indirect.scatter.add.f32 [tilespmem:s22], [sflag:$0x4], $0x80, s0, s24, $0xb8;
	[tilespmem:$0x1E800] =	vst v63  }
.Ltmp1:
0x8f: {  	_ =	swait.ge [sflag:s26], $0x3C00;
	(pc) =	sbr.rel @p0 .LBB2_4-.Ltmp1, $4  }
0x90: {  	[sflag:s26] =	ssyncset.done $0x0  }
0x91: {  	[sflag:s26] =	ssyncadd.s32 $0xFFFFC400  }
0x92: {  	_ =	swait.ge [sflag:s28], $0x3C00  }
0x93: {  	[sflag:s28] =	ssyncset.done $0x0  }
0x94: {  	[sflag:s28] =	ssyncadd.s32 $0xFFFFC400  }
0x95: {  	[tilespmem:s21], [sflag:$0x1] =	stream.linear.gather [hbm4b:s13+s3], $0x3C00, $0x38;
	[tilespmem:$0x1E800] =	vst v63  }
0x96: {  	_ = 	snop  }
0x97: {  	[tilespmem:s22], [sflag:$0x2] =	stream.linear.gather [hbm4b:s14+s3], $0x2800, $0x38;
	[tilespmem:$0x1E800] =	vst v63  }
0x98: {  	_ =	swait.ge [sflag:s23], $0x3C00  }
0x99: {  	[sflag:s23] =	ssyncset.done $0x0  }
0x9a: {  	s0 =	simm.s32 $0x2C00;
	[sflag:s23] =	ssyncadd.s32 $0xFFFFC400  }
0x9b: {  	[spmem:s2] =	stream.indirect.scatter.add.f32 [tilespmem:s21], [sflag:$0x3], $0x80, s0, s24, $0xb8;
	[tilespmem:$0x1E800] =	vst v63  }
0x9c: {  	_ =	swait.ge [sflag:s25], $0x2800  }
0x9d: {  	[sflag:s25] =	ssyncset.done $0x0  }
0x9e: {  	s20 =	simm.s32 $0x2C80;
	[sflag:s25] =	ssyncadd.s32 $0xFFFFD800  }
0x9f: {  	[spmem:s2] =	stream.indirect.scatter.add.f32 [tilespmem:s22], [sflag:$0x4], $0x80, s20, s24, $0xb8;
	[tilespmem:$0x1E800] =	vst v63  }
0xa0: {  	_ =	swait.ge [sflag:s26], $0x3C00  }
0xa1: {  	[sflag:s26] =	ssyncset.done $0x0  }
0xa2: {  	[sflag:s26] =	ssyncadd.s32 $0xFFFFC400  }
0xa3: {  	_ =	swait.ge [sflag:s28], $0x3C00  }
0xa4: {  	s1 =	sadd.s32 $0x1, s1;
	[sflag:s28] =	ssyncset.done $0x0  }
0xa5: {  	p0 =	sne.s32 s1, s17;
	[sflag:s28] =	ssyncadd.s32 $0xFFFFC400  }
.Ltmp2:
0xa6: {  	[bflag:$0x0] =	sbarrier.arrive $0xFFFF;
	(pc) =	sbr.rel @p0 .LBB2_1-.Ltmp2, $4  }
0xa7: {  	[hbm:s16], [sflag:s29] =	dma.local [spmem:s30], $0x2800  }
0xa8: {  	_ =	swait.ge [sflag:s19], $0x2800  }
0xa9: {  	[sflag:s19] =	ssyncset.done $0x0  }
0xaa: {  	[sflag:s19] =	ssyncadd.s32 $0xFFFFD800  }
0xab: {  	_ =	sfence.sel $0x180000  }
0xac: {  	[bflag:$0x0] =	sbarrier.arrive $0xFFFF  }
0xad: {  	_ =	strace $0x9000004A  }
0xae: {  	s0 =	stileid.u32;
	[bflag:$0x2] =	sbarrier.arrive $0xFFFF  }
0xaf: {  	p0 =	sne.s32 s0, $0x0;
	s0 =	rddreg [dreg:$0x3]  }
0xb0: {  	s0 =	sadd.s32 @!p0 $0x100000, s0  }
0xb1: {  	[sflag:s0] =	ssyncadd.tile.s32 @!p0 $0x1;
	_ =	shalt  }
.Lfunc_end2:
_tile_overlayer_lowered:
.L_overlay_start_2:
0xb2: {  	(tag) =	ssettag $0x2  }
0xb3: {  	s0 =	rddreg [dreg:$0x0];
	s2 =	stileid.u32  }
0xb4: {  	s1 =	rddreg [dreg:$0x1];
	p0 =	sne.s32 s2, $0x0  }
0xb5: {  	s3 =	rddreg [dreg:$0x2];
	[bflag:$0x3] =	sbarrier.arrive $0xFFFF;
	s2 =	simm.s32 @!p0 $0x1C05  }
0xb6: {  	[timem:s3], [sflag:s2] =	dma.local @!p0 [hbm:s0], s1  }
0xb7: {  	s0 =	simm.s32 @!p0 $0x5  }
0xb8: {  	_ =	swait.ge @!p0 [sflag:s0], s1  }
0xb9: {  	s1 =	ssub.s32 @!p0 $0x0, s1;
	[sflag:s0] =	ssyncset.done @!p0 $0x0  }
0xba: {  	[sflag:s0] =	ssyncadd.s32 @!p0 s1  }
0xbb: {  	[bflag:$0x3] =	sbarrier.arrive $0xFFFF  }
0xbc: {  	_ =	shalt  }

// kernel: kernel.20.cloned.1.call-start
scs
__scs_entry_jumppad:
0x0: {  	(pc) =	sbr.rel $0x88, $3  }
0x1: {  	(tag) =	ssettag $0x0;
	lr =	simm.s32 $0x1  }
0x2: {  	[smem:$0x3F94] =	sst lr;
	_ =	strace $0xD0000000  }
0x3: {  	_ = 	snop  }
0x4: {  	_ = 	snop  }
0x5: {  	_ = 	snop  }
0x6: {  	_ = 	snop  }
0x7: {  	_ = 	snop  }
__scs_overlays_trampoline_lowered:
0x8: {  	[smem:$0x3FA3] =	sst s0  }
0x9: {  	[smem:$0x3FA4] =	sst s1  }
0xa: {  	[smem:$0x3FA5] =	sst s2  }
0xb: {  	[smem:$0x3FA6] =	sst s3  }
0xc: {  	[smem:$0x3FA7] =	sst s4  }
0xd: {  	[smem:$0x3FA8] =	sst s5  }
0xe: {  	[smem:$0x3FA9] =	sst s6  }
0xf: {  	[smem:$0x3FAA] =	sst s7  }
0x10: {  	[smem:$0x3FAB] =	sst s8  }
0x11: {  	[smem:$0x3FAC] =	sst s9;
	s0 =	simm.s32 @!p0 $0x0  }
0x12: {  	s1 =	sld [smem:$0x3F92];
	s0 =	simm.s32 @p0 $0x1  }
0x13: {  	[smem:$0x3FAD] =	sst s0;
	s0 =	simm.s32 @!p1 $0x0  }
0x14: {  	s2 =	sld [smem:$0x3F91];
	s0 =	simm.s32 @p1 $0x1  }
0x15: {  	[smem:$0x3FAE] =	sst s0;
	s0 =	simm.s32 @!p2 $0x0  }
0x16: {  	s3 =	sld [smem:$0x3FDB];
	s0 =	simm.s32 @p2 $0x1  }
0x17: {  	s4 =	simm.s32 $0x1BF5;
	[smem:$0x3FB0] =	sst s0  }
0x18: {  	s0 =	sld [smem:$0x3F93];
	_ =	swait.ge [sflag:s4], $0x0  }
0x19: {  	s7 =	sld [smem:$0x3F94]  }
0x1a: {  	s8 =	sadd.s32 $0xFFFFE003, lr  }
0x1b: {  	s9 =	sadd.s32 $0xFFFFFEF7, lr;
	s5 =	simm.s32 $0xFFFFFFFF;
	p2 =	slt.u32 s8, $0xFFFFF086  }
0x1c: {  	p1 =	slt.u32 s9, $0xF7A;
	s5 =	simm.s32 @!p2 $0x0  }
0x1d: {  	s5 =	simm.s32 @p1 $0x1;
	p0 =	seq.s32 s7, s2  }
0x1e: {  	s7 =	smul.u32 @!p0 $0xF7A, s2;
	p2 =	seq.s32 @!p0 s5, $0x0  }
0x1f: {  	s9 =	smul.u32 $0xF7A, s1;
	s8 =	simm.s32 @!p0 $0x1BF5;
	p2 =	por !p2, p0  }
0x20: {  	[sflag:s8] =	ssyncset.s32 @!p0 $0xFFFFF086;
	s6 =	sadd.s32 @!p0 s3, s7;
	s7 =	simm.s32 @!p0 $0x108  }
0x21: {  	s3 =	sadd.s32 s3, s9;
	s6 =	sadd.s32 @!p0 $0x88, s6;
	s7 =	simm.s32 @p2 $0x1082  }
0x22: {  	[simem:s7], [sflag:s8] =	dma.local @!p0 [hbm:s6], $0xF7A  }
0x23: {  	s9 =	sor.u32 $0xD0000000, s2;
	s6 =	simm.s32 $0x108;
	_ =	swait.ge @!p0 [sflag:s8], $0x0  }
0x24: {  	s3 =	sadd.s32 $0x88, s3;
	s6 =	simm.s32 @!p1 $0x1082;
	[sflag:s4] =	ssyncset.s32 $0xFFFFF086  }
0x25: {  	[simem:s6], [sflag:s4] =	dma.local [hbm:s3], $0xF7A  }
0x26: {  	[smem:$0x3F94] =	sst s1;
	(tag) =	ssettag s2;
	_ =	strace s9  }
0x27: {  	s1 =	sld [smem:$0x3FA4]  }
0x28: {  	s2 =	sld [smem:$0x3FA5]  }
0x29: {  	s4 =	sld [smem:$0x3FA7]  }
0x2a: {  	p0 =	seq.s32 s5, $0x0;
	s5 =	sld [smem:$0x3FA8]  }
0x2b: {  	s6 =	sld [smem:$0x3FA9]  }
0x2c: {  	s7 =	sld [smem:$0x3FAA]  }
0x2d: {  	s3 =	simm.s32 $0x108;
	s8 =	sld [smem:$0x3FAB]  }
0x2e: {  	s3 =	simm.s32 @!p0 $0x1082;
	s9 =	sld [smem:$0x3FAC]  }
0x2f: {  	lr =	sadd.s32 s0, s3;
	s0 =	sld [smem:$0x3FA3]  }
0x30: {  	s3 =	sld [smem:$0x3FA6]  }
0x31: {  	[smem:$0x3FAF] =	sst s10  }
0x32: {  	s10 =	sld [smem:$0x3FAD];
	_ =	sdelay $0x3  }
0x33: {  	p0 =	seq.s32 s10, $0x1;
	s10 =	sld [smem:$0x3FAF];
	_ =	sdelay $0x3  }
0x34: {  	[smem:$0x3FAF] =	sst s10  }
0x35: {  	s10 =	sld [smem:$0x3FAE];
	_ =	sdelay $0x3  }
0x36: {  	p1 =	seq.s32 s10, $0x1;
	s10 =	sld [smem:$0x3FAF];
	_ =	sdelay $0x3  }
0x37: {  	[smem:$0x3FAF] =	sst s10  }
0x38: {  	s10 =	sld [smem:$0x3FB0]  }
0x39: {  	_ = 	snop;
	(pc) =	sbr.ind lr, $3  }
0x3a: {  	_ = 	snop  }
0x3b: {  	_ = 	snop  }
0x3c: {  	p2 =	seq.s32 s10, $0x1;
	s10 =	sld [smem:$0x3FAF]  }
0x3d: {  	_ =	shalt  }
0x3e: {  	_ =	shalt  }
0x3f: {  	_ =	shalt  }
0x40: {  	_ =	shalt  }
0x41: {  	_ =	shalt  }
0x42: {  	_ =	shalt  }
0x43: {  	_ =	shalt  }
0x44: {  	_ =	shalt  }
0x45: {  	_ =	shalt  }
0x46: {  	_ =	shalt  }
0x47: {  	_ =	shalt  }
0x48: {  	_ =	shalt  }
0x49: {  	_ =	shalt  }
0x4a: {  	_ =	shalt  }
0x4b: {  	_ =	shalt  }
0x4c: {  	_ =	shalt  }
0x4d: {  	_ =	shalt  }
0x4e: {  	_ =	shalt  }
0x4f: {  	_ =	shalt  }
0x50: {  	_ =	shalt  }
0x51: {  	_ =	shalt  }
0x52: {  	_ =	shalt  }
0x53: {  	_ =	shalt  }
0x54: {  	_ =	shalt  }
0x55: {  	_ =	shalt  }
0x56: {  	_ =	shalt  }
0x57: {  	_ =	shalt  }
0x58: {  	_ =	shalt  }
0x59: {  	_ =	shalt  }
0x5a: {  	_ =	shalt  }
0x5b: {  	_ =	shalt  }
0x5c: {  	_ =	shalt  }
0x5d: {  	_ =	shalt  }
0x5e: {  	_ =	shalt  }
0x5f: {  	_ =	shalt  }
0x60: {  	_ =	shalt  }
0x61: {  	_ =	shalt  }
0x62: {  	_ =	shalt  }
0x63: {  	_ =	shalt  }
0x64: {  	_ =	shalt  }
0x65: {  	_ =	shalt  }
0x66: {  	_ =	shalt  }
0x67: {  	_ =	shalt  }
0x68: {  	_ =	shalt  }
0x69: {  	_ =	shalt  }
0x6a: {  	_ =	shalt  }
0x6b: {  	_ =	shalt  }
0x6c: {  	_ =	shalt  }
0x6d: {  	_ =	shalt  }
0x6e: {  	_ =	shalt  }
0x6f: {  	_ =	shalt  }
0x70: {  	_ =	shalt  }
0x71: {  	_ =	shalt  }
0x72: {  	_ =	shalt  }
0x73: {  	_ =	shalt  }
0x74: {  	_ =	shalt  }
0x75: {  	_ =	shalt  }
0x76: {  	_ =	shalt  }
0x77: {  	_ =	shalt  }
0x78: {  	_ =	shalt  }
0x79: {  	_ =	shalt  }
0x7a: {  	_ =	shalt  }
0x7b: {  	_ =	shalt  }
0x7c: {  	_ =	shalt  }
0x7d: {  	_ =	shalt  }
0x7e: {  	_ =	shalt  }
0x7f: {  	_ =	shalt  }
0x80: {  	_ =	shalt  }
0x81: {  	_ =	shalt  }
0x82: {  	_ =	shalt  }
0x83: {  	_ =	shalt  }
0x84: {  	_ =	shalt  }
0x85: {  	_ =	shalt  }
0x86: {  	_ =	shalt  }
0x87: {  	_ =	shalt  }
.Lfunc_end0:
.L_simem_size_0:
called_computation.3_lowered:
.L_overlay_start_0:
0x88: {  	s2 =	sld [smem:$0x3FD9]  }
0x89: {  	s3 =	sld [smem:$0x3FFE];
	_ =	sdelay $0x1  }
0x8a: {  	s1 =	srdreg.scid  }
0x8b: {  	s0 =	sand.u32 $0x1, s1  }
0x8c: {  	s14 =	sshll.u32 s0, $0xA;
	s2 =	sadd.s32 s3, s2  }
0x8d: {  	s2 =	sadd.s32 s2, s14  }
0x8e: {  	[smem:$0x3FBB] =	sst s2  }
0x8f: {  	_ = 	snop  }
0x90: {  	s2 =	sld [smem:$0x3FD0];
	_ =	sdelay $0x2  }
0x91: {  	s15 =	simm.s32 $0xB;
	s4 =	simm.s32 $0x10  }
0x92: {  	[smem:s4], [sflag:s15] =	dma.local [hbm:s2], $0x1  }
0x93: {  	_ =	swait.eq [sflag:s15], $0x1  }
0x94: {  	[sflag:s15] =	ssyncset.done $0x0  }
0x95: {  	[sflag:s15] =	ssyncadd.s32 $0xFFFFFFFF  }
0x96: {  	s16 =	sld [smem:$0x10];
	(tm) =	ssettm $0x1  }
0x97: {  	s17 =	sld [smem:$0x3FFB];
	_ =	sdelay $0x3  }
0x98: {  	_ =	strace s17  }
0x99: {  	s3 =	sld [smem:$0x3FFC];
	_ =	sdelay $0x3  }
0x9a: {  	_ =	strace s3  }
0x9b: {  	s3 =	sld [smem:$0x3FFD];
	_ =	sdelay $0x3  }
0x9c: {  	_ =	strace s3  }
0x9d: {  	_ =	strace $0x8FFFFFFF  }
0x9e: {  	s18 =	sld [smem:$0x3FDB];
	_ =	sdelay $0x1  }
0x9f: {  	s19 =	simm.s32 $_scs_section_size  }
0xa0: {  	s5 =	simm.s32 $_size__tile_overlayer_lowered;
	s6 =	simm.s32 $_tile_overlayer_lowered  }
0xa1: {  	s22 =	simm.s32 $0x1BFF;
	s21 =	sshll.u32 s6, $0x1;
	s3 =	sadd.s32 s19, s18  }
0xa2: {  	s7 =	simm.s32 $0x0;
	s20 =	sshll.u32 s5, $0x1;
	s5 =	sadd.s32 s21, s3  }
0xa3: {  	[timem:s7], [sflag:s22] =	dma.local [hbm:s5], s20  }
0xa4: {  	_ =	swait.ge [sflag:s22], s20  }
0xa5: {  	s4 =	ssub.s32 $0x0, s20;
	[sflag:s22] =	ssyncset.done $0x0  }
0xa6: {  	[sflag:s22] =	ssyncadd.s32 s4;
	_ =	sdelay $0x1  }
0xa7: {  	s23 =	simm.s32 $0x1B8B  }
0xa8: {  	_ =	swait.ge [sflag:s23], $0x1  }
0xa9: {  	[sflag:s23] =	ssyncset.done $0x0  }
0xaa: {  	s25 =	simm.s32 $0x1B8E;
	s24 =	sld [smem:$0x3FFE];
	[sflag:s23] =	ssyncadd.s32 $0xFFFFFFFF  }
0xab: {  	s26 =	simm.s32 $execute0_lowered;
	[smem:$0x3FD2] =	sst s25  }
0xac: {  	s5 =	sshll.u32 s26, $0x1;
	_ =	strace $0x8000004C;
	[dreg:$0x1] =	wrdreg $0xFFFFFFFF  }
0xad: {  	s28 =	simm.s32 $_size_execute0_lowered;
	s3 =	sadd.s32 s3, s5;
	[dreg:$0x0] =	wrdreg $0x0  }
0xae: {  	s5 =	sshll.u32 s28, $0x1;
	[dreg:$0x2] =	wrdreg s3  }
0xaf: {  	[dreg:$0x3] =	wrdreg s5  }
0xb0: {  	[dreg:$0x4] =	wrdreg $0xC0  }
0xb1: {  	_ =	task [dreg:s7], $0x5FFFF  }
0xb2: {  	[dreg:$0x1] =	wrdreg $0xFFFFFFFF  }
0xb3: {  	[dreg:$0x0] =	wrdreg $0x60  }
0xb4: {  	[dreg:$0x2] =	wrdreg s16  }
0xb5: {  	[dreg:$0x3] =	wrdreg s24  }
0xb6: {  	[dreg:$0x4] =	wrdreg $0x9  }
0xb7: {  	_ =	task.clear_ibuf [dreg:s7], $0x5FFFF;
	_ =	strace $0x9000004C  }
0xb8: {  	s29 =	simm.s32 $0x9;
	_ =	strace $0x8000004E  }
0xb9: {  	_ =	swait.ge [sflag:s29], $0x1  }
0xba: {  	[sflag:s29] =	ssyncadd.s32 $0xFFFFFFFF  }
0xbb: {  	_ =	strace $0x9000004E  }
0xbc: {  	_ =	sfence  }
0xbd: {  	s30 =	sld [smem:$0x0];
	_ =	sdelay $0x2  }
0xbe: {  	s31 =	sshll.u32 s1, $0xD;
	s1 =	sshrl.u32 s1, $0x2  }
0xbf: {  	s3 =	sand.u32 $0x4000, s31;
	s1 =	sadd.s32 s1, s30  }
0xc0: {  	s0 =	sor.u32 s3, s0;
	s1 =	sshll.u32 s1, $0x11  }
0xc1: {  	s0 =	sor.u32 s1, s0  }
0xc2: {  	s0 =	sadd.s32 $0x8F2B, s0  }
0xc3: {  	[sflag:s0] =	ssyncadd.remote.s32 $0x1  }
0xc4: {  	_ =	sfence.sel $0xFFFF  }
0xc5: {  	[dreg:$0x0] =	wrdreg $0xFFFFFFFF;
	(pc) =	sbr.abs _section_cstart, $3  }
0xc6: {  	[dreg:$0x1] =	wrdreg $0xFFFFFFFF  }
0xc7: {  	_ =	task.clear_ibuf [dreg:s7], $0x2FFFF;
	_ =	strace $0x9FFFFFFF  }
0xc8: {  	(tm) =	ssettm $0x7FFFFFFF  }
0xc9: {  	_ =	shalt  }
tec
execute0_lowered:
.L_overlay_start_1:
0x0: {  	(tag) =	ssettag $0x1  }
0x1: {  	s1 =	srdreg.scid  }
0x2: {  	s0 =	stileid.u32;
	s2 =	rddreg [dreg:$0x0]  }
0x3: {  	s4 =	rddreg [dreg:$0x1];
	s3 =	simm.s32 $0x0;
	s13 =	simm.s32 $0x9000  }
0x4: {  	s14 =	simm.s32 $0xCC00;
	s15 =	simm.s32 $0x1;
	s16 =	simm.s32 $0x2  }
0x5: {  	s17 =	simm.s32 $0x3;
	s18 =	simm.s32 $0x4;
	s19 =	simm.s32 $0x5  }
0x6: {  	s20 =	simm.s32 $0x6;
	s21 =	simm.s32 $0x7;
	s22 =	simm.s32 $0x8  }
0x7: {  	s23 =	simm.s32 $0x1400;
	s24 =	simm.s32 $0x1480;
	s25 =	simm.s32 $0x0  }
0x8: {  	s6 =	sand.u32 $0x1, s1;
	s29 =	sshll.u32 s0, $0x1;
	s11 =	smul.u32 $0x27100, s0  }
0x9: {  	s1 =	rddreg [dreg:$0x2];
	s5 =	sor.u32 s6, s29;
	s12 =	smul.u32 $0x13880, s6  }
0xa: {  	[smem:$0x7FF] =	sst s3;
	s9 =	sadd.s32 $0xB800, s4;
	s7 =	smul.u32 $0x300, s5  }
0xb: {  	_ =	strace $0x8000004D;
	s8 =	ssub.s32 $0x2, s6;
	s5 =	smul.u32 $0x9C400, s5  }
0xc: {  	s30 =	sshrl.u32 s8, $0x1;
	s31 =	sadd.s32 s11, s9;
	s11 =	simm.s32 $0x1800  }
0xd: {  	s8 =	ssub.s32 s8, s30;
	s7 =	sadd.s32 s7, s4;
	s5 =	sshrl.u32 s5, $0x3  }
0xe: {  	s10 =	sadd.s32 s9, s5;
	s4 =	sadd.s32 $0x5800, s7;
	s7 =	smax.u32 s8, $0x1  }
0xf: {  	s8 =	sadd.s32 s12, s31;
	s9 =	simm.s32 $0x9;
	s12 =	simm.s32 $0x5400  }
0x10: {  	s5 =	sadd.s32 $0x12C00, s10;
	s6 =	sadd.s32 $0x13380, s10;
	s10 =	simm.s32 $0x78  }
.LBB2_1:
0x11: {  	[tilespmem:s3], [sflag:$0x9] =	stream.linear.gather [hbm4b:s4+s3], $0x1500, $0x38;
	[tilespmem:$0x10800] =	vst v63  }
0x12: {  	_ =	swait.ge [sflag:s9], $0x1500  }
0x13: {  	[sflag:s9] =	ssyncset.done $0x0  }
0x14: {  	[sflag:s9] =	ssyncadd.s32 $0xFFFFEB00  }
0x15: {  	[tilespmem:s11], [sflag:$0x1] =	stream.indirect.gather [hbm4b:s2+s10], $0x80, s3, s10, $0xb8;
	[tilespmem:$0x10800] =	vst v63  }
0x16: {  	s26 =	simm.s32 $0x80  }
0x17: {  	[tilespmem:s12], [sflag:$0x2] =	stream.indirect.gather [hbm4b:s2+s10], $0x80, s26, s10, $0xb8;
	[tilespmem:$0x10800] =	vst v63  }
0x18: {  	s29 =	simm.s32 $0x100  }
0x19: {  	[tilespmem:s13], [sflag:$0x3] =	stream.indirect.gather [hbm4b:s2+s10], $0x80, s29, s10, $0xb8;
	[tilespmem:$0x10800] =	vst v63  }
0x1a: {  	s30 =	simm.s32 $0x180  }
0x1b: {  	[tilespmem:s14], [sflag:$0x4] =	stream.indirect.gather [hbm4b:s2+s10], $0x80, s30, s10, $0xb8;
	[tilespmem:$0x10800] =	vst v63  }
0x1c: {  	_ =	swait.ge [sflag:s15], $0x3C00  }
0x1d: {  	[sflag:s15] =	ssyncset.done $0x0  }
0x1e: {  	s31 =	sadd.s32 $0x0, s8;
	[sflag:s15] =	ssyncadd.s32 $0xFFFFC400  }
0x1f: {  	[hbm4b:s31+s3] =	stream.linear.scatter [tilespmem:s11], [sflag:$0x5], $0x3C00, $0x38;
	[tilespmem:$0x10800] =	vst v63  }
0x20: {  	_ =	swait.ge [sflag:s16], $0x3C00  }
0x21: {  	[sflag:s16] =	ssyncset.done $0x0  }
0x22: {  	s28 =	sadd.s32 $0x780, s31;
	[sflag:s16] =	ssyncadd.s32 $0xFFFFC400  }
0x23: {  	[hbm4b:s28+s3] =	stream.linear.scatter [tilespmem:s12], [sflag:$0x6], $0x3C00, $0x38;
	[tilespmem:$0x10800] =	vst v63  }
0x24: {  	_ =	swait.ge [sflag:s17], $0x3C00  }
0x25: {  	[sflag:s17] =	ssyncset.done $0x0  }
0x26: {  	s28 =	sadd.s32 $0xF00, s31;
	[sflag:s17] =	ssyncadd.s32 $0xFFFFC400  }
0x27: {  	[hbm4b:s28+s3] =	stream.linear.scatter [tilespmem:s13], [sflag:$0x7], $0x3C00, $0x38;
	[tilespmem:$0x10800] =	vst v63  }
0x28: {  	_ =	swait.ge [sflag:s18], $0x3C00  }
0x29: {  	[sflag:s18] =	ssyncset.done $0x0  }
0x2a: {  	s26 =	sadd.s32 $0x1680, s31;
	[sflag:s18] =	ssyncadd.s32 $0xFFFFC400  }
0x2b: {  	[hbm4b:s26+s3] =	stream.linear.scatter [tilespmem:s14], [sflag:$0x8], $0x3C00, $0x38;
	[tilespmem:$0x10800] =	vst v63  }
0x2c: {  	_ =	swait.ge [sflag:s19], $0x3C00  }
0x2d: {  	[sflag:s19] =	ssyncset.done $0x0  }
0x2e: {  	[sflag:s19] =	ssyncadd.s32 $0xFFFFC400  }
0x2f: {  	_ =	swait.ge [sflag:s20], $0x3C00  }
0x30: {  	[sflag:s20] =	ssyncset.done $0x0  }
0x31: {  	[sflag:s20] =	ssyncadd.s32 $0xFFFFC400  }
0x32: {  	_ =	swait.ge [sflag:s21], $0x3C00  }
0x33: {  	[sflag:s21] =	ssyncset.done $0x0  }
0x34: {  	[sflag:s21] =	ssyncadd.s32 $0xFFFFC400  }
0x35: {  	_ =	swait.ge [sflag:s22], $0x3C00  }
0x36: {  	s28 =	simm.s32 $0x0;
	s26 =	simm.s32 $0x1E00;
	[sflag:s22] =	ssyncset.done $0x0  }
.LBB2_2:
0x37: {  	p0 =	sne.s32 s26, $0x10E00;
	[sflag:s22] =	ssyncadd.s32 $0xFFFFC400;
	s28 =	sadd.s32 $0x200, s28  }
0x38: {  	[tilespmem:s11], [sflag:$0x1] =	stream.indirect.gather [hbm4b:s2+s10], $0x80, s28, s10, $0xb8;
	[tilespmem:$0x10800] =	vst v63  }
0x39: {  	s30 =	smov.u32 s26;
	s26 =	sadd.s32 $0x1E00, s26;
	s29 =	sadd.s32 $0x80, s28  }
0x3a: {  	[tilespmem:s12], [sflag:$0x2] =	stream.indirect.gather [hbm4b:s2+s10], $0x80, s29, s10, $0xb8;
	[tilespmem:$0x10800] =	vst v63  }
0x3b: {  	s29 =	sadd.s32 $0x100, s28  }
0x3c: {  	[tilespmem:s13], [sflag:$0x3] =	stream.indirect.gather [hbm4b:s2+s10], $0x80, s29, s10, $0xb8;
	[tilespmem:$0x10800] =	vst v63  }
0x3d: {  	s29 =	sadd.s32 $0x180, s28  }
0x3e: {  	[tilespmem:s14], [sflag:$0x4] =	stream.indirect.gather [hbm4b:s2+s10], $0x80, s29, s10, $0xb8;
	[tilespmem:$0x10800] =	vst v63  }
0x3f: {  	_ =	swait.ge [sflag:s15], $0x3C00  }
0x40: {  	[sflag:s15] =	ssyncset.done $0x0  }
0x41: {  	s29 =	sadd.s32 s30, s8;
	[sflag:s15] =	ssyncadd.s32 $0xFFFFC400  }
0x42: {  	[hbm4b:s29+s3] =	stream.linear.scatter [tilespmem:s11], [sflag:$0x5], $0x3C00, $0x38;
	[tilespmem:$0x10800] =	vst v63  }
0x43: {  	_ =	swait.ge [sflag:s16], $0x3C00  }
0x44: {  	[sflag:s16] =	ssyncset.done $0x0  }
0x45: {  	s30 =	sadd.s32 $0x780, s29;
	[sflag:s16] =	ssyncadd.s32 $0xFFFFC400  }
0x46: {  	[hbm4b:s30+s3] =	stream.linear.scatter [tilespmem:s12], [sflag:$0x6], $0x3C00, $0x38;
	[tilespmem:$0x10800] =	vst v63  }
0x47: {  	_ =	swait.ge [sflag:s17], $0x3C00  }
0x48: {  	[sflag:s17] =	ssyncset.done $0x0  }
0x49: {  	s30 =	sadd.s32 $0xF00, s29;
	[sflag:s17] =	ssyncadd.s32 $0xFFFFC400  }
0x4a: {  	[hbm4b:s30+s3] =	stream.linear.scatter [tilespmem:s13], [sflag:$0x7], $0x3C00, $0x38;
	[tilespmem:$0x10800] =	vst v63  }
0x4b: {  	_ =	swait.ge [sflag:s18], $0x3C00  }
0x4c: {  	[sflag:s18] =	ssyncset.done $0x0  }
0x4d: {  	s29 =	sadd.s32 $0x1680, s29;
	[sflag:s18] =	ssyncadd.s32 $0xFFFFC400  }
0x4e: {  	[hbm4b:s29+s3] =	stream.linear.scatter [tilespmem:s14], [sflag:$0x8], $0x3C00, $0x38;
	[tilespmem:$0x10800] =	vst v63  }
0x4f: {  	_ =	swait.ge [sflag:s19], $0x3C00  }
0x50: {  	[sflag:s19] =	ssyncset.done $0x0  }
0x51: {  	[sflag:s19] =	ssyncadd.s32 $0xFFFFC400  }
0x52: {  	_ =	swait.ge [sflag:s20], $0x3C00  }
0x53: {  	[sflag:s20] =	ssyncset.done $0x0  }
0x54: {  	[sflag:s20] =	ssyncadd.s32 $0xFFFFC400  }
.Ltmp0:
0x55: {  	_ =	swait.ge [sflag:s21], $0x3C00;
	(pc) =	sbr.rel @p0 .LBB2_2-.Ltmp0, $4  }
0x56: {  	[sflag:s21] =	ssyncset.done $0x0  }
0x57: {  	[sflag:s21] =	ssyncadd.s32 $0xFFFFC400  }
0x58: {  	_ =	swait.ge [sflag:s22], $0x3C00  }
0x59: {  	[sflag:s22] =	ssyncset.done $0x0  }
0x5a: {  	[sflag:s22] =	ssyncadd.s32 $0xFFFFC400  }
0x5b: {  	[tilespmem:s11], [sflag:$0x1] =	stream.indirect.gather [hbm4b:s2+s10], $0x80, s23, s10, $0xb8;
	[tilespmem:$0x10800] =	vst v63  }
0x5c: {  	_ = 	snop  }
0x5d: {  	[tilespmem:s12], [sflag:$0x2] =	stream.indirect.gather [hbm4b:s2+s10], $0x80, s24, s10, $0xb8;
	[tilespmem:$0x10800] =	vst v63  }
0x5e: {  	_ =	swait.ge [sflag:s15], $0x3C00  }
0x5f: {  	[sflag:s15] =	ssyncset.done $0x0  }
0x60: {  	[sflag:s15] =	ssyncadd.s32 $0xFFFFC400  }
0x61: {  	[hbm4b:s5+s3] =	stream.linear.scatter [tilespmem:s11], [sflag:$0x5], $0x3C00, $0x38;
	[tilespmem:$0x10800] =	vst v63  }
0x62: {  	_ =	swait.ge [sflag:s16], $0x3C00  }
0x63: {  	[sflag:s16] =	ssyncset.done $0x0  }
0x64: {  	s25 =	sadd.s32 $0x1, s25;
	[sflag:s16] =	ssyncadd.s32 $0xFFFFC400  }
0x65: {  	[hbm4b:s6+s3] =	stream.linear.scatter [tilespmem:s12], [sflag:$0x6], $0x2800, $0x38;
	[tilespmem:$0x10800] =	vst v63  }
0x66: {  	p0 =	sne.s32 s25, s7;
	_ =	swait.ge [sflag:s19], $0x3C00  }
.Ltmp1:
0x67: {  	[sflag:s19] =	ssyncset.done $0x0;
	(pc) =	sbr.rel @p0 .LBB2_1-.Ltmp1, $4  }
0x68: {  	[sflag:s19] =	ssyncadd.s32 $0xFFFFC400  }
0x69: {  	_ =	swait.ge [sflag:s20], $0x2800  }
0x6a: {  	[sflag:s20] =	ssyncset.done $0x0  }
0x6b: {  	[sflag:s20] =	ssyncadd.s32 $0xFFFFD800  }
0x6c: {  	_ =	sfence.sel $0x180000  }
0x6d: {  	[bflag:$0x0] =	sbarrier.arrive $0xFFFF  }
0x6e: {  	p0 =	sne.s32 s0, $0x0;
	_ =	strace $0x9000004D  }
0x6f: {  	s0 =	sadd.s32 @!p0 $0x100000, s1;
	[bflag:$0x2] =	sbarrier.arrive $0xFFFF  }
0x70: {  	[sflag:s0] =	ssyncadd.tile.s32 @!p0 $0x1;
	_ =	shalt  }
.Lfunc_end2:
_tile_overlayer_lowered:
.L_overlay_start_2:
0x71: {  	(tag) =	ssettag $0x2  }
0x72: {  	s0 =	rddreg [dreg:$0x0];
	s2 =	stileid.u32  }
0x73: {  	s1 =	rddreg [dreg:$0x1];
	p0 =	sne.s32 s2, $0x0  }
0x74: {  	s3 =	rddreg [dreg:$0x2];
	[bflag:$0x3] =	sbarrier.arrive $0xFFFF;
	s2 =	simm.s32 @!p0 $0x1C09  }
0x75: {  	[timem:s3], [sflag:s2] =	dma.local @!p0 [hbm:s0], s1  }
0x76: {  	s0 =	simm.s32 @!p0 $0x9  }
0x77: {  	_ =	swait.ge @!p0 [sflag:s0], s1  }
0x78: {  	s1 =	ssub.s32 @!p0 $0x0, s1;
	[sflag:s0] =	ssyncset.done @!p0 $0x0  }
0x79: {  	[sflag:s0] =	ssyncadd.s32 @!p0 s1  }
0x7a: {  	[bflag:$0x3] =	sbarrier.arrive $0xFFFF  }
0x7b: {  	_ =	shalt  }

// kernel: kernel.23.cloned.1.call-start
scs
__scs_entry_jumppad:
0x0: {  	(pc) =	sbr.rel $0x88, $3  }
0x1: {  	(tag) =	ssettag $0x0;
	lr =	simm.s32 $0x1  }
0x2: {  	[smem:$0x3F94] =	sst lr;
	_ =	strace $0xD0000000  }
0x3: {  	_ = 	snop  }
0x4: {  	_ = 	snop  }
0x5: {  	_ = 	snop  }
0x6: {  	_ = 	snop  }
0x7: {  	_ = 	snop  }
__scs_overlays_trampoline_lowered:
0x8: {  	[smem:$0x3FA3] =	sst s0  }
0x9: {  	[smem:$0x3FA4] =	sst s1  }
0xa: {  	[smem:$0x3FA5] =	sst s2  }
0xb: {  	[smem:$0x3FA6] =	sst s3  }
0xc: {  	[smem:$0x3FA7] =	sst s4  }
0xd: {  	[smem:$0x3FA8] =	sst s5  }
0xe: {  	[smem:$0x3FA9] =	sst s6  }
0xf: {  	[smem:$0x3FAA] =	sst s7  }
0x10: {  	[smem:$0x3FAB] =	sst s8  }
0x11: {  	[smem:$0x3FAC] =	sst s9;
	s0 =	simm.s32 @!p0 $0x0  }
0x12: {  	s1 =	sld [smem:$0x3F92];
	s0 =	simm.s32 @p0 $0x1  }
0x13: {  	[smem:$0x3FAD] =	sst s0;
	s0 =	simm.s32 @!p1 $0x0  }
0x14: {  	s2 =	sld [smem:$0x3F91];
	s0 =	simm.s32 @p1 $0x1  }
0x15: {  	[smem:$0x3FAE] =	sst s0;
	s0 =	simm.s32 @!p2 $0x0  }
0x16: {  	s3 =	sld [smem:$0x3FDB];
	s0 =	simm.s32 @p2 $0x1  }
0x17: {  	s4 =	simm.s32 $0x1BF5;
	[smem:$0x3FB0] =	sst s0  }
0x18: {  	s0 =	sld [smem:$0x3F93];
	_ =	swait.ge [sflag:s4], $0x0  }
0x19: {  	s7 =	sld [smem:$0x3F94]  }
0x1a: {  	s8 =	sadd.s32 $0xFFFFE003, lr  }
0x1b: {  	s9 =	sadd.s32 $0xFFFFFEF7, lr;
	s5 =	simm.s32 $0xFFFFFFFF;
	p2 =	slt.u32 s8, $0xFFFFF086  }
0x1c: {  	p1 =	slt.u32 s9, $0xF7A;
	s5 =	simm.s32 @!p2 $0x0  }
0x1d: {  	s5 =	simm.s32 @p1 $0x1;
	p0 =	seq.s32 s7, s2  }
0x1e: {  	s7 =	smul.u32 @!p0 $0xF7A, s2;
	p2 =	seq.s32 @!p0 s5, $0x0  }
0x1f: {  	s9 =	smul.u32 $0xF7A, s1;
	s8 =	simm.s32 @!p0 $0x1BF5;
	p2 =	por !p2, p0  }
0x20: {  	[sflag:s8] =	ssyncset.s32 @!p0 $0xFFFFF086;
	s6 =	sadd.s32 @!p0 s3, s7;
	s7 =	simm.s32 @!p0 $0x108  }
0x21: {  	s3 =	sadd.s32 s3, s9;
	s6 =	sadd.s32 @!p0 $0x88, s6;
	s7 =	simm.s32 @p2 $0x1082  }
0x22: {  	[simem:s7], [sflag:s8] =	dma.local @!p0 [hbm:s6], $0xF7A  }
0x23: {  	s9 =	sor.u32 $0xD0000000, s2;
	s6 =	simm.s32 $0x108;
	_ =	swait.ge @!p0 [sflag:s8], $0x0  }
0x24: {  	s3 =	sadd.s32 $0x88, s3;
	s6 =	simm.s32 @!p1 $0x1082;
	[sflag:s4] =	ssyncset.s32 $0xFFFFF086  }
0x25: {  	[simem:s6], [sflag:s4] =	dma.local [hbm:s3], $0xF7A  }
0x26: {  	[smem:$0x3F94] =	sst s1;
	(tag) =	ssettag s2;
	_ =	strace s9  }
0x27: {  	s1 =	sld [smem:$0x3FA4]  }
0x28: {  	s2 =	sld [smem:$0x3FA5]  }
0x29: {  	s4 =	sld [smem:$0x3FA7]  }
0x2a: {  	p0 =	seq.s32 s5, $0x0;
	s5 =	sld [smem:$0x3FA8]  }
0x2b: {  	s6 =	sld [smem:$0x3FA9]  }
0x2c: {  	s7 =	sld [smem:$0x3FAA]  }
0x2d: {  	s3 =	simm.s32 $0x108;
	s8 =	sld [smem:$0x3FAB]  }
0x2e: {  	s3 =	simm.s32 @!p0 $0x1082;
	s9 =	sld [smem:$0x3FAC]  }
0x2f: {  	lr =	sadd.s32 s0, s3;
	s0 =	sld [smem:$0x3FA3]  }
0x30: {  	s3 =	sld [smem:$0x3FA6]  }
0x31: {  	[smem:$0x3FAF] =	sst s10  }
0x32: {  	s10 =	sld [smem:$0x3FAD];
	_ =	sdelay $0x3  }
0x33: {  	p0 =	seq.s32 s10, $0x1;
	s10 =	sld [smem:$0x3FAF];
	_ =	sdelay $0x3  }
0x34: {  	[smem:$0x3FAF] =	sst s10  }
0x35: {  	s10 =	sld [smem:$0x3FAE];
	_ =	sdelay $0x3  }
0x36: {  	p1 =	seq.s32 s10, $0x1;
	s10 =	sld [smem:$0x3FAF];
	_ =	sdelay $0x3  }
0x37: {  	[smem:$0x3FAF] =	sst s10  }
0x38: {  	s10 =	sld [smem:$0x3FB0]  }
0x39: {  	_ = 	snop;
	(pc) =	sbr.ind lr, $3  }
0x3a: {  	_ = 	snop  }
0x3b: {  	_ = 	snop  }
0x3c: {  	p2 =	seq.s32 s10, $0x1;
	s10 =	sld [smem:$0x3FAF]  }
0x3d: {  	_ =	shalt  }
0x3e: {  	_ =	shalt  }
0x3f: {  	_ =	shalt  }
0x40: {  	_ =	shalt  }
0x41: {  	_ =	shalt  }
0x42: {  	_ =	shalt  }
0x43: {  	_ =	shalt  }
0x44: {  	_ =	shalt  }
0x45: {  	_ =	shalt  }
0x46: {  	_ =	shalt  }
0x47: {  	_ =	shalt  }
0x48: {  	_ =	shalt  }
0x49: {  	_ =	shalt  }
0x4a: {  	_ =	shalt  }
0x4b: {  	_ =	shalt  }
0x4c: {  	_ =	shalt  }
0x4d: {  	_ =	shalt  }
0x4e: {  	_ =	shalt  }
0x4f: {  	_ =	shalt  }
0x50: {  	_ =	shalt  }
0x51: {  	_ =	shalt  }
0x52: {  	_ =	shalt  }
0x53: {  	_ =	shalt  }
0x54: {  	_ =	shalt  }
0x55: {  	_ =	shalt  }
0x56: {  	_ =	shalt  }
0x57: {  	_ =	shalt  }
0x58: {  	_ =	shalt  }
0x59: {  	_ =	shalt  }
0x5a: {  	_ =	shalt  }
0x5b: {  	_ =	shalt  }
0x5c: {  	_ =	shalt  }
0x5d: {  	_ =	shalt  }
0x5e: {  	_ =	shalt  }
0x5f: {  	_ =	shalt  }
0x60: {  	_ =	shalt  }
0x61: {  	_ =	shalt  }
0x62: {  	_ =	shalt  }
0x63: {  	_ =	shalt  }
0x64: {  	_ =	shalt  }
0x65: {  	_ =	shalt  }
0x66: {  	_ =	shalt  }
0x67: {  	_ =	shalt  }
0x68: {  	_ =	shalt  }
0x69: {  	_ =	shalt  }
0x6a: {  	_ =	shalt  }
0x6b: {  	_ =	shalt  }
0x6c: {  	_ =	shalt  }
0x6d: {  	_ =	shalt  }
0x6e: {  	_ =	shalt  }
0x6f: {  	_ =	shalt  }
0x70: {  	_ =	shalt  }
0x71: {  	_ =	shalt  }
0x72: {  	_ =	shalt  }
0x73: {  	_ =	shalt  }
0x74: {  	_ =	shalt  }
0x75: {  	_ =	shalt  }
0x76: {  	_ =	shalt  }
0x77: {  	_ =	shalt  }
0x78: {  	_ =	shalt  }
0x79: {  	_ =	shalt  }
0x7a: {  	_ =	shalt  }
0x7b: {  	_ =	shalt  }
0x7c: {  	_ =	shalt  }
0x7d: {  	_ =	shalt  }
0x7e: {  	_ =	shalt  }
0x7f: {  	_ =	shalt  }
0x80: {  	_ =	shalt  }
0x81: {  	_ =	shalt  }
0x82: {  	_ =	shalt  }
0x83: {  	_ =	shalt  }
0x84: {  	_ =	shalt  }
0x85: {  	_ =	shalt  }
0x86: {  	_ =	shalt  }
0x87: {  	_ =	shalt  }
.Lfunc_end0:
.L_simem_size_0:
called_computation.4_lowered:
.L_overlay_start_0:
0x88: {  	s2 =	sld [smem:$0x3FD9]  }
0x89: {  	s3 =	sld [smem:$0x3FFE];
	_ =	sdelay $0x1  }
0x8a: {  	s1 =	srdreg.scid  }
0x8b: {  	s0 =	sand.u32 $0x1, s1  }
0x8c: {  	s16 =	sshll.u32 s0, $0xA;
	s2 =	sadd.s32 s3, s2  }
0x8d: {  	s2 =	sadd.s32 s2, s16  }
0x8e: {  	[smem:$0x3FBB] =	sst s2  }
0x8f: {  	_ = 	snop  }
0x90: {  	(tm) =	ssettm $0x1  }
0x91: {  	s17 =	sld [smem:$0x3FFB];
	_ =	sdelay $0x3  }
0x92: {  	_ =	strace s17  }
0x93: {  	s2 =	sld [smem:$0x3FFC];
	_ =	sdelay $0x3  }
0x94: {  	_ =	strace s2  }
0x95: {  	s2 =	sld [smem:$0x3FFD];
	_ =	sdelay $0x3  }
0x96: {  	_ =	strace s2  }
0x97: {  	_ =	strace $0x8FFFFFFF  }
0x98: {  	s18 =	sld [smem:$0x3FDB];
	_ =	sdelay $0x1  }
0x99: {  	s19 =	simm.s32 $_scs_section_size  }
0x9a: {  	s4 =	simm.s32 $_size__tile_overlayer_lowered;
	s5 =	simm.s32 $_tile_overlayer_lowered  }
0x9b: {  	s22 =	simm.s32 $0x1BFF;
	s21 =	sshll.u32 s5, $0x1;
	s2 =	sadd.s32 s19, s18  }
0x9c: {  	s6 =	simm.s32 $0x0;
	s20 =	sshll.u32 s4, $0x1;
	s4 =	sadd.s32 s21, s2  }
0x9d: {  	[timem:s6], [sflag:s22] =	dma.local [hbm:s4], s20  }
0x9e: {  	_ =	swait.ge [sflag:s22], s20  }
0x9f: {  	s3 =	ssub.s32 $0x0, s20;
	[sflag:s22] =	ssyncset.done $0x0  }
0xa0: {  	[sflag:s22] =	ssyncadd.s32 s3;
	_ =	sdelay $0x1  }
0xa1: {  	s23 =	simm.s32 $0x1B8B  }
0xa2: {  	_ =	swait.ge [sflag:s23], $0x1  }
0xa3: {  	[sflag:s23] =	ssyncset.done $0x0  }
0xa4: {  	s25 =	simm.s32 $0x1B8E;
	s24 =	sld [smem:$0x3FFE];
	[sflag:s23] =	ssyncadd.s32 $0xFFFFFFFF  }
0xa5: {  	s26 =	simm.s32 $execute0_lowered;
	[smem:$0x3FD2] =	sst s25  }
0xa6: {  	s4 =	sshll.u32 s26, $0x1;
	_ =	strace $0x8000004F;
	[dreg:$0x1] =	wrdreg $0xFFFFFFFF  }
0xa7: {  	s28 =	simm.s32 $_size_execute0_lowered;
	s2 =	sadd.s32 s2, s4;
	[dreg:$0x0] =	wrdreg $0x0  }
0xa8: {  	s4 =	sshll.u32 s28, $0x1;
	[dreg:$0x2] =	wrdreg s2  }
0xa9: {  	[dreg:$0x3] =	wrdreg s4  }
0xaa: {  	[dreg:$0x4] =	wrdreg $0xC0  }
0xab: {  	_ =	task [dreg:s6], $0x5FFFF  }
0xac: {  	[dreg:$0x1] =	wrdreg $0xFFFFFFFF  }
0xad: {  	[dreg:$0x0] =	wrdreg $0x60  }
0xae: {  	[dreg:$0x2] =	wrdreg s24  }
0xaf: {  	[dreg:$0x3] =	wrdreg $0xA8000  }
0xb0: {  	[dreg:$0x4] =	wrdreg $0xA  }
0xb1: {  	_ =	task.clear_ibuf [dreg:s6], $0x5FFFF;
	_ =	strace $0x9000004F  }
0xb2: {  	s29 =	simm.s32 $0xA;
	_ =	strace $0x80000051  }
0xb3: {  	_ =	swait.ge [sflag:s29], $0x1  }
0xb4: {  	[sflag:s29] =	ssyncadd.s32 $0xFFFFFFFF  }
0xb5: {  	_ =	strace $0x90000051  }
0xb6: {  	_ =	sfence  }
0xb7: {  	s30 =	sld [smem:$0x0];
	_ =	sdelay $0x2  }
0xb8: {  	s31 =	sshll.u32 s1, $0xD;
	s1 =	sshrl.u32 s1, $0x2  }
0xb9: {  	s3 =	sand.u32 $0x4000, s31;
	s1 =	sadd.s32 s1, s30  }
0xba: {  	s0 =	sor.u32 s3, s0;
	s1 =	sshll.u32 s1, $0x11  }
0xbb: {  	s0 =	sor.u32 s1, s0  }
0xbc: {  	s0 =	sadd.s32 $0x8F2B, s0  }
0xbd: {  	[sflag:s0] =	ssyncadd.remote.s32 $0x1  }
0xbe: {  	_ =	sfence.sel $0xFFFF  }
0xbf: {  	[dreg:$0x0] =	wrdreg $0xFFFFFFFF;
	(pc) =	sbr.abs _section_cstart, $3  }
0xc0: {  	[dreg:$0x1] =	wrdreg $0xFFFFFFFF  }
0xc1: {  	_ =	task.clear_ibuf [dreg:s6], $0x2FFFF;
	_ =	strace $0x9FFFFFFF  }
0xc2: {  	(tm) =	ssettm $0x7FFFFFFF  }
0xc3: {  	_ =	shalt  }
tec
execute0_lowered:
.L_overlay_start_1:
0x0: {  	(tag) =	ssettag $0x1  }
0x1: {  	s0 =	srdreg.scid  }
0x2: {  	s14 =	stileid.u32;
	s5 =	rddreg [dreg:$0x0]  }
0x3: {  	s2 =	rddreg [dreg:$0x1];
	s3 =	simm.s32 $0x0;
	s21 =	simm.s32 $0x3000  }
0x4: {  	s22 =	simm.s32 $0x6C00;
	s28 =	simm.s32 $0x4;
	s7 =	smul.u32 $0x14000, s14  }
0x5: {  	s0 =	sand.u32 $0x1, s0;
	s1 =	sshll.u32 s14, $0x1;
	s9 =	smul.u32 $0x50000, s14  }
0x6: {  	[smem:$0x7FF] =	sst s3;
	s18 =	sadd.s32 $0x4F9C00, s5;
	s19 =	smul.u32 $0x27100, s14  }
0x7: {  	s25 =	sadd.s32 $0x27D800, s5;
	s1 =	sor.u32 s0, s1;
	s6 =	smul.u32 $0x280000, s0  }
0x8: {  	_ =	strace $0x80000050;
	s24 =	ssub.s32 $0x2, s0;
	s0 =	smul.u32 $0x13880, s0  }
0x9: {  	[dreg:$0x3] =	wrdreg s25;
	s25 =	simm.s32 $0x2;
	s4 =	smul.u32 $0x300, s1  }
0xa: {  	s26 =	sshrl.u32 s24, $0x1;
	s29 =	sshrl.u32 s9, $0x2;
	s1 =	smul.u32 $0x9C400, s1  }
0xb: {  	s30 =	sadd.s32 s19, s18;
	s19 =	simm.s32 $0x5;
	s23 =	sadd.s32 s7, s6  }
0xc: {  	s17 =	ssub.s32 s24, s26;
	s7 =	sadd.s32 s29, s2;
	s31 =	sadd.s32 s0, s30  }
0xd: {  	s24 =	simm.s32 $0x78;
	s26 =	simm.s32 $0x3;
	s0 =	simm.s32 $0x0  }
0xe: {  	s8 =	sadd.s32 s4, s5;
	s6 =	sshrl.u32 s23, $0x3;
	s9 =	sadd.s32 $0x7800, s7  }
0xf: {  	s1 =	sshrl.u32 s1, $0x3;
	s10 =	sadd.s32 $0xB400, s7;
	s11 =	sadd.s32 $0xF000, s7  }
0x10: {  	s12 =	sadd.s32 $0x12C00, s7;
	s17 =	smax.u32 s17, $0x1;
	s23 =	simm.s32 $0x1  }
0x11: {  	s16 =	sadd.s32 s6, s5;
	s5 =	sadd.s32 $0x4EDC00, s8;
	s1 =	sadd.s32 s18, s1  }
0x12: {  	s6 =	sadd.s32 $0x4F3C00, s8;
	s8 =	sadd.s32 $0x3C00, s7;
	s13 =	sadd.s32 $0x12C00, s1  }
0x13: {  	s14 =	sadd.s32 $0x13380, s1;
	s15 =	sadd.s32 $0x27F000, s16;
	s16 =	sadd.s32 $0x2A7000, s16  }
.LBB2_1:
0x14: {  	[tilespmem:s3], [sflag:$0x5] =	stream.linear.gather [hbm4b:s5+s3], $0x1500, $0x38;
	[tilespmem:$0x1E800] =	vst v63  }
0x15: {  	_ =	swait.ge [sflag:s19], $0x1500  }
0x16: {  	[sflag:s19] =	ssyncset.done $0x0  }
0x17: {  	s1 =	simm.s32 $0x1800;
	[sflag:s19] =	ssyncadd.s32 $0xFFFFEB00  }
0x18: {  	[tilespmem:s1], [sflag:$0x5] =	stream.linear.gather [hbm4b:s6+s3], $0x1500, $0x38;
	[tilespmem:$0x1E800] =	vst v63  }
0x19: {  	_ =	swait.ge [sflag:s19], $0x1500  }
0x1a: {  	[sflag:s19] =	ssyncset.done $0x0  }
0x1b: {  	s20 =	rddreg [dreg:$0x3];
	[sflag:s19] =	ssyncadd.s32 $0xFFFFEB00  }
0x1c: {  	[tilespmem:s21], [sflag:$0x5] =	stream.linear.gather [hbm4b:s20+s3], $0x3C00, $0x38;
	[tilespmem:$0x1E800] =	vst v63  }
0x1d: {  	_ =	swait.ge [sflag:s19], $0x3C00  }
0x1e: {  	[sflag:s19] =	ssyncset.done $0x0  }
0x1f: {  	[sflag:s19] =	ssyncadd.s32 $0xFFFFC400  }
0x20: {  	[spmem:s7] =	stream.linear.scatter [tilespmem:s21], [sflag:$0x5], $0x3C00, $0x38;
	[tilespmem:$0x1E800] =	vst v63  }
0x21: {  	_ =	swait.ge [sflag:s19], $0x3C00  }
0x22: {  	[sflag:s19] =	ssyncset.done $0x0  }
0x23: {  	[sflag:s19] =	ssyncadd.s32 $0xFFFFC400  }
0x24: {  	[spmem:s8] =	stream.linear.scatter [tilespmem:s21], [sflag:$0x5], $0x3C00, $0x38;
	[tilespmem:$0x1E800] =	vst v63  }
0x25: {  	_ =	swait.ge [sflag:s19], $0x3C00  }
0x26: {  	[sflag:s19] =	ssyncset.done $0x0  }
0x27: {  	[sflag:s19] =	ssyncadd.s32 $0xFFFFC400  }
0x28: {  	[spmem:s9] =	stream.linear.scatter [tilespmem:s21], [sflag:$0x5], $0x3C00, $0x38;
	[tilespmem:$0x1E800] =	vst v63  }
0x29: {  	_ =	swait.ge [sflag:s19], $0x3C00  }
0x2a: {  	[sflag:s19] =	ssyncset.done $0x0  }
0x2b: {  	[sflag:s19] =	ssyncadd.s32 $0xFFFFC400  }
0x2c: {  	[spmem:s10] =	stream.linear.scatter [tilespmem:s21], [sflag:$0x5], $0x3C00, $0x38;
	[tilespmem:$0x1E800] =	vst v63  }
0x2d: {  	_ =	swait.ge [sflag:s19], $0x3C00  }
0x2e: {  	[sflag:s19] =	ssyncset.done $0x0  }
0x2f: {  	[sflag:s19] =	ssyncadd.s32 $0xFFFFC400  }
0x30: {  	[spmem:s11] =	stream.linear.scatter [tilespmem:s21], [sflag:$0x5], $0x3C00, $0x38;
	[tilespmem:$0x1E800] =	vst v63  }
0x31: {  	_ =	swait.ge [sflag:s19], $0x3C00  }
0x32: {  	[sflag:s19] =	ssyncset.done $0x0  }
0x33: {  	[sflag:s19] =	ssyncadd.s32 $0xFFFFC400  }
0x34: {  	[spmem:s12] =	stream.linear.scatter [tilespmem:s21], [sflag:$0x5], $0x1400, $0x38;
	[tilespmem:$0x1E800] =	vst v63  }
0x35: {  	_ =	swait.ge [sflag:s19], $0x1400  }
0x36: {  	[sflag:s19] =	ssyncset.done $0x0  }
0x37: {  	[sflag:s19] =	ssyncadd.s32 $0xFFFFEC00  }
0x38: {  	[bflag:$0x0] =	sbarrier.arrive $0xFFFF  }
0x39: {  	[tilespmem:s21], [sflag:$0x1] =	stream.linear.gather [hbm4b:s31+s3], $0x3C00, $0x38;
	[tilespmem:$0x1E800] =	vst v63  }
0x3a: {  	s20 =	sadd.s32 $0x780, s31  }
0x3b: {  	[tilespmem:s22], [sflag:$0x2] =	stream.linear.gather [hbm4b:s20+s3], $0x3C00, $0x38;
	[tilespmem:$0x1E800] =	vst v63  }
0x3c: {  	_ =	swait.ge [sflag:s23], $0x3C00  }
0x3d: {  	[sflag:s23] =	ssyncset.done $0x0  }
0x3e: {  	s18 =	simm.s32 $0x0;
	[sflag:s23] =	ssyncadd.s32 $0xFFFFC400  }
0x3f: {  	[spmem:s2] =	stream.indirect.scatter.add.f32 [tilespmem:s21], [sflag:$0x3], $0x80, s18, s24, $0xb8;
	[tilespmem:$0x1E800] =	vst v63  }
0x40: {  	_ =	swait.ge [sflag:s25], $0x3C00  }
0x41: {  	[sflag:s25] =	ssyncset.done $0x0  }
0x42: {  	s30 =	simm.s32 $0x80;
	[sflag:s25] =	ssyncadd.s32 $0xFFFFC400  }
0x43: {  	[spmem:s2] =	stream.indirect.scatter.add.f32 [tilespmem:s22], [sflag:$0x4], $0x80, s30, s24, $0xb8;
	[tilespmem:$0x1E800] =	vst v63  }
0x44: {  	_ =	swait.ge [sflag:s26], $0x3C00  }
0x45: {  	[sflag:s26] =	ssyncset.done $0x0  }
0x46: {  	[sflag:s26] =	ssyncadd.s32 $0xFFFFC400  }
0x47: {  	_ =	swait.ge [sflag:s28], $0x3C00  }
0x48: {  	s29 =	simm.s32 $0x400;
	s18 =	smov.u32 s31;
	[sflag:s28] =	ssyncset.done $0x0  }
.LBB2_2:
0x49: {  	p0 =	sne.s32 s29, $0x4C00;
	[sflag:s28] =	ssyncadd.s32 $0xFFFFC400;
	s18 =	sadd.s32 $0xF00, s18  }
0x4a: {  	[tilespmem:s21], [sflag:$0x1] =	stream.linear.gather [hbm4b:s18+s3], $0x3C00, $0x38;
	[tilespmem:$0x1E800] =	vst v63  }
0x4b: {  	s1 =	smov.u32 s29;
	s29 =	sadd.s32 $0x400, s29;
	s30 =	sadd.s32 $0x780, s18  }
0x4c: {  	[tilespmem:s22], [sflag:$0x2] =	stream.linear.gather [hbm4b:s30+s3], $0x3C00, $0x38;
	[tilespmem:$0x1E800] =	vst v63  }
0x4d: {  	_ =	swait.ge [sflag:s23], $0x3C00  }
0x4e: {  	[sflag:s23] =	ssyncset.done $0x0  }
0x4f: {  	s1 =	sshra.s32 s1, $0x2;
	[sflag:s23] =	ssyncadd.s32 $0xFFFFC400  }
0x50: {  	[spmem:s2] =	stream.indirect.scatter.add.f32 [tilespmem:s21], [sflag:$0x3], $0x80, s1, s24, $0xb8;
	[tilespmem:$0x1E800] =	vst v63  }
0x51: {  	_ =	swait.ge [sflag:s25], $0x3C00  }
0x52: {  	[sflag:s25] =	ssyncset.done $0x0  }
0x53: {  	s1 =	sadd.s32 $0x80, s1;
	[sflag:s25] =	ssyncadd.s32 $0xFFFFC400  }
0x54: {  	[spmem:s2] =	stream.indirect.scatter.add.f32 [tilespmem:s22], [sflag:$0x4], $0x80, s1, s24, $0xb8;
	[tilespmem:$0x1E800] =	vst v63  }
.Ltmp0:
0x55: {  	_ =	swait.ge [sflag:s26], $0x3C00;
	(pc) =	sbr.rel @p0 .LBB2_2-.Ltmp0, $4  }
0x56: {  	[sflag:s26] =	ssyncset.done $0x0  }
0x57: {  	[sflag:s26] =	ssyncadd.s32 $0xFFFFC400  }
0x58: {  	_ =	swait.ge [sflag:s28], $0x3C00  }
0x59: {  	[sflag:s28] =	ssyncset.done $0x0  }
0x5a: {  	[sflag:s28] =	ssyncadd.s32 $0xFFFFC400;
	s1 =	simm.s32 $0x0  }
0x5b: {  	[tilespmem:s21], [sflag:$0x1] =	stream.linear.gather [hbm4b:s13+s1], $0x3C00, $0x38;
	[tilespmem:$0x1E800] =	vst v63  }
0x5c: {  	_ = 	snop  }
0x5d: {  	[tilespmem:s22], [sflag:$0x2] =	stream.linear.gather [hbm4b:s14+s1], $0x2800, $0x38;
	[tilespmem:$0x1E800] =	vst v63  }
0x5e: {  	_ =	swait.ge [sflag:s23], $0x3C00  }
0x5f: {  	[sflag:s23] =	ssyncset.done $0x0  }
0x60: {  	s4 =	simm.s32 $0x1400;
	[sflag:s23] =	ssyncadd.s32 $0xFFFFC400  }
0x61: {  	[spmem:s2] =	stream.indirect.scatter.add.f32 [tilespmem:s21], [sflag:$0x3], $0x80, s4, s24, $0xb8;
	[tilespmem:$0x1E800] =	vst v63  }
0x62: {  	_ =	swait.ge [sflag:s25], $0x2800  }
0x63: {  	[sflag:s25] =	ssyncset.done $0x0  }
0x64: {  	s18 =	simm.s32 $0x1480;
	[sflag:s25] =	ssyncadd.s32 $0xFFFFD800  }
0x65: {  	[spmem:s2] =	stream.indirect.scatter.add.f32 [tilespmem:s22], [sflag:$0x4], $0x80, s18, s24, $0xb8;
	[tilespmem:$0x1E800] =	vst v63  }
0x66: {  	_ =	swait.ge [sflag:s26], $0x3C00  }
0x67: {  	[sflag:s26] =	ssyncset.done $0x0  }
0x68: {  	[sflag:s26] =	ssyncadd.s32 $0xFFFFC400  }
0x69: {  	_ =	swait.ge [sflag:s28], $0x3C00  }
0x6a: {  	s4 =	stileid.u32;
	[sflag:s28] =	ssyncset.done $0x0  }
0x6b: {  	s1 =	sshll.u32 s4, $0x6;
	[sflag:s28] =	ssyncadd.s32 $0xFFFFC400  }
0x6c: {  	s30 =	sshrl.u32 s7, $0x3;
	s29 =	sor.u32 $0x1C05, s1;
	[bflag:$0x0] =	sbarrier.arrive $0xFFFF  }
0x6d: {  	[hbm:s15], [sflag:s29] =	dma.local [spmem:s30], $0x2800  }
0x6e: {  	_ =	swait.ge [sflag:s19], $0x2800  }
0x6f: {  	[sflag:s19] =	ssyncset.done $0x0  }
0x70: {  	[sflag:s19] =	ssyncadd.s32 $0xFFFFD800  }
0x71: {  	[bflag:$0x0] =	sbarrier.arrive $0xFFFF  }
0x72: {  	[tilespmem:s21], [sflag:$0x1] =	stream.linear.gather [hbm4b:s31+s3], $0x3C00, $0x38;
	[tilespmem:$0x1E800] =	vst v63  }
0x73: {  	_ = 	snop  }
0x74: {  	[tilespmem:s22], [sflag:$0x2] =	stream.linear.gather [hbm4b:s20+s3], $0x3C00, $0x38;
	[tilespmem:$0x1E800] =	vst v63  }
0x75: {  	_ =	swait.ge [sflag:s23], $0x3C00  }
0x76: {  	[sflag:s23] =	ssyncset.done $0x0  }
0x77: {  	s18 =	simm.s32 $0x1800;
	[sflag:s23] =	ssyncadd.s32 $0xFFFFC400  }
0x78: {  	[spmem:s2] =	stream.indirect.scatter.add.f32 [tilespmem:s21], [sflag:$0x3], $0x80, s18, s24, $0xb8;
	[tilespmem:$0x1E800] =	vst v63  }
0x79: {  	_ =	swait.ge [sflag:s25], $0x3C00  }
0x7a: {  	[sflag:s25] =	ssyncset.done $0x0  }
0x7b: {  	s20 =	simm.s32 $0x1880;
	[sflag:s25] =	ssyncadd.s32 $0xFFFFC400  }
0x7c: {  	[spmem:s2] =	stream.indirect.scatter.add.f32 [tilespmem:s22], [sflag:$0x4], $0x80, s20, s24, $0xb8;
	[tilespmem:$0x1E800] =	vst v63  }
0x7d: {  	_ =	swait.ge [sflag:s26], $0x3C00  }
0x7e: {  	[sflag:s26] =	ssyncset.done $0x0  }
0x7f: {  	[sflag:s26] =	ssyncadd.s32 $0xFFFFC400  }
0x80: {  	_ =	swait.ge [sflag:s28], $0x3C00  }
0x81: {  	s18 =	smov.u32 s31;
	s20 =	simm.s32 $0x400;
	[sflag:s28] =	ssyncset.done $0x0  }
.LBB2_4:
0x82: {  	p0 =	sne.s32 s20, $0x4C00;
	[sflag:s28] =	ssyncadd.s32 $0xFFFFC400;
	s18 =	sadd.s32 $0xF00, s18  }
0x83: {  	[tilespmem:s21], [sflag:$0x1] =	stream.linear.gather [hbm4b:s18+s3], $0x3C00, $0x38;
	[tilespmem:$0x1E800] =	vst v63  }
0x84: {  	s4 =	smov.u32 s20;
	s20 =	sadd.s32 $0x400, s20;
	s1 =	sadd.s32 $0x780, s18  }
0x85: {  	[tilespmem:s22], [sflag:$0x2] =	stream.linear.gather [hbm4b:s1+s3], $0x3C00, $0x38;
	[tilespmem:$0x1E800] =	vst v63  }
0x86: {  	_ =	swait.ge [sflag:s23], $0x3C00  }
0x87: {  	s1 =	sshra.s32 s4, $0x2;
	[sflag:s23] =	ssyncset.done $0x0  }
0x88: {  	s4 =	sadd.s32 $0x1800, s1;
	[sflag:s23] =	ssyncadd.s32 $0xFFFFC400  }
0x89: {  	[spmem:s2] =	stream.indirect.scatter.add.f32 [tilespmem:s21], [sflag:$0x3], $0x80, s4, s24, $0xb8;
	[tilespmem:$0x1E800] =	vst v63  }
0x8a: {  	_ =	swait.ge [sflag:s25], $0x3C00  }
0x8b: {  	[sflag:s25] =	ssyncset.done $0x0  }
0x8c: {  	s1 =	sadd.s32 $0x1880, s1;
	[sflag:s25] =	ssyncadd.s32 $0xFFFFC400  }
0x8d: {  	[spmem:s2] =	stream.indirect.scatter.add.f32 [tilespmem:s22], [sflag:$0x4], $0x80, s1, s24, $0xb8;
	[tilespmem:$0x1E800] =	vst v63  }
.Ltmp1:
0x8e: {  	_ =	swait.ge [sflag:s26], $0x3C00;
	(pc) =	sbr.rel @p0 .LBB2_4-.Ltmp1, $4  }
0x8f: {  	[sflag:s26] =	ssyncset.done $0x0  }
0x90: {  	[sflag:s26] =	ssyncadd.s32 $0xFFFFC400  }
0x91: {  	_ =	swait.ge [sflag:s28], $0x3C00  }
0x92: {  	[sflag:s28] =	ssyncset.done $0x0  }
0x93: {  	[sflag:s28] =	ssyncadd.s32 $0xFFFFC400  }
0x94: {  	[tilespmem:s21], [sflag:$0x1] =	stream.linear.gather [hbm4b:s13+s3], $0x3C00, $0x38;
	[tilespmem:$0x1E800] =	vst v63  }
0x95: {  	_ = 	snop  }
0x96: {  	[tilespmem:s22], [sflag:$0x2] =	stream.linear.gather [hbm4b:s14+s3], $0x2800, $0x38;
	[tilespmem:$0x1E800] =	vst v63  }
0x97: {  	_ =	swait.ge [sflag:s23], $0x3C00  }
0x98: {  	[sflag:s23] =	ssyncset.done $0x0  }
0x99: {  	s1 =	simm.s32 $0x2C00;
	[sflag:s23] =	ssyncadd.s32 $0xFFFFC400  }
0x9a: {  	[spmem:s2] =	stream.indirect.scatter.add.f32 [tilespmem:s21], [sflag:$0x3], $0x80, s1, s24, $0xb8;
	[tilespmem:$0x1E800] =	vst v63  }
0x9b: {  	_ =	swait.ge [sflag:s25], $0x2800  }
0x9c: {  	[sflag:s25] =	ssyncset.done $0x0  }
0x9d: {  	s20 =	simm.s32 $0x2C80;
	[sflag:s25] =	ssyncadd.s32 $0xFFFFD800  }
0x9e: {  	[spmem:s2] =	stream.indirect.scatter.add.f32 [tilespmem:s22], [sflag:$0x4], $0x80, s20, s24, $0xb8;
	[tilespmem:$0x1E800] =	vst v63  }
0x9f: {  	_ =	swait.ge [sflag:s26], $0x3C00  }
0xa0: {  	[sflag:s26] =	ssyncset.done $0x0  }
0xa1: {  	[sflag:s26] =	ssyncadd.s32 $0xFFFFC400  }
0xa2: {  	_ =	swait.ge [sflag:s28], $0x3C00  }
0xa3: {  	s0 =	sadd.s32 $0x1, s0;
	[sflag:s28] =	ssyncset.done $0x0  }
0xa4: {  	p0 =	sne.s32 s0, s17;
	[sflag:s28] =	ssyncadd.s32 $0xFFFFC400  }
.Ltmp2:
0xa5: {  	[bflag:$0x0] =	sbarrier.arrive $0xFFFF;
	(pc) =	sbr.rel @p0 .LBB2_1-.Ltmp2, $4  }
0xa6: {  	[hbm:s16], [sflag:s29] =	dma.local [spmem:s30], $0x2800  }
0xa7: {  	_ =	swait.ge [sflag:s19], $0x2800  }
0xa8: {  	[sflag:s19] =	ssyncset.done $0x0  }
0xa9: {  	[sflag:s19] =	ssyncadd.s32 $0xFFFFD800  }
0xaa: {  	_ =	sfence.sel $0x180000  }
0xab: {  	[bflag:$0x0] =	sbarrier.arrive $0xFFFF  }
0xac: {  	_ =	strace $0x90000050  }
0xad: {  	s0 =	stileid.u32;
	[bflag:$0x2] =	sbarrier.arrive $0xFFFF  }
0xae: {  	p0 =	sne.s32 s0, $0x0;
	s0 =	rddreg [dreg:$0x2]  }
0xaf: {  	s0 =	sadd.s32 @!p0 $0x100000, s0  }
0xb0: {  	[sflag:s0] =	ssyncadd.tile.s32 @!p0 $0x1;
	_ =	shalt  }
.Lfunc_end2:
_tile_overlayer_lowered:
.L_overlay_start_2:
0xb1: {  	(tag) =	ssettag $0x2  }
0xb2: {  	s0 =	rddreg [dreg:$0x0];
	s2 =	stileid.u32  }
0xb3: {  	s1 =	rddreg [dreg:$0x1];
	p0 =	sne.s32 s2, $0x0  }
0xb4: {  	s3 =	rddreg [dreg:$0x2];
	[bflag:$0x3] =	sbarrier.arrive $0xFFFF;
	s2 =	simm.s32 @!p0 $0x1C05  }
0xb5: {  	[timem:s3], [sflag:s2] =	dma.local @!p0 [hbm:s0], s1  }
0xb6: {  	s0 =	simm.s32 @!p0 $0x5  }
0xb7: {  	_ =	swait.ge @!p0 [sflag:s0], s1  }
0xb8: {  	s1 =	ssub.s32 @!p0 $0x0, s1;
	[sflag:s0] =	ssyncset.done @!p0 $0x0  }
0xb9: {  	[sflag:s0] =	ssyncadd.s32 @!p0 s1  }
0xba: {  	[bflag:$0x3] =	sbarrier.arrive $0xFFFF  }
0xbb: {  	_ =	shalt  }

// kernel: sparse-core-data-format-call.cloned.1.call-start
scs
called_computation_lowered:
.L_overlay_start_0:
0x0: {  	s2 =	sld [smem:$0x3FD9]  }
0x1: {  	s3 =	sld [smem:$0x3FFE];
	_ =	sdelay $0x1  }
0x2: {  	s1 =	srdreg.scid  }
0x3: {  	s0 =	sand.u32 $0x1, s1  }
0x4: {  	s16 =	sshll.u32 s0, $0xA;
	s2 =	sadd.s32 s3, s2  }
0x5: {  	s2 =	sadd.s32 s2, s16  }
0x6: {  	[smem:$0x3FBB] =	sst s2  }
0x7: {  	_ = 	snop  }
0x8: {  	s2 =	sld [smem:$0x3FD0];
	_ =	sdelay $0x2  }
0x9: {  	s17 =	simm.s32 $0xB;
	s4 =	simm.s32 $0x10  }
0xa: {  	[smem:s4], [sflag:s17] =	dma.local [hbm:s2], $0x1  }
0xb: {  	_ =	swait.eq [sflag:s17], $0x1  }
0xc: {  	[sflag:s17] =	ssyncset.done $0x0  }
0xd: {  	[sflag:s17] =	ssyncadd.s32 $0xFFFFFFFF  }
0xe: {  	s18 =	sld [smem:$0x11];
	(tm) =	ssettm $0x1  }
0xf: {  	s19 =	sld [smem:$0x3FFB];
	_ =	sdelay $0x3  }
0x10: {  	_ =	strace s19  }
0x11: {  	s2 =	sld [smem:$0x3FFC];
	_ =	sdelay $0x3  }
0x12: {  	_ =	strace s2  }
0x13: {  	s2 =	sld [smem:$0x3FFD];
	_ =	sdelay $0x3  }
0x14: {  	_ =	strace s2  }
0x15: {  	_ =	strace $0x8FFFFFFF  }
0x16: {  	s20 =	sld [smem:$0x3FDB];
	_ =	sdelay $0x1  }
0x17: {  	s21 =	simm.s32 $_scs_section_size  }
0x18: {  	s5 =	simm.s32 $_size__tile_overlayer_lowered;
	s6 =	simm.s32 $_tile_overlayer_lowered  }
0x19: {  	s7 =	simm.s32 $0x1BFF;
	s22 =	sshll.u32 s6, $0x1;
	s4 =	sadd.s32 s21, s20  }
0x1a: {  	s23 =	simm.s32 $0x0;
	s5 =	sshll.u32 s5, $0x1;
	s6 =	sadd.s32 s22, s4  }
0x1b: {  	[timem:s23], [sflag:s7] =	dma.local [hbm:s6], s5  }
0x1c: {  	_ =	swait.ge [sflag:s7], s5  }
0x1d: {  	s5 =	ssub.s32 $0x0, s5;
	[sflag:s7] =	ssyncset.done $0x0  }
0x1e: {  	[sflag:s7] =	ssyncadd.s32 s5;
	_ =	sdelay $0x1  }
0x1f: {  	s24 =	simm.s32 $0x1B8B  }
0x20: {  	_ =	swait.ge [sflag:s24], $0x1  }
0x21: {  	[sflag:s24] =	ssyncset.done $0x0  }
0x22: {  	[sflag:s24] =	ssyncadd.s32 $0xFFFFFFFF  }
0x23: {  	s5 =	sld [smem:$0x0]  }
0x24: {  	s6 =	sand.u32 $0xFFFFFFFE, s1  }
0x25: {  	p0 =	sne.s32 s1, s6  }
0x26: {  	s6 =	sshll.u32 @p0 s6, $0xE  }
0x27: {  	s6 =	sadd.s32 @p0 $0x11B8D, s6;
	s7 =	sshll.u32 @p0 s5, $0x11  }
0x28: {  	s6 =	sor.u32 @p0 s7, s6  }
0x29: {  	[sflag:s6] =	ssyncadd.remote.s32 @p0 $0x1;
	_ =	sdelay $0x1  }
0x2a: {  	s6 =	simm.s32 @p0 $0x1B8D  }
0x2b: {  	_ =	swait.eq @p0 [sflag:s6], $0x1  }
0x2c: {  	[sflag:s6] =	ssyncadd.s32 @p0 $0xFFFFFFFF  }
0x2d: {  	s7 =	sshll.u32 @!p0 s1, $0xE  }
0x2e: {  	s7 =	sor.u32 @!p0 $0x4000, s7;
	s6 =	simm.s32 @!p0 $0x1B8D  }
0x2f: {  	s5 =	sshll.u32 @!p0 s5, $0x11;
	s7 =	sadd.s32 @!p0 $0x11B8D, s7;
	_ =	swait.eq @!p0 [sflag:s6], $0x1  }
0x30: {  	s5 =	sor.u32 @!p0 s5, s7;
	[sflag:s6] =	ssyncadd.s32 @!p0 $0xFFFFFFFF  }
0x31: {  	s26 =	simm.s32 $0x1B8E;
	s25 =	sld [smem:$0x3FFE];
	[sflag:s5] =	ssyncadd.remote.s32 @!p0 $0x1  }
0x32: {  	s27 =	simm.s32 $execute0_lowered;
	[smem:$0x3FD2] =	sst s26  }
0x33: {  	s6 =	sshll.u32 s27, $0x1;
	_ =	strace $0x80000052;
	[dreg:$0x1] =	wrdreg $0xFFFFFFFF  }
0x34: {  	s28 =	simm.s32 $_size_execute0_lowered;
	s4 =	sadd.s32 s4, s6;
	[dreg:$0x0] =	wrdreg $0x0  }
0x35: {  	s6 =	sshll.u32 s28, $0x1;
	[dreg:$0x2] =	wrdreg s4  }
0x36: {  	[dreg:$0x3] =	wrdreg s6  }
0x37: {  	[dreg:$0x4] =	wrdreg $0xC0  }
0x38: {  	_ =	task [dreg:s23], $0x5FFFF  }
0x39: {  	[dreg:$0x1] =	wrdreg $0xFFFFFFFF  }
0x3a: {  	[dreg:$0x0] =	wrdreg $0x60  }
0x3b: {  	[dreg:$0x2] =	wrdreg s25  }
0x3c: {  	[dreg:$0x3] =	wrdreg s18  }
0x3d: {  	[dreg:$0x4] =	wrdreg $0x9  }
0x3e: {  	_ =	task.clear_ibuf [dreg:s23], $0x5FFFF;
	_ =	strace $0x90000052  }
0x3f: {  	s29 =	simm.s32 $0x9;
	_ =	strace $0x80000054  }
0x40: {  	_ =	swait.ge [sflag:s29], $0x1  }
0x41: {  	[sflag:s29] =	ssyncadd.s32 $0xFFFFFFFF  }
0x42: {  	_ =	strace $0x90000054  }
0x43: {  	_ =	sfence  }
0x44: {  	s30 =	sld [smem:$0x0];
	_ =	sdelay $0x2  }
0x45: {  	s31 =	sshll.u32 s1, $0xD;
	s1 =	sshrl.u32 s1, $0x2  }
0x46: {  	s4 =	sand.u32 $0x4000, s31;
	s1 =	sadd.s32 s1, s30  }
0x47: {  	s0 =	sor.u32 s4, s0;
	s1 =	sshll.u32 s1, $0x11  }
0x48: {  	s0 =	sor.u32 s1, s0  }
0x49: {  	s0 =	sadd.s32 $0x8F2B, s0  }
0x4a: {  	[sflag:s0] =	ssyncadd.remote.s32 $0x1  }
0x4b: {  	_ =	sfence.sel $0xFFFF  }
0x4c: {  	[dreg:$0x0] =	wrdreg $0xFFFFFFFF;
	(pc) =	sbr.abs _section_cstart, $3  }
0x4d: {  	[dreg:$0x1] =	wrdreg $0xFFFFFFFF  }
0x4e: {  	_ =	task.clear_ibuf [dreg:s23], $0x2FFFF;
	_ =	strace $0x9FFFFFFF  }
0x4f: {  	(tm) =	ssettm $0x7FFFFFFF  }
tec
execute0_lowered:
.L_overlay_start_1:
0x0: {  	(tag) =	ssettag $0x1  }
0x1: {  	s0 =	srdreg.scid  }
0x2: {  	s1 =	sshll.u32 s0, $0x4  }
0x3: {  	s4 =	rddreg [dreg:$0x0];
	s0 =	stileid.u32;
	s1 =	sand.u32 $0x10, s1  }
0x4: {  	s2 =	rddreg [dreg:$0x1];
	s7 =	simm.s32 $0x1;
	s1 =	sor.u32 s0, s1  }
0x5: {  	s8 =	simm.s32 $0x2;
	s11 =	simm.s32 $0x0;
	s3 =	sshll.u32 s1, $0x7  }
0x6: {  	s10 =	simm.s32 $0x0;
	s4 =	sadd.s32 $0x76AC00, s4;
	s6 =	ssub.s32 $0x27100, s3  }
.Ltmp0:
0x7: {  	s1 =	rddreg [dreg:$0x2];
	s5 =	sand.u32 $0xF80, s6;
	(pc) =	sbr.rel .LBB1_1-.Ltmp0, $4  }
0x8: {  	_ =	strace $0x80000053;
	s9 =	smov.u32 s3;
	p0 =	sne.s32 s5, $0x0  }
0x9: {  	s6 =	sshrl.u32 s6, $0xC;
	s5 =	simm.s32 $0x1;
	s7 =	simm.s32 @!p0 $0x0  }
0xa: {  	[sflag:s5] =	ssyncpa.u1 $0x0;
	p0 =	por $0x0, $0x0;
	s6 =	sadd.s32 s7, s6  }
0xb: {  	[sflag:s8] =	ssyncpa.u1 $0x0;
	s8 =	simm.s32 $0x138800;
	s7 =	sadd.s32 $0x1, s6  }
.LBB1_4:
0xc: {  	s14 =	sshll.u32 s11, $0x3  }
0xd: {  	s30 =	sand.u32 $0x7F, s11;
	s14 =	sand.u32 $0xFFFFFC00, s14  }
0xe: {  	s11 =	sor.u32 s30, s14  }
0xf: {  	s15 =	smulhi.u32 $0xD1B71759, s11;
	_ =	sdelay $0x1  }
0x10: {  	s14 =	smulhi.u32 $0xD1B71759, s14;
	s15 =	sshrl.u32 s15, $0x11  }
0x11: {  	s15 =	smul.u32 $0x27100, s15  }
0x12: {  	s14 =	sshrl.u32 s14, $0x11  }
0x13: {  	s14 =	sand.u32 $0x3F, s14;
	s11 =	ssub.s32 s11, s15  }
0x14: {  	[tilespmem:s13+$0x810 ss:$0x81] =	vst.msk $0xffff, v2;
	s14 =	smul.u32 $0x4E20, s14;
	s15 =	sshrl.u32 s11, $0x3;
	s11 =	sand.u32 $0x7, s11  }
0x15: {  	[tilespmem:s13+$0x1020 ss:$0x81] =	vst.msk $0xffff, v0;
	s15 =	sadd.s32 s2, s15;
	s11 =	sshll.u32 s11, $0x12  }
0x16: {  	[tilespmem:s13+$0x0 ss:$0x81] =	vst.msk $0xffff, v1;
	s31 =	sadd.s32 s14, s15;
	s11 =	sor.u32 $0x400, s11  }
0x17: {  	[hbm4b:s31+s11] =	stream.strided.scatter [tilespmem:s12], [sflag:$0x2], $0x2000, s8, s11, $0x20;
	[tilespmem:$0x8080] =	vst v63  }
.LBB1_5:
0x18: {  	s13 =	sadd.s32 $0x1000, s9  }
0x19: {  	p2 =	sgt.s32 s13, $0x270FF  }
0x1a: {  	s13 =	smov.u32 @p2 s3;
	p2 =	sne.s32 s10, s7  }
.Ltmp1:
0x1b: {  	p1 =	slt.u32 s10, $0x2;
	(pc) =	sbr.rel @!p2 .LBB1_6-.Ltmp1, $4  }
0x1c: {  	s12 =	simm.s32 @!p1 $0x2  }
0x1d: {  	s14 =	sadd.s32 $0x1, s10;
	_ =	swait.ge @!p1 [sflag:s12], $0x2000  }
0x1e: {  	s11 =	smov.u32 s9;
	p0 =	por !p0, !p0;
	[sflag:s12] =	ssyncset.done @!p1 $0x0  }
0x1f: {  	s10 =	smov.u32 s14;
	s9 =	smov.u32 s13;
	[sflag:s12] =	ssyncadd.s32 @!p1 $0xFFFFE000  }
.LBB1_1:
0x20: {  	p1 =	sge.u32 s10, s6  }
0x21: {  	s12 =	sand.u32 @!p1 $0x1FFFFFF, s9  }
0x22: {  	s13 =	smulhi.u32 @!p1 $0x1A36E2F, s12;
	_ =	sdelay $0x1  }
0x23: {  	s13 =	sshrl.u32 @!p1 s13, $0xA  }
0x24: {  	s13 =	smul.u32 @!p1 $0x27100, s13;
	_ =	sdelay $0x1  }
0x25: {  	s31 =	sadd.s32 $0xFFFFFFFF, s10;
	s14 =	sxor.u32 @!p1 $0xFFFFFFFF, s10;
	s12 =	ssub.s32 @!p1 s12, s13  }
0x26: {  	s15 =	simm.s32 @!p1 $0x80;
	s14 =	sshll.u32 @!p1 s14, $0xD;
	s12 =	sshll.u32 @!p1 s12, $0x4  }
0x27: {  	s13 =	sand.u32 @!p1 $0x2000, s14;
	s14 =	simm.s32 @!p1 $0x40;
	s12 =	sadd.s32 @!p1 s4, s12  }
0x28: {  	[tilespmem:s13], [sflag:$0x1] =	stream.strided.gather @!p1 [hbm4b:s12+s14], $0x2000, s15, s14, $0x38;
	[tilespmem:$0x8080] =	vst v63  }
0x29: {  	p1 =	sge.u32 s31, s6  }
.Ltmp2:
0x2a: {  	_ = 	snop;
	(pc) =	sbr.rel @p1 .LBB1_5-.Ltmp2, $1  }
0x2b: {  	_ =	sdelay $0x3  }
0x2c: {  	s12 =	simm.s32 $0x1  }
0x2d: {  	_ =	swait.ge [sflag:s5], $0x2000;
	s12 =	simm.s32 @!p0 $0x0  }
0x2e: {  	[sflag:s5] =	ssyncset.done $0x0;
	s13 =	sshll.u32 s12, $0xD  }
0x2f: {  	[sflag:s5] =	ssyncadd.s32 $0xFFFFE000;
	s16 =	sor.u32 $0x20, s13  }
0x30: {  	s12 =	smul.u32 $0x8100, s12;
	v3 =	vld [tilespmem:s16+$0x10]  }
0x31: {  	s30 =	sand.u32 $0x1, s10;
	v2 =	vld [tilespmem:s16+$0xFFFFFFF0]  }
0x32: {  	s13 =	smul.u32 $0x8100, s30;
	s12 =	sshrl.u32 s12, $0x2;
	v0 =	vld [tilespmem:s16+$0x0]  }
0x33: {  	v1 =	vld [tilespmem:s16+$0xFFFFFFE0];
	s14 =	sor.u32 $0x4000, s12  }
0x34: {  	s31 =	sshrl.u32 s13, $0x2;
	s13 =	sadd.s32 $0x0, s14  }
0x35: {  	s15 =	simm.s32 $0x4;
	s16 =	sadd.s32 $0x40, s16;
	s12 =	sor.u32 $0x4000, s31;
	[tilespmem:s13+$0x1830 ss:$0x81] =	vst.msk $0xffff, v3  }
.LBB1_3:
0x36: {  	v3 =	vld [tilespmem:s16+$0x10];
	p1 =	sne.s32 s15, $0x1FC;
	[tilespmem:s13+$0x810 ss:$0x81] =	vst.msk $0xffff, v2;
	s17 =	smov.u32 s15;
	s15 =	sadd.s32 $0x4, s15  }
.Ltmp3:
0x37: {  	v2 =	vld [tilespmem:s16+$0xFFFFFFF0];
	[tilespmem:s13+$0x1020 ss:$0x81] =	vst.msk $0xffff, v0;
	(pc) =	sbr.rel @p1 .LBB1_3-.Ltmp3, $4  }
0x38: {  	v0 =	vld [tilespmem:s16+$0x0];
	[tilespmem:s13+$0x0 ss:$0x81] =	vst.msk $0xffff, v1  }
0x39: {  	s13 =	sshra.s32 s17, $0x2;
	v1 =	vld [tilespmem:s16+$0xFFFFFFE0]  }
0x3a: {  	s13 =	sadd.s32 s13, s14  }
0x3b: {  	s16 =	sadd.s32 $0x40, s16;
	[tilespmem:s13+$0x1830 ss:$0x81] =	vst.msk $0xffff, v3  }
.Ltmp4:
0x3c: {  	_ = 	snop;
	(pc) =	sbr.rel .LBB1_4-.Ltmp4, $1  }
0x3d: {  	_ =	sdelay $0x3  }
.LBB1_6:
0x3e: {  	_ =	sfence.sel $0x180000  }
0x3f: {  	s2 =	simm.s32 $0x1;
	[bflag:$0x0] =	sbarrier.arrive $0xFFFF  }
0x40: {  	s31 =	simm.s32 $0x2;
	[sflag:s2] =	ssyncpa.u1 $0x1  }
0x41: {  	[sflag:s31] =	ssyncpa.u1 $0x1  }
0x42: {  	p0 =	sne.s32 s0, $0x0;
	_ =	strace $0x90000053  }
0x43: {  	s0 =	sadd.s32 @!p0 $0x100000, s1;
	[bflag:$0x2] =	sbarrier.arrive $0xFFFF  }
0x44: {  	[sflag:s0] =	ssyncadd.tile.s32 @!p0 $0x1;
	_ =	shalt  }
.Lfunc_end1:
_tile_overlayer_lowered:
.L_overlay_start_2:
0x45: {  	(tag) =	ssettag $0x2  }
0x46: {  	s0 =	rddreg [dreg:$0x0];
	s2 =	stileid.u32  }
0x47: {  	s1 =	rddreg [dreg:$0x1];
	p0 =	sne.s32 s2, $0x0  }
0x48: {  	s3 =	rddreg [dreg:$0x2];
	[bflag:$0x3] =	sbarrier.arrive $0xFFFF;
	s2 =	simm.s32 @!p0 $0x1C01  }
0x49: {  	[timem:s3], [sflag:s2] =	dma.local @!p0 [hbm:s0], s1  }
0x4a: {  	s0 =	simm.s32 @!p0 $0x1  }
0x4b: {  	_ =	swait.ge @!p0 [sflag:s0], s1  }
0x4c: {  	s1 =	ssub.s32 @!p0 $0x0, s1;
	[sflag:s0] =	ssyncset.done @!p0 $0x0  }
0x4d: {  	[sflag:s0] =	ssyncadd.s32 @!p0 s1  }
0x4e: {  	[bflag:$0x3] =	sbarrier.arrive $0xFFFF  }
0x4f: {  	_ =	shalt  }

</sc_bundles>
